<compile_context>
chip_gen: v7x
topology: tpu7x:2x2x1
jax: 0.10.2.dev20260603
libtpu: 0.0.44.dev20260713+nightly
codegen_flags: <defaults>
</compile_context>

<pallas_src>
import jax
import jax.numpy as jnp
from jax import lax
from jax.experimental import pallas as pl
from jax.experimental.pallas import tpu as pltpu
from jax.experimental.pallas import tpu_sc as plsc

VOCAB = 1000000
MAXLEN = 200
D = 64
BATCH = 4096
SEQ = 200

NC, NS = 2, 16
NW = NC * NS
ROWS = BATCH * SEQ
ROWS_PER_W = ROWS // NW
CH = 128
N_CH = ROWS_PER_W // CH
NBUF = 5
N_WAVES = N_CH // NBUF
LANES = 16
KSUB = CH // LANES


def _fire_gather(idx_v, tok_hbm, gbuf, sem, i):
    for k in range(KSUB):
        idx_vec = idx_v[pl.ds(i * CH + k * LANES, LANES)]
        pltpu.async_copy(tok_hbm.at[idx_vec],
                         gbuf.at[pl.ds(k * LANES, LANES)], sem)


def _body(x_hbm, tok_hbm, pos2_hbm, out_hbm, idx_v, gbuf_v, sbuf_v, pos2_v,
          sem_g, sem_s):
    wid = lax.axis_index("s") * NC + lax.axis_index("c")
    base = wid * ROWS_PER_W

    pltpu.sync_copy(x_hbm.at[pl.ds(base, ROWS_PER_W)], idx_v)
    pltpu.sync_copy(pos2_hbm, pos2_v)

    for b in range(NBUF):
        _fire_gather(idx_v, tok_hbm, gbuf_v.at[b], sem_g[b], b)

    def wave(g, carry):
        for b in range(NBUF):
            i = g * NBUF + b
            pltpu.make_async_copy(
                tok_hbm.at[idx_v.at[pl.ds(i * CH, CH)]], gbuf_v.at[b],
                sem_g[b]
            ).wait()

            @pl.when(g > 0)
            def _wait_scatter(b=b, i=i):
                pltpu.make_async_copy(
                    sbuf_v.at[b], out_hbm.at[pl.ds(base + i * CH, CH)],
                    sem_s[b]
                ).wait()

            p0 = lax.rem(i * CH, SEQ)

            @plsc.parallel_loop(0, CH, step=1, unroll=4)
            def _add_row(r, b=b, p0=p0):
                for j in range(D // LANES):
                    sl = pl.ds(j * LANES, LANES)
                    sbuf_v[b, r, sl] = gbuf_v[b, r, sl] + pos2_v[p0 + r, sl]

            pltpu.async_copy(sbuf_v.at[b],
                             out_hbm.at[pl.ds(base + i * CH, CH)], sem_s[b])

            @pl.when(g < N_WAVES - 1)
            def _refill(b=b, i=i):
                _fire_gather(idx_v, tok_hbm, gbuf_v.at[b], sem_g[b],
                             i + NBUF)
        return carry

    lax.fori_loop(0, N_WAVES, wave, 0)

    for b in range(NBUF):
        pltpu.make_async_copy(
            sbuf_v.at[b], out_hbm.at[pl.ds(base, CH)], sem_s[b]
        ).wait()


@jax.jit
def _embed(x_flat, token_emb, pos2):
    mesh = plsc.VectorSubcoreMesh(core_axis_name="c", subcore_axis_name="s")
    f = pl.kernel(
        _body,
        out_type=jax.ShapeDtypeStruct((ROWS, D), jnp.float32),
        mesh=mesh,
        scratch_types=[
            pltpu.VMEM((ROWS_PER_W,), jnp.int32),
            pltpu.VMEM((NBUF, CH, D), jnp.float32),
            pltpu.VMEM((NBUF, CH, D), jnp.float32),
            pltpu.VMEM((320, D), jnp.float32),
            [pltpu.SemaphoreType.DMA] * NBUF,
            [pltpu.SemaphoreType.DMA] * NBUF,
        ],
        compiler_params=pltpu.CompilerParams(use_tc_tiling_on_sc=False),
    )
    return f(x_flat, token_emb, pos2)


def kernel(x, token_emb, pos_emb):
    x_flat = x.reshape(ROWS).astype(jnp.int32)
    pos2 = jnp.concatenate([pos_emb, pos_emb[:120]], axis=0)
    out = _embed(x_flat, token_emb, pos2)
    return out.reshape(BATCH, SEQ, D)

# --- scband reference (transcript-rebuilt; emitter-appended) ---
"""Pipeline reference for scband-token-and-position-embedding-57681410785387 (READ-ONLY COPY).

The authoritative reference and input builder live on the scoring server;
editing this copy changes nothing except your own understanding.
"""

import jax, jax.numpy as jnp
import numpy as np

VOCAB = 1000000
MAXLEN = 200
EMBED_DIM = 64
BATCH = 4096
SEQ = 200

def setup_inputs(seed: int = 0) -> dict:
    key = jax.random.key(seed)
    k1, k2, k3 = jax.random.split(key, 3)
    x = jax.random.randint(k1, (BATCH, SEQ), 0, VOCAB, dtype=jnp.int64 if jax.config.jax_enable_x64 else jnp.int32)
    token_emb = jax.random.normal(k2, (VOCAB, EMBED_DIM), dtype=jnp.float32) * 0.02
    pos_emb = jax.random.normal(k3, (MAXLEN, EMBED_DIM), dtype=jnp.float32) * 0.02
    return {"x": x, "token_emb": token_emb, "pos_emb": pos_emb}

def reference(x, token_emb, pos_emb):
    # positions = arange(seq_len) broadcast over batch, then pos embedding lookup
    seq_len = x.shape[1]
    positions = jnp.arange(seq_len)
    pos = jnp.take(pos_emb, positions, axis=0)          # [SEQ, EMBED_DIM]
    tok = jnp.take(token_emb, x, axis=0)                # [BATCH, SEQ, EMBED_DIM]
    return tok + pos[None, :, :]

if __name__ == "__main__":
    import jax
    _d = setup_inputs()
    print(jax.jit(kernel)(*tuple(_d.values())))

</pallas_src>

<mosaic_0001>
#map = affine_map<(d0, d1) -> (0)>
#map1 = affine_map<(d0, d1) -> (0, 0)>
module attributes {stable_mosaic.version = 14 : i64} {
  func.func @_body(%arg0: i32, %arg1: i32, %arg2: memref<819200xi32, #tpu.memory_space<hbm>>, %arg3: memref<1000000x64xf32, #tpu.memory_space<hbm>>, %arg4: memref<320x64xf32, #tpu.memory_space<hbm>>, %arg5: memref<819200x64xf32, #tpu.memory_space<hbm>>, %arg6: memref<25600xi32, #tpu.memory_space<vmem>>, %arg7: memref<5x128x64xf32, #tpu.memory_space<vmem>>, %arg8: memref<5x128x64xf32, #tpu.memory_space<vmem>>, %arg9: memref<320x64xf32, #tpu.memory_space<vmem>>, %arg10: memref<!tpu.dma_semaphore, #tpu.memory_space<semaphore_mem>>, %arg11: memref<!tpu.dma_semaphore, #tpu.memory_space<semaphore_mem>>, %arg12: memref<!tpu.dma_semaphore, #tpu.memory_space<semaphore_mem>>, %arg13: memref<!tpu.dma_semaphore, #tpu.memory_space<semaphore_mem>>, %arg14: memref<!tpu.dma_semaphore, #tpu.memory_space<semaphore_mem>>, %arg15: memref<!tpu.dma_semaphore, #tpu.memory_space<semaphore_mem>>, %arg16: memref<!tpu.dma_semaphore, #tpu.memory_space<semaphore_mem>>, %arg17: memref<!tpu.dma_semaphore, #tpu.memory_space<semaphore_mem>>, %arg18: memref<!tpu.dma_semaphore, #tpu.memory_space<semaphore_mem>>, %arg19: memref<!tpu.dma_semaphore, #tpu.memory_space<semaphore_mem>>) attributes {dimension_semantics = [#tpu.dimension_semantics<core_parallel>, #tpu.dimension_semantics<subcore_parallel>], iteration_bounds = array<i64: 2, 16>, scalar_prefetch = 0 : i64, scratch_operands = 14 : i64, tpu.core_type = #tpu.core_type<sc_vector_subcore>, window_params = [{transform_indices = #map}, {transform_indices = #map1}, {transform_indices = #map1}, {transform_indices = #map1}]} {
    %mul3A = arith.constant 2 : i32
    %mul3A_0 = arith.muli %arg1, %mul3A : i32
    %add3A = arith.addi %mul3A_0, %arg0 : i32
    %mul3A_1 = arith.constant 25600 : i32
    %mul3A_2 = arith.muli %add3A, %mul3A_1 : i32
    "tpu.region"() ({
      %run_scoped3A = tpu.sem_alloc : memref<!tpu.dma_semaphore, #tpu.memory_space<semaphore_mem>>
      %dma_start3A_630 = tpu.memref_slice %arg2[%mul3A_2] : memref<819200xi32, #tpu.memory_space<hbm>> -> memref<25600xi32, #tpu.memory_space<hbm>>
      %dma_start3A_631 = tpu.memref_slice %arg2[%mul3A_2] : memref<819200xi32, #tpu.memory_space<hbm>> -> memref<25600xi32, #tpu.memory_space<hbm>>
      tpu.enqueue_dma source(%dma_start3A_631 : memref<25600xi32, #tpu.memory_space<hbm>>) target(%arg6 : memref<25600xi32, #tpu.memory_space<vmem>>) target_semaphore(%run_scoped3A : memref<!tpu.dma_semaphore, #tpu.memory_space<semaphore_mem>>)
      %dma_wait3A_632 = tpu.memref_slice %arg2[%mul3A_2] : memref<819200xi32, #tpu.memory_space<hbm>> -> memref<25600xi32, #tpu.memory_space<hbm>>
      %dma_wait3A_633 = tpu.memref_slice %arg2[%mul3A_2] : memref<819200xi32, #tpu.memory_space<hbm>> -> memref<25600xi32, #tpu.memory_space<hbm>>
      tpu.wait_dma2 semaphore(%run_scoped3A : memref<!tpu.dma_semaphore, #tpu.memory_space<semaphore_mem>>) src(%dma_wait3A_633 : memref<25600xi32, #tpu.memory_space<hbm>>) dst(%arg6 : memref<25600xi32, #tpu.memory_space<vmem>>)
      tpu.yield
    }) : () -> ()
    "tpu.region"() ({
      %run_scoped3A = tpu.sem_alloc : memref<!tpu.dma_semaphore, #tpu.memory_space<semaphore_mem>>
      tpu.enqueue_dma source(%arg4 : memref<320x64xf32, #tpu.memory_space<hbm>>) target(%arg9 : memref<320x64xf32, #tpu.memory_space<vmem>>) target_semaphore(%run_scoped3A : memref<!tpu.dma_semaphore, #tpu.memory_space<semaphore_mem>>)
      tpu.wait_dma2 semaphore(%run_scoped3A : memref<!tpu.dma_semaphore, #tpu.memory_space<semaphore_mem>>) src(%arg4 : memref<320x64xf32, #tpu.memory_space<hbm>>) dst(%arg9 : memref<320x64xf32, #tpu.memory_space<vmem>>)
      tpu.yield
    }) : () -> ()
    %get3A = arith.constant 0 : index
    %get3A_3 = tpu.vector_load %arg6[%get3A] {strides = array<i32>} : memref<25600xi32, #tpu.memory_space<vmem>>, vector<16xi32>,
    %get3A_4 = vector.shape_cast %get3A_3 : vector<16xi32> to vector<16xi32>
    %dma_start3A = arith.constant 0 : i32
    %dma_start3A_5 = arith.constant 0 : i32
    %dma_start3A_6 = arith.constant 0 : i32
    %dma_start3A_7 = tpu.memref_slice %arg7[%dma_start3A, %dma_start3A_5, %dma_start3A_6] : memref<5x128x64xf32, #tpu.memory_space<vmem>> -> memref<1x128x64xf32, #tpu.memory_space<vmem>>
    %dma_start3A_8 = tpu.memref_squeeze %dma_start3A_7 : memref<1x128x64xf32, #tpu.memory_space<vmem>> -> memref<128x64xf32, #tpu.memory_space<vmem>>
    %dma_start3A_9 = arith.constant 0 : i32
    %dma_start3A_10 = arith.constant 0 : i32
    %dma_start3A_11 = tpu.memref_slice %dma_start3A_8[%dma_start3A_9, %dma_start3A_10] : memref<128x64xf32, #tpu.memory_space<vmem>> -> memref<16x64xf32, #tpu.memory_space<vmem>>
    %dma_start3A_12 = arith.constant 0 : i32
    %dma_start3A_13 = arith.constant 0 : i32
    %dma_start3A_14 = tpu.memref_slice %arg3[%dma_start3A_12, %dma_start3A_13] : memref<1000000x64xf32, #tpu.memory_space<hbm>> -> memref<1000000x64xf32, #tpu.memory_space<hbm>>
    tpu.enqueue_indirect_dma source(%dma_start3A_14 : memref<1000000x64xf32, #tpu.memory_space<hbm>>) target(%dma_start3A_11 : memref<16x64xf32, #tpu.memory_space<vmem>>) offsets(%get3A_4 : vector<16xi32>) semaphore(%arg10 : memref<!tpu.dma_semaphore, #tpu.memory_space<semaphore_mem>>)
    %get3A_15 = arith.constant 16 : index
    %get3A_16 = tpu.vector_load %arg6[%get3A_15] {strides = array<i32>} : memref<25600xi32, #tpu.memory_space<vmem>>, vector<16xi32>,
    %get3A_17 = vector.shape_cast %get3A_16 : vector<16xi32> to vector<16xi32>
    %dma_start3A_18 = arith.constant 0 : i32
    %dma_start3A_19 = arith.constant 0 : i32
    %dma_start3A_20 = arith.constant 0 : i32
    %dma_start3A_21 = tpu.memref_slice %arg7[%dma_start3A_18, %dma_start3A_19, %dma_start3A_20] : memref<5x128x64xf32, #tpu.memory_space<vmem>> -> memref<1x128x64xf32, #tpu.memory_space<vmem>>
    %dma_start3A_22 = tpu.memref_squeeze %dma_start3A_21 : memref<1x128x64xf32, #tpu.memory_space<vmem>> -> memref<128x64xf32, #tpu.memory_space<vmem>>
    %dma_start3A_23 = arith.constant 16 : i32
    %dma_start3A_24 = arith.constant 0 : i32
    %dma_start3A_25 = tpu.memref_slice %dma_start3A_22[%dma_start3A_23, %dma_start3A_24] : memref<128x64xf32, #tpu.memory_space<vmem>> -> memref<16x64xf32, #tpu.memory_space<vmem>>
    %dma_start3A_26 = arith.constant 0 : i32
    %dma_start3A_27 = arith.constant 0 : i32
    %dma_start3A_28 = tpu.memref_slice %arg3[%dma_start3A_26, %dma_start3A_27] : memref<1000000x64xf32, #tpu.memory_space<hbm>> -> memref<1000000x64xf32, #tpu.memory_space<hbm>>
    tpu.enqueue_indirect_dma source(%dma_start3A_28 : memref<1000000x64xf32, #tpu.memory_space<hbm>>) target(%dma_start3A_25 : memref<16x64xf32, #tpu.memory_space<vmem>>) offsets(%get3A_17 : vector<16xi32>) semaphore(%arg10 : memref<!tpu.dma_semaphore, #tpu.memory_space<semaphore_mem>>)
    %get3A_29 = arith.constant 32 : index
    %get3A_30 = tpu.vector_load %arg6[%get3A_29] {strides = array<i32>} : memref<25600xi32, #tpu.memory_space<vmem>>, vector<16xi32>,
    %get3A_31 = vector.shape_cast %get3A_30 : vector<16xi32> to vector<16xi32>
    %dma_start3A_32 = arith.constant 0 : i32
    %dma_start3A_33 = arith.constant 0 : i32
    %dma_start3A_34 = arith.constant 0 : i32
    %dma_start3A_35 = tpu.memref_slice %arg7[%dma_start3A_32, %dma_start3A_33, %dma_start3A_34] : memref<5x128x64xf32, #tpu.memory_space<vmem>> -> memref<1x128x64xf32, #tpu.memory_space<vmem>>
    %dma_start3A_36 = tpu.memref_squeeze %dma_start3A_35 : memref<1x128x64xf32, #tpu.memory_space<vmem>> -> memref<128x64xf32, #tpu.memory_space<vmem>>
    %dma_start3A_37 = arith.constant 32 : i32
    %dma_start3A_38 = arith.constant 0 : i32
    %dma_start3A_39 = tpu.memref_slice %dma_start3A_36[%dma_start3A_37, %dma_start3A_38] : memref<128x64xf32, #tpu.memory_space<vmem>> -> memref<16x64xf32, #tpu.memory_space<vmem>>
    %dma_start3A_40 = arith.constant 0 : i32
    %dma_start3A_41 = arith.constant 0 : i32
    %dma_start3A_42 = tpu.memref_slice %arg3[%dma_start3A_40, %dma_start3A_41] : memref<1000000x64xf32, #tpu.memory_space<hbm>> -> memref<1000000x64xf32, #tpu.memory_space<hbm>>
    tpu.enqueue_indirect_dma source(%dma_start3A_42 : memref<1000000x64xf32, #tpu.memory_space<hbm>>) target(%dma_start3A_39 : memref<16x64xf32, #tpu.memory_space<vmem>>) offsets(%get3A_31 : vector<16xi32>) semaphore(%arg10 : memref<!tpu.dma_semaphore, #tpu.memory_space<semaphore_mem>>)
    %get3A_43 = arith.constant 48 : index
    %get3A_44 = tpu.vector_load %arg6[%get3A_43] {strides = array<i32>} : memref<25600xi32, #tpu.memory_space<vmem>>, vector<16xi32>,
    %get3A_45 = vector.shape_cast %get3A_44 : vector<16xi32> to vector<16xi32>
    %dma_start3A_46 = arith.constant 0 : i32
    %dma_start3A_47 = arith.constant 0 : i32
    %dma_start3A_48 = arith.constant 0 : i32
    %dma_start3A_49 = tpu.memref_slice %arg7[%dma_start3A_46, %dma_start3A_47, %dma_start3A_48] : memref<5x128x64xf32, #tpu.memory_space<vmem>> -> memref<1x128x64xf32, #tpu.memory_space<vmem>>
    %dma_start3A_50 = tpu.memref_squeeze %dma_start3A_49 : memref<1x128x64xf32, #tpu.memory_space<vmem>> -> memref<128x64xf32, #tpu.memory_space<vmem>>
    %dma_start3A_51 = arith.constant 48 : i32
    %dma_start3A_52 = arith.constant 0 : i32
    %dma_start3A_53 = tpu.memref_slice %dma_start3A_50[%dma_start3A_51, %dma_start3A_52] : memref<128x64xf32, #tpu.memory_space<vmem>> -> memref<16x64xf32, #tpu.memory_space<vmem>>
    %dma_start3A_54 = arith.constant 0 : i32
    %dma_start3A_55 = arith.constant 0 : i32
    %dma_start3A_56 = tpu.memref_slice %arg3[%dma_start3A_54, %dma_start3A_55] : memref<1000000x64xf32, #tpu.memory_space<hbm>> -> memref<1000000x64xf32, #tpu.memory_space<hbm>>
    tpu.enqueue_indirect_dma source(%dma_start3A_56 : memref<1000000x64xf32, #tpu.memory_space<hbm>>) target(%dma_start3A_53 : memref<16x64xf32, #tpu.memory_space<vmem>>) offsets(%get3A_45 : vector<16xi32>) semaphore(%arg10 : memref<!tpu.dma_semaphore, #tpu.memory_space<semaphore_mem>>)
    %get3A_57 = arith.constant 64 : index
    %get3A_58 = tpu.vector_load %arg6[%get3A_57] {strides = array<i32>} : memref<25600xi32, #tpu.memory_space<vmem>>, vector<16xi32>,
    %get3A_59 = vector.shape_cast %get3A_58 : vector<16xi32> to vector<16xi32>
    %dma_start3A_60 = arith.constant 0 : i32
    %dma_start3A_61 = arith.constant 0 : i32
    %dma_start3A_62 = arith.constant 0 : i32
    %dma_start3A_63 = tpu.memref_slice %arg7[%dma_start3A_60, %dma_start3A_61, %dma_start3A_62] : memref<5x128x64xf32, #tpu.memory_space<vmem>> -> memref<1x128x64xf32, #tpu.memory_space<vmem>>
    %dma_start3A_64 = tpu.memref_squeeze %dma_start3A_63 : memref<1x128x64xf32, #tpu.memory_space<vmem>> -> memref<128x64xf32, #tpu.memory_space<vmem>>
    %dma_start3A_65 = arith.constant 64 : i32
    %dma_start3A_66 = arith.constant 0 : i32
    %dma_start3A_67 = tpu.memref_slice %dma_start3A_64[%dma_start3A_65, %dma_start3A_66] : memref<128x64xf32, #tpu.memory_space<vmem>> -> memref<16x64xf32, #tpu.memory_space<vmem>>
    %dma_start3A_68 = arith.constant 0 : i32
    %dma_start3A_69 = arith.constant 0 : i32
    %dma_start3A_70 = tpu.memref_slice %arg3[%dma_start3A_68, %dma_start3A_69] : memref<1000000x64xf32, #tpu.memory_space<hbm>> -> memref<1000000x64xf32, #tpu.memory_space<hbm>>
    tpu.enqueue_indirect_dma source(%dma_start3A_70 : memref<1000000x64xf32, #tpu.memory_space<hbm>>) target(%dma_start3A_67 : memref<16x64xf32, #tpu.memory_space<vmem>>) offsets(%get3A_59 : vector<16xi32>) semaphore(%arg10 : memref<!tpu.dma_semaphore, #tpu.memory_space<semaphore_mem>>)
    %get3A_71 = arith.constant 80 : index
    %get3A_72 = tpu.vector_load %arg6[%get3A_71] {strides = array<i32>} : memref<25600xi32, #tpu.memory_space<vmem>>, vector<16xi32>,
    %get3A_73 = vector.shape_cast %get3A_72 : vector<16xi32> to vector<16xi32>
    %dma_start3A_74 = arith.constant 0 : i32
    %dma_start3A_75 = arith.constant 0 : i32
    %dma_start3A_76 = arith.constant 0 : i32
    %dma_start3A_77 = tpu.memref_slice %arg7[%dma_start3A_74, %dma_start3A_75, %dma_start3A_76] : memref<5x128x64xf32, #tpu.memory_space<vmem>> -> memref<1x128x64xf32, #tpu.memory_space<vmem>>
    %dma_start3A_78 = tpu.memref_squeeze %dma_start3A_77 : memref<1x128x64xf32, #tpu.memory_space<vmem>> -> memref<128x64xf32, #tpu.memory_space<vmem>>
    %dma_start3A_79 = arith.constant 80 : i32
    %dma_start3A_80 = arith.constant 0 : i32
    %dma_start3A_81 = tpu.memref_slice %dma_start3A_78[%dma_start3A_79, %dma_start3A_80] : memref<128x64xf32, #tpu.memory_space<vmem>> -> memref<16x64xf32, #tpu.memory_space<vmem>>
    %dma_start3A_82 = arith.constant 0 : i32
    %dma_start3A_83 = arith.constant 0 : i32
    %dma_start3A_84 = tpu.memref_slice %arg3[%dma_start3A_82, %dma_start3A_83] : memref<1000000x64xf32, #tpu.memory_space<hbm>> -> memref<1000000x64xf32, #tpu.memory_space<hbm>>
    tpu.enqueue_indirect_dma source(%dma_start3A_84 : memref<1000000x64xf32, #tpu.memory_space<hbm>>) target(%dma_start3A_81 : memref<16x64xf32, #tpu.memory_space<vmem>>) offsets(%get3A_73 : vector<16xi32>) semaphore(%arg10 : memref<!tpu.dma_semaphore, #tpu.memory_space<semaphore_mem>>)
    %get3A_85 = arith.constant 96 : index
    %get3A_86 = tpu.vector_load %arg6[%get3A_85] {strides = array<i32>} : memref<25600xi32, #tpu.memory_space<vmem>>, vector<16xi32>,
    %get3A_87 = vector.shape_cast %get3A_86 : vector<16xi32> to vector<16xi32>
    %dma_start3A_88 = arith.constant 0 : i32
    %dma_start3A_89 = arith.constant 0 : i32
    %dma_start3A_90 = arith.constant 0 : i32
    %dma_start3A_91 = tpu.memref_slice %arg7[%dma_start3A_88, %dma_start3A_89, %dma_start3A_90] : memref<5x128x64xf32, #tpu.memory_space<vmem>> -> memref<1x128x64xf32, #tpu.memory_space<vmem>>
    %dma_start3A_92 = tpu.memref_squeeze %dma_start3A_91 : memref<1x128x64xf32, #tpu.memory_space<vmem>> -> memref<128x64xf32, #tpu.memory_space<vmem>>
    %dma_start3A_93 = arith.constant 96 : i32
    %dma_start3A_94 = arith.constant 0 : i32
    %dma_start3A_95 = tpu.memref_slice %dma_start3A_92[%dma_start3A_93, %dma_start3A_94] : memref<128x64xf32, #tpu.memory_space<vmem>> -> memref<16x64xf32, #tpu.memory_space<vmem>>
    %dma_start3A_96 = arith.constant 0 : i32
    %dma_start3A_97 = arith.constant 0 : i32
    %dma_start3A_98 = tpu.memref_slice %arg3[%dma_start3A_96, %dma_start3A_97] : memref<1000000x64xf32, #tpu.memory_space<hbm>> -> memref<1000000x64xf32, #tpu.memory_space<hbm>>
    tpu.enqueue_indirect_dma source(%dma_start3A_98 : memref<1000000x64xf32, #tpu.memory_space<hbm>>) target(%dma_start3A_95 : memref<16x64xf32, #tpu.memory_space<vmem>>) offsets(%get3A_87 : vector<16xi32>) semaphore(%arg10 : memref<!tpu.dma_semaphore, #tpu.memory_space<semaphore_mem>>)
    %get3A_99 = arith.constant 112 : index
    %get3A_100 = tpu.vector_load %arg6[%get3A_99] {strides = array<i32>} : memref<25600xi32, #tpu.memory_space<vmem>>, vector<16xi32>,
    %get3A_101 = vector.shape_cast %get3A_100 : vector<16xi32> to vector<16xi32>
    %dma_start3A_102 = arith.constant 0 : i32
    %dma_start3A_103 = arith.constant 0 : i32
    %dma_start3A_104 = arith.constant 0 : i32
    %dma_start3A_105 = tpu.memref_slice %arg7[%dma_start3A_102, %dma_start3A_103, %dma_start3A_104] : memref<5x128x64xf32, #tpu.memory_space<vmem>> -> memref<1x128x64xf32, #tpu.memory_space<vmem>>
    %dma_start3A_106 = tpu.memref_squeeze %dma_start3A_105 : memref<1x128x64xf32, #tpu.memory_space<vmem>> -> memref<128x64xf32, #tpu.memory_space<vmem>>
    %dma_start3A_107 = arith.constant 112 : i32
    %dma_start3A_108 = arith.constant 0 : i32
    %dma_start3A_109 = tpu.memref_slice %dma_start3A_106[%dma_start3A_107, %dma_start3A_108] : memref<128x64xf32, #tpu.memory_space<vmem>> -> memref<16x64xf32, #tpu.memory_space<vmem>>
    %dma_start3A_110 = arith.constant 0 : i32
    %dma_start3A_111 = arith.constant 0 : i32
    %dma_start3A_112 = tpu.memref_slice %arg3[%dma_start3A_110, %dma_start3A_111] : memref<1000000x64xf32, #tpu.memory_space<hbm>> -> memref<1000000x64xf32, #tpu.memory_space<hbm>>
    tpu.enqueue_indirect_dma source(%dma_start3A_112 : memref<1000000x64xf32, #tpu.memory_space<hbm>>) target(%dma_start3A_109 : memref<16x64xf32, #tpu.memory_space<vmem>>) offsets(%get3A_101 : vector<16xi32>) semaphore(%arg10 : memref<!tpu.dma_semaphore, #tpu.memory_space<semaphore_mem>>)
    %get3A_113 = arith.constant 128 : index
    %get3A_114 = tpu.vector_load %arg6[%get3A_113] {strides = array<i32>} : memref<25600xi32, #tpu.memory_space<vmem>>, vector<16xi32>,
    %get3A_115 = vector.shape_cast %get3A_114 : vector<16xi32> to vector<16xi32>
    %dma_start3A_116 = arith.constant 1 : i32
    %dma_start3A_117 = arith.constant 0 : i32
    %dma_start3A_118 = arith.constant 0 : i32
    %dma_start3A_119 = tpu.memref_slice %arg7[%dma_start3A_116, %dma_start3A_117, %dma_start3A_118] : memref<5x128x64xf32, #tpu.memory_space<vmem>> -> memref<1x128x64xf32, #tpu.memory_space<vmem>>
    %dma_start3A_120 = tpu.memref_squeeze %dma_start3A_119 : memref<1x128x64xf32, #tpu.memory_space<vmem>> -> memref<128x64xf32, #tpu.memory_space<vmem>>
    %dma_start3A_121 = arith.constant 0 : i32
    %dma_start3A_122 = arith.constant 0 : i32
    %dma_start3A_123 = tpu.memref_slice %dma_start3A_120[%dma_start3A_121, %dma_start3A_122] : memref<128x64xf32, #tpu.memory_space<vmem>> -> memref<16x64xf32, #tpu.memory_space<vmem>>
    %dma_start3A_124 = arith.constant 0 : i32
    %dma_start3A_125 = arith.constant 0 : i32
    %dma_start3A_126 = tpu.memref_slice %arg3[%dma_start3A_124, %dma_start3A_125] : memref<1000000x64xf32, #tpu.memory_space<hbm>> -> memref<1000000x64xf32, #tpu.memory_space<hbm>>
    tpu.enqueue_indirect_dma source(%dma_start3A_126 : memref<1000000x64xf32, #tpu.memory_space<hbm>>) target(%dma_start3A_123 : memref<16x64xf32, #tpu.memory_space<vmem>>) offsets(%get3A_115 : vector<16xi32>) semaphore(%arg11 : memref<!tpu.dma_semaphore, #tpu.memory_space<semaphore_mem>>)
    %get3A_127 = arith.constant 144 : index
    %get3A_128 = tpu.vector_load %arg6[%get3A_127] {strides = array<i32>} : memref<25600xi32, #tpu.memory_space<vmem>>, vector<16xi32>,
    %get3A_129 = vector.shape_cast %get3A_128 : vector<16xi32> to vector<16xi32>
    %dma_start3A_130 = arith.constant 1 : i32
    %dma_start3A_131 = arith.constant 0 : i32
    %dma_start3A_132 = arith.constant 0 : i32
    %dma_start3A_133 = tpu.memref_slice %arg7[%dma_start3A_130, %dma_start3A_131, %dma_start3A_132] : memref<5x128x64xf32, #tpu.memory_space<vmem>> -> memref<1x128x64xf32, #tpu.memory_space<vmem>>
    %dma_start3A_134 = tpu.memref_squeeze %dma_start3A_133 : memref<1x128x64xf32, #tpu.memory_space<vmem>> -> memref<128x64xf32, #tpu.memory_space<vmem>>
    %dma_start3A_135 = arith.constant 16 : i32
    %dma_start3A_136 = arith.constant 0 : i32
    %dma_start3A_137 = tpu.memref_slice %dma_start3A_134[%dma_start3A_135, %dma_start3A_136] : memref<128x64xf32, #tpu.memory_space<vmem>> -> memref<16x64xf32, #tpu.memory_space<vmem>>
    %dma_start3A_138 = arith.constant 0 : i32
    %dma_start3A_139 = arith.constant 0 : i32
    %dma_start3A_140 = tpu.memref_slice %arg3[%dma_start3A_138, %dma_start3A_139] : memref<1000000x64xf32, #tpu.memory_space<hbm>> -> memref<1000000x64xf32, #tpu.memory_space<hbm>>
    tpu.enqueue_indirect_dma source(%dma_start3A_140 : memref<1000000x64xf32, #tpu.memory_space<hbm>>) target(%dma_start3A_137 : memref<16x64xf32, #tpu.memory_space<vmem>>) offsets(%get3A_129 : vector<16xi32>) semaphore(%arg11 : memref<!tpu.dma_semaphore, #tpu.memory_space<semaphore_mem>>)
    %get3A_141 = arith.constant 160 : index
    %get3A_142 = tpu.vector_load %arg6[%get3A_141] {strides = array<i32>} : memref<25600xi32, #tpu.memory_space<vmem>>, vector<16xi32>,
    %get3A_143 = vector.shape_cast %get3A_142 : vector<16xi32> to vector<16xi32>
    %dma_start3A_144 = arith.constant 1 : i32
    %dma_start3A_145 = arith.constant 0 : i32
    %dma_start3A_146 = arith.constant 0 : i32
    %dma_start3A_147 = tpu.memref_slice %arg7[%dma_start3A_144, %dma_start3A_145, %dma_start3A_146] : memref<5x128x64xf32, #tpu.memory_space<vmem>> -> memref<1x128x64xf32, #tpu.memory_space<vmem>>
    %dma_start3A_148 = tpu.memref_squeeze %dma_start3A_147 : memref<1x128x64xf32, #tpu.memory_space<vmem>> -> memref<128x64xf32, #tpu.memory_space<vmem>>
    %dma_start3A_149 = arith.constant 32 : i32
    %dma_start3A_150 = arith.constant 0 : i32
    %dma_start3A_151 = tpu.memref_slice %dma_start3A_148[%dma_start3A_149, %dma_start3A_150] : memref<128x64xf32, #tpu.memory_space<vmem>> -> memref<16x64xf32, #tpu.memory_space<vmem>>
    %dma_start3A_152 = arith.constant 0 : i32
    %dma_start3A_153 = arith.constant 0 : i32
    %dma_start3A_154 = tpu.memref_slice %arg3[%dma_start3A_152, %dma_start3A_153] : memref<1000000x64xf32, #tpu.memory_space<hbm>> -> memref<1000000x64xf32, #tpu.memory_space<hbm>>
    tpu.enqueue_indirect_dma source(%dma_start3A_154 : memref<1000000x64xf32, #tpu.memory_space<hbm>>) target(%dma_start3A_151 : memref<16x64xf32, #tpu.memory_space<vmem>>) offsets(%get3A_143 : vector<16xi32>) semaphore(%arg11 : memref<!tpu.dma_semaphore, #tpu.memory_space<semaphore_mem>>)
    %get3A_155 = arith.constant 176 : index
    %get3A_156 = tpu.vector_load %arg6[%get3A_155] {strides = array<i32>} : memref<25600xi32, #tpu.memory_space<vmem>>, vector<16xi32>,
    %get3A_157 = vector.shape_cast %get3A_156 : vector<16xi32> to vector<16xi32>
    %dma_start3A_158 = arith.constant 1 : i32
    %dma_start3A_159 = arith.constant 0 : i32
    %dma_start3A_160 = arith.constant 0 : i32
    %dma_start3A_161 = tpu.memref_slice %arg7[%dma_start3A_158, %dma_start3A_159, %dma_start3A_160] : memref<5x128x64xf32, #tpu.memory_space<vmem>> -> memref<1x128x64xf32, #tpu.memory_space<vmem>>
    %dma_start3A_162 = tpu.memref_squeeze %dma_start3A_161 : memref<1x128x64xf32, #tpu.memory_space<vmem>> -> memref<128x64xf32, #tpu.memory_space<vmem>>
    %dma_start3A_163 = arith.constant 48 : i32
    %dma_start3A_164 = arith.constant 0 : i32
    %dma_start3A_165 = tpu.memref_slice %dma_start3A_162[%dma_start3A_163, %dma_start3A_164] : memref<128x64xf32, #tpu.memory_space<vmem>> -> memref<16x64xf32, #tpu.memory_space<vmem>>
    %dma_start3A_166 = arith.constant 0 : i32
    %dma_start3A_167 = arith.constant 0 : i32
    %dma_start3A_168 = tpu.memref_slice %arg3[%dma_start3A_166, %dma_start3A_167] : memref<1000000x64xf32, #tpu.memory_space<hbm>> -> memref<1000000x64xf32, #tpu.memory_space<hbm>>
    tpu.enqueue_indirect_dma source(%dma_start3A_168 : memref<1000000x64xf32, #tpu.memory_space<hbm>>) target(%dma_start3A_165 : memref<16x64xf32, #tpu.memory_space<vmem>>) offsets(%get3A_157 : vector<16xi32>) semaphore(%arg11 : memref<!tpu.dma_semaphore, #tpu.memory_space<semaphore_mem>>)
    %get3A_169 = arith.constant 192 : index
    %get3A_170 = tpu.vector_load %arg6[%get3A_169] {strides = array<i32>} : memref<25600xi32, #tpu.memory_space<vmem>>, vector<16xi32>,
    %get3A_171 = vector.shape_cast %get3A_170 : vector<16xi32> to vector<16xi32>
    %dma_start3A_172 = arith.constant 1 : i32
    %dma_start3A_173 = arith.constant 0 : i32
    %dma_start3A_174 = arith.constant 0 : i32
    %dma_start3A_175 = tpu.memref_slice %arg7[%dma_start3A_172, %dma_start3A_173, %dma_start3A_174] : memref<5x128x64xf32, #tpu.memory_space<vmem>> -> memref<1x128x64xf32, #tpu.memory_space<vmem>>
    %dma_start3A_176 = tpu.memref_squeeze %dma_start3A_175 : memref<1x128x64xf32, #tpu.memory_space<vmem>> -> memref<128x64xf32, #tpu.memory_space<vmem>>
    %dma_start3A_177 = arith.constant 64 : i32
    %dma_start3A_178 = arith.constant 0 : i32
    %dma_start3A_179 = tpu.memref_slice %dma_start3A_176[%dma_start3A_177, %dma_start3A_178] : memref<128x64xf32, #tpu.memory_space<vmem>> -> memref<16x64xf32, #tpu.memory_space<vmem>>
    %dma_start3A_180 = arith.constant 0 : i32
    %dma_start3A_181 = arith.constant 0 : i32
    %dma_start3A_182 = tpu.memref_slice %arg3[%dma_start3A_180, %dma_start3A_181] : memref<1000000x64xf32, #tpu.memory_space<hbm>> -> memref<1000000x64xf32, #tpu.memory_space<hbm>>
    tpu.enqueue_indirect_dma source(%dma_start3A_182 : memref<1000000x64xf32, #tpu.memory_space<hbm>>) target(%dma_start3A_179 : memref<16x64xf32, #tpu.memory_space<vmem>>) offsets(%get3A_171 : vector<16xi32>) semaphore(%arg11 : memref<!tpu.dma_semaphore, #tpu.memory_space<semaphore_mem>>)
    %get3A_183 = arith.constant 208 : index
    %get3A_184 = tpu.vector_load %arg6[%get3A_183] {strides = array<i32>} : memref<25600xi32, #tpu.memory_space<vmem>>, vector<16xi32>,
    %get3A_185 = vector.shape_cast %get3A_184 : vector<16xi32> to vector<16xi32>
    %dma_start3A_186 = arith.constant 1 : i32
    %dma_start3A_187 = arith.constant 0 : i32
    %dma_start3A_188 = arith.constant 0 : i32
    %dma_start3A_189 = tpu.memref_slice %arg7[%dma_start3A_186, %dma_start3A_187, %dma_start3A_188] : memref<5x128x64xf32, #tpu.memory_space<vmem>> -> memref<1x128x64xf32, #tpu.memory_space<vmem>>
    %dma_start3A_190 = tpu.memref_squeeze %dma_start3A_189 : memref<1x128x64xf32, #tpu.memory_space<vmem>> -> memref<128x64xf32, #tpu.memory_space<vmem>>
    %dma_start3A_191 = arith.constant 80 : i32
    %dma_start3A_192 = arith.constant 0 : i32
    %dma_start3A_193 = tpu.memref_slice %dma_start3A_190[%dma_start3A_191, %dma_start3A_192] : memref<128x64xf32, #tpu.memory_space<vmem>> -> memref<16x64xf32, #tpu.memory_space<vmem>>
    %dma_start3A_194 = arith.constant 0 : i32
    %dma_start3A_195 = arith.constant 0 : i32
    %dma_start3A_196 = tpu.memref_slice %arg3[%dma_start3A_194, %dma_start3A_195] : memref<1000000x64xf32, #tpu.memory_space<hbm>> -> memref<1000000x64xf32, #tpu.memory_space<hbm>>
    tpu.enqueue_indirect_dma source(%dma_start3A_196 : memref<1000000x64xf32, #tpu.memory_space<hbm>>) target(%dma_start3A_193 : memref<16x64xf32, #tpu.memory_space<vmem>>) offsets(%get3A_185 : vector<16xi32>) semaphore(%arg11 : memref<!tpu.dma_semaphore, #tpu.memory_space<semaphore_mem>>)
    %get3A_197 = arith.constant 224 : index
    %get3A_198 = tpu.vector_load %arg6[%get3A_197] {strides = array<i32>} : memref<25600xi32, #tpu.memory_space<vmem>>, vector<16xi32>,
    %get3A_199 = vector.shape_cast %get3A_198 : vector<16xi32> to vector<16xi32>
    %dma_start3A_200 = arith.constant 1 : i32
    %dma_start3A_201 = arith.constant 0 : i32
    %dma_start3A_202 = arith.constant 0 : i32
    %dma_start3A_203 = tpu.memref_slice %arg7[%dma_start3A_200, %dma_start3A_201, %dma_start3A_202] : memref<5x128x64xf32, #tpu.memory_space<vmem>> -> memref<1x128x64xf32, #tpu.memory_space<vmem>>
    %dma_start3A_204 = tpu.memref_squeeze %dma_start3A_203 : memref<1x128x64xf32, #tpu.memory_space<vmem>> -> memref<128x64xf32, #tpu.memory_space<vmem>>
    %dma_start3A_205 = arith.constant 96 : i32
    %dma_start3A_206 = arith.constant 0 : i32
    %dma_start3A_207 = tpu.memref_slice %dma_start3A_204[%dma_start3A_205, %dma_start3A_206] : memref<128x64xf32, #tpu.memory_space<vmem>> -> memref<16x64xf32, #tpu.memory_space<vmem>>
    %dma_start3A_208 = arith.constant 0 : i32
    %dma_start3A_209 = arith.constant 0 : i32
    %dma_start3A_210 = tpu.memref_slice %arg3[%dma_start3A_208, %dma_start3A_209] : memref<1000000x64xf32, #tpu.memory_space<hbm>> -> memref<1000000x64xf32, #tpu.memory_space<hbm>>
    tpu.enqueue_indirect_dma source(%dma_start3A_210 : memref<1000000x64xf32, #tpu.memory_space<hbm>>) target(%dma_start3A_207 : memref<16x64xf32, #tpu.memory_space<vmem>>) offsets(%get3A_199 : vector<16xi32>) semaphore(%arg11 : memref<!tpu.dma_semaphore, #tpu.memory_space<semaphore_mem>>)
    %get3A_211 = arith.constant 240 : index
    %get3A_212 = tpu.vector_load %arg6[%get3A_211] {strides = array<i32>} : memref<25600xi32, #tpu.memory_space<vmem>>, vector<16xi32>,
    %get3A_213 = vector.shape_cast %get3A_212 : vector<16xi32> to vector<16xi32>
    %dma_start3A_214 = arith.constant 1 : i32
    %dma_start3A_215 = arith.constant 0 : i32
    %dma_start3A_216 = arith.constant 0 : i32
    %dma_start3A_217 = tpu.memref_slice %arg7[%dma_start3A_214, %dma_start3A_215, %dma_start3A_216] : memref<5x128x64xf32, #tpu.memory_space<vmem>> -> memref<1x128x64xf32, #tpu.memory_space<vmem>>
    %dma_start3A_218 = tpu.memref_squeeze %dma_start3A_217 : memref<1x128x64xf32, #tpu.memory_space<vmem>> -> memref<128x64xf32, #tpu.memory_space<vmem>>
    %dma_start3A_219 = arith.constant 112 : i32
    %dma_start3A_220 = arith.constant 0 : i32
    %dma_start3A_221 = tpu.memref_slice %dma_start3A_218[%dma_start3A_219, %dma_start3A_220] : memref<128x64xf32, #tpu.memory_space<vmem>> -> memref<16x64xf32, #tpu.memory_space<vmem>>
    %dma_start3A_222 = arith.constant 0 : i32
    %dma_start3A_223 = arith.constant 0 : i32
    %dma_start3A_224 = tpu.memref_slice %arg3[%dma_start3A_222, %dma_start3A_223] : memref<1000000x64xf32, #tpu.memory_space<hbm>> -> memref<1000000x64xf32, #tpu.memory_space<hbm>>
    tpu.enqueue_indirect_dma source(%dma_start3A_224 : memref<1000000x64xf32, #tpu.memory_space<hbm>>) target(%dma_start3A_221 : memref<16x64xf32, #tpu.memory_space<vmem>>) offsets(%get3A_213 : vector<16xi32>) semaphore(%arg11 : memref<!tpu.dma_semaphore, #tpu.memory_space<semaphore_mem>>)
    %get3A_225 = arith.constant 256 : index
    %get3A_226 = tpu.vector_load %arg6[%get3A_225] {strides = array<i32>} : memref<25600xi32, #tpu.memory_space<vmem>>, vector<16xi32>,
    %get3A_227 = vector.shape_cast %get3A_226 : vector<16xi32> to vector<16xi32>
    %dma_start3A_228 = arith.constant 2 : i32
    %dma_start3A_229 = arith.constant 0 : i32
    %dma_start3A_230 = arith.constant 0 : i32
    %dma_start3A_231 = tpu.memref_slice %arg7[%dma_start3A_228, %dma_start3A_229, %dma_start3A_230] : memref<5x128x64xf32, #tpu.memory_space<vmem>> -> memref<1x128x64xf32, #tpu.memory_space<vmem>>
    %dma_start3A_232 = tpu.memref_squeeze %dma_start3A_231 : memref<1x128x64xf32, #tpu.memory_space<vmem>> -> memref<128x64xf32, #tpu.memory_space<vmem>>
    %dma_start3A_233 = arith.constant 0 : i32
    %dma_start3A_234 = arith.constant 0 : i32
    %dma_start3A_235 = tpu.memref_slice %dma_start3A_232[%dma_start3A_233, %dma_start3A_234] : memref<128x64xf32, #tpu.memory_space<vmem>> -> memref<16x64xf32, #tpu.memory_space<vmem>>
    %dma_start3A_236 = arith.constant 0 : i32
    %dma_start3A_237 = arith.constant 0 : i32
    %dma_start3A_238 = tpu.memref_slice %arg3[%dma_start3A_236, %dma_start3A_237] : memref<1000000x64xf32, #tpu.memory_space<hbm>> -> memref<1000000x64xf32, #tpu.memory_space<hbm>>
    tpu.enqueue_indirect_dma source(%dma_start3A_238 : memref<1000000x64xf32, #tpu.memory_space<hbm>>) target(%dma_start3A_235 : memref<16x64xf32, #tpu.memory_space<vmem>>) offsets(%get3A_227 : vector<16xi32>) semaphore(%arg12 : memref<!tpu.dma_semaphore, #tpu.memory_space<semaphore_mem>>)
    %get3A_239 = arith.constant 272 : index
    %get3A_240 = tpu.vector_load %arg6[%get3A_239] {strides = array<i32>} : memref<25600xi32, #tpu.memory_space<vmem>>, vector<16xi32>,
    %get3A_241 = vector.shape_cast %get3A_240 : vector<16xi32> to vector<16xi32>
    %dma_start3A_242 = arith.constant 2 : i32
    %dma_start3A_243 = arith.constant 0 : i32
    %dma_start3A_244 = arith.constant 0 : i32
    %dma_start3A_245 = tpu.memref_slice %arg7[%dma_start3A_242, %dma_start3A_243, %dma_start3A_244] : memref<5x128x64xf32, #tpu.memory_space<vmem>> -> memref<1x128x64xf32, #tpu.memory_space<vmem>>
    %dma_start3A_246 = tpu.memref_squeeze %dma_start3A_245 : memref<1x128x64xf32, #tpu.memory_space<vmem>> -> memref<128x64xf32, #tpu.memory_space<vmem>>
    %dma_start3A_247 = arith.constant 16 : i32
    %dma_start3A_248 = arith.constant 0 : i32
    %dma_start3A_249 = tpu.memref_slice %dma_start3A_246[%dma_start3A_247, %dma_start3A_248] : memref<128x64xf32, #tpu.memory_space<vmem>> -> memref<16x64xf32, #tpu.memory_space<vmem>>
    %dma_start3A_250 = arith.constant 0 : i32
    %dma_start3A_251 = arith.constant 0 : i32
    %dma_start3A_252 = tpu.memref_slice %arg3[%dma_start3A_250, %dma_start3A_251] : memref<1000000x64xf32, #tpu.memory_space<hbm>> -> memref<1000000x64xf32, #tpu.memory_space<hbm>>
    tpu.enqueue_indirect_dma source(%dma_start3A_252 : memref<1000000x64xf32, #tpu.memory_space<hbm>>) target(%dma_start3A_249 : memref<16x64xf32, #tpu.memory_space<vmem>>) offsets(%get3A_241 : vector<16xi32>) semaphore(%arg12 : memref<!tpu.dma_semaphore, #tpu.memory_space<semaphore_mem>>)
    %get3A_253 = arith.constant 288 : index
    %get3A_254 = tpu.vector_load %arg6[%get3A_253] {strides = array<i32>} : memref<25600xi32, #tpu.memory_space<vmem>>, vector<16xi32>,
    %get3A_255 = vector.shape_cast %get3A_254 : vector<16xi32> to vector<16xi32>
    %dma_start3A_256 = arith.constant 2 : i32
    %dma_start3A_257 = arith.constant 0 : i32
    %dma_start3A_258 = arith.constant 0 : i32
    %dma_start3A_259 = tpu.memref_slice %arg7[%dma_start3A_256, %dma_start3A_257, %dma_start3A_258] : memref<5x128x64xf32, #tpu.memory_space<vmem>> -> memref<1x128x64xf32, #tpu.memory_space<vmem>>
    %dma_start3A_260 = tpu.memref_squeeze %dma_start3A_259 : memref<1x128x64xf32, #tpu.memory_space<vmem>> -> memref<128x64xf32, #tpu.memory_space<vmem>>
    %dma_start3A_261 = arith.constant 32 : i32
    %dma_start3A_262 = arith.constant 0 : i32
    %dma_start3A_263 = tpu.memref_slice %dma_start3A_260[%dma_start3A_261, %dma_start3A_262] : memref<128x64xf32, #tpu.memory_space<vmem>> -> memref<16x64xf32, #tpu.memory_space<vmem>>
    %dma_start3A_264 = arith.constant 0 : i32
    %dma_start3A_265 = arith.constant 0 : i32
    %dma_start3A_266 = tpu.memref_slice %arg3[%dma_start3A_264, %dma_start3A_265] : memref<1000000x64xf32, #tpu.memory_space<hbm>> -> memref<1000000x64xf32, #tpu.memory_space<hbm>>
    tpu.enqueue_indirect_dma source(%dma_start3A_266 : memref<1000000x64xf32, #tpu.memory_space<hbm>>) target(%dma_start3A_263 : memref<16x64xf32, #tpu.memory_space<vmem>>) offsets(%get3A_255 : vector<16xi32>) semaphore(%arg12 : memref<!tpu.dma_semaphore, #tpu.memory_space<semaphore_mem>>)
    %get3A_267 = arith.constant 304 : index
    %get3A_268 = tpu.vector_load %arg6[%get3A_267] {strides = array<i32>} : memref<25600xi32, #tpu.memory_space<vmem>>, vector<16xi32>,
    %get3A_269 = vector.shape_cast %get3A_268 : vector<16xi32> to vector<16xi32>
    %dma_start3A_270 = arith.constant 2 : i32
    %dma_start3A_271 = arith.constant 0 : i32
    %dma_start3A_272 = arith.constant 0 : i32
    %dma_start3A_273 = tpu.memref_slice %arg7[%dma_start3A_270, %dma_start3A_271, %dma_start3A_272] : memref<5x128x64xf32, #tpu.memory_space<vmem>> -> memref<1x128x64xf32, #tpu.memory_space<vmem>>
    %dma_start3A_274 = tpu.memref_squeeze %dma_start3A_273 : memref<1x128x64xf32, #tpu.memory_space<vmem>> -> memref<128x64xf32, #tpu.memory_space<vmem>>
    %dma_start3A_275 = arith.constant 48 : i32
    %dma_start3A_276 = arith.constant 0 : i32
    %dma_start3A_277 = tpu.memref_slice %dma_start3A_274[%dma_start3A_275, %dma_start3A_276] : memref<128x64xf32, #tpu.memory_space<vmem>> -> memref<16x64xf32, #tpu.memory_space<vmem>>
    %dma_start3A_278 = arith.constant 0 : i32
    %dma_start3A_279 = arith.constant 0 : i32
    %dma_start3A_280 = tpu.memref_slice %arg3[%dma_start3A_278, %dma_start3A_279] : memref<1000000x64xf32, #tpu.memory_space<hbm>> -> memref<1000000x64xf32, #tpu.memory_space<hbm>>
    tpu.enqueue_indirect_dma source(%dma_start3A_280 : memref<1000000x64xf32, #tpu.memory_space<hbm>>) target(%dma_start3A_277 : memref<16x64xf32, #tpu.memory_space<vmem>>) offsets(%get3A_269 : vector<16xi32>) semaphore(%arg12 : memref<!tpu.dma_semaphore, #tpu.memory_space<semaphore_mem>>)
    %get3A_281 = arith.constant 320 : index
    %get3A_282 = tpu.vector_load %arg6[%get3A_281] {strides = array<i32>} : memref<25600xi32, #tpu.memory_space<vmem>>, vector<16xi32>,
    %get3A_283 = vector.shape_cast %get3A_282 : vector<16xi32> to vector<16xi32>
    %dma_start3A_284 = arith.constant 2 : i32
    %dma_start3A_285 = arith.constant 0 : i32
    %dma_start3A_286 = arith.constant 0 : i32
    %dma_start3A_287 = tpu.memref_slice %arg7[%dma_start3A_284, %dma_start3A_285, %dma_start3A_286] : memref<5x128x64xf32, #tpu.memory_space<vmem>> -> memref<1x128x64xf32, #tpu.memory_space<vmem>>
    %dma_start3A_288 = tpu.memref_squeeze %dma_start3A_287 : memref<1x128x64xf32, #tpu.memory_space<vmem>> -> memref<128x64xf32, #tpu.memory_space<vmem>>
    %dma_start3A_289 = arith.constant 64 : i32
    %dma_start3A_290 = arith.constant 0 : i32
    %dma_start3A_291 = tpu.memref_slice %dma_start3A_288[%dma_start3A_289, %dma_start3A_290] : memref<128x64xf32, #tpu.memory_space<vmem>> -> memref<16x64xf32, #tpu.memory_space<vmem>>
    %dma_start3A_292 = arith.constant 0 : i32
    %dma_start3A_293 = arith.constant 0 : i32
    %dma_start3A_294 = tpu.memref_slice %arg3[%dma_start3A_292, %dma_start3A_293] : memref<1000000x64xf32, #tpu.memory_space<hbm>> -> memref<1000000x64xf32, #tpu.memory_space<hbm>>
    tpu.enqueue_indirect_dma source(%dma_start3A_294 : memref<1000000x64xf32, #tpu.memory_space<hbm>>) target(%dma_start3A_291 : memref<16x64xf32, #tpu.memory_space<vmem>>) offsets(%get3A_283 : vector<16xi32>) semaphore(%arg12 : memref<!tpu.dma_semaphore, #tpu.memory_space<semaphore_mem>>)
    %get3A_295 = arith.constant 336 : index
    %get3A_296 = tpu.vector_load %arg6[%get3A_295] {strides = array<i32>} : memref<25600xi32, #tpu.memory_space<vmem>>, vector<16xi32>,
    %get3A_297 = vector.shape_cast %get3A_296 : vector<16xi32> to vector<16xi32>
    %dma_start3A_298 = arith.constant 2 : i32
    %dma_start3A_299 = arith.constant 0 : i32
    %dma_start3A_300 = arith.constant 0 : i32
    %dma_start3A_301 = tpu.memref_slice %arg7[%dma_start3A_298, %dma_start3A_299, %dma_start3A_300] : memref<5x128x64xf32, #tpu.memory_space<vmem>> -> memref<1x128x64xf32, #tpu.memory_space<vmem>>
    %dma_start3A_302 = tpu.memref_squeeze %dma_start3A_301 : memref<1x128x64xf32, #tpu.memory_space<vmem>> -> memref<128x64xf32, #tpu.memory_space<vmem>>
    %dma_start3A_303 = arith.constant 80 : i32
    %dma_start3A_304 = arith.constant 0 : i32
    %dma_start3A_305 = tpu.memref_slice %dma_start3A_302[%dma_start3A_303, %dma_start3A_304] : memref<128x64xf32, #tpu.memory_space<vmem>> -> memref<16x64xf32, #tpu.memory_space<vmem>>
    %dma_start3A_306 = arith.constant 0 : i32
    %dma_start3A_307 = arith.constant 0 : i32
    %dma_start3A_308 = tpu.memref_slice %arg3[%dma_start3A_306, %dma_start3A_307] : memref<1000000x64xf32, #tpu.memory_space<hbm>> -> memref<1000000x64xf32, #tpu.memory_space<hbm>>
    tpu.enqueue_indirect_dma source(%dma_start3A_308 : memref<1000000x64xf32, #tpu.memory_space<hbm>>) target(%dma_start3A_305 : memref<16x64xf32, #tpu.memory_space<vmem>>) offsets(%get3A_297 : vector<16xi32>) semaphore(%arg12 : memref<!tpu.dma_semaphore, #tpu.memory_space<semaphore_mem>>)
    %get3A_309 = arith.constant 352 : index
    %get3A_310 = tpu.vector_load %arg6[%get3A_309] {strides = array<i32>} : memref<25600xi32, #tpu.memory_space<vmem>>, vector<16xi32>,
    %get3A_311 = vector.shape_cast %get3A_310 : vector<16xi32> to vector<16xi32>
    %dma_start3A_312 = arith.constant 2 : i32
    %dma_start3A_313 = arith.constant 0 : i32
    %dma_start3A_314 = arith.constant 0 : i32
    %dma_start3A_315 = tpu.memref_slice %arg7[%dma_start3A_312, %dma_start3A_313, %dma_start3A_314] : memref<5x128x64xf32, #tpu.memory_space<vmem>> -> memref<1x128x64xf32, #tpu.memory_space<vmem>>
    %dma_start3A_316 = tpu.memref_squeeze %dma_start3A_315 : memref<1x128x64xf32, #tpu.memory_space<vmem>> -> memref<128x64xf32, #tpu.memory_space<vmem>>
    %dma_start3A_317 = arith.constant 96 : i32
    %dma_start3A_318 = arith.constant 0 : i32
    %dma_start3A_319 = tpu.memref_slice %dma_start3A_316[%dma_start3A_317, %dma_start3A_318] : memref<128x64xf32, #tpu.memory_space<vmem>> -> memref<16x64xf32, #tpu.memory_space<vmem>>
    %dma_start3A_320 = arith.constant 0 : i32
    %dma_start3A_321 = arith.constant 0 : i32
    %dma_start3A_322 = tpu.memref_slice %arg3[%dma_start3A_320, %dma_start3A_321] : memref<1000000x64xf32, #tpu.memory_space<hbm>> -> memref<1000000x64xf32, #tpu.memory_space<hbm>>
    tpu.enqueue_indirect_dma source(%dma_start3A_322 : memref<1000000x64xf32, #tpu.memory_space<hbm>>) target(%dma_start3A_319 : memref<16x64xf32, #tpu.memory_space<vmem>>) offsets(%get3A_311 : vector<16xi32>) semaphore(%arg12 : memref<!tpu.dma_semaphore, #tpu.memory_space<semaphore_mem>>)
    %get3A_323 = arith.constant 368 : index
    %get3A_324 = tpu.vector_load %arg6[%get3A_323] {strides = array<i32>} : memref<25600xi32, #tpu.memory_space<vmem>>, vector<16xi32>,
    %get3A_325 = vector.shape_cast %get3A_324 : vector<16xi32> to vector<16xi32>
    %dma_start3A_326 = arith.constant 2 : i32
    %dma_start3A_327 = arith.constant 0 : i32
    %dma_start3A_328 = arith.constant 0 : i32
    %dma_start3A_329 = tpu.memref_slice %arg7[%dma_start3A_326, %dma_start3A_327, %dma_start3A_328] : memref<5x128x64xf32, #tpu.memory_space<vmem>> -> memref<1x128x64xf32, #tpu.memory_space<vmem>>
    %dma_start3A_330 = tpu.memref_squeeze %dma_start3A_329 : memref<1x128x64xf32, #tpu.memory_space<vmem>> -> memref<128x64xf32, #tpu.memory_space<vmem>>
    %dma_start3A_331 = arith.constant 112 : i32
    %dma_start3A_332 = arith.constant 0 : i32
    %dma_start3A_333 = tpu.memref_slice %dma_start3A_330[%dma_start3A_331, %dma_start3A_332] : memref<128x64xf32, #tpu.memory_space<vmem>> -> memref<16x64xf32, #tpu.memory_space<vmem>>
    %dma_start3A_334 = arith.constant 0 : i32
    %dma_start3A_335 = arith.constant 0 : i32
    %dma_start3A_336 = tpu.memref_slice %arg3[%dma_start3A_334, %dma_start3A_335] : memref<1000000x64xf32, #tpu.memory_space<hbm>> -> memref<1000000x64xf32, #tpu.memory_space<hbm>>
    tpu.enqueue_indirect_dma source(%dma_start3A_336 : memref<1000000x64xf32, #tpu.memory_space<hbm>>) target(%dma_start3A_333 : memref<16x64xf32, #tpu.memory_space<vmem>>) offsets(%get3A_325 : vector<16xi32>) semaphore(%arg12 : memref<!tpu.dma_semaphore, #tpu.memory_space<semaphore_mem>>)
    %get3A_337 = arith.constant 384 : index
    %get3A_338 = tpu.vector_load %arg6[%get3A_337] {strides = array<i32>} : memref<25600xi32, #tpu.memory_space<vmem>>, vector<16xi32>,
    %get3A_339 = vector.shape_cast %get3A_338 : vector<16xi32> to vector<16xi32>
    %dma_start3A_340 = arith.constant 3 : i32
    %dma_start3A_341 = arith.constant 0 : i32
    %dma_start3A_342 = arith.constant 0 : i32
    %dma_start3A_343 = tpu.memref_slice %arg7[%dma_start3A_340, %dma_start3A_341, %dma_start3A_342] : memref<5x128x64xf32, #tpu.memory_space<vmem>> -> memref<1x128x64xf32, #tpu.memory_space<vmem>>
    %dma_start3A_344 = tpu.memref_squeeze %dma_start3A_343 : memref<1x128x64xf32, #tpu.memory_space<vmem>> -> memref<128x64xf32, #tpu.memory_space<vmem>>
    %dma_start3A_345 = arith.constant 0 : i32
    %dma_start3A_346 = arith.constant 0 : i32
    %dma_start3A_347 = tpu.memref_slice %dma_start3A_344[%dma_start3A_345, %dma_start3A_346] : memref<128x64xf32, #tpu.memory_space<vmem>> -> memref<16x64xf32, #tpu.memory_space<vmem>>
    %dma_start3A_348 = arith.constant 0 : i32
    %dma_start3A_349 = arith.constant 0 : i32
    %dma_start3A_350 = tpu.memref_slice %arg3[%dma_start3A_348, %dma_start3A_349] : memref<1000000x64xf32, #tpu.memory_space<hbm>> -> memref<1000000x64xf32, #tpu.memory_space<hbm>>
    tpu.enqueue_indirect_dma source(%dma_start3A_350 : memref<1000000x64xf32, #tpu.memory_space<hbm>>) target(%dma_start3A_347 : memref<16x64xf32, #tpu.memory_space<vmem>>) offsets(%get3A_339 : vector<16xi32>) semaphore(%arg13 : memref<!tpu.dma_semaphore, #tpu.memory_space<semaphore_mem>>)
    %get3A_351 = arith.constant 400 : index
    %get3A_352 = tpu.vector_load %arg6[%get3A_351] {strides = array<i32>} : memref<25600xi32, #tpu.memory_space<vmem>>, vector<16xi32>,
    %get3A_353 = vector.shape_cast %get3A_352 : vector<16xi32> to vector<16xi32>
    %dma_start3A_354 = arith.constant 3 : i32
    %dma_start3A_355 = arith.constant 0 : i32
    %dma_start3A_356 = arith.constant 0 : i32
    %dma_start3A_357 = tpu.memref_slice %arg7[%dma_start3A_354, %dma_start3A_355, %dma_start3A_356] : memref<5x128x64xf32, #tpu.memory_space<vmem>> -> memref<1x128x64xf32, #tpu.memory_space<vmem>>
    %dma_start3A_358 = tpu.memref_squeeze %dma_start3A_357 : memref<1x128x64xf32, #tpu.memory_space<vmem>> -> memref<128x64xf32, #tpu.memory_space<vmem>>
    %dma_start3A_359 = arith.constant 16 : i32
    %dma_start3A_360 = arith.constant 0 : i32
    %dma_start3A_361 = tpu.memref_slice %dma_start3A_358[%dma_start3A_359, %dma_start3A_360] : memref<128x64xf32, #tpu.memory_space<vmem>> -> memref<16x64xf32, #tpu.memory_space<vmem>>
    %dma_start3A_362 = arith.constant 0 : i32
    %dma_start3A_363 = arith.constant 0 : i32
    %dma_start3A_364 = tpu.memref_slice %arg3[%dma_start3A_362, %dma_start3A_363] : memref<1000000x64xf32, #tpu.memory_space<hbm>> -> memref<1000000x64xf32, #tpu.memory_space<hbm>>
    tpu.enqueue_indirect_dma source(%dma_start3A_364 : memref<1000000x64xf32, #tpu.memory_space<hbm>>) target(%dma_start3A_361 : memref<16x64xf32, #tpu.memory_space<vmem>>) offsets(%get3A_353 : vector<16xi32>) semaphore(%arg13 : memref<!tpu.dma_semaphore, #tpu.memory_space<semaphore_mem>>)
    %get3A_365 = arith.constant 416 : index
    %get3A_366 = tpu.vector_load %arg6[%get3A_365] {strides = array<i32>} : memref<25600xi32, #tpu.memory_space<vmem>>, vector<16xi32>,
    %get3A_367 = vector.shape_cast %get3A_366 : vector<16xi32> to vector<16xi32>
    %dma_start3A_368 = arith.constant 3 : i32
    %dma_start3A_369 = arith.constant 0 : i32
    %dma_start3A_370 = arith.constant 0 : i32
    %dma_start3A_371 = tpu.memref_slice %arg7[%dma_start3A_368, %dma_start3A_369, %dma_start3A_370] : memref<5x128x64xf32, #tpu.memory_space<vmem>> -> memref<1x128x64xf32, #tpu.memory_space<vmem>>
    %dma_start3A_372 = tpu.memref_squeeze %dma_start3A_371 : memref<1x128x64xf32, #tpu.memory_space<vmem>> -> memref<128x64xf32, #tpu.memory_space<vmem>>
    %dma_start3A_373 = arith.constant 32 : i32
    %dma_start3A_374 = arith.constant 0 : i32
    %dma_start3A_375 = tpu.memref_slice %dma_start3A_372[%dma_start3A_373, %dma_start3A_374] : memref<128x64xf32, #tpu.memory_space<vmem>> -> memref<16x64xf32, #tpu.memory_space<vmem>>
    %dma_start3A_376 = arith.constant 0 : i32
    %dma_start3A_377 = arith.constant 0 : i32
    %dma_start3A_378 = tpu.memref_slice %arg3[%dma_start3A_376, %dma_start3A_377] : memref<1000000x64xf32, #tpu.memory_space<hbm>> -> memref<1000000x64xf32, #tpu.memory_space<hbm>>
    tpu.enqueue_indirect_dma source(%dma_start3A_378 : memref<1000000x64xf32, #tpu.memory_space<hbm>>) target(%dma_start3A_375 : memref<16x64xf32, #tpu.memory_space<vmem>>) offsets(%get3A_367 : vector<16xi32>) semaphore(%arg13 : memref<!tpu.dma_semaphore, #tpu.memory_space<semaphore_mem>>)
    %get3A_379 = arith.constant 432 : index
    %get3A_380 = tpu.vector_load %arg6[%get3A_379] {strides = array<i32>} : memref<25600xi32, #tpu.memory_space<vmem>>, vector<16xi32>,
    %get3A_381 = vector.shape_cast %get3A_380 : vector<16xi32> to vector<16xi32>
    %dma_start3A_382 = arith.constant 3 : i32
    %dma_start3A_383 = arith.constant 0 : i32
    %dma_start3A_384 = arith.constant 0 : i32
    %dma_start3A_385 = tpu.memref_slice %arg7[%dma_start3A_382, %dma_start3A_383, %dma_start3A_384] : memref<5x128x64xf32, #tpu.memory_space<vmem>> -> memref<1x128x64xf32, #tpu.memory_space<vmem>>
    %dma_start3A_386 = tpu.memref_squeeze %dma_start3A_385 : memref<1x128x64xf32, #tpu.memory_space<vmem>> -> memref<128x64xf32, #tpu.memory_space<vmem>>
    %dma_start3A_387 = arith.constant 48 : i32
    %dma_start3A_388 = arith.constant 0 : i32
    %dma_start3A_389 = tpu.memref_slice %dma_start3A_386[%dma_start3A_387, %dma_start3A_388] : memref<128x64xf32, #tpu.memory_space<vmem>> -> memref<16x64xf32, #tpu.memory_space<vmem>>
    %dma_start3A_390 = arith.constant 0 : i32
    %dma_start3A_391 = arith.constant 0 : i32
    %dma_start3A_392 = tpu.memref_slice %arg3[%dma_start3A_390, %dma_start3A_391] : memref<1000000x64xf32, #tpu.memory_space<hbm>> -> memref<1000000x64xf32, #tpu.memory_space<hbm>>
    tpu.enqueue_indirect_dma source(%dma_start3A_392 : memref<1000000x64xf32, #tpu.memory_space<hbm>>) target(%dma_start3A_389 : memref<16x64xf32, #tpu.memory_space<vmem>>) offsets(%get3A_381 : vector<16xi32>) semaphore(%arg13 : memref<!tpu.dma_semaphore, #tpu.memory_space<semaphore_mem>>)
    %get3A_393 = arith.constant 448 : index
    %get3A_394 = tpu.vector_load %arg6[%get3A_393] {strides = array<i32>} : memref<25600xi32, #tpu.memory_space<vmem>>, vector<16xi32>,
    %get3A_395 = vector.shape_cast %get3A_394 : vector<16xi32> to vector<16xi32>
    %dma_start3A_396 = arith.constant 3 : i32
    %dma_start3A_397 = arith.constant 0 : i32
    %dma_start3A_398 = arith.constant 0 : i32
    %dma_start3A_399 = tpu.memref_slice %arg7[%dma_start3A_396, %dma_start3A_397, %dma_start3A_398] : memref<5x128x64xf32, #tpu.memory_space<vmem>> -> memref<1x128x64xf32, #tpu.memory_space<vmem>>
    %dma_start3A_400 = tpu.memref_squeeze %dma_start3A_399 : memref<1x128x64xf32, #tpu.memory_space<vmem>> -> memref<128x64xf32, #tpu.memory_space<vmem>>
    %dma_start3A_401 = arith.constant 64 : i32
    %dma_start3A_402 = arith.constant 0 : i32
    %dma_start3A_403 = tpu.memref_slice %dma_start3A_400[%dma_start3A_401, %dma_start3A_402] : memref<128x64xf32, #tpu.memory_space<vmem>> -> memref<16x64xf32, #tpu.memory_space<vmem>>
    %dma_start3A_404 = arith.constant 0 : i32
    %dma_start3A_405 = arith.constant 0 : i32
    %dma_start3A_406 = tpu.memref_slice %arg3[%dma_start3A_404, %dma_start3A_405] : memref<1000000x64xf32, #tpu.memory_space<hbm>> -> memref<1000000x64xf32, #tpu.memory_space<hbm>>
    tpu.enqueue_indirect_dma source(%dma_start3A_406 : memref<1000000x64xf32, #tpu.memory_space<hbm>>) target(%dma_start3A_403 : memref<16x64xf32, #tpu.memory_space<vmem>>) offsets(%get3A_395 : vector<16xi32>) semaphore(%arg13 : memref<!tpu.dma_semaphore, #tpu.memory_space<semaphore_mem>>)
    %get3A_407 = arith.constant 464 : index
    %get3A_408 = tpu.vector_load %arg6[%get3A_407] {strides = array<i32>} : memref<25600xi32, #tpu.memory_space<vmem>>, vector<16xi32>,
    %get3A_409 = vector.shape_cast %get3A_408 : vector<16xi32> to vector<16xi32>
    %dma_start3A_410 = arith.constant 3 : i32
    %dma_start3A_411 = arith.constant 0 : i32
    %dma_start3A_412 = arith.constant 0 : i32
    %dma_start3A_413 = tpu.memref_slice %arg7[%dma_start3A_410, %dma_start3A_411, %dma_start3A_412] : memref<5x128x64xf32, #tpu.memory_space<vmem>> -> memref<1x128x64xf32, #tpu.memory_space<vmem>>
    %dma_start3A_414 = tpu.memref_squeeze %dma_start3A_413 : memref<1x128x64xf32, #tpu.memory_space<vmem>> -> memref<128x64xf32, #tpu.memory_space<vmem>>
    %dma_start3A_415 = arith.constant 80 : i32
    %dma_start3A_416 = arith.constant 0 : i32
    %dma_start3A_417 = tpu.memref_slice %dma_start3A_414[%dma_start3A_415, %dma_start3A_416] : memref<128x64xf32, #tpu.memory_space<vmem>> -> memref<16x64xf32, #tpu.memory_space<vmem>>
    %dma_start3A_418 = arith.constant 0 : i32
    %dma_start3A_419 = arith.constant 0 : i32
    %dma_start3A_420 = tpu.memref_slice %arg3[%dma_start3A_418, %dma_start3A_419] : memref<1000000x64xf32, #tpu.memory_space<hbm>> -> memref<1000000x64xf32, #tpu.memory_space<hbm>>
    tpu.enqueue_indirect_dma source(%dma_start3A_420 : memref<1000000x64xf32, #tpu.memory_space<hbm>>) target(%dma_start3A_417 : memref<16x64xf32, #tpu.memory_space<vmem>>) offsets(%get3A_409 : vector<16xi32>) semaphore(%arg13 : memref<!tpu.dma_semaphore, #tpu.memory_space<semaphore_mem>>)
    %get3A_421 = arith.constant 480 : index
    %get3A_422 = tpu.vector_load %arg6[%get3A_421] {strides = array<i32>} : memref<25600xi32, #tpu.memory_space<vmem>>, vector<16xi32>,
    %get3A_423 = vector.shape_cast %get3A_422 : vector<16xi32> to vector<16xi32>
    %dma_start3A_424 = arith.constant 3 : i32
    %dma_start3A_425 = arith.constant 0 : i32
    %dma_start3A_426 = arith.constant 0 : i32
    %dma_start3A_427 = tpu.memref_slice %arg7[%dma_start3A_424, %dma_start3A_425, %dma_start3A_426] : memref<5x128x64xf32, #tpu.memory_space<vmem>> -> memref<1x128x64xf32, #tpu.memory_space<vmem>>
    %dma_start3A_428 = tpu.memref_squeeze %dma_start3A_427 : memref<1x128x64xf32, #tpu.memory_space<vmem>> -> memref<128x64xf32, #tpu.memory_space<vmem>>
    %dma_start3A_429 = arith.constant 96 : i32
    %dma_start3A_430 = arith.constant 0 : i32
    %dma_start3A_431 = tpu.memref_slice %dma_start3A_428[%dma_start3A_429, %dma_start3A_430] : memref<128x64xf32, #tpu.memory_space<vmem>> -> memref<16x64xf32, #tpu.memory_space<vmem>>
    %dma_start3A_432 = arith.constant 0 : i32
    %dma_start3A_433 = arith.constant 0 : i32
    %dma_start3A_434 = tpu.memref_slice %arg3[%dma_start3A_432, %dma_start3A_433] : memref<1000000x64xf32, #tpu.memory_space<hbm>> -> memref<1000000x64xf32, #tpu.memory_space<hbm>>
    tpu.enqueue_indirect_dma source(%dma_start3A_434 : memref<1000000x64xf32, #tpu.memory_space<hbm>>) target(%dma_start3A_431 : memref<16x64xf32, #tpu.memory_space<vmem>>) offsets(%get3A_423 : vector<16xi32>) semaphore(%arg13 : memref<!tpu.dma_semaphore, #tpu.memory_space<semaphore_mem>>)
    %get3A_435 = arith.constant 496 : index
    %get3A_436 = tpu.vector_load %arg6[%get3A_435] {strides = array<i32>} : memref<25600xi32, #tpu.memory_space<vmem>>, vector<16xi32>,
    %get3A_437 = vector.shape_cast %get3A_436 : vector<16xi32> to vector<16xi32>
    %dma_start3A_438 = arith.constant 3 : i32
    %dma_start3A_439 = arith.constant 0 : i32
    %dma_start3A_440 = arith.constant 0 : i32
    %dma_start3A_441 = tpu.memref_slice %arg7[%dma_start3A_438, %dma_start3A_439, %dma_start3A_440] : memref<5x128x64xf32, #tpu.memory_space<vmem>> -> memref<1x128x64xf32, #tpu.memory_space<vmem>>
    %dma_start3A_442 = tpu.memref_squeeze %dma_start3A_441 : memref<1x128x64xf32, #tpu.memory_space<vmem>> -> memref<128x64xf32, #tpu.memory_space<vmem>>
    %dma_start3A_443 = arith.constant 112 : i32
    %dma_start3A_444 = arith.constant 0 : i32
    %dma_start3A_445 = tpu.memref_slice %dma_start3A_442[%dma_start3A_443, %dma_start3A_444] : memref<128x64xf32, #tpu.memory_space<vmem>> -> memref<16x64xf32, #tpu.memory_space<vmem>>
    %dma_start3A_446 = arith.constant 0 : i32
    %dma_start3A_447 = arith.constant 0 : i32
    %dma_start3A_448 = tpu.memref_slice %arg3[%dma_start3A_446, %dma_start3A_447] : memref<1000000x64xf32, #tpu.memory_space<hbm>> -> memref<1000000x64xf32, #tpu.memory_space<hbm>>
    tpu.enqueue_indirect_dma source(%dma_start3A_448 : memref<1000000x64xf32, #tpu.memory_space<hbm>>) target(%dma_start3A_445 : memref<16x64xf32, #tpu.memory_space<vmem>>) offsets(%get3A_437 : vector<16xi32>) semaphore(%arg13 : memref<!tpu.dma_semaphore, #tpu.memory_space<semaphore_mem>>)
    %get3A_449 = arith.constant 512 : index
    %get3A_450 = tpu.vector_load %arg6[%get3A_449] {strides = array<i32>} : memref<25600xi32, #tpu.memory_space<vmem>>, vector<16xi32>,
    %get3A_451 = vector.shape_cast %get3A_450 : vector<16xi32> to vector<16xi32>
    %dma_start3A_452 = arith.constant 4 : i32
    %dma_start3A_453 = arith.constant 0 : i32
    %dma_start3A_454 = arith.constant 0 : i32
    %dma_start3A_455 = tpu.memref_slice %arg7[%dma_start3A_452, %dma_start3A_453, %dma_start3A_454] : memref<5x128x64xf32, #tpu.memory_space<vmem>> -> memref<1x128x64xf32, #tpu.memory_space<vmem>>
    %dma_start3A_456 = tpu.memref_squeeze %dma_start3A_455 : memref<1x128x64xf32, #tpu.memory_space<vmem>> -> memref<128x64xf32, #tpu.memory_space<vmem>>
    %dma_start3A_457 = arith.constant 0 : i32
    %dma_start3A_458 = arith.constant 0 : i32
    %dma_start3A_459 = tpu.memref_slice %dma_start3A_456[%dma_start3A_457, %dma_start3A_458] : memref<128x64xf32, #tpu.memory_space<vmem>> -> memref<16x64xf32, #tpu.memory_space<vmem>>
    %dma_start3A_460 = arith.constant 0 : i32
    %dma_start3A_461 = arith.constant 0 : i32
    %dma_start3A_462 = tpu.memref_slice %arg3[%dma_start3A_460, %dma_start3A_461] : memref<1000000x64xf32, #tpu.memory_space<hbm>> -> memref<1000000x64xf32, #tpu.memory_space<hbm>>
    tpu.enqueue_indirect_dma source(%dma_start3A_462 : memref<1000000x64xf32, #tpu.memory_space<hbm>>) target(%dma_start3A_459 : memref<16x64xf32, #tpu.memory_space<vmem>>) offsets(%get3A_451 : vector<16xi32>) semaphore(%arg14 : memref<!tpu.dma_semaphore, #tpu.memory_space<semaphore_mem>>)
    %get3A_463 = arith.constant 528 : index
    %get3A_464 = tpu.vector_load %arg6[%get3A_463] {strides = array<i32>} : memref<25600xi32, #tpu.memory_space<vmem>>, vector<16xi32>,
    %get3A_465 = vector.shape_cast %get3A_464 : vector<16xi32> to vector<16xi32>
    %dma_start3A_466 = arith.constant 4 : i32
    %dma_start3A_467 = arith.constant 0 : i32
    %dma_start3A_468 = arith.constant 0 : i32
    %dma_start3A_469 = tpu.memref_slice %arg7[%dma_start3A_466, %dma_start3A_467, %dma_start3A_468] : memref<5x128x64xf32, #tpu.memory_space<vmem>> -> memref<1x128x64xf32, #tpu.memory_space<vmem>>
    %dma_start3A_470 = tpu.memref_squeeze %dma_start3A_469 : memref<1x128x64xf32, #tpu.memory_space<vmem>> -> memref<128x64xf32, #tpu.memory_space<vmem>>
    %dma_start3A_471 = arith.constant 16 : i32
    %dma_start3A_472 = arith.constant 0 : i32
    %dma_start3A_473 = tpu.memref_slice %dma_start3A_470[%dma_start3A_471, %dma_start3A_472] : memref<128x64xf32, #tpu.memory_space<vmem>> -> memref<16x64xf32, #tpu.memory_space<vmem>>
    %dma_start3A_474 = arith.constant 0 : i32
    %dma_start3A_475 = arith.constant 0 : i32
    %dma_start3A_476 = tpu.memref_slice %arg3[%dma_start3A_474, %dma_start3A_475] : memref<1000000x64xf32, #tpu.memory_space<hbm>> -> memref<1000000x64xf32, #tpu.memory_space<hbm>>
    tpu.enqueue_indirect_dma source(%dma_start3A_476 : memref<1000000x64xf32, #tpu.memory_space<hbm>>) target(%dma_start3A_473 : memref<16x64xf32, #tpu.memory_space<vmem>>) offsets(%get3A_465 : vector<16xi32>) semaphore(%arg14 : memref<!tpu.dma_semaphore, #tpu.memory_space<semaphore_mem>>)
    %get3A_477 = arith.constant 544 : index
    %get3A_478 = tpu.vector_load %arg6[%get3A_477] {strides = array<i32>} : memref<25600xi32, #tpu.memory_space<vmem>>, vector<16xi32>,
    %get3A_479 = vector.shape_cast %get3A_478 : vector<16xi32> to vector<16xi32>
    %dma_start3A_480 = arith.constant 4 : i32
    %dma_start3A_481 = arith.constant 0 : i32
    %dma_start3A_482 = arith.constant 0 : i32
    %dma_start3A_483 = tpu.memref_slice %arg7[%dma_start3A_480, %dma_start3A_481, %dma_start3A_482] : memref<5x128x64xf32, #tpu.memory_space<vmem>> -> memref<1x128x64xf32, #tpu.memory_space<vmem>>
    %dma_start3A_484 = tpu.memref_squeeze %dma_start3A_483 : memref<1x128x64xf32, #tpu.memory_space<vmem>> -> memref<128x64xf32, #tpu.memory_space<vmem>>
    %dma_start3A_485 = arith.constant 32 : i32
    %dma_start3A_486 = arith.constant 0 : i32
    %dma_start3A_487 = tpu.memref_slice %dma_start3A_484[%dma_start3A_485, %dma_start3A_486] : memref<128x64xf32, #tpu.memory_space<vmem>> -> memref<16x64xf32, #tpu.memory_space<vmem>>
    %dma_start3A_488 = arith.constant 0 : i32
    %dma_start3A_489 = arith.constant 0 : i32
    %dma_start3A_490 = tpu.memref_slice %arg3[%dma_start3A_488, %dma_start3A_489] : memref<1000000x64xf32, #tpu.memory_space<hbm>> -> memref<1000000x64xf32, #tpu.memory_space<hbm>>
    tpu.enqueue_indirect_dma source(%dma_start3A_490 : memref<1000000x64xf32, #tpu.memory_space<hbm>>) target(%dma_start3A_487 : memref<16x64xf32, #tpu.memory_space<vmem>>) offsets(%get3A_479 : vector<16xi32>) semaphore(%arg14 : memref<!tpu.dma_semaphore, #tpu.memory_space<semaphore_mem>>)
    %get3A_491 = arith.constant 560 : index
    %get3A_492 = tpu.vector_load %arg6[%get3A_491] {strides = array<i32>} : memref<25600xi32, #tpu.memory_space<vmem>>, vector<16xi32>,
    %get3A_493 = vector.shape_cast %get3A_492 : vector<16xi32> to vector<16xi32>
    %dma_start3A_494 = arith.constant 4 : i32
    %dma_start3A_495 = arith.constant 0 : i32
    %dma_start3A_496 = arith.constant 0 : i32
    %dma_start3A_497 = tpu.memref_slice %arg7[%dma_start3A_494, %dma_start3A_495, %dma_start3A_496] : memref<5x128x64xf32, #tpu.memory_space<vmem>> -> memref<1x128x64xf32, #tpu.memory_space<vmem>>
    %dma_start3A_498 = tpu.memref_squeeze %dma_start3A_497 : memref<1x128x64xf32, #tpu.memory_space<vmem>> -> memref<128x64xf32, #tpu.memory_space<vmem>>
    %dma_start3A_499 = arith.constant 48 : i32
    %dma_start3A_500 = arith.constant 0 : i32
    %dma_start3A_501 = tpu.memref_slice %dma_start3A_498[%dma_start3A_499, %dma_start3A_500] : memref<128x64xf32, #tpu.memory_space<vmem>> -> memref<16x64xf32, #tpu.memory_space<vmem>>
    %dma_start3A_502 = arith.constant 0 : i32
    %dma_start3A_503 = arith.constant 0 : i32
    %dma_start3A_504 = tpu.memref_slice %arg3[%dma_start3A_502, %dma_start3A_503] : memref<1000000x64xf32, #tpu.memory_space<hbm>> -> memref<1000000x64xf32, #tpu.memory_space<hbm>>
    tpu.enqueue_indirect_dma source(%dma_start3A_504 : memref<1000000x64xf32, #tpu.memory_space<hbm>>) target(%dma_start3A_501 : memref<16x64xf32, #tpu.memory_space<vmem>>) offsets(%get3A_493 : vector<16xi32>) semaphore(%arg14 : memref<!tpu.dma_semaphore, #tpu.memory_space<semaphore_mem>>)
    %get3A_505 = arith.constant 576 : index
    %get3A_506 = tpu.vector_load %arg6[%get3A_505] {strides = array<i32>} : memref<25600xi32, #tpu.memory_space<vmem>>, vector<16xi32>,
    %get3A_507 = vector.shape_cast %get3A_506 : vector<16xi32> to vector<16xi32>
    %dma_start3A_508 = arith.constant 4 : i32
    %dma_start3A_509 = arith.constant 0 : i32
    %dma_start3A_510 = arith.constant 0 : i32
    %dma_start3A_511 = tpu.memref_slice %arg7[%dma_start3A_508, %dma_start3A_509, %dma_start3A_510] : memref<5x128x64xf32, #tpu.memory_space<vmem>> -> memref<1x128x64xf32, #tpu.memory_space<vmem>>
    %dma_start3A_512 = tpu.memref_squeeze %dma_start3A_511 : memref<1x128x64xf32, #tpu.memory_space<vmem>> -> memref<128x64xf32, #tpu.memory_space<vmem>>
    %dma_start3A_513 = arith.constant 64 : i32
    %dma_start3A_514 = arith.constant 0 : i32
    %dma_start3A_515 = tpu.memref_slice %dma_start3A_512[%dma_start3A_513, %dma_start3A_514] : memref<128x64xf32, #tpu.memory_space<vmem>> -> memref<16x64xf32, #tpu.memory_space<vmem>>
    %dma_start3A_516 = arith.constant 0 : i32
    %dma_start3A_517 = arith.constant 0 : i32
    %dma_start3A_518 = tpu.memref_slice %arg3[%dma_start3A_516, %dma_start3A_517] : memref<1000000x64xf32, #tpu.memory_space<hbm>> -> memref<1000000x64xf32, #tpu.memory_space<hbm>>
    tpu.enqueue_indirect_dma source(%dma_start3A_518 : memref<1000000x64xf32, #tpu.memory_space<hbm>>) target(%dma_start3A_515 : memref<16x64xf32, #tpu.memory_space<vmem>>) offsets(%get3A_507 : vector<16xi32>) semaphore(%arg14 : memref<!tpu.dma_semaphore, #tpu.memory_space<semaphore_mem>>)
    %get3A_519 = arith.constant 592 : index
    %get3A_520 = tpu.vector_load %arg6[%get3A_519] {strides = array<i32>} : memref<25600xi32, #tpu.memory_space<vmem>>, vector<16xi32>,
    %get3A_521 = vector.shape_cast %get3A_520 : vector<16xi32> to vector<16xi32>
    %dma_start3A_522 = arith.constant 4 : i32
    %dma_start3A_523 = arith.constant 0 : i32
    %dma_start3A_524 = arith.constant 0 : i32
    %dma_start3A_525 = tpu.memref_slice %arg7[%dma_start3A_522, %dma_start3A_523, %dma_start3A_524] : memref<5x128x64xf32, #tpu.memory_space<vmem>> -> memref<1x128x64xf32, #tpu.memory_space<vmem>>
    %dma_start3A_526 = tpu.memref_squeeze %dma_start3A_525 : memref<1x128x64xf32, #tpu.memory_space<vmem>> -> memref<128x64xf32, #tpu.memory_space<vmem>>
    %dma_start3A_527 = arith.constant 80 : i32
    %dma_start3A_528 = arith.constant 0 : i32
    %dma_start3A_529 = tpu.memref_slice %dma_start3A_526[%dma_start3A_527, %dma_start3A_528] : memref<128x64xf32, #tpu.memory_space<vmem>> -> memref<16x64xf32, #tpu.memory_space<vmem>>
    %dma_start3A_530 = arith.constant 0 : i32
    %dma_start3A_531 = arith.constant 0 : i32
    %dma_start3A_532 = tpu.memref_slice %arg3[%dma_start3A_530, %dma_start3A_531] : memref<1000000x64xf32, #tpu.memory_space<hbm>> -> memref<1000000x64xf32, #tpu.memory_space<hbm>>
    tpu.enqueue_indirect_dma source(%dma_start3A_532 : memref<1000000x64xf32, #tpu.memory_space<hbm>>) target(%dma_start3A_529 : memref<16x64xf32, #tpu.memory_space<vmem>>) offsets(%get3A_521 : vector<16xi32>) semaphore(%arg14 : memref<!tpu.dma_semaphore, #tpu.memory_space<semaphore_mem>>)
    %get3A_533 = arith.constant 608 : index
    %get3A_534 = tpu.vector_load %arg6[%get3A_533] {strides = array<i32>} : memref<25600xi32, #tpu.memory_space<vmem>>, vector<16xi32>,
    %get3A_535 = vector.shape_cast %get3A_534 : vector<16xi32> to vector<16xi32>
    %dma_start3A_536 = arith.constant 4 : i32
    %dma_start3A_537 = arith.constant 0 : i32
    %dma_start3A_538 = arith.constant 0 : i32
    %dma_start3A_539 = tpu.memref_slice %arg7[%dma_start3A_536, %dma_start3A_537, %dma_start3A_538] : memref<5x128x64xf32, #tpu.memory_space<vmem>> -> memref<1x128x64xf32, #tpu.memory_space<vmem>>
    %dma_start3A_540 = tpu.memref_squeeze %dma_start3A_539 : memref<1x128x64xf32, #tpu.memory_space<vmem>> -> memref<128x64xf32, #tpu.memory_space<vmem>>
    %dma_start3A_541 = arith.constant 96 : i32
    %dma_start3A_542 = arith.constant 0 : i32
    %dma_start3A_543 = tpu.memref_slice %dma_start3A_540[%dma_start3A_541, %dma_start3A_542] : memref<128x64xf32, #tpu.memory_space<vmem>> -> memref<16x64xf32, #tpu.memory_space<vmem>>
    %dma_start3A_544 = arith.constant 0 : i32
    %dma_start3A_545 = arith.constant 0 : i32
    %dma_start3A_546 = tpu.memref_slice %arg3[%dma_start3A_544, %dma_start3A_545] : memref<1000000x64xf32, #tpu.memory_space<hbm>> -> memref<1000000x64xf32, #tpu.memory_space<hbm>>
    tpu.enqueue_indirect_dma source(%dma_start3A_546 : memref<1000000x64xf32, #tpu.memory_space<hbm>>) target(%dma_start3A_543 : memref<16x64xf32, #tpu.memory_space<vmem>>) offsets(%get3A_535 : vector<16xi32>) semaphore(%arg14 : memref<!tpu.dma_semaphore, #tpu.memory_space<semaphore_mem>>)
    %get3A_547 = arith.constant 624 : index
    %get3A_548 = tpu.vector_load %arg6[%get3A_547] {strides = array<i32>} : memref<25600xi32, #tpu.memory_space<vmem>>, vector<16xi32>,
    %get3A_549 = vector.shape_cast %get3A_548 : vector<16xi32> to vector<16xi32>
    %dma_start3A_550 = arith.constant 4 : i32
    %dma_start3A_551 = arith.constant 0 : i32
    %dma_start3A_552 = arith.constant 0 : i32
    %dma_start3A_553 = tpu.memref_slice %arg7[%dma_start3A_550, %dma_start3A_551, %dma_start3A_552] : memref<5x128x64xf32, #tpu.memory_space<vmem>> -> memref<1x128x64xf32, #tpu.memory_space<vmem>>
    %dma_start3A_554 = tpu.memref_squeeze %dma_start3A_553 : memref<1x128x64xf32, #tpu.memory_space<vmem>> -> memref<128x64xf32, #tpu.memory_space<vmem>>
    %dma_start3A_555 = arith.constant 112 : i32
    %dma_start3A_556 = arith.constant 0 : i32
    %dma_start3A_557 = tpu.memref_slice %dma_start3A_554[%dma_start3A_555, %dma_start3A_556] : memref<128x64xf32, #tpu.memory_space<vmem>> -> memref<16x64xf32, #tpu.memory_space<vmem>>
    %dma_start3A_558 = arith.constant 0 : i32
    %dma_start3A_559 = arith.constant 0 : i32
    %dma_start3A_560 = tpu.memref_slice %arg3[%dma_start3A_558, %dma_start3A_559] : memref<1000000x64xf32, #tpu.memory_space<hbm>> -> memref<1000000x64xf32, #tpu.memory_space<hbm>>
    tpu.enqueue_indirect_dma source(%dma_start3A_560 : memref<1000000x64xf32, #tpu.memory_space<hbm>>) target(%dma_start3A_557 : memref<16x64xf32, #tpu.memory_space<vmem>>) offsets(%get3A_549 : vector<16xi32>) semaphore(%arg14 : memref<!tpu.dma_semaphore, #tpu.memory_space<semaphore_mem>>)
    %scan3A = arith.constant 0 : i32
    %scan3A_561 = arith.constant 0 : i32
    %scan3A_562 = arith.constant 40 : i32
    %scan3A_563 = arith.addi %scan3A_561, %scan3A_562 : i32
    %scan3A_564 = arith.constant 1 : i32
    scf.for %scan3A_630 = %scan3A_561 to %scan3A_563 step %scan3A_564  : i32 {
      %mul3A_631 = arith.constant 5 : i32
      %mul3A_632 = arith.muli %scan3A_630, %mul3A_631 : i32
      %add3A_633 = arith.constant 0 : i32
      %add3A_634 = arith.addi %mul3A_632, %add3A_633 : i32
      %mul3A_635 = arith.constant 128 : i32
      %mul3A_636 = arith.muli %add3A_634, %mul3A_635 : i32
      %dma_wait3A_637 = arith.constant 0 : i32
      %dma_wait3A_638 = arith.constant 0 : i32
      %dma_wait3A_639 = arith.constant 0 : i32
      %dma_wait3A_640 = tpu.memref_slice %arg7[%dma_wait3A_637, %dma_wait3A_638, %dma_wait3A_639] : memref<5x128x64xf32, #tpu.memory_space<vmem>> -> memref<1x128x64xf32, #tpu.memory_space<vmem>>
      %dma_wait3A_641 = tpu.memref_squeeze %dma_wait3A_640 : memref<1x128x64xf32, #tpu.memory_space<vmem>> -> memref<128x64xf32, #tpu.memory_space<vmem>>
      %dma_wait3A_642 = tpu.memref_slice %arg6[%mul3A_636] : memref<25600xi32, #tpu.memory_space<vmem>> -> memref<128xi32, #tpu.memory_space<vmem>>
      %dma_wait3A_643 = arith.constant 0 : i32
      %dma_wait3A_644 = arith.constant 0 : i32
      %dma_wait3A_645 = tpu.memref_slice %arg3[%dma_wait3A_643, %dma_wait3A_644] : memref<1000000x64xf32, #tpu.memory_space<hbm>> -> memref<1000000x64xf32, #tpu.memory_space<hbm>>
      tpu.wait_indirect_dma semaphore(%arg10 : memref<!tpu.dma_semaphore, #tpu.memory_space<semaphore_mem>>) src(%dma_wait3A_645 : memref<1000000x64xf32, #tpu.memory_space<hbm>>) dst(%dma_wait3A_641 : memref<128x64xf32, #tpu.memory_space<vmem>>)
      %gt3A = arith.constant 0 : i32
      %gt3A_646 = arith.cmpi sgt, %scan3A_630, %gt3A : i32
      %convert_element_type3A = arith.extui %gt3A_646 : i1 to i32
      %cond3A = arith.constant 0 : i32
      %cond3A_647 = arith.cmpi ne, %convert_element_type3A, %cond3A : i32
      scf.if %cond3A_647 {
        %mul3A_865 = arith.constant 128 : i32
        %mul3A_866 = arith.muli %add3A_634, %mul3A_865 : i32
        %add3A_867 = arith.addi %mul3A_2, %mul3A_866 : i32
        %dma_wait3A_868 = arith.constant 0 : i32
        %dma_wait3A_869 = arith.constant 0 : i32
        %dma_wait3A_870 = arith.constant 0 : i32
        %dma_wait3A_871 = tpu.memref_slice %arg8[%dma_wait3A_868, %dma_wait3A_869, %dma_wait3A_870] : memref<5x128x64xf32, #tpu.memory_space<vmem>> -> memref<1x128x64xf32, #tpu.memory_space<vmem>>
        %dma_wait3A_872 = tpu.memref_squeeze %dma_wait3A_871 : memref<1x128x64xf32, #tpu.memory_space<vmem>> -> memref<128x64xf32, #tpu.memory_space<vmem>>
        %dma_wait3A_873 = arith.constant 0 : i32
        %dma_wait3A_874 = tpu.memref_slice %arg5[%add3A_867, %dma_wait3A_873] : memref<819200x64xf32, #tpu.memory_space<hbm>> -> memref<128x64xf32, #tpu.memory_space<hbm>>
        %dma_wait3A_875 = arith.constant 0 : i32
        %dma_wait3A_876 = tpu.memref_slice %arg5[%add3A_867, %dma_wait3A_875] : memref<819200x64xf32, #tpu.memory_space<hbm>> -> memref<128x64xf32, #tpu.memory_space<hbm>>
        %dma_wait3A_877 = arith.constant 0 : i32
        %dma_wait3A_878 = arith.constant 0 : i32
        %dma_wait3A_879 = tpu.memref_slice %arg8[%dma_wait3A_868, %dma_wait3A_877, %dma_wait3A_878] : memref<5x128x64xf32, #tpu.memory_space<vmem>> -> memref<1x128x64xf32, #tpu.memory_space<vmem>>
        %dma_wait3A_880 = tpu.memref_squeeze %dma_wait3A_879 : memref<1x128x64xf32, #tpu.memory_space<vmem>> -> memref<128x64xf32, #tpu.memory_space<vmem>>
        tpu.wait_dma2 semaphore(%arg15 : memref<!tpu.dma_semaphore, #tpu.memory_space<semaphore_mem>>) src(%dma_wait3A_880 : memref<128x64xf32, #tpu.memory_space<vmem>>) dst(%dma_wait3A_876 : memref<128x64xf32, #tpu.memory_space<hbm>>)
      } else {
      }
      %mul3A_648 = arith.constant 128 : i32
      %mul3A_649 = arith.muli %add3A_634, %mul3A_648 : i32
      %rem3A = arith.constant 200 : i32
      %rem3A_650 = arith.remsi %mul3A_649, %rem3A : i32
      %parallel_loop3A = arith.constant 0 : i32
      %parallel_loop3A_651 = arith.constant 128 : i32
      %parallel_loop3A_652 = arith.constant 1 : i32
      scf.for %parallel_loop3A_865 = %parallel_loop3A to %parallel_loop3A_651 step %parallel_loop3A_652  : i32 {
        %parallel_loop3A_866 = arith.constant 0 : i32
        %parallel_loop3A_867 = arith.index_cast %parallel_loop3A_866 : i32 to index
        %parallel_loop3A_868 = arith.index_cast %parallel_loop3A_865 : i32 to index
        %parallel_loop3A_869 = arith.constant 0 : index
        %parallel_loop3A_870 = tpu.vector_load %arg7[%parallel_loop3A_867, %parallel_loop3A_868, %parallel_loop3A_869] {strides = array<i32>} : memref<5x128x64xf32, #tpu.memory_space<vmem>>, vector<1x1x16xf32>,
        %parallel_loop3A_871 = vector.shape_cast %parallel_loop3A_870 : vector<1x1x16xf32> to vector<16xf32>
        %parallel_loop3A_872 = arith.addi %rem3A_650, %parallel_loop3A_865 : i32
        %parallel_loop3A_873 = arith.index_cast %parallel_loop3A_872 : i32 to index
        %parallel_loop3A_874 = arith.constant 0 : index
        %parallel_loop3A_875 = tpu.vector_load %arg9[%parallel_loop3A_873, %parallel_loop3A_874] {strides = array<i32>} : memref<320x64xf32, #tpu.memory_space<vmem>>, vector<1x16xf32>,
        %parallel_loop3A_876 = vector.shape_cast %parallel_loop3A_875 : vector<1x16xf32> to vector<16xf32>
        %parallel_loop3A_877 = arith.addf %parallel_loop3A_871, %parallel_loop3A_876 : vector<16xf32>
        %parallel_loop3A_878 = arith.constant 0 : i32
        %parallel_loop3A_879 = arith.index_cast %parallel_loop3A_878 : i32 to index
        %parallel_loop3A_880 = arith.index_cast %parallel_loop3A_865 : i32 to index
        %parallel_loop3A_881 = arith.constant 0 : index
        %parallel_loop3A_882 = tpu.vector_load %arg8[%parallel_loop3A_879, %parallel_loop3A_880, %parallel_loop3A_881] {strides = array<i32>} : memref<5x128x64xf32, #tpu.memory_space<vmem>>, vector<1x1x16xf32>,
        %parallel_loop3A_883 = vector.shape_cast %parallel_loop3A_882 : vector<1x1x16xf32> to vector<16xf32>
        %parallel_loop3A_884 = vector.shape_cast %parallel_loop3A_877 : vector<16xf32> to vector<1x1x16xf32>
        tpu.vector_store %arg8[%parallel_loop3A_879, %parallel_loop3A_880, %parallel_loop3A_881], %parallel_loop3A_884 {strides = array<i32>} : memref<5x128x64xf32, #tpu.memory_space<vmem>>, vector<1x1x16xf32>,
        %parallel_loop3A_885 = arith.constant 0 : i32
        %parallel_loop3A_886 = arith.index_cast %parallel_loop3A_885 : i32 to index
        %parallel_loop3A_887 = arith.index_cast %parallel_loop3A_865 : i32 to index
        %parallel_loop3A_888 = arith.constant 16 : index
        %parallel_loop3A_889 = tpu.vector_load %arg7[%parallel_loop3A_886, %parallel_loop3A_887, %parallel_loop3A_888] {strides = array<i32>} : memref<5x128x64xf32, #tpu.memory_space<vmem>>, vector<1x1x16xf32>,
        %parallel_loop3A_890 = vector.shape_cast %parallel_loop3A_889 : vector<1x1x16xf32> to vector<16xf32>
        %parallel_loop3A_891 = arith.addi %rem3A_650, %parallel_loop3A_865 : i32
        %parallel_loop3A_892 = arith.index_cast %parallel_loop3A_891 : i32 to index
        %parallel_loop3A_893 = arith.constant 16 : index
        %parallel_loop3A_894 = tpu.vector_load %arg9[%parallel_loop3A_892, %parallel_loop3A_893] {strides = array<i32>} : memref<320x64xf32, #tpu.memory_space<vmem>>, vector<1x16xf32>,
        %parallel_loop3A_895 = vector.shape_cast %parallel_loop3A_894 : vector<1x16xf32> to vector<16xf32>
        %parallel_loop3A_896 = arith.addf %parallel_loop3A_890, %parallel_loop3A_895 : vector<16xf32>
        %parallel_loop3A_897 = arith.constant 0 : i32
        %parallel_loop3A_898 = arith.index_cast %parallel_loop3A_897 : i32 to index
        %parallel_loop3A_899 = arith.index_cast %parallel_loop3A_865 : i32 to index
        %parallel_loop3A_900 = arith.constant 16 : index
        %parallel_loop3A_901 = tpu.vector_load %arg8[%parallel_loop3A_898, %parallel_loop3A_899, %parallel_loop3A_900] {strides = array<i32>} : memref<5x128x64xf32, #tpu.memory_space<vmem>>, vector<1x1x16xf32>,
        %parallel_loop3A_902 = vector.shape_cast %parallel_loop3A_901 : vector<1x1x16xf32> to vector<16xf32>
        %parallel_loop3A_903 = vector.shape_cast %parallel_loop3A_896 : vector<16xf32> to vector<1x1x16xf32>
        tpu.vector_store %arg8[%parallel_loop3A_898, %parallel_loop3A_899, %parallel_loop3A_900], %parallel_loop3A_903 {strides = array<i32>} : memref<5x128x64xf32, #tpu.memory_space<vmem>>, vector<1x1x16xf32>,
        %parallel_loop3A_904 = arith.constant 0 : i32
        %parallel_loop3A_905 = arith.index_cast %parallel_loop3A_904 : i32 to index
        %parallel_loop3A_906 = arith.index_cast %parallel_loop3A_865 : i32 to index
        %parallel_loop3A_907 = arith.constant 32 : index
        %parallel_loop3A_908 = tpu.vector_load %arg7[%parallel_loop3A_905, %parallel_loop3A_906, %parallel_loop3A_907] {strides = array<i32>} : memref<5x128x64xf32, #tpu.memory_space<vmem>>, vector<1x1x16xf32>,
        %parallel_loop3A_909 = vector.shape_cast %parallel_loop3A_908 : vector<1x1x16xf32> to vector<16xf32>
        %parallel_loop3A_910 = arith.addi %rem3A_650, %parallel_loop3A_865 : i32
        %parallel_loop3A_911 = arith.index_cast %parallel_loop3A_910 : i32 to index
        %parallel_loop3A_912 = arith.constant 32 : index
        %parallel_loop3A_913 = tpu.vector_load %arg9[%parallel_loop3A_911, %parallel_loop3A_912] {strides = array<i32>} : memref<320x64xf32, #tpu.memory_space<vmem>>, vector<1x16xf32>,
        %parallel_loop3A_914 = vector.shape_cast %parallel_loop3A_913 : vector<1x16xf32> to vector<16xf32>
        %parallel_loop3A_915 = arith.addf %parallel_loop3A_909, %parallel_loop3A_914 : vector<16xf32>
        %parallel_loop3A_916 = arith.constant 0 : i32
        %parallel_loop3A_917 = arith.index_cast %parallel_loop3A_916 : i32 to index
        %parallel_loop3A_918 = arith.index_cast %parallel_loop3A_865 : i32 to index
        %parallel_loop3A_919 = arith.constant 32 : index
        %parallel_loop3A_920 = tpu.vector_load %arg8[%parallel_loop3A_917, %parallel_loop3A_918, %parallel_loop3A_919] {strides = array<i32>} : memref<5x128x64xf32, #tpu.memory_space<vmem>>, vector<1x1x16xf32>,
        %parallel_loop3A_921 = vector.shape_cast %parallel_loop3A_920 : vector<1x1x16xf32> to vector<16xf32>
        %parallel_loop3A_922 = vector.shape_cast %parallel_loop3A_915 : vector<16xf32> to vector<1x1x16xf32>
        tpu.vector_store %arg8[%parallel_loop3A_917, %parallel_loop3A_918, %parallel_loop3A_919], %parallel_loop3A_922 {strides = array<i32>} : memref<5x128x64xf32, #tpu.memory_space<vmem>>, vector<1x1x16xf32>,
        %parallel_loop3A_923 = arith.constant 0 : i32
        %parallel_loop3A_924 = arith.index_cast %parallel_loop3A_923 : i32 to index
        %parallel_loop3A_925 = arith.index_cast %parallel_loop3A_865 : i32 to index
        %parallel_loop3A_926 = arith.constant 48 : index
        %parallel_loop3A_927 = tpu.vector_load %arg7[%parallel_loop3A_924, %parallel_loop3A_925, %parallel_loop3A_926] {strides = array<i32>} : memref<5x128x64xf32, #tpu.memory_space<vmem>>, vector<1x1x16xf32>,
        %parallel_loop3A_928 = vector.shape_cast %parallel_loop3A_927 : vector<1x1x16xf32> to vector<16xf32>
        %parallel_loop3A_929 = arith.addi %rem3A_650, %parallel_loop3A_865 : i32
        %parallel_loop3A_930 = arith.index_cast %parallel_loop3A_929 : i32 to index
        %parallel_loop3A_931 = arith.constant 48 : index
        %parallel_loop3A_932 = tpu.vector_load %arg9[%parallel_loop3A_930, %parallel_loop3A_931] {strides = array<i32>} : memref<320x64xf32, #tpu.memory_space<vmem>>, vector<1x16xf32>,
        %parallel_loop3A_933 = vector.shape_cast %parallel_loop3A_932 : vector<1x16xf32> to vector<16xf32>
        %parallel_loop3A_934 = arith.addf %parallel_loop3A_928, %parallel_loop3A_933 : vector<16xf32>
        %parallel_loop3A_935 = arith.constant 0 : i32
        %parallel_loop3A_936 = arith.index_cast %parallel_loop3A_935 : i32 to index
        %parallel_loop3A_937 = arith.index_cast %parallel_loop3A_865 : i32 to index
        %parallel_loop3A_938 = arith.constant 48 : index
        %parallel_loop3A_939 = tpu.vector_load %arg8[%parallel_loop3A_936, %parallel_loop3A_937, %parallel_loop3A_938] {strides = array<i32>} : memref<5x128x64xf32, #tpu.memory_space<vmem>>, vector<1x1x16xf32>,
        %parallel_loop3A_940 = vector.shape_cast %parallel_loop3A_939 : vector<1x1x16xf32> to vector<16xf32>
        %parallel_loop3A_941 = vector.shape_cast %parallel_loop3A_934 : vector<16xf32> to vector<1x1x16xf32>
        tpu.vector_store %arg8[%parallel_loop3A_936, %parallel_loop3A_937, %parallel_loop3A_938], %parallel_loop3A_941 {strides = array<i32>} : memref<5x128x64xf32, #tpu.memory_space<vmem>>, vector<1x1x16xf32>,
      } {sc.loop_unroll_factor = 4 : i64, sc.parallel_access}
      %mul3A_653 = arith.constant 128 : i32
      %mul3A_654 = arith.muli %add3A_634, %mul3A_653 : i32
      %add3A_655 = arith.addi %mul3A_2, %mul3A_654 : i32
      %dma_start3A_656 = arith.constant 0 : i32
      %dma_start3A_657 = arith.constant 0 : i32
      %dma_start3A_658 = arith.constant 0 : i32
      %dma_start3A_659 = tpu.memref_slice %arg8[%dma_start3A_656, %dma_start3A_657, %dma_start3A_658] : memref<5x128x64xf32, #tpu.memory_space<vmem>> -> memref<1x128x64xf32, #tpu.memory_space<vmem>>
      %dma_start3A_660 = tpu.memref_squeeze %dma_start3A_659 : memref<1x128x64xf32, #tpu.memory_space<vmem>> -> memref<128x64xf32, #tpu.memory_space<vmem>>
      %dma_start3A_661 = arith.constant 0 : i32
      %dma_start3A_662 = tpu.memref_slice %arg5[%add3A_655, %dma_start3A_661] : memref<819200x64xf32, #tpu.memory_space<hbm>> -> memref<128x64xf32, #tpu.memory_space<hbm>>
      %dma_start3A_663 = arith.constant 0 : i32
      %dma_start3A_664 = tpu.memref_slice %arg5[%add3A_655, %dma_start3A_663] : memref<819200x64xf32, #tpu.memory_space<hbm>> -> memref<128x64xf32, #tpu.memory_space<hbm>>
      %dma_start3A_665 = arith.constant 0 : i32
      %dma_start3A_666 = arith.constant 0 : i32
      %dma_start3A_667 = tpu.memref_slice %arg8[%dma_start3A_656, %dma_start3A_665, %dma_start3A_666] : memref<5x128x64xf32, #tpu.memory_space<vmem>> -> memref<1x128x64xf32, #tpu.memory_space<vmem>>
      %dma_start3A_668 = tpu.memref_squeeze %dma_start3A_667 : memref<1x128x64xf32, #tpu.memory_space<vmem>> -> memref<128x64xf32, #tpu.memory_space<vmem>>
      tpu.enqueue_dma source(%dma_start3A_668 : memref<128x64xf32, #tpu.memory_space<vmem>>) target(%dma_start3A_664 : memref<128x64xf32, #tpu.memory_space<hbm>>) target_semaphore(%arg15 : memref<!tpu.dma_semaphore, #tpu.memory_space<semaphore_mem>>)
      %lt3A = arith.constant 39 : i32
      %lt3A_669 = arith.cmpi slt, %scan3A_630, %lt3A : i32
      %convert_element_type3A_670 = arith.extui %lt3A_669 : i1 to i32
      %cond3A_671 = arith.constant 0 : i32
      %cond3A_672 = arith.cmpi ne, %convert_element_type3A_670, %cond3A_671 : i32
      scf.if %cond3A_672 {
        %add3A_865 = arith.constant 5 : i32
        %add3A_866 = arith.addi %add3A_634, %add3A_865 : i32
        %mul3A_867 = arith.constant 128 : i32
        %mul3A_868 = arith.muli %add3A_866, %mul3A_867 : i32
        %add3A_869 = arith.constant 0 : i32
        %add3A_870 = arith.addi %mul3A_868, %add3A_869 : i32
        %get3A_871 = arith.index_cast %add3A_870 : i32 to index
        %get3A_872 = tpu.vector_load %arg6[%get3A_871] {strides = array<i32>} : memref<25600xi32, #tpu.memory_space<vmem>>, vector<16xi32>,
        %get3A_873 = vector.shape_cast %get3A_872 : vector<16xi32> to vector<16xi32>
        %dma_start3A_874 = arith.constant 0 : i32
        %dma_start3A_875 = arith.constant 0 : i32
        %dma_start3A_876 = arith.constant 0 : i32
        %dma_start3A_877 = tpu.memref_slice %arg7[%dma_start3A_874, %dma_start3A_875, %dma_start3A_876] : memref<5x128x64xf32, #tpu.memory_space<vmem>> -> memref<1x128x64xf32, #tpu.memory_space<vmem>>
        %dma_start3A_878 = tpu.memref_squeeze %dma_start3A_877 : memref<1x128x64xf32, #tpu.memory_space<vmem>> -> memref<128x64xf32, #tpu.memory_space<vmem>>
        %dma_start3A_879 = arith.constant 0 : i32
        %dma_start3A_880 = arith.constant 0 : i32
        %dma_start3A_881 = tpu.memref_slice %dma_start3A_878[%dma_start3A_879, %dma_start3A_880] : memref<128x64xf32, #tpu.memory_space<vmem>> -> memref<16x64xf32, #tpu.memory_space<vmem>>
        %dma_start3A_882 = arith.constant 0 : i32
        %dma_start3A_883 = arith.constant 0 : i32
        %dma_start3A_884 = tpu.memref_slice %arg3[%dma_start3A_882, %dma_start3A_883] : memref<1000000x64xf32, #tpu.memory_space<hbm>> -> memref<1000000x64xf32, #tpu.memory_space<hbm>>
        tpu.enqueue_indirect_dma source(%dma_start3A_884 : memref<1000000x64xf32, #tpu.memory_space<hbm>>) target(%dma_start3A_881 : memref<16x64xf32, #tpu.memory_space<vmem>>) offsets(%get3A_873 : vector<16xi32>) semaphore(%arg10 : memref<!tpu.dma_semaphore, #tpu.memory_space<semaphore_mem>>)
        %mul3A_885 = arith.constant 128 : i32
        %mul3A_886 = arith.muli %add3A_866, %mul3A_885 : i32
        %add3A_887 = arith.constant 16 : i32
        %add3A_888 = arith.addi %mul3A_886, %add3A_887 : i32
        %get3A_889 = arith.index_cast %add3A_888 : i32 to index
        %get3A_890 = tpu.vector_load %arg6[%get3A_889] {strides = array<i32>} : memref<25600xi32, #tpu.memory_space<vmem>>, vector<16xi32>,
        %get3A_891 = vector.shape_cast %get3A_890 : vector<16xi32> to vector<16xi32>
        %dma_start3A_892 = arith.constant 0 : i32
        %dma_start3A_893 = arith.constant 0 : i32
        %dma_start3A_894 = arith.constant 0 : i32
        %dma_start3A_895 = tpu.memref_slice %arg7[%dma_start3A_892, %dma_start3A_893, %dma_start3A_894] : memref<5x128x64xf32, #tpu.memory_space<vmem>> -> memref<1x128x64xf32, #tpu.memory_space<vmem>>
        %dma_start3A_896 = tpu.memref_squeeze %dma_start3A_895 : memref<1x128x64xf32, #tpu.memory_space<vmem>> -> memref<128x64xf32, #tpu.memory_space<vmem>>
        %dma_start3A_897 = arith.constant 16 : i32
        %dma_start3A_898 = arith.constant 0 : i32
        %dma_start3A_899 = tpu.memref_slice %dma_start3A_896[%dma_start3A_897, %dma_start3A_898] : memref<128x64xf32, #tpu.memory_space<vmem>> -> memref<16x64xf32, #tpu.memory_space<vmem>>
        %dma_start3A_900 = arith.constant 0 : i32
        %dma_start3A_901 = arith.constant 0 : i32
        %dma_start3A_902 = tpu.memref_slice %arg3[%dma_start3A_900, %dma_start3A_901] : memref<1000000x64xf32, #tpu.memory_space<hbm>> -> memref<1000000x64xf32, #tpu.memory_space<hbm>>
        tpu.enqueue_indirect_dma source(%dma_start3A_902 : memref<1000000x64xf32, #tpu.memory_space<hbm>>) target(%dma_start3A_899 : memref<16x64xf32, #tpu.memory_space<vmem>>) offsets(%get3A_891 : vector<16xi32>) semaphore(%arg10 : memref<!tpu.dma_semaphore, #tpu.memory_space<semaphore_mem>>)
        %mul3A_903 = arith.constant 128 : i32
        %mul3A_904 = arith.muli %add3A_866, %mul3A_903 : i32
        %add3A_905 = arith.constant 32 : i32
        %add3A_906 = arith.addi %mul3A_904, %add3A_905 : i32
        %get3A_907 = arith.index_cast %add3A_906 : i32 to index
        %get3A_908 = tpu.vector_load %arg6[%get3A_907] {strides = array<i32>} : memref<25600xi32, #tpu.memory_space<vmem>>, vector<16xi32>,
        %get3A_909 = vector.shape_cast %get3A_908 : vector<16xi32> to vector<16xi32>
        %dma_start3A_910 = arith.constant 0 : i32
        %dma_start3A_911 = arith.constant 0 : i32
        %dma_start3A_912 = arith.constant 0 : i32
        %dma_start3A_913 = tpu.memref_slice %arg7[%dma_start3A_910, %dma_start3A_911, %dma_start3A_912] : memref<5x128x64xf32, #tpu.memory_space<vmem>> -> memref<1x128x64xf32, #tpu.memory_space<vmem>>
        %dma_start3A_914 = tpu.memref_squeeze %dma_start3A_913 : memref<1x128x64xf32, #tpu.memory_space<vmem>> -> memref<128x64xf32, #tpu.memory_space<vmem>>
        %dma_start3A_915 = arith.constant 32 : i32
        %dma_start3A_916 = arith.constant 0 : i32
        %dma_start3A_917 = tpu.memref_slice %dma_start3A_914[%dma_start3A_915, %dma_start3A_916] : memref<128x64xf32, #tpu.memory_space<vmem>> -> memref<16x64xf32, #tpu.memory_space<vmem>>
        %dma_start3A_918 = arith.constant 0 : i32
        %dma_start3A_919 = arith.constant 0 : i32
        %dma_start3A_920 = tpu.memref_slice %arg3[%dma_start3A_918, %dma_start3A_919] : memref<1000000x64xf32, #tpu.memory_space<hbm>> -> memref<1000000x64xf32, #tpu.memory_space<hbm>>
        tpu.enqueue_indirect_dma source(%dma_start3A_920 : memref<1000000x64xf32, #tpu.memory_space<hbm>>) target(%dma_start3A_917 : memref<16x64xf32, #tpu.memory_space<vmem>>) offsets(%get3A_909 : vector<16xi32>) semaphore(%arg10 : memref<!tpu.dma_semaphore, #tpu.memory_space<semaphore_mem>>)
        %mul3A_921 = arith.constant 128 : i32
        %mul3A_922 = arith.muli %add3A_866, %mul3A_921 : i32
        %add3A_923 = arith.constant 48 : i32
        %add3A_924 = arith.addi %mul3A_922, %add3A_923 : i32
        %get3A_925 = arith.index_cast %add3A_924 : i32 to index
        %get3A_926 = tpu.vector_load %arg6[%get3A_925] {strides = array<i32>} : memref<25600xi32, #tpu.memory_space<vmem>>, vector<16xi32>,
        %get3A_927 = vector.shape_cast %get3A_926 : vector<16xi32> to vector<16xi32>
        %dma_start3A_928 = arith.constant 0 : i32
        %dma_start3A_929 = arith.constant 0 : i32
        %dma_start3A_930 = arith.constant 0 : i32
        %dma_start3A_931 = tpu.memref_slice %arg7[%dma_start3A_928, %dma_start3A_929, %dma_start3A_930] : memref<5x128x64xf32, #tpu.memory_space<vmem>> -> memref<1x128x64xf32, #tpu.memory_space<vmem>>
        %dma_start3A_932 = tpu.memref_squeeze %dma_start3A_931 : memref<1x128x64xf32, #tpu.memory_space<vmem>> -> memref<128x64xf32, #tpu.memory_space<vmem>>
        %dma_start3A_933 = arith.constant 48 : i32
        %dma_start3A_934 = arith.constant 0 : i32
        %dma_start3A_935 = tpu.memref_slice %dma_start3A_932[%dma_start3A_933, %dma_start3A_934] : memref<128x64xf32, #tpu.memory_space<vmem>> -> memref<16x64xf32, #tpu.memory_space<vmem>>
        %dma_start3A_936 = arith.constant 0 : i32
        %dma_start3A_937 = arith.constant 0 : i32
        %dma_start3A_938 = tpu.memref_slice %arg3[%dma_start3A_936, %dma_start3A_937] : memref<1000000x64xf32, #tpu.memory_space<hbm>> -> memref<1000000x64xf32, #tpu.memory_space<hbm>>
        tpu.enqueue_indirect_dma source(%dma_start3A_938 : memref<1000000x64xf32, #tpu.memory_space<hbm>>) target(%dma_start3A_935 : memref<16x64xf32, #tpu.memory_space<vmem>>) offsets(%get3A_927 : vector<16xi32>) semaphore(%arg10 : memref<!tpu.dma_semaphore, #tpu.memory_space<semaphore_mem>>)
        %mul3A_939 = arith.constant 128 : i32
        %mul3A_940 = arith.muli %add3A_866, %mul3A_939 : i32
        %add3A_941 = arith.constant 64 : i32
        %add3A_942 = arith.addi %mul3A_940, %add3A_941 : i32
        %get3A_943 = arith.index_cast %add3A_942 : i32 to index
        %get3A_944 = tpu.vector_load %arg6[%get3A_943] {strides = array<i32>} : memref<25600xi32, #tpu.memory_space<vmem>>, vector<16xi32>,
        %get3A_945 = vector.shape_cast %get3A_944 : vector<16xi32> to vector<16xi32>
        %dma_start3A_946 = arith.constant 0 : i32
        %dma_start3A_947 = arith.constant 0 : i32
        %dma_start3A_948 = arith.constant 0 : i32
        %dma_start3A_949 = tpu.memref_slice %arg7[%dma_start3A_946, %dma_start3A_947, %dma_start3A_948] : memref<5x128x64xf32, #tpu.memory_space<vmem>> -> memref<1x128x64xf32, #tpu.memory_space<vmem>>
        %dma_start3A_950 = tpu.memref_squeeze %dma_start3A_949 : memref<1x128x64xf32, #tpu.memory_space<vmem>> -> memref<128x64xf32, #tpu.memory_space<vmem>>
        %dma_start3A_951 = arith.constant 64 : i32
        %dma_start3A_952 = arith.constant 0 : i32
        %dma_start3A_953 = tpu.memref_slice %dma_start3A_950[%dma_start3A_951, %dma_start3A_952] : memref<128x64xf32, #tpu.memory_space<vmem>> -> memref<16x64xf32, #tpu.memory_space<vmem>>
        %dma_start3A_954 = arith.constant 0 : i32
        %dma_start3A_955 = arith.constant 0 : i32
        %dma_start3A_956 = tpu.memref_slice %arg3[%dma_start3A_954, %dma_start3A_955] : memref<1000000x64xf32, #tpu.memory_space<hbm>> -> memref<1000000x64xf32, #tpu.memory_space<hbm>>
        tpu.enqueue_indirect_dma source(%dma_start3A_956 : memref<1000000x64xf32, #tpu.memory_space<hbm>>) target(%dma_start3A_953 : memref<16x64xf32, #tpu.memory_space<vmem>>) offsets(%get3A_945 : vector<16xi32>) semaphore(%arg10 : memref<!tpu.dma_semaphore, #tpu.memory_space<semaphore_mem>>)
        %mul3A_957 = arith.constant 128 : i32
        %mul3A_958 = arith.muli %add3A_866, %mul3A_957 : i32
        %add3A_959 = arith.constant 80 : i32
        %add3A_960 = arith.addi %mul3A_958, %add3A_959 : i32
        %get3A_961 = arith.index_cast %add3A_960 : i32 to index
        %get3A_962 = tpu.vector_load %arg6[%get3A_961] {strides = array<i32>} : memref<25600xi32, #tpu.memory_space<vmem>>, vector<16xi32>,
        %get3A_963 = vector.shape_cast %get3A_962 : vector<16xi32> to vector<16xi32>
        %dma_start3A_964 = arith.constant 0 : i32
        %dma_start3A_965 = arith.constant 0 : i32
        %dma_start3A_966 = arith.constant 0 : i32
        %dma_start3A_967 = tpu.memref_slice %arg7[%dma_start3A_964, %dma_start3A_965, %dma_start3A_966] : memref<5x128x64xf32, #tpu.memory_space<vmem>> -> memref<1x128x64xf32, #tpu.memory_space<vmem>>
        %dma_start3A_968 = tpu.memref_squeeze %dma_start3A_967 : memref<1x128x64xf32, #tpu.memory_space<vmem>> -> memref<128x64xf32, #tpu.memory_space<vmem>>
        %dma_start3A_969 = arith.constant 80 : i32
        %dma_start3A_970 = arith.constant 0 : i32
        %dma_start3A_971 = tpu.memref_slice %dma_start3A_968[%dma_start3A_969, %dma_start3A_970] : memref<128x64xf32, #tpu.memory_space<vmem>> -> memref<16x64xf32, #tpu.memory_space<vmem>>
        %dma_start3A_972 = arith.constant 0 : i32
        %dma_start3A_973 = arith.constant 0 : i32
        %dma_start3A_974 = tpu.memref_slice %arg3[%dma_start3A_972, %dma_start3A_973] : memref<1000000x64xf32, #tpu.memory_space<hbm>> -> memref<1000000x64xf32, #tpu.memory_space<hbm>>
        tpu.enqueue_indirect_dma source(%dma_start3A_974 : memref<1000000x64xf32, #tpu.memory_space<hbm>>) target(%dma_start3A_971 : memref<16x64xf32, #tpu.memory_space<vmem>>) offsets(%get3A_963 : vector<16xi32>) semaphore(%arg10 : memref<!tpu.dma_semaphore, #tpu.memory_space<semaphore_mem>>)
        %mul3A_975 = arith.constant 128 : i32
        %mul3A_976 = arith.muli %add3A_866, %mul3A_975 : i32
        %add3A_977 = arith.constant 96 : i32
        %add3A_978 = arith.addi %mul3A_976, %add3A_977 : i32
        %get3A_979 = arith.index_cast %add3A_978 : i32 to index
        %get3A_980 = tpu.vector_load %arg6[%get3A_979] {strides = array<i32>} : memref<25600xi32, #tpu.memory_space<vmem>>, vector<16xi32>,
        %get3A_981 = vector.shape_cast %get3A_980 : vector<16xi32> to vector<16xi32>
        %dma_start3A_982 = arith.constant 0 : i32
        %dma_start3A_983 = arith.constant 0 : i32
        %dma_start3A_984 = arith.constant 0 : i32
        %dma_start3A_985 = tpu.memref_slice %arg7[%dma_start3A_982, %dma_start3A_983, %dma_start3A_984] : memref<5x128x64xf32, #tpu.memory_space<vmem>> -> memref<1x128x64xf32, #tpu.memory_space<vmem>>
        %dma_start3A_986 = tpu.memref_squeeze %dma_start3A_985 : memref<1x128x64xf32, #tpu.memory_space<vmem>> -> memref<128x64xf32, #tpu.memory_space<vmem>>
        %dma_start3A_987 = arith.constant 96 : i32
        %dma_start3A_988 = arith.constant 0 : i32
        %dma_start3A_989 = tpu.memref_slice %dma_start3A_986[%dma_start3A_987, %dma_start3A_988] : memref<128x64xf32, #tpu.memory_space<vmem>> -> memref<16x64xf32, #tpu.memory_space<vmem>>
        %dma_start3A_990 = arith.constant 0 : i32
        %dma_start3A_991 = arith.constant 0 : i32
        %dma_start3A_992 = tpu.memref_slice %arg3[%dma_start3A_990, %dma_start3A_991] : memref<1000000x64xf32, #tpu.memory_space<hbm>> -> memref<1000000x64xf32, #tpu.memory_space<hbm>>
        tpu.enqueue_indirect_dma source(%dma_start3A_992 : memref<1000000x64xf32, #tpu.memory_space<hbm>>) target(%dma_start3A_989 : memref<16x64xf32, #tpu.memory_space<vmem>>) offsets(%get3A_981 : vector<16xi32>) semaphore(%arg10 : memref<!tpu.dma_semaphore, #tpu.memory_space<semaphore_mem>>)
        %mul3A_993 = arith.constant 128 : i32
        %mul3A_994 = arith.muli %add3A_866, %mul3A_993 : i32
        %add3A_995 = arith.constant 112 : i32
        %add3A_996 = arith.addi %mul3A_994, %add3A_995 : i32
        %get3A_997 = arith.index_cast %add3A_996 : i32 to index
        %get3A_998 = tpu.vector_load %arg6[%get3A_997] {strides = array<i32>} : memref<25600xi32, #tpu.memory_space<vmem>>, vector<16xi32>,
        %get3A_999 = vector.shape_cast %get3A_998 : vector<16xi32> to vector<16xi32>
        %dma_start3A_1000 = arith.constant 0 : i32
        %dma_start3A_1001 = arith.constant 0 : i32
        %dma_start3A_1002 = arith.constant 0 : i32
        %dma_start3A_1003 = tpu.memref_slice %arg7[%dma_start3A_1000, %dma_start3A_1001, %dma_start3A_1002] : memref<5x128x64xf32, #tpu.memory_space<vmem>> -> memref<1x128x64xf32, #tpu.memory_space<vmem>>
        %dma_start3A_1004 = tpu.memref_squeeze %dma_start3A_1003 : memref<1x128x64xf32, #tpu.memory_space<vmem>> -> memref<128x64xf32, #tpu.memory_space<vmem>>
        %dma_start3A_1005 = arith.constant 112 : i32
        %dma_start3A_1006 = arith.constant 0 : i32
        %dma_start3A_1007 = tpu.memref_slice %dma_start3A_1004[%dma_start3A_1005, %dma_start3A_1006] : memref<128x64xf32, #tpu.memory_space<vmem>> -> memref<16x64xf32, #tpu.memory_space<vmem>>
        %dma_start3A_1008 = arith.constant 0 : i32
        %dma_start3A_1009 = arith.constant 0 : i32
        %dma_start3A_1010 = tpu.memref_slice %arg3[%dma_start3A_1008, %dma_start3A_1009] : memref<1000000x64xf32, #tpu.memory_space<hbm>> -> memref<1000000x64xf32, #tpu.memory_space<hbm>>
        tpu.enqueue_indirect_dma source(%dma_start3A_1010 : memref<1000000x64xf32, #tpu.memory_space<hbm>>) target(%dma_start3A_1007 : memref<16x64xf32, #tpu.memory_space<vmem>>) offsets(%get3A_999 : vector<16xi32>) semaphore(%arg10 : memref<!tpu.dma_semaphore, #tpu.memory_space<semaphore_mem>>)
      } else {
      }
      %mul3A_673 = arith.constant 5 : i32
      %mul3A_674 = arith.muli %scan3A_630, %mul3A_673 : i32
      %add3A_675 = arith.constant 1 : i32
      %add3A_676 = arith.addi %mul3A_674, %add3A_675 : i32
      %mul3A_677 = arith.constant 128 : i32
      %mul3A_678 = arith.muli %add3A_676, %mul3A_677 : i32
      %dma_wait3A_679 = arith.constant 1 : i32
      %dma_wait3A_680 = arith.constant 0 : i32
      %dma_wait3A_681 = arith.constant 0 : i32
      %dma_wait3A_682 = tpu.memref_slice %arg7[%dma_wait3A_679, %dma_wait3A_680, %dma_wait3A_681] : memref<5x128x64xf32, #tpu.memory_space<vmem>> -> memref<1x128x64xf32, #tpu.memory_space<vmem>>
      %dma_wait3A_683 = tpu.memref_squeeze %dma_wait3A_682 : memref<1x128x64xf32, #tpu.memory_space<vmem>> -> memref<128x64xf32, #tpu.memory_space<vmem>>
      %dma_wait3A_684 = tpu.memref_slice %arg6[%mul3A_678] : memref<25600xi32, #tpu.memory_space<vmem>> -> memref<128xi32, #tpu.memory_space<vmem>>
      %dma_wait3A_685 = arith.constant 0 : i32
      %dma_wait3A_686 = arith.constant 0 : i32
      %dma_wait3A_687 = tpu.memref_slice %arg3[%dma_wait3A_685, %dma_wait3A_686] : memref<1000000x64xf32, #tpu.memory_space<hbm>> -> memref<1000000x64xf32, #tpu.memory_space<hbm>>
      tpu.wait_indirect_dma semaphore(%arg11 : memref<!tpu.dma_semaphore, #tpu.memory_space<semaphore_mem>>) src(%dma_wait3A_687 : memref<1000000x64xf32, #tpu.memory_space<hbm>>) dst(%dma_wait3A_683 : memref<128x64xf32, #tpu.memory_space<vmem>>)
      %gt3A_688 = arith.constant 0 : i32
      %gt3A_689 = arith.cmpi sgt, %scan3A_630, %gt3A_688 : i32
      %convert_element_type3A_690 = arith.extui %gt3A_689 : i1 to i32
      %cond3A_691 = arith.constant 0 : i32
      %cond3A_692 = arith.cmpi ne, %convert_element_type3A_690, %cond3A_691 : i32
      scf.if %cond3A_692 {
        %mul3A_865 = arith.constant 128 : i32
        %mul3A_866 = arith.muli %add3A_676, %mul3A_865 : i32
        %add3A_867 = arith.addi %mul3A_2, %mul3A_866 : i32
        %dma_wait3A_868 = arith.constant 1 : i32
        %dma_wait3A_869 = arith.constant 0 : i32
        %dma_wait3A_870 = arith.constant 0 : i32
        %dma_wait3A_871 = tpu.memref_slice %arg8[%dma_wait3A_868, %dma_wait3A_869, %dma_wait3A_870] : memref<5x128x64xf32, #tpu.memory_space<vmem>> -> memref<1x128x64xf32, #tpu.memory_space<vmem>>
        %dma_wait3A_872 = tpu.memref_squeeze %dma_wait3A_871 : memref<1x128x64xf32, #tpu.memory_space<vmem>> -> memref<128x64xf32, #tpu.memory_space<vmem>>
        %dma_wait3A_873 = arith.constant 0 : i32
        %dma_wait3A_874 = tpu.memref_slice %arg5[%add3A_867, %dma_wait3A_873] : memref<819200x64xf32, #tpu.memory_space<hbm>> -> memref<128x64xf32, #tpu.memory_space<hbm>>
        %dma_wait3A_875 = arith.constant 0 : i32
        %dma_wait3A_876 = tpu.memref_slice %arg5[%add3A_867, %dma_wait3A_875] : memref<819200x64xf32, #tpu.memory_space<hbm>> -> memref<128x64xf32, #tpu.memory_space<hbm>>
        %dma_wait3A_877 = arith.constant 0 : i32
        %dma_wait3A_878 = arith.constant 0 : i32
        %dma_wait3A_879 = tpu.memref_slice %arg8[%dma_wait3A_868, %dma_wait3A_877, %dma_wait3A_878] : memref<5x128x64xf32, #tpu.memory_space<vmem>> -> memref<1x128x64xf32, #tpu.memory_space<vmem>>
        %dma_wait3A_880 = tpu.memref_squeeze %dma_wait3A_879 : memref<1x128x64xf32, #tpu.memory_space<vmem>> -> memref<128x64xf32, #tpu.memory_space<vmem>>
        tpu.wait_dma2 semaphore(%arg16 : memref<!tpu.dma_semaphore, #tpu.memory_space<semaphore_mem>>) src(%dma_wait3A_880 : memref<128x64xf32, #tpu.memory_space<vmem>>) dst(%dma_wait3A_876 : memref<128x64xf32, #tpu.memory_space<hbm>>)
      } else {
      }
      %mul3A_693 = arith.constant 128 : i32
      %mul3A_694 = arith.muli %add3A_676, %mul3A_693 : i32
      %rem3A_695 = arith.constant 200 : i32
      %rem3A_696 = arith.remsi %mul3A_694, %rem3A_695 : i32
      %parallel_loop3A_697 = arith.constant 0 : i32
      %parallel_loop3A_698 = arith.constant 128 : i32
      %parallel_loop3A_699 = arith.constant 1 : i32
      scf.for %parallel_loop3A_865 = %parallel_loop3A_697 to %parallel_loop3A_698 step %parallel_loop3A_699  : i32 {
        %parallel_loop3A_866 = arith.constant 1 : i32
        %parallel_loop3A_867 = arith.index_cast %parallel_loop3A_866 : i32 to index
        %parallel_loop3A_868 = arith.index_cast %parallel_loop3A_865 : i32 to index
        %parallel_loop3A_869 = arith.constant 0 : index
        %parallel_loop3A_870 = tpu.vector_load %arg7[%parallel_loop3A_867, %parallel_loop3A_868, %parallel_loop3A_869] {strides = array<i32>} : memref<5x128x64xf32, #tpu.memory_space<vmem>>, vector<1x1x16xf32>,
        %parallel_loop3A_871 = vector.shape_cast %parallel_loop3A_870 : vector<1x1x16xf32> to vector<16xf32>
        %parallel_loop3A_872 = arith.addi %rem3A_696, %parallel_loop3A_865 : i32
        %parallel_loop3A_873 = arith.index_cast %parallel_loop3A_872 : i32 to index
        %parallel_loop3A_874 = arith.constant 0 : index
        %parallel_loop3A_875 = tpu.vector_load %arg9[%parallel_loop3A_873, %parallel_loop3A_874] {strides = array<i32>} : memref<320x64xf32, #tpu.memory_space<vmem>>, vector<1x16xf32>,
        %parallel_loop3A_876 = vector.shape_cast %parallel_loop3A_875 : vector<1x16xf32> to vector<16xf32>
        %parallel_loop3A_877 = arith.addf %parallel_loop3A_871, %parallel_loop3A_876 : vector<16xf32>
        %parallel_loop3A_878 = arith.constant 1 : i32
        %parallel_loop3A_879 = arith.index_cast %parallel_loop3A_878 : i32 to index
        %parallel_loop3A_880 = arith.index_cast %parallel_loop3A_865 : i32 to index
        %parallel_loop3A_881 = arith.constant 0 : index
        %parallel_loop3A_882 = tpu.vector_load %arg8[%parallel_loop3A_879, %parallel_loop3A_880, %parallel_loop3A_881] {strides = array<i32>} : memref<5x128x64xf32, #tpu.memory_space<vmem>>, vector<1x1x16xf32>,
        %parallel_loop3A_883 = vector.shape_cast %parallel_loop3A_882 : vector<1x1x16xf32> to vector<16xf32>
        %parallel_loop3A_884 = vector.shape_cast %parallel_loop3A_877 : vector<16xf32> to vector<1x1x16xf32>
        tpu.vector_store %arg8[%parallel_loop3A_879, %parallel_loop3A_880, %parallel_loop3A_881], %parallel_loop3A_884 {strides = array<i32>} : memref<5x128x64xf32, #tpu.memory_space<vmem>>, vector<1x1x16xf32>,
        %parallel_loop3A_885 = arith.constant 1 : i32
        %parallel_loop3A_886 = arith.index_cast %parallel_loop3A_885 : i32 to index
        %parallel_loop3A_887 = arith.index_cast %parallel_loop3A_865 : i32 to index
        %parallel_loop3A_888 = arith.constant 16 : index
        %parallel_loop3A_889 = tpu.vector_load %arg7[%parallel_loop3A_886, %parallel_loop3A_887, %parallel_loop3A_888] {strides = array<i32>} : memref<5x128x64xf32, #tpu.memory_space<vmem>>, vector<1x1x16xf32>,
        %parallel_loop3A_890 = vector.shape_cast %parallel_loop3A_889 : vector<1x1x16xf32> to vector<16xf32>
        %parallel_loop3A_891 = arith.addi %rem3A_696, %parallel_loop3A_865 : i32
        %parallel_loop3A_892 = arith.index_cast %parallel_loop3A_891 : i32 to index
        %parallel_loop3A_893 = arith.constant 16 : index
        %parallel_loop3A_894 = tpu.vector_load %arg9[%parallel_loop3A_892, %parallel_loop3A_893] {strides = array<i32>} : memref<320x64xf32, #tpu.memory_space<vmem>>, vector<1x16xf32>,
        %parallel_loop3A_895 = vector.shape_cast %parallel_loop3A_894 : vector<1x16xf32> to vector<16xf32>
        %parallel_loop3A_896 = arith.addf %parallel_loop3A_890, %parallel_loop3A_895 : vector<16xf32>
        %parallel_loop3A_897 = arith.constant 1 : i32
        %parallel_loop3A_898 = arith.index_cast %parallel_loop3A_897 : i32 to index
        %parallel_loop3A_899 = arith.index_cast %parallel_loop3A_865 : i32 to index
        %parallel_loop3A_900 = arith.constant 16 : index
        %parallel_loop3A_901 = tpu.vector_load %arg8[%parallel_loop3A_898, %parallel_loop3A_899, %parallel_loop3A_900] {strides = array<i32>} : memref<5x128x64xf32, #tpu.memory_space<vmem>>, vector<1x1x16xf32>,
        %parallel_loop3A_902 = vector.shape_cast %parallel_loop3A_901 : vector<1x1x16xf32> to vector<16xf32>
        %parallel_loop3A_903 = vector.shape_cast %parallel_loop3A_896 : vector<16xf32> to vector<1x1x16xf32>
        tpu.vector_store %arg8[%parallel_loop3A_898, %parallel_loop3A_899, %parallel_loop3A_900], %parallel_loop3A_903 {strides = array<i32>} : memref<5x128x64xf32, #tpu.memory_space<vmem>>, vector<1x1x16xf32>,
        %parallel_loop3A_904 = arith.constant 1 : i32
        %parallel_loop3A_905 = arith.index_cast %parallel_loop3A_904 : i32 to index
        %parallel_loop3A_906 = arith.index_cast %parallel_loop3A_865 : i32 to index
        %parallel_loop3A_907 = arith.constant 32 : index
        %parallel_loop3A_908 = tpu.vector_load %arg7[%parallel_loop3A_905, %parallel_loop3A_906, %parallel_loop3A_907] {strides = array<i32>} : memref<5x128x64xf32, #tpu.memory_space<vmem>>, vector<1x1x16xf32>,
        %parallel_loop3A_909 = vector.shape_cast %parallel_loop3A_908 : vector<1x1x16xf32> to vector<16xf32>
        %parallel_loop3A_910 = arith.addi %rem3A_696, %parallel_loop3A_865 : i32
        %parallel_loop3A_911 = arith.index_cast %parallel_loop3A_910 : i32 to index
        %parallel_loop3A_912 = arith.constant 32 : index
        %parallel_loop3A_913 = tpu.vector_load %arg9[%parallel_loop3A_911, %parallel_loop3A_912] {strides = array<i32>} : memref<320x64xf32, #tpu.memory_space<vmem>>, vector<1x16xf32>,
        %parallel_loop3A_914 = vector.shape_cast %parallel_loop3A_913 : vector<1x16xf32> to vector<16xf32>
        %parallel_loop3A_915 = arith.addf %parallel_loop3A_909, %parallel_loop3A_914 : vector<16xf32>
        %parallel_loop3A_916 = arith.constant 1 : i32
        %parallel_loop3A_917 = arith.index_cast %parallel_loop3A_916 : i32 to index
        %parallel_loop3A_918 = arith.index_cast %parallel_loop3A_865 : i32 to index
        %parallel_loop3A_919 = arith.constant 32 : index
        %parallel_loop3A_920 = tpu.vector_load %arg8[%parallel_loop3A_917, %parallel_loop3A_918, %parallel_loop3A_919] {strides = array<i32>} : memref<5x128x64xf32, #tpu.memory_space<vmem>>, vector<1x1x16xf32>,
        %parallel_loop3A_921 = vector.shape_cast %parallel_loop3A_920 : vector<1x1x16xf32> to vector<16xf32>
        %parallel_loop3A_922 = vector.shape_cast %parallel_loop3A_915 : vector<16xf32> to vector<1x1x16xf32>
        tpu.vector_store %arg8[%parallel_loop3A_917, %parallel_loop3A_918, %parallel_loop3A_919], %parallel_loop3A_922 {strides = array<i32>} : memref<5x128x64xf32, #tpu.memory_space<vmem>>, vector<1x1x16xf32>,
        %parallel_loop3A_923 = arith.constant 1 : i32
        %parallel_loop3A_924 = arith.index_cast %parallel_loop3A_923 : i32 to index
        %parallel_loop3A_925 = arith.index_cast %parallel_loop3A_865 : i32 to index
        %parallel_loop3A_926 = arith.constant 48 : index
        %parallel_loop3A_927 = tpu.vector_load %arg7[%parallel_loop3A_924, %parallel_loop3A_925, %parallel_loop3A_926] {strides = array<i32>} : memref<5x128x64xf32, #tpu.memory_space<vmem>>, vector<1x1x16xf32>,
        %parallel_loop3A_928 = vector.shape_cast %parallel_loop3A_927 : vector<1x1x16xf32> to vector<16xf32>
        %parallel_loop3A_929 = arith.addi %rem3A_696, %parallel_loop3A_865 : i32
        %parallel_loop3A_930 = arith.index_cast %parallel_loop3A_929 : i32 to index
        %parallel_loop3A_931 = arith.constant 48 : index
        %parallel_loop3A_932 = tpu.vector_load %arg9[%parallel_loop3A_930, %parallel_loop3A_931] {strides = array<i32>} : memref<320x64xf32, #tpu.memory_space<vmem>>, vector<1x16xf32>,
        %parallel_loop3A_933 = vector.shape_cast %parallel_loop3A_932 : vector<1x16xf32> to vector<16xf32>
        %parallel_loop3A_934 = arith.addf %parallel_loop3A_928, %parallel_loop3A_933 : vector<16xf32>
        %parallel_loop3A_935 = arith.constant 1 : i32
        %parallel_loop3A_936 = arith.index_cast %parallel_loop3A_935 : i32 to index
        %parallel_loop3A_937 = arith.index_cast %parallel_loop3A_865 : i32 to index
        %parallel_loop3A_938 = arith.constant 48 : index
        %parallel_loop3A_939 = tpu.vector_load %arg8[%parallel_loop3A_936, %parallel_loop3A_937, %parallel_loop3A_938] {strides = array<i32>} : memref<5x128x64xf32, #tpu.memory_space<vmem>>, vector<1x1x16xf32>,
        %parallel_loop3A_940 = vector.shape_cast %parallel_loop3A_939 : vector<1x1x16xf32> to vector<16xf32>
        %parallel_loop3A_941 = vector.shape_cast %parallel_loop3A_934 : vector<16xf32> to vector<1x1x16xf32>
        tpu.vector_store %arg8[%parallel_loop3A_936, %parallel_loop3A_937, %parallel_loop3A_938], %parallel_loop3A_941 {strides = array<i32>} : memref<5x128x64xf32, #tpu.memory_space<vmem>>, vector<1x1x16xf32>,
      } {sc.loop_unroll_factor = 4 : i64, sc.parallel_access}
      %mul3A_700 = arith.constant 128 : i32
      %mul3A_701 = arith.muli %add3A_676, %mul3A_700 : i32
      %add3A_702 = arith.addi %mul3A_2, %mul3A_701 : i32
      %dma_start3A_703 = arith.constant 1 : i32
      %dma_start3A_704 = arith.constant 0 : i32
      %dma_start3A_705 = arith.constant 0 : i32
      %dma_start3A_706 = tpu.memref_slice %arg8[%dma_start3A_703, %dma_start3A_704, %dma_start3A_705] : memref<5x128x64xf32, #tpu.memory_space<vmem>> -> memref<1x128x64xf32, #tpu.memory_space<vmem>>
      %dma_start3A_707 = tpu.memref_squeeze %dma_start3A_706 : memref<1x128x64xf32, #tpu.memory_space<vmem>> -> memref<128x64xf32, #tpu.memory_space<vmem>>
      %dma_start3A_708 = arith.constant 0 : i32
      %dma_start3A_709 = tpu.memref_slice %arg5[%add3A_702, %dma_start3A_708] : memref<819200x64xf32, #tpu.memory_space<hbm>> -> memref<128x64xf32, #tpu.memory_space<hbm>>
      %dma_start3A_710 = arith.constant 0 : i32
      %dma_start3A_711 = tpu.memref_slice %arg5[%add3A_702, %dma_start3A_710] : memref<819200x64xf32, #tpu.memory_space<hbm>> -> memref<128x64xf32, #tpu.memory_space<hbm>>
      %dma_start3A_712 = arith.constant 0 : i32
      %dma_start3A_713 = arith.constant 0 : i32
      %dma_start3A_714 = tpu.memref_slice %arg8[%dma_start3A_703, %dma_start3A_712, %dma_start3A_713] : memref<5x128x64xf32, #tpu.memory_space<vmem>> -> memref<1x128x64xf32, #tpu.memory_space<vmem>>
      %dma_start3A_715 = tpu.memref_squeeze %dma_start3A_714 : memref<1x128x64xf32, #tpu.memory_space<vmem>> -> memref<128x64xf32, #tpu.memory_space<vmem>>
      tpu.enqueue_dma source(%dma_start3A_715 : memref<128x64xf32, #tpu.memory_space<vmem>>) target(%dma_start3A_711 : memref<128x64xf32, #tpu.memory_space<hbm>>) target_semaphore(%arg16 : memref<!tpu.dma_semaphore, #tpu.memory_space<semaphore_mem>>)
      %lt3A_716 = arith.constant 39 : i32
      %lt3A_717 = arith.cmpi slt, %scan3A_630, %lt3A_716 : i32
      %convert_element_type3A_718 = arith.extui %lt3A_717 : i1 to i32
      %cond3A_719 = arith.constant 0 : i32
      %cond3A_720 = arith.cmpi ne, %convert_element_type3A_718, %cond3A_719 : i32
      scf.if %cond3A_720 {
        %add3A_865 = arith.constant 5 : i32
        %add3A_866 = arith.addi %add3A_676, %add3A_865 : i32
        %mul3A_867 = arith.constant 128 : i32
        %mul3A_868 = arith.muli %add3A_866, %mul3A_867 : i32
        %add3A_869 = arith.constant 0 : i32
        %add3A_870 = arith.addi %mul3A_868, %add3A_869 : i32
        %get3A_871 = arith.index_cast %add3A_870 : i32 to index
        %get3A_872 = tpu.vector_load %arg6[%get3A_871] {strides = array<i32>} : memref<25600xi32, #tpu.memory_space<vmem>>, vector<16xi32>,
        %get3A_873 = vector.shape_cast %get3A_872 : vector<16xi32> to vector<16xi32>
        %dma_start3A_874 = arith.constant 1 : i32
        %dma_start3A_875 = arith.constant 0 : i32
        %dma_start3A_876 = arith.constant 0 : i32
        %dma_start3A_877 = tpu.memref_slice %arg7[%dma_start3A_874, %dma_start3A_875, %dma_start3A_876] : memref<5x128x64xf32, #tpu.memory_space<vmem>> -> memref<1x128x64xf32, #tpu.memory_space<vmem>>
        %dma_start3A_878 = tpu.memref_squeeze %dma_start3A_877 : memref<1x128x64xf32, #tpu.memory_space<vmem>> -> memref<128x64xf32, #tpu.memory_space<vmem>>
        %dma_start3A_879 = arith.constant 0 : i32
        %dma_start3A_880 = arith.constant 0 : i32
        %dma_start3A_881 = tpu.memref_slice %dma_start3A_878[%dma_start3A_879, %dma_start3A_880] : memref<128x64xf32, #tpu.memory_space<vmem>> -> memref<16x64xf32, #tpu.memory_space<vmem>>
        %dma_start3A_882 = arith.constant 0 : i32
        %dma_start3A_883 = arith.constant 0 : i32
        %dma_start3A_884 = tpu.memref_slice %arg3[%dma_start3A_882, %dma_start3A_883] : memref<1000000x64xf32, #tpu.memory_space<hbm>> -> memref<1000000x64xf32, #tpu.memory_space<hbm>>
        tpu.enqueue_indirect_dma source(%dma_start3A_884 : memref<1000000x64xf32, #tpu.memory_space<hbm>>) target(%dma_start3A_881 : memref<16x64xf32, #tpu.memory_space<vmem>>) offsets(%get3A_873 : vector<16xi32>) semaphore(%arg11 : memref<!tpu.dma_semaphore, #tpu.memory_space<semaphore_mem>>)
        %mul3A_885 = arith.constant 128 : i32
        %mul3A_886 = arith.muli %add3A_866, %mul3A_885 : i32
        %add3A_887 = arith.constant 16 : i32
        %add3A_888 = arith.addi %mul3A_886, %add3A_887 : i32
        %get3A_889 = arith.index_cast %add3A_888 : i32 to index
        %get3A_890 = tpu.vector_load %arg6[%get3A_889] {strides = array<i32>} : memref<25600xi32, #tpu.memory_space<vmem>>, vector<16xi32>,
        %get3A_891 = vector.shape_cast %get3A_890 : vector<16xi32> to vector<16xi32>
        %dma_start3A_892 = arith.constant 1 : i32
        %dma_start3A_893 = arith.constant 0 : i32
        %dma_start3A_894 = arith.constant 0 : i32
        %dma_start3A_895 = tpu.memref_slice %arg7[%dma_start3A_892, %dma_start3A_893, %dma_start3A_894] : memref<5x128x64xf32, #tpu.memory_space<vmem>> -> memref<1x128x64xf32, #tpu.memory_space<vmem>>
        %dma_start3A_896 = tpu.memref_squeeze %dma_start3A_895 : memref<1x128x64xf32, #tpu.memory_space<vmem>> -> memref<128x64xf32, #tpu.memory_space<vmem>>
        %dma_start3A_897 = arith.constant 16 : i32
        %dma_start3A_898 = arith.constant 0 : i32
        %dma_start3A_899 = tpu.memref_slice %dma_start3A_896[%dma_start3A_897, %dma_start3A_898] : memref<128x64xf32, #tpu.memory_space<vmem>> -> memref<16x64xf32, #tpu.memory_space<vmem>>
        %dma_start3A_900 = arith.constant 0 : i32
        %dma_start3A_901 = arith.constant 0 : i32
        %dma_start3A_902 = tpu.memref_slice %arg3[%dma_start3A_900, %dma_start3A_901] : memref<1000000x64xf32, #tpu.memory_space<hbm>> -> memref<1000000x64xf32, #tpu.memory_space<hbm>>
        tpu.enqueue_indirect_dma source(%dma_start3A_902 : memref<1000000x64xf32, #tpu.memory_space<hbm>>) target(%dma_start3A_899 : memref<16x64xf32, #tpu.memory_space<vmem>>) offsets(%get3A_891 : vector<16xi32>) semaphore(%arg11 : memref<!tpu.dma_semaphore, #tpu.memory_space<semaphore_mem>>)
        %mul3A_903 = arith.constant 128 : i32
        %mul3A_904 = arith.muli %add3A_866, %mul3A_903 : i32
        %add3A_905 = arith.constant 32 : i32
        %add3A_906 = arith.addi %mul3A_904, %add3A_905 : i32
        %get3A_907 = arith.index_cast %add3A_906 : i32 to index
        %get3A_908 = tpu.vector_load %arg6[%get3A_907] {strides = array<i32>} : memref<25600xi32, #tpu.memory_space<vmem>>, vector<16xi32>,
        %get3A_909 = vector.shape_cast %get3A_908 : vector<16xi32> to vector<16xi32>
        %dma_start3A_910 = arith.constant 1 : i32
        %dma_start3A_911 = arith.constant 0 : i32
        %dma_start3A_912 = arith.constant 0 : i32
        %dma_start3A_913 = tpu.memref_slice %arg7[%dma_start3A_910, %dma_start3A_911, %dma_start3A_912] : memref<5x128x64xf32, #tpu.memory_space<vmem>> -> memref<1x128x64xf32, #tpu.memory_space<vmem>>
        %dma_start3A_914 = tpu.memref_squeeze %dma_start3A_913 : memref<1x128x64xf32, #tpu.memory_space<vmem>> -> memref<128x64xf32, #tpu.memory_space<vmem>>
        %dma_start3A_915 = arith.constant 32 : i32
        %dma_start3A_916 = arith.constant 0 : i32
        %dma_start3A_917 = tpu.memref_slice %dma_start3A_914[%dma_start3A_915, %dma_start3A_916] : memref<128x64xf32, #tpu.memory_space<vmem>> -> memref<16x64xf32, #tpu.memory_space<vmem>>
        %dma_start3A_918 = arith.constant 0 : i32
        %dma_start3A_919 = arith.constant 0 : i32
        %dma_start3A_920 = tpu.memref_slice %arg3[%dma_start3A_918, %dma_start3A_919] : memref<1000000x64xf32, #tpu.memory_space<hbm>> -> memref<1000000x64xf32, #tpu.memory_space<hbm>>
        tpu.enqueue_indirect_dma source(%dma_start3A_920 : memref<1000000x64xf32, #tpu.memory_space<hbm>>) target(%dma_start3A_917 : memref<16x64xf32, #tpu.memory_space<vmem>>) offsets(%get3A_909 : vector<16xi32>) semaphore(%arg11 : memref<!tpu.dma_semaphore, #tpu.memory_space<semaphore_mem>>)
        %mul3A_921 = arith.constant 128 : i32
        %mul3A_922 = arith.muli %add3A_866, %mul3A_921 : i32
        %add3A_923 = arith.constant 48 : i32
        %add3A_924 = arith.addi %mul3A_922, %add3A_923 : i32
        %get3A_925 = arith.index_cast %add3A_924 : i32 to index
        %get3A_926 = tpu.vector_load %arg6[%get3A_925] {strides = array<i32>} : memref<25600xi32, #tpu.memory_space<vmem>>, vector<16xi32>,
        %get3A_927 = vector.shape_cast %get3A_926 : vector<16xi32> to vector<16xi32>
        %dma_start3A_928 = arith.constant 1 : i32
        %dma_start3A_929 = arith.constant 0 : i32
        %dma_start3A_930 = arith.constant 0 : i32
        %dma_start3A_931 = tpu.memref_slice %arg7[%dma_start3A_928, %dma_start3A_929, %dma_start3A_930] : memref<5x128x64xf32, #tpu.memory_space<vmem>> -> memref<1x128x64xf32, #tpu.memory_space<vmem>>
        %dma_start3A_932 = tpu.memref_squeeze %dma_start3A_931 : memref<1x128x64xf32, #tpu.memory_space<vmem>> -> memref<128x64xf32, #tpu.memory_space<vmem>>
        %dma_start3A_933 = arith.constant 48 : i32
        %dma_start3A_934 = arith.constant 0 : i32
        %dma_start3A_935 = tpu.memref_slice %dma_start3A_932[%dma_start3A_933, %dma_start3A_934] : memref<128x64xf32, #tpu.memory_space<vmem>> -> memref<16x64xf32, #tpu.memory_space<vmem>>
        %dma_start3A_936 = arith.constant 0 : i32
        %dma_start3A_937 = arith.constant 0 : i32
        %dma_start3A_938 = tpu.memref_slice %arg3[%dma_start3A_936, %dma_start3A_937] : memref<1000000x64xf32, #tpu.memory_space<hbm>> -> memref<1000000x64xf32, #tpu.memory_space<hbm>>
        tpu.enqueue_indirect_dma source(%dma_start3A_938 : memref<1000000x64xf32, #tpu.memory_space<hbm>>) target(%dma_start3A_935 : memref<16x64xf32, #tpu.memory_space<vmem>>) offsets(%get3A_927 : vector<16xi32>) semaphore(%arg11 : memref<!tpu.dma_semaphore, #tpu.memory_space<semaphore_mem>>)
        %mul3A_939 = arith.constant 128 : i32
        %mul3A_940 = arith.muli %add3A_866, %mul3A_939 : i32
        %add3A_941 = arith.constant 64 : i32
        %add3A_942 = arith.addi %mul3A_940, %add3A_941 : i32
        %get3A_943 = arith.index_cast %add3A_942 : i32 to index
        %get3A_944 = tpu.vector_load %arg6[%get3A_943] {strides = array<i32>} : memref<25600xi32, #tpu.memory_space<vmem>>, vector<16xi32>,
        %get3A_945 = vector.shape_cast %get3A_944 : vector<16xi32> to vector<16xi32>
        %dma_start3A_946 = arith.constant 1 : i32
        %dma_start3A_947 = arith.constant 0 : i32
        %dma_start3A_948 = arith.constant 0 : i32
        %dma_start3A_949 = tpu.memref_slice %arg7[%dma_start3A_946, %dma_start3A_947, %dma_start3A_948] : memref<5x128x64xf32, #tpu.memory_space<vmem>> -> memref<1x128x64xf32, #tpu.memory_space<vmem>>
        %dma_start3A_950 = tpu.memref_squeeze %dma_start3A_949 : memref<1x128x64xf32, #tpu.memory_space<vmem>> -> memref<128x64xf32, #tpu.memory_space<vmem>>
        %dma_start3A_951 = arith.constant 64 : i32
        %dma_start3A_952 = arith.constant 0 : i32
        %dma_start3A_953 = tpu.memref_slice %dma_start3A_950[%dma_start3A_951, %dma_start3A_952] : memref<128x64xf32, #tpu.memory_space<vmem>> -> memref<16x64xf32, #tpu.memory_space<vmem>>
        %dma_start3A_954 = arith.constant 0 : i32
        %dma_start3A_955 = arith.constant 0 : i32
        %dma_start3A_956 = tpu.memref_slice %arg3[%dma_start3A_954, %dma_start3A_955] : memref<1000000x64xf32, #tpu.memory_space<hbm>> -> memref<1000000x64xf32, #tpu.memory_space<hbm>>
        tpu.enqueue_indirect_dma source(%dma_start3A_956 : memref<1000000x64xf32, #tpu.memory_space<hbm>>) target(%dma_start3A_953 : memref<16x64xf32, #tpu.memory_space<vmem>>) offsets(%get3A_945 : vector<16xi32>) semaphore(%arg11 : memref<!tpu.dma_semaphore, #tpu.memory_space<semaphore_mem>>)
        %mul3A_957 = arith.constant 128 : i32
        %mul3A_958 = arith.muli %add3A_866, %mul3A_957 : i32
        %add3A_959 = arith.constant 80 : i32
        %add3A_960 = arith.addi %mul3A_958, %add3A_959 : i32
        %get3A_961 = arith.index_cast %add3A_960 : i32 to index
        %get3A_962 = tpu.vector_load %arg6[%get3A_961] {strides = array<i32>} : memref<25600xi32, #tpu.memory_space<vmem>>, vector<16xi32>,
        %get3A_963 = vector.shape_cast %get3A_962 : vector<16xi32> to vector<16xi32>
        %dma_start3A_964 = arith.constant 1 : i32
        %dma_start3A_965 = arith.constant 0 : i32
        %dma_start3A_966 = arith.constant 0 : i32
        %dma_start3A_967 = tpu.memref_slice %arg7[%dma_start3A_964, %dma_start3A_965, %dma_start3A_966] : memref<5x128x64xf32, #tpu.memory_space<vmem>> -> memref<1x128x64xf32, #tpu.memory_space<vmem>>
        %dma_start3A_968 = tpu.memref_squeeze %dma_start3A_967 : memref<1x128x64xf32, #tpu.memory_space<vmem>> -> memref<128x64xf32, #tpu.memory_space<vmem>>
        %dma_start3A_969 = arith.constant 80 : i32
        %dma_start3A_970 = arith.constant 0 : i32
        %dma_start3A_971 = tpu.memref_slice %dma_start3A_968[%dma_start3A_969, %dma_start3A_970] : memref<128x64xf32, #tpu.memory_space<vmem>> -> memref<16x64xf32, #tpu.memory_space<vmem>>
        %dma_start3A_972 = arith.constant 0 : i32
        %dma_start3A_973 = arith.constant 0 : i32
        %dma_start3A_974 = tpu.memref_slice %arg3[%dma_start3A_972, %dma_start3A_973] : memref<1000000x64xf32, #tpu.memory_space<hbm>> -> memref<1000000x64xf32, #tpu.memory_space<hbm>>
        tpu.enqueue_indirect_dma source(%dma_start3A_974 : memref<1000000x64xf32, #tpu.memory_space<hbm>>) target(%dma_start3A_971 : memref<16x64xf32, #tpu.memory_space<vmem>>) offsets(%get3A_963 : vector<16xi32>) semaphore(%arg11 : memref<!tpu.dma_semaphore, #tpu.memory_space<semaphore_mem>>)
        %mul3A_975 = arith.constant 128 : i32
        %mul3A_976 = arith.muli %add3A_866, %mul3A_975 : i32
        %add3A_977 = arith.constant 96 : i32
        %add3A_978 = arith.addi %mul3A_976, %add3A_977 : i32
        %get3A_979 = arith.index_cast %add3A_978 : i32 to index
        %get3A_980 = tpu.vector_load %arg6[%get3A_979] {strides = array<i32>} : memref<25600xi32, #tpu.memory_space<vmem>>, vector<16xi32>,
        %get3A_981 = vector.shape_cast %get3A_980 : vector<16xi32> to vector<16xi32>
        %dma_start3A_982 = arith.constant 1 : i32
        %dma_start3A_983 = arith.constant 0 : i32
        %dma_start3A_984 = arith.constant 0 : i32
        %dma_start3A_985 = tpu.memref_slice %arg7[%dma_start3A_982, %dma_start3A_983, %dma_start3A_984] : memref<5x128x64xf32, #tpu.memory_space<vmem>> -> memref<1x128x64xf32, #tpu.memory_space<vmem>>
        %dma_start3A_986 = tpu.memref_squeeze %dma_start3A_985 : memref<1x128x64xf32, #tpu.memory_space<vmem>> -> memref<128x64xf32, #tpu.memory_space<vmem>>
        %dma_start3A_987 = arith.constant 96 : i32
        %dma_start3A_988 = arith.constant 0 : i32
        %dma_start3A_989 = tpu.memref_slice %dma_start3A_986[%dma_start3A_987, %dma_start3A_988] : memref<128x64xf32, #tpu.memory_space<vmem>> -> memref<16x64xf32, #tpu.memory_space<vmem>>
        %dma_start3A_990 = arith.constant 0 : i32
        %dma_start3A_991 = arith.constant 0 : i32
        %dma_start3A_992 = tpu.memref_slice %arg3[%dma_start3A_990, %dma_start3A_991] : memref<1000000x64xf32, #tpu.memory_space<hbm>> -> memref<1000000x64xf32, #tpu.memory_space<hbm>>
        tpu.enqueue_indirect_dma source(%dma_start3A_992 : memref<1000000x64xf32, #tpu.memory_space<hbm>>) target(%dma_start3A_989 : memref<16x64xf32, #tpu.memory_space<vmem>>) offsets(%get3A_981 : vector<16xi32>) semaphore(%arg11 : memref<!tpu.dma_semaphore, #tpu.memory_space<semaphore_mem>>)
        %mul3A_993 = arith.constant 128 : i32
        %mul3A_994 = arith.muli %add3A_866, %mul3A_993 : i32
        %add3A_995 = arith.constant 112 : i32
        %add3A_996 = arith.addi %mul3A_994, %add3A_995 : i32
        %get3A_997 = arith.index_cast %add3A_996 : i32 to index
        %get3A_998 = tpu.vector_load %arg6[%get3A_997] {strides = array<i32>} : memref<25600xi32, #tpu.memory_space<vmem>>, vector<16xi32>,
        %get3A_999 = vector.shape_cast %get3A_998 : vector<16xi32> to vector<16xi32>
        %dma_start3A_1000 = arith.constant 1 : i32
        %dma_start3A_1001 = arith.constant 0 : i32
        %dma_start3A_1002 = arith.constant 0 : i32
        %dma_start3A_1003 = tpu.memref_slice %arg7[%dma_start3A_1000, %dma_start3A_1001, %dma_start3A_1002] : memref<5x128x64xf32, #tpu.memory_space<vmem>> -> memref<1x128x64xf32, #tpu.memory_space<vmem>>
        %dma_start3A_1004 = tpu.memref_squeeze %dma_start3A_1003 : memref<1x128x64xf32, #tpu.memory_space<vmem>> -> memref<128x64xf32, #tpu.memory_space<vmem>>
        %dma_start3A_1005 = arith.constant 112 : i32
        %dma_start3A_1006 = arith.constant 0 : i32
        %dma_start3A_1007 = tpu.memref_slice %dma_start3A_1004[%dma_start3A_1005, %dma_start3A_1006] : memref<128x64xf32, #tpu.memory_space<vmem>> -> memref<16x64xf32, #tpu.memory_space<vmem>>
        %dma_start3A_1008 = arith.constant 0 : i32
        %dma_start3A_1009 = arith.constant 0 : i32
        %dma_start3A_1010 = tpu.memref_slice %arg3[%dma_start3A_1008, %dma_start3A_1009] : memref<1000000x64xf32, #tpu.memory_space<hbm>> -> memref<1000000x64xf32, #tpu.memory_space<hbm>>
        tpu.enqueue_indirect_dma source(%dma_start3A_1010 : memref<1000000x64xf32, #tpu.memory_space<hbm>>) target(%dma_start3A_1007 : memref<16x64xf32, #tpu.memory_space<vmem>>) offsets(%get3A_999 : vector<16xi32>) semaphore(%arg11 : memref<!tpu.dma_semaphore, #tpu.memory_space<semaphore_mem>>)
      } else {
      }
      %mul3A_721 = arith.constant 5 : i32
      %mul3A_722 = arith.muli %scan3A_630, %mul3A_721 : i32
      %add3A_723 = arith.constant 2 : i32
      %add3A_724 = arith.addi %mul3A_722, %add3A_723 : i32
      %mul3A_725 = arith.constant 128 : i32
      %mul3A_726 = arith.muli %add3A_724, %mul3A_725 : i32
      %dma_wait3A_727 = arith.constant 2 : i32
      %dma_wait3A_728 = arith.constant 0 : i32
      %dma_wait3A_729 = arith.constant 0 : i32
      %dma_wait3A_730 = tpu.memref_slice %arg7[%dma_wait3A_727, %dma_wait3A_728, %dma_wait3A_729] : memref<5x128x64xf32, #tpu.memory_space<vmem>> -> memref<1x128x64xf32, #tpu.memory_space<vmem>>
      %dma_wait3A_731 = tpu.memref_squeeze %dma_wait3A_730 : memref<1x128x64xf32, #tpu.memory_space<vmem>> -> memref<128x64xf32, #tpu.memory_space<vmem>>
      %dma_wait3A_732 = tpu.memref_slice %arg6[%mul3A_726] : memref<25600xi32, #tpu.memory_space<vmem>> -> memref<128xi32, #tpu.memory_space<vmem>>
      %dma_wait3A_733 = arith.constant 0 : i32
      %dma_wait3A_734 = arith.constant 0 : i32
      %dma_wait3A_735 = tpu.memref_slice %arg3[%dma_wait3A_733, %dma_wait3A_734] : memref<1000000x64xf32, #tpu.memory_space<hbm>> -> memref<1000000x64xf32, #tpu.memory_space<hbm>>
      tpu.wait_indirect_dma semaphore(%arg12 : memref<!tpu.dma_semaphore, #tpu.memory_space<semaphore_mem>>) src(%dma_wait3A_735 : memref<1000000x64xf32, #tpu.memory_space<hbm>>) dst(%dma_wait3A_731 : memref<128x64xf32, #tpu.memory_space<vmem>>)
      %gt3A_736 = arith.constant 0 : i32
      %gt3A_737 = arith.cmpi sgt, %scan3A_630, %gt3A_736 : i32
      %convert_element_type3A_738 = arith.extui %gt3A_737 : i1 to i32
      %cond3A_739 = arith.constant 0 : i32
      %cond3A_740 = arith.cmpi ne, %convert_element_type3A_738, %cond3A_739 : i32
      scf.if %cond3A_740 {
        %mul3A_865 = arith.constant 128 : i32
        %mul3A_866 = arith.muli %add3A_724, %mul3A_865 : i32
        %add3A_867 = arith.addi %mul3A_2, %mul3A_866 : i32
        %dma_wait3A_868 = arith.constant 2 : i32
        %dma_wait3A_869 = arith.constant 0 : i32
        %dma_wait3A_870 = arith.constant 0 : i32
        %dma_wait3A_871 = tpu.memref_slice %arg8[%dma_wait3A_868, %dma_wait3A_869, %dma_wait3A_870] : memref<5x128x64xf32, #tpu.memory_space<vmem>> -> memref<1x128x64xf32, #tpu.memory_space<vmem>>
        %dma_wait3A_872 = tpu.memref_squeeze %dma_wait3A_871 : memref<1x128x64xf32, #tpu.memory_space<vmem>> -> memref<128x64xf32, #tpu.memory_space<vmem>>
        %dma_wait3A_873 = arith.constant 0 : i32
        %dma_wait3A_874 = tpu.memref_slice %arg5[%add3A_867, %dma_wait3A_873] : memref<819200x64xf32, #tpu.memory_space<hbm>> -> memref<128x64xf32, #tpu.memory_space<hbm>>
        %dma_wait3A_875 = arith.constant 0 : i32
        %dma_wait3A_876 = tpu.memref_slice %arg5[%add3A_867, %dma_wait3A_875] : memref<819200x64xf32, #tpu.memory_space<hbm>> -> memref<128x64xf32, #tpu.memory_space<hbm>>
        %dma_wait3A_877 = arith.constant 0 : i32
        %dma_wait3A_878 = arith.constant 0 : i32
        %dma_wait3A_879 = tpu.memref_slice %arg8[%dma_wait3A_868, %dma_wait3A_877, %dma_wait3A_878] : memref<5x128x64xf32, #tpu.memory_space<vmem>> -> memref<1x128x64xf32, #tpu.memory_space<vmem>>
        %dma_wait3A_880 = tpu.memref_squeeze %dma_wait3A_879 : memref<1x128x64xf32, #tpu.memory_space<vmem>> -> memref<128x64xf32, #tpu.memory_space<vmem>>
        tpu.wait_dma2 semaphore(%arg17 : memref<!tpu.dma_semaphore, #tpu.memory_space<semaphore_mem>>) src(%dma_wait3A_880 : memref<128x64xf32, #tpu.memory_space<vmem>>) dst(%dma_wait3A_876 : memref<128x64xf32, #tpu.memory_space<hbm>>)
      } else {
      }
      %mul3A_741 = arith.constant 128 : i32
      %mul3A_742 = arith.muli %add3A_724, %mul3A_741 : i32
      %rem3A_743 = arith.constant 200 : i32
      %rem3A_744 = arith.remsi %mul3A_742, %rem3A_743 : i32
      %parallel_loop3A_745 = arith.constant 0 : i32
      %parallel_loop3A_746 = arith.constant 128 : i32
      %parallel_loop3A_747 = arith.constant 1 : i32
      scf.for %parallel_loop3A_865 = %parallel_loop3A_745 to %parallel_loop3A_746 step %parallel_loop3A_747  : i32 {
        %parallel_loop3A_866 = arith.constant 2 : i32
        %parallel_loop3A_867 = arith.index_cast %parallel_loop3A_866 : i32 to index
        %parallel_loop3A_868 = arith.index_cast %parallel_loop3A_865 : i32 to index
        %parallel_loop3A_869 = arith.constant 0 : index
        %parallel_loop3A_870 = tpu.vector_load %arg7[%parallel_loop3A_867, %parallel_loop3A_868, %parallel_loop3A_869] {strides = array<i32>} : memref<5x128x64xf32, #tpu.memory_space<vmem>>, vector<1x1x16xf32>,
        %parallel_loop3A_871 = vector.shape_cast %parallel_loop3A_870 : vector<1x1x16xf32> to vector<16xf32>
        %parallel_loop3A_872 = arith.addi %rem3A_744, %parallel_loop3A_865 : i32
        %parallel_loop3A_873 = arith.index_cast %parallel_loop3A_872 : i32 to index
        %parallel_loop3A_874 = arith.constant 0 : index
        %parallel_loop3A_875 = tpu.vector_load %arg9[%parallel_loop3A_873, %parallel_loop3A_874] {strides = array<i32>} : memref<320x64xf32, #tpu.memory_space<vmem>>, vector<1x16xf32>,
        %parallel_loop3A_876 = vector.shape_cast %parallel_loop3A_875 : vector<1x16xf32> to vector<16xf32>
        %parallel_loop3A_877 = arith.addf %parallel_loop3A_871, %parallel_loop3A_876 : vector<16xf32>
        %parallel_loop3A_878 = arith.constant 2 : i32
        %parallel_loop3A_879 = arith.index_cast %parallel_loop3A_878 : i32 to index
        %parallel_loop3A_880 = arith.index_cast %parallel_loop3A_865 : i32 to index
        %parallel_loop3A_881 = arith.constant 0 : index
        %parallel_loop3A_882 = tpu.vector_load %arg8[%parallel_loop3A_879, %parallel_loop3A_880, %parallel_loop3A_881] {strides = array<i32>} : memref<5x128x64xf32, #tpu.memory_space<vmem>>, vector<1x1x16xf32>,
        %parallel_loop3A_883 = vector.shape_cast %parallel_loop3A_882 : vector<1x1x16xf32> to vector<16xf32>
        %parallel_loop3A_884 = vector.shape_cast %parallel_loop3A_877 : vector<16xf32> to vector<1x1x16xf32>
        tpu.vector_store %arg8[%parallel_loop3A_879, %parallel_loop3A_880, %parallel_loop3A_881], %parallel_loop3A_884 {strides = array<i32>} : memref<5x128x64xf32, #tpu.memory_space<vmem>>, vector<1x1x16xf32>,
        %parallel_loop3A_885 = arith.constant 2 : i32
        %parallel_loop3A_886 = arith.index_cast %parallel_loop3A_885 : i32 to index
        %parallel_loop3A_887 = arith.index_cast %parallel_loop3A_865 : i32 to index
        %parallel_loop3A_888 = arith.constant 16 : index
        %parallel_loop3A_889 = tpu.vector_load %arg7[%parallel_loop3A_886, %parallel_loop3A_887, %parallel_loop3A_888] {strides = array<i32>} : memref<5x128x64xf32, #tpu.memory_space<vmem>>, vector<1x1x16xf32>,
        %parallel_loop3A_890 = vector.shape_cast %parallel_loop3A_889 : vector<1x1x16xf32> to vector<16xf32>
        %parallel_loop3A_891 = arith.addi %rem3A_744, %parallel_loop3A_865 : i32
        %parallel_loop3A_892 = arith.index_cast %parallel_loop3A_891 : i32 to index
        %parallel_loop3A_893 = arith.constant 16 : index
        %parallel_loop3A_894 = tpu.vector_load %arg9[%parallel_loop3A_892, %parallel_loop3A_893] {strides = array<i32>} : memref<320x64xf32, #tpu.memory_space<vmem>>, vector<1x16xf32>,
        %parallel_loop3A_895 = vector.shape_cast %parallel_loop3A_894 : vector<1x16xf32> to vector<16xf32>
        %parallel_loop3A_896 = arith.addf %parallel_loop3A_890, %parallel_loop3A_895 : vector<16xf32>
        %parallel_loop3A_897 = arith.constant 2 : i32
        %parallel_loop3A_898 = arith.index_cast %parallel_loop3A_897 : i32 to index
        %parallel_loop3A_899 = arith.index_cast %parallel_loop3A_865 : i32 to index
        %parallel_loop3A_900 = arith.constant 16 : index
        %parallel_loop3A_901 = tpu.vector_load %arg8[%parallel_loop3A_898, %parallel_loop3A_899, %parallel_loop3A_900] {strides = array<i32>} : memref<5x128x64xf32, #tpu.memory_space<vmem>>, vector<1x1x16xf32>,
        %parallel_loop3A_902 = vector.shape_cast %parallel_loop3A_901 : vector<1x1x16xf32> to vector<16xf32>
        %parallel_loop3A_903 = vector.shape_cast %parallel_loop3A_896 : vector<16xf32> to vector<1x1x16xf32>
        tpu.vector_store %arg8[%parallel_loop3A_898, %parallel_loop3A_899, %parallel_loop3A_900], %parallel_loop3A_903 {strides = array<i32>} : memref<5x128x64xf32, #tpu.memory_space<vmem>>, vector<1x1x16xf32>,
        %parallel_loop3A_904 = arith.constant 2 : i32
        %parallel_loop3A_905 = arith.index_cast %parallel_loop3A_904 : i32 to index
        %parallel_loop3A_906 = arith.index_cast %parallel_loop3A_865 : i32 to index
        %parallel_loop3A_907 = arith.constant 32 : index
        %parallel_loop3A_908 = tpu.vector_load %arg7[%parallel_loop3A_905, %parallel_loop3A_906, %parallel_loop3A_907] {strides = array<i32>} : memref<5x128x64xf32, #tpu.memory_space<vmem>>, vector<1x1x16xf32>,
        %parallel_loop3A_909 = vector.shape_cast %parallel_loop3A_908 : vector<1x1x16xf32> to vector<16xf32>
        %parallel_loop3A_910 = arith.addi %rem3A_744, %parallel_loop3A_865 : i32
        %parallel_loop3A_911 = arith.index_cast %parallel_loop3A_910 : i32 to index
        %parallel_loop3A_912 = arith.constant 32 : index
        %parallel_loop3A_913 = tpu.vector_load %arg9[%parallel_loop3A_911, %parallel_loop3A_912] {strides = array<i32>} : memref<320x64xf32, #tpu.memory_space<vmem>>, vector<1x16xf32>,
        %parallel_loop3A_914 = vector.shape_cast %parallel_loop3A_913 : vector<1x16xf32> to vector<16xf32>
        %parallel_loop3A_915 = arith.addf %parallel_loop3A_909, %parallel_loop3A_914 : vector<16xf32>
        %parallel_loop3A_916 = arith.constant 2 : i32
        %parallel_loop3A_917 = arith.index_cast %parallel_loop3A_916 : i32 to index
        %parallel_loop3A_918 = arith.index_cast %parallel_loop3A_865 : i32 to index
        %parallel_loop3A_919 = arith.constant 32 : index
        %parallel_loop3A_920 = tpu.vector_load %arg8[%parallel_loop3A_917, %parallel_loop3A_918, %parallel_loop3A_919] {strides = array<i32>} : memref<5x128x64xf32, #tpu.memory_space<vmem>>, vector<1x1x16xf32>,
        %parallel_loop3A_921 = vector.shape_cast %parallel_loop3A_920 : vector<1x1x16xf32> to vector<16xf32>
        %parallel_loop3A_922 = vector.shape_cast %parallel_loop3A_915 : vector<16xf32> to vector<1x1x16xf32>
        tpu.vector_store %arg8[%parallel_loop3A_917, %parallel_loop3A_918, %parallel_loop3A_919], %parallel_loop3A_922 {strides = array<i32>} : memref<5x128x64xf32, #tpu.memory_space<vmem>>, vector<1x1x16xf32>,
        %parallel_loop3A_923 = arith.constant 2 : i32
        %parallel_loop3A_924 = arith.index_cast %parallel_loop3A_923 : i32 to index
        %parallel_loop3A_925 = arith.index_cast %parallel_loop3A_865 : i32 to index
        %parallel_loop3A_926 = arith.constant 48 : index
        %parallel_loop3A_927 = tpu.vector_load %arg7[%parallel_loop3A_924, %parallel_loop3A_925, %parallel_loop3A_926] {strides = array<i32>} : memref<5x128x64xf32, #tpu.memory_space<vmem>>, vector<1x1x16xf32>,
        %parallel_loop3A_928 = vector.shape_cast %parallel_loop3A_927 : vector<1x1x16xf32> to vector<16xf32>
        %parallel_loop3A_929 = arith.addi %rem3A_744, %parallel_loop3A_865 : i32
        %parallel_loop3A_930 = arith.index_cast %parallel_loop3A_929 : i32 to index
        %parallel_loop3A_931 = arith.constant 48 : index
        %parallel_loop3A_932 = tpu.vector_load %arg9[%parallel_loop3A_930, %parallel_loop3A_931] {strides = array<i32>} : memref<320x64xf32, #tpu.memory_space<vmem>>, vector<1x16xf32>,
        %parallel_loop3A_933 = vector.shape_cast %parallel_loop3A_932 : vector<1x16xf32> to vector<16xf32>
        %parallel_loop3A_934 = arith.addf %parallel_loop3A_928, %parallel_loop3A_933 : vector<16xf32>
        %parallel_loop3A_935 = arith.constant 2 : i32
        %parallel_loop3A_936 = arith.index_cast %parallel_loop3A_935 : i32 to index
        %parallel_loop3A_937 = arith.index_cast %parallel_loop3A_865 : i32 to index
        %parallel_loop3A_938 = arith.constant 48 : index
        %parallel_loop3A_939 = tpu.vector_load %arg8[%parallel_loop3A_936, %parallel_loop3A_937, %parallel_loop3A_938] {strides = array<i32>} : memref<5x128x64xf32, #tpu.memory_space<vmem>>, vector<1x1x16xf32>,
        %parallel_loop3A_940 = vector.shape_cast %parallel_loop3A_939 : vector<1x1x16xf32> to vector<16xf32>
        %parallel_loop3A_941 = vector.shape_cast %parallel_loop3A_934 : vector<16xf32> to vector<1x1x16xf32>
        tpu.vector_store %arg8[%parallel_loop3A_936, %parallel_loop3A_937, %parallel_loop3A_938], %parallel_loop3A_941 {strides = array<i32>} : memref<5x128x64xf32, #tpu.memory_space<vmem>>, vector<1x1x16xf32>,
      } {sc.loop_unroll_factor = 4 : i64, sc.parallel_access}
      %mul3A_748 = arith.constant 128 : i32
      %mul3A_749 = arith.muli %add3A_724, %mul3A_748 : i32
      %add3A_750 = arith.addi %mul3A_2, %mul3A_749 : i32
      %dma_start3A_751 = arith.constant 2 : i32
      %dma_start3A_752 = arith.constant 0 : i32
      %dma_start3A_753 = arith.constant 0 : i32
      %dma_start3A_754 = tpu.memref_slice %arg8[%dma_start3A_751, %dma_start3A_752, %dma_start3A_753] : memref<5x128x64xf32, #tpu.memory_space<vmem>> -> memref<1x128x64xf32, #tpu.memory_space<vmem>>
      %dma_start3A_755 = tpu.memref_squeeze %dma_start3A_754 : memref<1x128x64xf32, #tpu.memory_space<vmem>> -> memref<128x64xf32, #tpu.memory_space<vmem>>
      %dma_start3A_756 = arith.constant 0 : i32
      %dma_start3A_757 = tpu.memref_slice %arg5[%add3A_750, %dma_start3A_756] : memref<819200x64xf32, #tpu.memory_space<hbm>> -> memref<128x64xf32, #tpu.memory_space<hbm>>
      %dma_start3A_758 = arith.constant 0 : i32
      %dma_start3A_759 = tpu.memref_slice %arg5[%add3A_750, %dma_start3A_758] : memref<819200x64xf32, #tpu.memory_space<hbm>> -> memref<128x64xf32, #tpu.memory_space<hbm>>
      %dma_start3A_760 = arith.constant 0 : i32
      %dma_start3A_761 = arith.constant 0 : i32
      %dma_start3A_762 = tpu.memref_slice %arg8[%dma_start3A_751, %dma_start3A_760, %dma_start3A_761] : memref<5x128x64xf32, #tpu.memory_space<vmem>> -> memref<1x128x64xf32, #tpu.memory_space<vmem>>
      %dma_start3A_763 = tpu.memref_squeeze %dma_start3A_762 : memref<1x128x64xf32, #tpu.memory_space<vmem>> -> memref<128x64xf32, #tpu.memory_space<vmem>>
      tpu.enqueue_dma source(%dma_start3A_763 : memref<128x64xf32, #tpu.memory_space<vmem>>) target(%dma_start3A_759 : memref<128x64xf32, #tpu.memory_space<hbm>>) target_semaphore(%arg17 : memref<!tpu.dma_semaphore, #tpu.memory_space<semaphore_mem>>)
      %lt3A_764 = arith.constant 39 : i32
      %lt3A_765 = arith.cmpi slt, %scan3A_630, %lt3A_764 : i32
      %convert_element_type3A_766 = arith.extui %lt3A_765 : i1 to i32
      %cond3A_767 = arith.constant 0 : i32
      %cond3A_768 = arith.cmpi ne, %convert_element_type3A_766, %cond3A_767 : i32
      scf.if %cond3A_768 {
        %add3A_865 = arith.constant 5 : i32
        %add3A_866 = arith.addi %add3A_724, %add3A_865 : i32
        %mul3A_867 = arith.constant 128 : i32
        %mul3A_868 = arith.muli %add3A_866, %mul3A_867 : i32
        %add3A_869 = arith.constant 0 : i32
        %add3A_870 = arith.addi %mul3A_868, %add3A_869 : i32
        %get3A_871 = arith.index_cast %add3A_870 : i32 to index
        %get3A_872 = tpu.vector_load %arg6[%get3A_871] {strides = array<i32>} : memref<25600xi32, #tpu.memory_space<vmem>>, vector<16xi32>,
        %get3A_873 = vector.shape_cast %get3A_872 : vector<16xi32> to vector<16xi32>
        %dma_start3A_874 = arith.constant 2 : i32
        %dma_start3A_875 = arith.constant 0 : i32
        %dma_start3A_876 = arith.constant 0 : i32
        %dma_start3A_877 = tpu.memref_slice %arg7[%dma_start3A_874, %dma_start3A_875, %dma_start3A_876] : memref<5x128x64xf32, #tpu.memory_space<vmem>> -> memref<1x128x64xf32, #tpu.memory_space<vmem>>
        %dma_start3A_878 = tpu.memref_squeeze %dma_start3A_877 : memref<1x128x64xf32, #tpu.memory_space<vmem>> -> memref<128x64xf32, #tpu.memory_space<vmem>>
        %dma_start3A_879 = arith.constant 0 : i32
        %dma_start3A_880 = arith.constant 0 : i32
        %dma_start3A_881 = tpu.memref_slice %dma_start3A_878[%dma_start3A_879, %dma_start3A_880] : memref<128x64xf32, #tpu.memory_space<vmem>> -> memref<16x64xf32, #tpu.memory_space<vmem>>
        %dma_start3A_882 = arith.constant 0 : i32
        %dma_start3A_883 = arith.constant 0 : i32
        %dma_start3A_884 = tpu.memref_slice %arg3[%dma_start3A_882, %dma_start3A_883] : memref<1000000x64xf32, #tpu.memory_space<hbm>> -> memref<1000000x64xf32, #tpu.memory_space<hbm>>
        tpu.enqueue_indirect_dma source(%dma_start3A_884 : memref<1000000x64xf32, #tpu.memory_space<hbm>>) target(%dma_start3A_881 : memref<16x64xf32, #tpu.memory_space<vmem>>) offsets(%get3A_873 : vector<16xi32>) semaphore(%arg12 : memref<!tpu.dma_semaphore, #tpu.memory_space<semaphore_mem>>)
        %mul3A_885 = arith.constant 128 : i32
        %mul3A_886 = arith.muli %add3A_866, %mul3A_885 : i32
        %add3A_887 = arith.constant 16 : i32
        %add3A_888 = arith.addi %mul3A_886, %add3A_887 : i32
        %get3A_889 = arith.index_cast %add3A_888 : i32 to index
        %get3A_890 = tpu.vector_load %arg6[%get3A_889] {strides = array<i32>} : memref<25600xi32, #tpu.memory_space<vmem>>, vector<16xi32>,
        %get3A_891 = vector.shape_cast %get3A_890 : vector<16xi32> to vector<16xi32>
        %dma_start3A_892 = arith.constant 2 : i32
        %dma_start3A_893 = arith.constant 0 : i32
        %dma_start3A_894 = arith.constant 0 : i32
        %dma_start3A_895 = tpu.memref_slice %arg7[%dma_start3A_892, %dma_start3A_893, %dma_start3A_894] : memref<5x128x64xf32, #tpu.memory_space<vmem>> -> memref<1x128x64xf32, #tpu.memory_space<vmem>>
        %dma_start3A_896 = tpu.memref_squeeze %dma_start3A_895 : memref<1x128x64xf32, #tpu.memory_space<vmem>> -> memref<128x64xf32, #tpu.memory_space<vmem>>
        %dma_start3A_897 = arith.constant 16 : i32
        %dma_start3A_898 = arith.constant 0 : i32
        %dma_start3A_899 = tpu.memref_slice %dma_start3A_896[%dma_start3A_897, %dma_start3A_898] : memref<128x64xf32, #tpu.memory_space<vmem>> -> memref<16x64xf32, #tpu.memory_space<vmem>>
        %dma_start3A_900 = arith.constant 0 : i32
        %dma_start3A_901 = arith.constant 0 : i32
        %dma_start3A_902 = tpu.memref_slice %arg3[%dma_start3A_900, %dma_start3A_901] : memref<1000000x64xf32, #tpu.memory_space<hbm>> -> memref<1000000x64xf32, #tpu.memory_space<hbm>>
        tpu.enqueue_indirect_dma source(%dma_start3A_902 : memref<1000000x64xf32, #tpu.memory_space<hbm>>) target(%dma_start3A_899 : memref<16x64xf32, #tpu.memory_space<vmem>>) offsets(%get3A_891 : vector<16xi32>) semaphore(%arg12 : memref<!tpu.dma_semaphore, #tpu.memory_space<semaphore_mem>>)
        %mul3A_903 = arith.constant 128 : i32
        %mul3A_904 = arith.muli %add3A_866, %mul3A_903 : i32
        %add3A_905 = arith.constant 32 : i32
        %add3A_906 = arith.addi %mul3A_904, %add3A_905 : i32
        %get3A_907 = arith.index_cast %add3A_906 : i32 to index
        %get3A_908 = tpu.vector_load %arg6[%get3A_907] {strides = array<i32>} : memref<25600xi32, #tpu.memory_space<vmem>>, vector<16xi32>,
        %get3A_909 = vector.shape_cast %get3A_908 : vector<16xi32> to vector<16xi32>
        %dma_start3A_910 = arith.constant 2 : i32
        %dma_start3A_911 = arith.constant 0 : i32
        %dma_start3A_912 = arith.constant 0 : i32
        %dma_start3A_913 = tpu.memref_slice %arg7[%dma_start3A_910, %dma_start3A_911, %dma_start3A_912] : memref<5x128x64xf32, #tpu.memory_space<vmem>> -> memref<1x128x64xf32, #tpu.memory_space<vmem>>
        %dma_start3A_914 = tpu.memref_squeeze %dma_start3A_913 : memref<1x128x64xf32, #tpu.memory_space<vmem>> -> memref<128x64xf32, #tpu.memory_space<vmem>>
        %dma_start3A_915 = arith.constant 32 : i32
        %dma_start3A_916 = arith.constant 0 : i32
        %dma_start3A_917 = tpu.memref_slice %dma_start3A_914[%dma_start3A_915, %dma_start3A_916] : memref<128x64xf32, #tpu.memory_space<vmem>> -> memref<16x64xf32, #tpu.memory_space<vmem>>
        %dma_start3A_918 = arith.constant 0 : i32
        %dma_start3A_919 = arith.constant 0 : i32
        %dma_start3A_920 = tpu.memref_slice %arg3[%dma_start3A_918, %dma_start3A_919] : memref<1000000x64xf32, #tpu.memory_space<hbm>> -> memref<1000000x64xf32, #tpu.memory_space<hbm>>
        tpu.enqueue_indirect_dma source(%dma_start3A_920 : memref<1000000x64xf32, #tpu.memory_space<hbm>>) target(%dma_start3A_917 : memref<16x64xf32, #tpu.memory_space<vmem>>) offsets(%get3A_909 : vector<16xi32>) semaphore(%arg12 : memref<!tpu.dma_semaphore, #tpu.memory_space<semaphore_mem>>)
        %mul3A_921 = arith.constant 128 : i32
        %mul3A_922 = arith.muli %add3A_866, %mul3A_921 : i32
        %add3A_923 = arith.constant 48 : i32
        %add3A_924 = arith.addi %mul3A_922, %add3A_923 : i32
        %get3A_925 = arith.index_cast %add3A_924 : i32 to index
        %get3A_926 = tpu.vector_load %arg6[%get3A_925] {strides = array<i32>} : memref<25600xi32, #tpu.memory_space<vmem>>, vector<16xi32>,
        %get3A_927 = vector.shape_cast %get3A_926 : vector<16xi32> to vector<16xi32>
        %dma_start3A_928 = arith.constant 2 : i32
        %dma_start3A_929 = arith.constant 0 : i32
        %dma_start3A_930 = arith.constant 0 : i32
        %dma_start3A_931 = tpu.memref_slice %arg7[%dma_start3A_928, %dma_start3A_929, %dma_start3A_930] : memref<5x128x64xf32, #tpu.memory_space<vmem>> -> memref<1x128x64xf32, #tpu.memory_space<vmem>>
        %dma_start3A_932 = tpu.memref_squeeze %dma_start3A_931 : memref<1x128x64xf32, #tpu.memory_space<vmem>> -> memref<128x64xf32, #tpu.memory_space<vmem>>
        %dma_start3A_933 = arith.constant 48 : i32
        %dma_start3A_934 = arith.constant 0 : i32
        %dma_start3A_935 = tpu.memref_slice %dma_start3A_932[%dma_start3A_933, %dma_start3A_934] : memref<128x64xf32, #tpu.memory_space<vmem>> -> memref<16x64xf32, #tpu.memory_space<vmem>>
        %dma_start3A_936 = arith.constant 0 : i32
        %dma_start3A_937 = arith.constant 0 : i32
        %dma_start3A_938 = tpu.memref_slice %arg3[%dma_start3A_936, %dma_start3A_937] : memref<1000000x64xf32, #tpu.memory_space<hbm>> -> memref<1000000x64xf32, #tpu.memory_space<hbm>>
        tpu.enqueue_indirect_dma source(%dma_start3A_938 : memref<1000000x64xf32, #tpu.memory_space<hbm>>) target(%dma_start3A_935 : memref<16x64xf32, #tpu.memory_space<vmem>>) offsets(%get3A_927 : vector<16xi32>) semaphore(%arg12 : memref<!tpu.dma_semaphore, #tpu.memory_space<semaphore_mem>>)
        %mul3A_939 = arith.constant 128 : i32
        %mul3A_940 = arith.muli %add3A_866, %mul3A_939 : i32
        %add3A_941 = arith.constant 64 : i32
        %add3A_942 = arith.addi %mul3A_940, %add3A_941 : i32
        %get3A_943 = arith.index_cast %add3A_942 : i32 to index
        %get3A_944 = tpu.vector_load %arg6[%get3A_943] {strides = array<i32>} : memref<25600xi32, #tpu.memory_space<vmem>>, vector<16xi32>,
        %get3A_945 = vector.shape_cast %get3A_944 : vector<16xi32> to vector<16xi32>
        %dma_start3A_946 = arith.constant 2 : i32
        %dma_start3A_947 = arith.constant 0 : i32
        %dma_start3A_948 = arith.constant 0 : i32
        %dma_start3A_949 = tpu.memref_slice %arg7[%dma_start3A_946, %dma_start3A_947, %dma_start3A_948] : memref<5x128x64xf32, #tpu.memory_space<vmem>> -> memref<1x128x64xf32, #tpu.memory_space<vmem>>
        %dma_start3A_950 = tpu.memref_squeeze %dma_start3A_949 : memref<1x128x64xf32, #tpu.memory_space<vmem>> -> memref<128x64xf32, #tpu.memory_space<vmem>>
        %dma_start3A_951 = arith.constant 64 : i32
        %dma_start3A_952 = arith.constant 0 : i32
        %dma_start3A_953 = tpu.memref_slice %dma_start3A_950[%dma_start3A_951, %dma_start3A_952] : memref<128x64xf32, #tpu.memory_space<vmem>> -> memref<16x64xf32, #tpu.memory_space<vmem>>
        %dma_start3A_954 = arith.constant 0 : i32
        %dma_start3A_955 = arith.constant 0 : i32
        %dma_start3A_956 = tpu.memref_slice %arg3[%dma_start3A_954, %dma_start3A_955] : memref<1000000x64xf32, #tpu.memory_space<hbm>> -> memref<1000000x64xf32, #tpu.memory_space<hbm>>
        tpu.enqueue_indirect_dma source(%dma_start3A_956 : memref<1000000x64xf32, #tpu.memory_space<hbm>>) target(%dma_start3A_953 : memref<16x64xf32, #tpu.memory_space<vmem>>) offsets(%get3A_945 : vector<16xi32>) semaphore(%arg12 : memref<!tpu.dma_semaphore, #tpu.memory_space<semaphore_mem>>)
        %mul3A_957 = arith.constant 128 : i32
        %mul3A_958 = arith.muli %add3A_866, %mul3A_957 : i32
        %add3A_959 = arith.constant 80 : i32
        %add3A_960 = arith.addi %mul3A_958, %add3A_959 : i32
        %get3A_961 = arith.index_cast %add3A_960 : i32 to index
        %get3A_962 = tpu.vector_load %arg6[%get3A_961] {strides = array<i32>} : memref<25600xi32, #tpu.memory_space<vmem>>, vector<16xi32>,
        %get3A_963 = vector.shape_cast %get3A_962 : vector<16xi32> to vector<16xi32>
        %dma_start3A_964 = arith.constant 2 : i32
        %dma_start3A_965 = arith.constant 0 : i32
        %dma_start3A_966 = arith.constant 0 : i32
        %dma_start3A_967 = tpu.memref_slice %arg7[%dma_start3A_964, %dma_start3A_965, %dma_start3A_966] : memref<5x128x64xf32, #tpu.memory_space<vmem>> -> memref<1x128x64xf32, #tpu.memory_space<vmem>>
        %dma_start3A_968 = tpu.memref_squeeze %dma_start3A_967 : memref<1x128x64xf32, #tpu.memory_space<vmem>> -> memref<128x64xf32, #tpu.memory_space<vmem>>
        %dma_start3A_969 = arith.constant 80 : i32
        %dma_start3A_970 = arith.constant 0 : i32
        %dma_start3A_971 = tpu.memref_slice %dma_start3A_968[%dma_start3A_969, %dma_start3A_970] : memref<128x64xf32, #tpu.memory_space<vmem>> -> memref<16x64xf32, #tpu.memory_space<vmem>>
        %dma_start3A_972 = arith.constant 0 : i32
        %dma_start3A_973 = arith.constant 0 : i32
        %dma_start3A_974 = tpu.memref_slice %arg3[%dma_start3A_972, %dma_start3A_973] : memref<1000000x64xf32, #tpu.memory_space<hbm>> -> memref<1000000x64xf32, #tpu.memory_space<hbm>>
        tpu.enqueue_indirect_dma source(%dma_start3A_974 : memref<1000000x64xf32, #tpu.memory_space<hbm>>) target(%dma_start3A_971 : memref<16x64xf32, #tpu.memory_space<vmem>>) offsets(%get3A_963 : vector<16xi32>) semaphore(%arg12 : memref<!tpu.dma_semaphore, #tpu.memory_space<semaphore_mem>>)
        %mul3A_975 = arith.constant 128 : i32
        %mul3A_976 = arith.muli %add3A_866, %mul3A_975 : i32
        %add3A_977 = arith.constant 96 : i32
        %add3A_978 = arith.addi %mul3A_976, %add3A_977 : i32
        %get3A_979 = arith.index_cast %add3A_978 : i32 to index
        %get3A_980 = tpu.vector_load %arg6[%get3A_979] {strides = array<i32>} : memref<25600xi32, #tpu.memory_space<vmem>>, vector<16xi32>,
        %get3A_981 = vector.shape_cast %get3A_980 : vector<16xi32> to vector<16xi32>
        %dma_start3A_982 = arith.constant 2 : i32
        %dma_start3A_983 = arith.constant 0 : i32
        %dma_start3A_984 = arith.constant 0 : i32
        %dma_start3A_985 = tpu.memref_slice %arg7[%dma_start3A_982, %dma_start3A_983, %dma_start3A_984] : memref<5x128x64xf32, #tpu.memory_space<vmem>> -> memref<1x128x64xf32, #tpu.memory_space<vmem>>
        %dma_start3A_986 = tpu.memref_squeeze %dma_start3A_985 : memref<1x128x64xf32, #tpu.memory_space<vmem>> -> memref<128x64xf32, #tpu.memory_space<vmem>>
        %dma_start3A_987 = arith.constant 96 : i32
        %dma_start3A_988 = arith.constant 0 : i32
        %dma_start3A_989 = tpu.memref_slice %dma_start3A_986[%dma_start3A_987, %dma_start3A_988] : memref<128x64xf32, #tpu.memory_space<vmem>> -> memref<16x64xf32, #tpu.memory_space<vmem>>
        %dma_start3A_990 = arith.constant 0 : i32
        %dma_start3A_991 = arith.constant 0 : i32
        %dma_start3A_992 = tpu.memref_slice %arg3[%dma_start3A_990, %dma_start3A_991] : memref<1000000x64xf32, #tpu.memory_space<hbm>> -> memref<1000000x64xf32, #tpu.memory_space<hbm>>
        tpu.enqueue_indirect_dma source(%dma_start3A_992 : memref<1000000x64xf32, #tpu.memory_space<hbm>>) target(%dma_start3A_989 : memref<16x64xf32, #tpu.memory_space<vmem>>) offsets(%get3A_981 : vector<16xi32>) semaphore(%arg12 : memref<!tpu.dma_semaphore, #tpu.memory_space<semaphore_mem>>)
        %mul3A_993 = arith.constant 128 : i32
        %mul3A_994 = arith.muli %add3A_866, %mul3A_993 : i32
        %add3A_995 = arith.constant 112 : i32
        %add3A_996 = arith.addi %mul3A_994, %add3A_995 : i32
        %get3A_997 = arith.index_cast %add3A_996 : i32 to index
        %get3A_998 = tpu.vector_load %arg6[%get3A_997] {strides = array<i32>} : memref<25600xi32, #tpu.memory_space<vmem>>, vector<16xi32>,
        %get3A_999 = vector.shape_cast %get3A_998 : vector<16xi32> to vector<16xi32>
        %dma_start3A_1000 = arith.constant 2 : i32
        %dma_start3A_1001 = arith.constant 0 : i32
        %dma_start3A_1002 = arith.constant 0 : i32
        %dma_start3A_1003 = tpu.memref_slice %arg7[%dma_start3A_1000, %dma_start3A_1001, %dma_start3A_1002] : memref<5x128x64xf32, #tpu.memory_space<vmem>> -> memref<1x128x64xf32, #tpu.memory_space<vmem>>
        %dma_start3A_1004 = tpu.memref_squeeze %dma_start3A_1003 : memref<1x128x64xf32, #tpu.memory_space<vmem>> -> memref<128x64xf32, #tpu.memory_space<vmem>>
        %dma_start3A_1005 = arith.constant 112 : i32
        %dma_start3A_1006 = arith.constant 0 : i32
        %dma_start3A_1007 = tpu.memref_slice %dma_start3A_1004[%dma_start3A_1005, %dma_start3A_1006] : memref<128x64xf32, #tpu.memory_space<vmem>> -> memref<16x64xf32, #tpu.memory_space<vmem>>
        %dma_start3A_1008 = arith.constant 0 : i32
        %dma_start3A_1009 = arith.constant 0 : i32
        %dma_start3A_1010 = tpu.memref_slice %arg3[%dma_start3A_1008, %dma_start3A_1009] : memref<1000000x64xf32, #tpu.memory_space<hbm>> -> memref<1000000x64xf32, #tpu.memory_space<hbm>>
        tpu.enqueue_indirect_dma source(%dma_start3A_1010 : memref<1000000x64xf32, #tpu.memory_space<hbm>>) target(%dma_start3A_1007 : memref<16x64xf32, #tpu.memory_space<vmem>>) offsets(%get3A_999 : vector<16xi32>) semaphore(%arg12 : memref<!tpu.dma_semaphore, #tpu.memory_space<semaphore_mem>>)
      } else {
      }
      %mul3A_769 = arith.constant 5 : i32
      %mul3A_770 = arith.muli %scan3A_630, %mul3A_769 : i32
      %add3A_771 = arith.constant 3 : i32
      %add3A_772 = arith.addi %mul3A_770, %add3A_771 : i32
      %mul3A_773 = arith.constant 128 : i32
      %mul3A_774 = arith.muli %add3A_772, %mul3A_773 : i32
      %dma_wait3A_775 = arith.constant 3 : i32
      %dma_wait3A_776 = arith.constant 0 : i32
      %dma_wait3A_777 = arith.constant 0 : i32
      %dma_wait3A_778 = tpu.memref_slice %arg7[%dma_wait3A_775, %dma_wait3A_776, %dma_wait3A_777] : memref<5x128x64xf32, #tpu.memory_space<vmem>> -> memref<1x128x64xf32, #tpu.memory_space<vmem>>
      %dma_wait3A_779 = tpu.memref_squeeze %dma_wait3A_778 : memref<1x128x64xf32, #tpu.memory_space<vmem>> -> memref<128x64xf32, #tpu.memory_space<vmem>>
      %dma_wait3A_780 = tpu.memref_slice %arg6[%mul3A_774] : memref<25600xi32, #tpu.memory_space<vmem>> -> memref<128xi32, #tpu.memory_space<vmem>>
      %dma_wait3A_781 = arith.constant 0 : i32
      %dma_wait3A_782 = arith.constant 0 : i32
      %dma_wait3A_783 = tpu.memref_slice %arg3[%dma_wait3A_781, %dma_wait3A_782] : memref<1000000x64xf32, #tpu.memory_space<hbm>> -> memref<1000000x64xf32, #tpu.memory_space<hbm>>
      tpu.wait_indirect_dma semaphore(%arg13 : memref<!tpu.dma_semaphore, #tpu.memory_space<semaphore_mem>>) src(%dma_wait3A_783 : memref<1000000x64xf32, #tpu.memory_space<hbm>>) dst(%dma_wait3A_779 : memref<128x64xf32, #tpu.memory_space<vmem>>)
      %gt3A_784 = arith.constant 0 : i32
      %gt3A_785 = arith.cmpi sgt, %scan3A_630, %gt3A_784 : i32
      %convert_element_type3A_786 = arith.extui %gt3A_785 : i1 to i32
      %cond3A_787 = arith.constant 0 : i32
      %cond3A_788 = arith.cmpi ne, %convert_element_type3A_786, %cond3A_787 : i32
      scf.if %cond3A_788 {
        %mul3A_865 = arith.constant 128 : i32
        %mul3A_866 = arith.muli %add3A_772, %mul3A_865 : i32
        %add3A_867 = arith.addi %mul3A_2, %mul3A_866 : i32
        %dma_wait3A_868 = arith.constant 3 : i32
        %dma_wait3A_869 = arith.constant 0 : i32
        %dma_wait3A_870 = arith.constant 0 : i32
        %dma_wait3A_871 = tpu.memref_slice %arg8[%dma_wait3A_868, %dma_wait3A_869, %dma_wait3A_870] : memref<5x128x64xf32, #tpu.memory_space<vmem>> -> memref<1x128x64xf32, #tpu.memory_space<vmem>>
        %dma_wait3A_872 = tpu.memref_squeeze %dma_wait3A_871 : memref<1x128x64xf32, #tpu.memory_space<vmem>> -> memref<128x64xf32, #tpu.memory_space<vmem>>
        %dma_wait3A_873 = arith.constant 0 : i32
        %dma_wait3A_874 = tpu.memref_slice %arg5[%add3A_867, %dma_wait3A_873] : memref<819200x64xf32, #tpu.memory_space<hbm>> -> memref<128x64xf32, #tpu.memory_space<hbm>>
        %dma_wait3A_875 = arith.constant 0 : i32
        %dma_wait3A_876 = tpu.memref_slice %arg5[%add3A_867, %dma_wait3A_875] : memref<819200x64xf32, #tpu.memory_space<hbm>> -> memref<128x64xf32, #tpu.memory_space<hbm>>
        %dma_wait3A_877 = arith.constant 0 : i32
        %dma_wait3A_878 = arith.constant 0 : i32
        %dma_wait3A_879 = tpu.memref_slice %arg8[%dma_wait3A_868, %dma_wait3A_877, %dma_wait3A_878] : memref<5x128x64xf32, #tpu.memory_space<vmem>> -> memref<1x128x64xf32, #tpu.memory_space<vmem>>
        %dma_wait3A_880 = tpu.memref_squeeze %dma_wait3A_879 : memref<1x128x64xf32, #tpu.memory_space<vmem>> -> memref<128x64xf32, #tpu.memory_space<vmem>>
        tpu.wait_dma2 semaphore(%arg18 : memref<!tpu.dma_semaphore, #tpu.memory_space<semaphore_mem>>) src(%dma_wait3A_880 : memref<128x64xf32, #tpu.memory_space<vmem>>) dst(%dma_wait3A_876 : memref<128x64xf32, #tpu.memory_space<hbm>>)
      } else {
      }
      %mul3A_789 = arith.constant 128 : i32
      %mul3A_790 = arith.muli %add3A_772, %mul3A_789 : i32
      %rem3A_791 = arith.constant 200 : i32
      %rem3A_792 = arith.remsi %mul3A_790, %rem3A_791 : i32
      %parallel_loop3A_793 = arith.constant 0 : i32
      %parallel_loop3A_794 = arith.constant 128 : i32
      %parallel_loop3A_795 = arith.constant 1 : i32
      scf.for %parallel_loop3A_865 = %parallel_loop3A_793 to %parallel_loop3A_794 step %parallel_loop3A_795  : i32 {
        %parallel_loop3A_866 = arith.constant 3 : i32
        %parallel_loop3A_867 = arith.index_cast %parallel_loop3A_866 : i32 to index
        %parallel_loop3A_868 = arith.index_cast %parallel_loop3A_865 : i32 to index
        %parallel_loop3A_869 = arith.constant 0 : index
        %parallel_loop3A_870 = tpu.vector_load %arg7[%parallel_loop3A_867, %parallel_loop3A_868, %parallel_loop3A_869] {strides = array<i32>} : memref<5x128x64xf32, #tpu.memory_space<vmem>>, vector<1x1x16xf32>,
        %parallel_loop3A_871 = vector.shape_cast %parallel_loop3A_870 : vector<1x1x16xf32> to vector<16xf32>
        %parallel_loop3A_872 = arith.addi %rem3A_792, %parallel_loop3A_865 : i32
        %parallel_loop3A_873 = arith.index_cast %parallel_loop3A_872 : i32 to index
        %parallel_loop3A_874 = arith.constant 0 : index
        %parallel_loop3A_875 = tpu.vector_load %arg9[%parallel_loop3A_873, %parallel_loop3A_874] {strides = array<i32>} : memref<320x64xf32, #tpu.memory_space<vmem>>, vector<1x16xf32>,
        %parallel_loop3A_876 = vector.shape_cast %parallel_loop3A_875 : vector<1x16xf32> to vector<16xf32>
        %parallel_loop3A_877 = arith.addf %parallel_loop3A_871, %parallel_loop3A_876 : vector<16xf32>
        %parallel_loop3A_878 = arith.constant 3 : i32
        %parallel_loop3A_879 = arith.index_cast %parallel_loop3A_878 : i32 to index
        %parallel_loop3A_880 = arith.index_cast %parallel_loop3A_865 : i32 to index
        %parallel_loop3A_881 = arith.constant 0 : index
        %parallel_loop3A_882 = tpu.vector_load %arg8[%parallel_loop3A_879, %parallel_loop3A_880, %parallel_loop3A_881] {strides = array<i32>} : memref<5x128x64xf32, #tpu.memory_space<vmem>>, vector<1x1x16xf32>,
        %parallel_loop3A_883 = vector.shape_cast %parallel_loop3A_882 : vector<1x1x16xf32> to vector<16xf32>
        %parallel_loop3A_884 = vector.shape_cast %parallel_loop3A_877 : vector<16xf32> to vector<1x1x16xf32>
        tpu.vector_store %arg8[%parallel_loop3A_879, %parallel_loop3A_880, %parallel_loop3A_881], %parallel_loop3A_884 {strides = array<i32>} : memref<5x128x64xf32, #tpu.memory_space<vmem>>, vector<1x1x16xf32>,
        %parallel_loop3A_885 = arith.constant 3 : i32
        %parallel_loop3A_886 = arith.index_cast %parallel_loop3A_885 : i32 to index
        %parallel_loop3A_887 = arith.index_cast %parallel_loop3A_865 : i32 to index
        %parallel_loop3A_888 = arith.constant 16 : index
        %parallel_loop3A_889 = tpu.vector_load %arg7[%parallel_loop3A_886, %parallel_loop3A_887, %parallel_loop3A_888] {strides = array<i32>} : memref<5x128x64xf32, #tpu.memory_space<vmem>>, vector<1x1x16xf32>,
        %parallel_loop3A_890 = vector.shape_cast %parallel_loop3A_889 : vector<1x1x16xf32> to vector<16xf32>
        %parallel_loop3A_891 = arith.addi %rem3A_792, %parallel_loop3A_865 : i32
        %parallel_loop3A_892 = arith.index_cast %parallel_loop3A_891 : i32 to index
        %parallel_loop3A_893 = arith.constant 16 : index
        %parallel_loop3A_894 = tpu.vector_load %arg9[%parallel_loop3A_892, %parallel_loop3A_893] {strides = array<i32>} : memref<320x64xf32, #tpu.memory_space<vmem>>, vector<1x16xf32>,
        %parallel_loop3A_895 = vector.shape_cast %parallel_loop3A_894 : vector<1x16xf32> to vector<16xf32>
        %parallel_loop3A_896 = arith.addf %parallel_loop3A_890, %parallel_loop3A_895 : vector<16xf32>
        %parallel_loop3A_897 = arith.constant 3 : i32
        %parallel_loop3A_898 = arith.index_cast %parallel_loop3A_897 : i32 to index
        %parallel_loop3A_899 = arith.index_cast %parallel_loop3A_865 : i32 to index
        %parallel_loop3A_900 = arith.constant 16 : index
        %parallel_loop3A_901 = tpu.vector_load %arg8[%parallel_loop3A_898, %parallel_loop3A_899, %parallel_loop3A_900] {strides = array<i32>} : memref<5x128x64xf32, #tpu.memory_space<vmem>>, vector<1x1x16xf32>,
        %parallel_loop3A_902 = vector.shape_cast %parallel_loop3A_901 : vector<1x1x16xf32> to vector<16xf32>
        %parallel_loop3A_903 = vector.shape_cast %parallel_loop3A_896 : vector<16xf32> to vector<1x1x16xf32>
        tpu.vector_store %arg8[%parallel_loop3A_898, %parallel_loop3A_899, %parallel_loop3A_900], %parallel_loop3A_903 {strides = array<i32>} : memref<5x128x64xf32, #tpu.memory_space<vmem>>, vector<1x1x16xf32>,
        %parallel_loop3A_904 = arith.constant 3 : i32
        %parallel_loop3A_905 = arith.index_cast %parallel_loop3A_904 : i32 to index
        %parallel_loop3A_906 = arith.index_cast %parallel_loop3A_865 : i32 to index
        %parallel_loop3A_907 = arith.constant 32 : index
        %parallel_loop3A_908 = tpu.vector_load %arg7[%parallel_loop3A_905, %parallel_loop3A_906, %parallel_loop3A_907] {strides = array<i32>} : memref<5x128x64xf32, #tpu.memory_space<vmem>>, vector<1x1x16xf32>,
        %parallel_loop3A_909 = vector.shape_cast %parallel_loop3A_908 : vector<1x1x16xf32> to vector<16xf32>
        %parallel_loop3A_910 = arith.addi %rem3A_792, %parallel_loop3A_865 : i32
        %parallel_loop3A_911 = arith.index_cast %parallel_loop3A_910 : i32 to index
        %parallel_loop3A_912 = arith.constant 32 : index
        %parallel_loop3A_913 = tpu.vector_load %arg9[%parallel_loop3A_911, %parallel_loop3A_912] {strides = array<i32>} : memref<320x64xf32, #tpu.memory_space<vmem>>, vector<1x16xf32>,
        %parallel_loop3A_914 = vector.shape_cast %parallel_loop3A_913 : vector<1x16xf32> to vector<16xf32>
        %parallel_loop3A_915 = arith.addf %parallel_loop3A_909, %parallel_loop3A_914 : vector<16xf32>
        %parallel_loop3A_916 = arith.constant 3 : i32
        %parallel_loop3A_917 = arith.index_cast %parallel_loop3A_916 : i32 to index
        %parallel_loop3A_918 = arith.index_cast %parallel_loop3A_865 : i32 to index
        %parallel_loop3A_919 = arith.constant 32 : index
        %parallel_loop3A_920 = tpu.vector_load %arg8[%parallel_loop3A_917, %parallel_loop3A_918, %parallel_loop3A_919] {strides = array<i32>} : memref<5x128x64xf32, #tpu.memory_space<vmem>>, vector<1x1x16xf32>,
        %parallel_loop3A_921 = vector.shape_cast %parallel_loop3A_920 : vector<1x1x16xf32> to vector<16xf32>
        %parallel_loop3A_922 = vector.shape_cast %parallel_loop3A_915 : vector<16xf32> to vector<1x1x16xf32>
        tpu.vector_store %arg8[%parallel_loop3A_917, %parallel_loop3A_918, %parallel_loop3A_919], %parallel_loop3A_922 {strides = array<i32>} : memref<5x128x64xf32, #tpu.memory_space<vmem>>, vector<1x1x16xf32>,
        %parallel_loop3A_923 = arith.constant 3 : i32
        %parallel_loop3A_924 = arith.index_cast %parallel_loop3A_923 : i32 to index
        %parallel_loop3A_925 = arith.index_cast %parallel_loop3A_865 : i32 to index
        %parallel_loop3A_926 = arith.constant 48 : index
        %parallel_loop3A_927 = tpu.vector_load %arg7[%parallel_loop3A_924, %parallel_loop3A_925, %parallel_loop3A_926] {strides = array<i32>} : memref<5x128x64xf32, #tpu.memory_space<vmem>>, vector<1x1x16xf32>,
        %parallel_loop3A_928 = vector.shape_cast %parallel_loop3A_927 : vector<1x1x16xf32> to vector<16xf32>
        %parallel_loop3A_929 = arith.addi %rem3A_792, %parallel_loop3A_865 : i32
        %parallel_loop3A_930 = arith.index_cast %parallel_loop3A_929 : i32 to index
        %parallel_loop3A_931 = arith.constant 48 : index
        %parallel_loop3A_932 = tpu.vector_load %arg9[%parallel_loop3A_930, %parallel_loop3A_931] {strides = array<i32>} : memref<320x64xf32, #tpu.memory_space<vmem>>, vector<1x16xf32>,
        %parallel_loop3A_933 = vector.shape_cast %parallel_loop3A_932 : vector<1x16xf32> to vector<16xf32>
        %parallel_loop3A_934 = arith.addf %parallel_loop3A_928, %parallel_loop3A_933 : vector<16xf32>
        %parallel_loop3A_935 = arith.constant 3 : i32
        %parallel_loop3A_936 = arith.index_cast %parallel_loop3A_935 : i32 to index
        %parallel_loop3A_937 = arith.index_cast %parallel_loop3A_865 : i32 to index
        %parallel_loop3A_938 = arith.constant 48 : index
        %parallel_loop3A_939 = tpu.vector_load %arg8[%parallel_loop3A_936, %parallel_loop3A_937, %parallel_loop3A_938] {strides = array<i32>} : memref<5x128x64xf32, #tpu.memory_space<vmem>>, vector<1x1x16xf32>,
        %parallel_loop3A_940 = vector.shape_cast %parallel_loop3A_939 : vector<1x1x16xf32> to vector<16xf32>
        %parallel_loop3A_941 = vector.shape_cast %parallel_loop3A_934 : vector<16xf32> to vector<1x1x16xf32>
        tpu.vector_store %arg8[%parallel_loop3A_936, %parallel_loop3A_937, %parallel_loop3A_938], %parallel_loop3A_941 {strides = array<i32>} : memref<5x128x64xf32, #tpu.memory_space<vmem>>, vector<1x1x16xf32>,
      } {sc.loop_unroll_factor = 4 : i64, sc.parallel_access}
      %mul3A_796 = arith.constant 128 : i32
      %mul3A_797 = arith.muli %add3A_772, %mul3A_796 : i32
      %add3A_798 = arith.addi %mul3A_2, %mul3A_797 : i32
      %dma_start3A_799 = arith.constant 3 : i32
      %dma_start3A_800 = arith.constant 0 : i32
      %dma_start3A_801 = arith.constant 0 : i32
      %dma_start3A_802 = tpu.memref_slice %arg8[%dma_start3A_799, %dma_start3A_800, %dma_start3A_801] : memref<5x128x64xf32, #tpu.memory_space<vmem>> -> memref<1x128x64xf32, #tpu.memory_space<vmem>>
      %dma_start3A_803 = tpu.memref_squeeze %dma_start3A_802 : memref<1x128x64xf32, #tpu.memory_space<vmem>> -> memref<128x64xf32, #tpu.memory_space<vmem>>
      %dma_start3A_804 = arith.constant 0 : i32
      %dma_start3A_805 = tpu.memref_slice %arg5[%add3A_798, %dma_start3A_804] : memref<819200x64xf32, #tpu.memory_space<hbm>> -> memref<128x64xf32, #tpu.memory_space<hbm>>
      %dma_start3A_806 = arith.constant 0 : i32
      %dma_start3A_807 = tpu.memref_slice %arg5[%add3A_798, %dma_start3A_806] : memref<819200x64xf32, #tpu.memory_space<hbm>> -> memref<128x64xf32, #tpu.memory_space<hbm>>
      %dma_start3A_808 = arith.constant 0 : i32
      %dma_start3A_809 = arith.constant 0 : i32
      %dma_start3A_810 = tpu.memref_slice %arg8[%dma_start3A_799, %dma_start3A_808, %dma_start3A_809] : memref<5x128x64xf32, #tpu.memory_space<vmem>> -> memref<1x128x64xf32, #tpu.memory_space<vmem>>
      %dma_start3A_811 = tpu.memref_squeeze %dma_start3A_810 : memref<1x128x64xf32, #tpu.memory_space<vmem>> -> memref<128x64xf32, #tpu.memory_space<vmem>>
      tpu.enqueue_dma source(%dma_start3A_811 : memref<128x64xf32, #tpu.memory_space<vmem>>) target(%dma_start3A_807 : memref<128x64xf32, #tpu.memory_space<hbm>>) target_semaphore(%arg18 : memref<!tpu.dma_semaphore, #tpu.memory_space<semaphore_mem>>)
      %lt3A_812 = arith.constant 39 : i32
      %lt3A_813 = arith.cmpi slt, %scan3A_630, %lt3A_812 : i32
      %convert_element_type3A_814 = arith.extui %lt3A_813 : i1 to i32
      %cond3A_815 = arith.constant 0 : i32
      %cond3A_816 = arith.cmpi ne, %convert_element_type3A_814, %cond3A_815 : i32
      scf.if %cond3A_816 {
        %add3A_865 = arith.constant 5 : i32
        %add3A_866 = arith.addi %add3A_772, %add3A_865 : i32
        %mul3A_867 = arith.constant 128 : i32
        %mul3A_868 = arith.muli %add3A_866, %mul3A_867 : i32
        %add3A_869 = arith.constant 0 : i32
        %add3A_870 = arith.addi %mul3A_868, %add3A_869 : i32
        %get3A_871 = arith.index_cast %add3A_870 : i32 to index
        %get3A_872 = tpu.vector_load %arg6[%get3A_871] {strides = array<i32>} : memref<25600xi32, #tpu.memory_space<vmem>>, vector<16xi32>,
        %get3A_873 = vector.shape_cast %get3A_872 : vector<16xi32> to vector<16xi32>
        %dma_start3A_874 = arith.constant 3 : i32
        %dma_start3A_875 = arith.constant 0 : i32
        %dma_start3A_876 = arith.constant 0 : i32
        %dma_start3A_877 = tpu.memref_slice %arg7[%dma_start3A_874, %dma_start3A_875, %dma_start3A_876] : memref<5x128x64xf32, #tpu.memory_space<vmem>> -> memref<1x128x64xf32, #tpu.memory_space<vmem>>
        %dma_start3A_878 = tpu.memref_squeeze %dma_start3A_877 : memref<1x128x64xf32, #tpu.memory_space<vmem>> -> memref<128x64xf32, #tpu.memory_space<vmem>>
        %dma_start3A_879 = arith.constant 0 : i32
        %dma_start3A_880 = arith.constant 0 : i32
        %dma_start3A_881 = tpu.memref_slice %dma_start3A_878[%dma_start3A_879, %dma_start3A_880] : memref<128x64xf32, #tpu.memory_space<vmem>> -> memref<16x64xf32, #tpu.memory_space<vmem>>
        %dma_start3A_882 = arith.constant 0 : i32
        %dma_start3A_883 = arith.constant 0 : i32
        %dma_start3A_884 = tpu.memref_slice %arg3[%dma_start3A_882, %dma_start3A_883] : memref<1000000x64xf32, #tpu.memory_space<hbm>> -> memref<1000000x64xf32, #tpu.memory_space<hbm>>
        tpu.enqueue_indirect_dma source(%dma_start3A_884 : memref<1000000x64xf32, #tpu.memory_space<hbm>>) target(%dma_start3A_881 : memref<16x64xf32, #tpu.memory_space<vmem>>) offsets(%get3A_873 : vector<16xi32>) semaphore(%arg13 : memref<!tpu.dma_semaphore, #tpu.memory_space<semaphore_mem>>)
        %mul3A_885 = arith.constant 128 : i32
        %mul3A_886 = arith.muli %add3A_866, %mul3A_885 : i32
        %add3A_887 = arith.constant 16 : i32
        %add3A_888 = arith.addi %mul3A_886, %add3A_887 : i32
        %get3A_889 = arith.index_cast %add3A_888 : i32 to index
        %get3A_890 = tpu.vector_load %arg6[%get3A_889] {strides = array<i32>} : memref<25600xi32, #tpu.memory_space<vmem>>, vector<16xi32>,
        %get3A_891 = vector.shape_cast %get3A_890 : vector<16xi32> to vector<16xi32>
        %dma_start3A_892 = arith.constant 3 : i32
        %dma_start3A_893 = arith.constant 0 : i32
        %dma_start3A_894 = arith.constant 0 : i32
        %dma_start3A_895 = tpu.memref_slice %arg7[%dma_start3A_892, %dma_start3A_893, %dma_start3A_894] : memref<5x128x64xf32, #tpu.memory_space<vmem>> -> memref<1x128x64xf32, #tpu.memory_space<vmem>>
        %dma_start3A_896 = tpu.memref_squeeze %dma_start3A_895 : memref<1x128x64xf32, #tpu.memory_space<vmem>> -> memref<128x64xf32, #tpu.memory_space<vmem>>
        %dma_start3A_897 = arith.constant 16 : i32
        %dma_start3A_898 = arith.constant 0 : i32
        %dma_start3A_899 = tpu.memref_slice %dma_start3A_896[%dma_start3A_897, %dma_start3A_898] : memref<128x64xf32, #tpu.memory_space<vmem>> -> memref<16x64xf32, #tpu.memory_space<vmem>>
        %dma_start3A_900 = arith.constant 0 : i32
        %dma_start3A_901 = arith.constant 0 : i32
        %dma_start3A_902 = tpu.memref_slice %arg3[%dma_start3A_900, %dma_start3A_901] : memref<1000000x64xf32, #tpu.memory_space<hbm>> -> memref<1000000x64xf32, #tpu.memory_space<hbm>>
        tpu.enqueue_indirect_dma source(%dma_start3A_902 : memref<1000000x64xf32, #tpu.memory_space<hbm>>) target(%dma_start3A_899 : memref<16x64xf32, #tpu.memory_space<vmem>>) offsets(%get3A_891 : vector<16xi32>) semaphore(%arg13 : memref<!tpu.dma_semaphore, #tpu.memory_space<semaphore_mem>>)
        %mul3A_903 = arith.constant 128 : i32
        %mul3A_904 = arith.muli %add3A_866, %mul3A_903 : i32
        %add3A_905 = arith.constant 32 : i32
        %add3A_906 = arith.addi %mul3A_904, %add3A_905 : i32
        %get3A_907 = arith.index_cast %add3A_906 : i32 to index
        %get3A_908 = tpu.vector_load %arg6[%get3A_907] {strides = array<i32>} : memref<25600xi32, #tpu.memory_space<vmem>>, vector<16xi32>,
        %get3A_909 = vector.shape_cast %get3A_908 : vector<16xi32> to vector<16xi32>
        %dma_start3A_910 = arith.constant 3 : i32
        %dma_start3A_911 = arith.constant 0 : i32
        %dma_start3A_912 = arith.constant 0 : i32
        %dma_start3A_913 = tpu.memref_slice %arg7[%dma_start3A_910, %dma_start3A_911, %dma_start3A_912] : memref<5x128x64xf32, #tpu.memory_space<vmem>> -> memref<1x128x64xf32, #tpu.memory_space<vmem>>
        %dma_start3A_914 = tpu.memref_squeeze %dma_start3A_913 : memref<1x128x64xf32, #tpu.memory_space<vmem>> -> memref<128x64xf32, #tpu.memory_space<vmem>>
        %dma_start3A_915 = arith.constant 32 : i32
        %dma_start3A_916 = arith.constant 0 : i32
        %dma_start3A_917 = tpu.memref_slice %dma_start3A_914[%dma_start3A_915, %dma_start3A_916] : memref<128x64xf32, #tpu.memory_space<vmem>> -> memref<16x64xf32, #tpu.memory_space<vmem>>
        %dma_start3A_918 = arith.constant 0 : i32
        %dma_start3A_919 = arith.constant 0 : i32
        %dma_start3A_920 = tpu.memref_slice %arg3[%dma_start3A_918, %dma_start3A_919] : memref<1000000x64xf32, #tpu.memory_space<hbm>> -> memref<1000000x64xf32, #tpu.memory_space<hbm>>
        tpu.enqueue_indirect_dma source(%dma_start3A_920 : memref<1000000x64xf32, #tpu.memory_space<hbm>>) target(%dma_start3A_917 : memref<16x64xf32, #tpu.memory_space<vmem>>) offsets(%get3A_909 : vector<16xi32>) semaphore(%arg13 : memref<!tpu.dma_semaphore, #tpu.memory_space<semaphore_mem>>)
        %mul3A_921 = arith.constant 128 : i32
        %mul3A_922 = arith.muli %add3A_866, %mul3A_921 : i32
        %add3A_923 = arith.constant 48 : i32
        %add3A_924 = arith.addi %mul3A_922, %add3A_923 : i32
        %get3A_925 = arith.index_cast %add3A_924 : i32 to index
        %get3A_926 = tpu.vector_load %arg6[%get3A_925] {strides = array<i32>} : memref<25600xi32, #tpu.memory_space<vmem>>, vector<16xi32>,
        %get3A_927 = vector.shape_cast %get3A_926 : vector<16xi32> to vector<16xi32>
        %dma_start3A_928 = arith.constant 3 : i32
        %dma_start3A_929 = arith.constant 0 : i32
        %dma_start3A_930 = arith.constant 0 : i32
        %dma_start3A_931 = tpu.memref_slice %arg7[%dma_start3A_928, %dma_start3A_929, %dma_start3A_930] : memref<5x128x64xf32, #tpu.memory_space<vmem>> -> memref<1x128x64xf32, #tpu.memory_space<vmem>>
        %dma_start3A_932 = tpu.memref_squeeze %dma_start3A_931 : memref<1x128x64xf32, #tpu.memory_space<vmem>> -> memref<128x64xf32, #tpu.memory_space<vmem>>
        %dma_start3A_933 = arith.constant 48 : i32
        %dma_start3A_934 = arith.constant 0 : i32
        %dma_start3A_935 = tpu.memref_slice %dma_start3A_932[%dma_start3A_933, %dma_start3A_934] : memref<128x64xf32, #tpu.memory_space<vmem>> -> memref<16x64xf32, #tpu.memory_space<vmem>>
        %dma_start3A_936 = arith.constant 0 : i32
        %dma_start3A_937 = arith.constant 0 : i32
        %dma_start3A_938 = tpu.memref_slice %arg3[%dma_start3A_936, %dma_start3A_937] : memref<1000000x64xf32, #tpu.memory_space<hbm>> -> memref<1000000x64xf32, #tpu.memory_space<hbm>>
        tpu.enqueue_indirect_dma source(%dma_start3A_938 : memref<1000000x64xf32, #tpu.memory_space<hbm>>) target(%dma_start3A_935 : memref<16x64xf32, #tpu.memory_space<vmem>>) offsets(%get3A_927 : vector<16xi32>) semaphore(%arg13 : memref<!tpu.dma_semaphore, #tpu.memory_space<semaphore_mem>>)
        %mul3A_939 = arith.constant 128 : i32
        %mul3A_940 = arith.muli %add3A_866, %mul3A_939 : i32
        %add3A_941 = arith.constant 64 : i32
        %add3A_942 = arith.addi %mul3A_940, %add3A_941 : i32
        %get3A_943 = arith.index_cast %add3A_942 : i32 to index
        %get3A_944 = tpu.vector_load %arg6[%get3A_943] {strides = array<i32>} : memref<25600xi32, #tpu.memory_space<vmem>>, vector<16xi32>,
        %get3A_945 = vector.shape_cast %get3A_944 : vector<16xi32> to vector<16xi32>
        %dma_start3A_946 = arith.constant 3 : i32
        %dma_start3A_947 = arith.constant 0 : i32
        %dma_start3A_948 = arith.constant 0 : i32
        %dma_start3A_949 = tpu.memref_slice %arg7[%dma_start3A_946, %dma_start3A_947, %dma_start3A_948] : memref<5x128x64xf32, #tpu.memory_space<vmem>> -> memref<1x128x64xf32, #tpu.memory_space<vmem>>
        %dma_start3A_950 = tpu.memref_squeeze %dma_start3A_949 : memref<1x128x64xf32, #tpu.memory_space<vmem>> -> memref<128x64xf32, #tpu.memory_space<vmem>>
        %dma_start3A_951 = arith.constant 64 : i32
        %dma_start3A_952 = arith.constant 0 : i32
        %dma_start3A_953 = tpu.memref_slice %dma_start3A_950[%dma_start3A_951, %dma_start3A_952] : memref<128x64xf32, #tpu.memory_space<vmem>> -> memref<16x64xf32, #tpu.memory_space<vmem>>
        %dma_start3A_954 = arith.constant 0 : i32
        %dma_start3A_955 = arith.constant 0 : i32
        %dma_start3A_956 = tpu.memref_slice %arg3[%dma_start3A_954, %dma_start3A_955] : memref<1000000x64xf32, #tpu.memory_space<hbm>> -> memref<1000000x64xf32, #tpu.memory_space<hbm>>
        tpu.enqueue_indirect_dma source(%dma_start3A_956 : memref<1000000x64xf32, #tpu.memory_space<hbm>>) target(%dma_start3A_953 : memref<16x64xf32, #tpu.memory_space<vmem>>) offsets(%get3A_945 : vector<16xi32>) semaphore(%arg13 : memref<!tpu.dma_semaphore, #tpu.memory_space<semaphore_mem>>)
        %mul3A_957 = arith.constant 128 : i32
        %mul3A_958 = arith.muli %add3A_866, %mul3A_957 : i32
        %add3A_959 = arith.constant 80 : i32
        %add3A_960 = arith.addi %mul3A_958, %add3A_959 : i32
        %get3A_961 = arith.index_cast %add3A_960 : i32 to index
        %get3A_962 = tpu.vector_load %arg6[%get3A_961] {strides = array<i32>} : memref<25600xi32, #tpu.memory_space<vmem>>, vector<16xi32>,
        %get3A_963 = vector.shape_cast %get3A_962 : vector<16xi32> to vector<16xi32>
        %dma_start3A_964 = arith.constant 3 : i32
        %dma_start3A_965 = arith.constant 0 : i32
        %dma_start3A_966 = arith.constant 0 : i32
        %dma_start3A_967 = tpu.memref_slice %arg7[%dma_start3A_964, %dma_start3A_965, %dma_start3A_966] : memref<5x128x64xf32, #tpu.memory_space<vmem>> -> memref<1x128x64xf32, #tpu.memory_space<vmem>>
        %dma_start3A_968 = tpu.memref_squeeze %dma_start3A_967 : memref<1x128x64xf32, #tpu.memory_space<vmem>> -> memref<128x64xf32, #tpu.memory_space<vmem>>
        %dma_start3A_969 = arith.constant 80 : i32
        %dma_start3A_970 = arith.constant 0 : i32
        %dma_start3A_971 = tpu.memref_slice %dma_start3A_968[%dma_start3A_969, %dma_start3A_970] : memref<128x64xf32, #tpu.memory_space<vmem>> -> memref<16x64xf32, #tpu.memory_space<vmem>>
        %dma_start3A_972 = arith.constant 0 : i32
        %dma_start3A_973 = arith.constant 0 : i32
        %dma_start3A_974 = tpu.memref_slice %arg3[%dma_start3A_972, %dma_start3A_973] : memref<1000000x64xf32, #tpu.memory_space<hbm>> -> memref<1000000x64xf32, #tpu.memory_space<hbm>>
        tpu.enqueue_indirect_dma source(%dma_start3A_974 : memref<1000000x64xf32, #tpu.memory_space<hbm>>) target(%dma_start3A_971 : memref<16x64xf32, #tpu.memory_space<vmem>>) offsets(%get3A_963 : vector<16xi32>) semaphore(%arg13 : memref<!tpu.dma_semaphore, #tpu.memory_space<semaphore_mem>>)
        %mul3A_975 = arith.constant 128 : i32
        %mul3A_976 = arith.muli %add3A_866, %mul3A_975 : i32
        %add3A_977 = arith.constant 96 : i32
        %add3A_978 = arith.addi %mul3A_976, %add3A_977 : i32
        %get3A_979 = arith.index_cast %add3A_978 : i32 to index
        %get3A_980 = tpu.vector_load %arg6[%get3A_979] {strides = array<i32>} : memref<25600xi32, #tpu.memory_space<vmem>>, vector<16xi32>,
        %get3A_981 = vector.shape_cast %get3A_980 : vector<16xi32> to vector<16xi32>
        %dma_start3A_982 = arith.constant 3 : i32
        %dma_start3A_983 = arith.constant 0 : i32
        %dma_start3A_984 = arith.constant 0 : i32
        %dma_start3A_985 = tpu.memref_slice %arg7[%dma_start3A_982, %dma_start3A_983, %dma_start3A_984] : memref<5x128x64xf32, #tpu.memory_space<vmem>> -> memref<1x128x64xf32, #tpu.memory_space<vmem>>
        %dma_start3A_986 = tpu.memref_squeeze %dma_start3A_985 : memref<1x128x64xf32, #tpu.memory_space<vmem>> -> memref<128x64xf32, #tpu.memory_space<vmem>>
        %dma_start3A_987 = arith.constant 96 : i32
        %dma_start3A_988 = arith.constant 0 : i32
        %dma_start3A_989 = tpu.memref_slice %dma_start3A_986[%dma_start3A_987, %dma_start3A_988] : memref<128x64xf32, #tpu.memory_space<vmem>> -> memref<16x64xf32, #tpu.memory_space<vmem>>
        %dma_start3A_990 = arith.constant 0 : i32
        %dma_start3A_991 = arith.constant 0 : i32
        %dma_start3A_992 = tpu.memref_slice %arg3[%dma_start3A_990, %dma_start3A_991] : memref<1000000x64xf32, #tpu.memory_space<hbm>> -> memref<1000000x64xf32, #tpu.memory_space<hbm>>
        tpu.enqueue_indirect_dma source(%dma_start3A_992 : memref<1000000x64xf32, #tpu.memory_space<hbm>>) target(%dma_start3A_989 : memref<16x64xf32, #tpu.memory_space<vmem>>) offsets(%get3A_981 : vector<16xi32>) semaphore(%arg13 : memref<!tpu.dma_semaphore, #tpu.memory_space<semaphore_mem>>)
        %mul3A_993 = arith.constant 128 : i32
        %mul3A_994 = arith.muli %add3A_866, %mul3A_993 : i32
        %add3A_995 = arith.constant 112 : i32
        %add3A_996 = arith.addi %mul3A_994, %add3A_995 : i32
        %get3A_997 = arith.index_cast %add3A_996 : i32 to index
        %get3A_998 = tpu.vector_load %arg6[%get3A_997] {strides = array<i32>} : memref<25600xi32, #tpu.memory_space<vmem>>, vector<16xi32>,
        %get3A_999 = vector.shape_cast %get3A_998 : vector<16xi32> to vector<16xi32>
        %dma_start3A_1000 = arith.constant 3 : i32
        %dma_start3A_1001 = arith.constant 0 : i32
        %dma_start3A_1002 = arith.constant 0 : i32
        %dma_start3A_1003 = tpu.memref_slice %arg7[%dma_start3A_1000, %dma_start3A_1001, %dma_start3A_1002] : memref<5x128x64xf32, #tpu.memory_space<vmem>> -> memref<1x128x64xf32, #tpu.memory_space<vmem>>
        %dma_start3A_1004 = tpu.memref_squeeze %dma_start3A_1003 : memref<1x128x64xf32, #tpu.memory_space<vmem>> -> memref<128x64xf32, #tpu.memory_space<vmem>>
        %dma_start3A_1005 = arith.constant 112 : i32
        %dma_start3A_1006 = arith.constant 0 : i32
        %dma_start3A_1007 = tpu.memref_slice %dma_start3A_1004[%dma_start3A_1005, %dma_start3A_1006] : memref<128x64xf32, #tpu.memory_space<vmem>> -> memref<16x64xf32, #tpu.memory_space<vmem>>
        %dma_start3A_1008 = arith.constant 0 : i32
        %dma_start3A_1009 = arith.constant 0 : i32
        %dma_start3A_1010 = tpu.memref_slice %arg3[%dma_start3A_1008, %dma_start3A_1009] : memref<1000000x64xf32, #tpu.memory_space<hbm>> -> memref<1000000x64xf32, #tpu.memory_space<hbm>>
        tpu.enqueue_indirect_dma source(%dma_start3A_1010 : memref<1000000x64xf32, #tpu.memory_space<hbm>>) target(%dma_start3A_1007 : memref<16x64xf32, #tpu.memory_space<vmem>>) offsets(%get3A_999 : vector<16xi32>) semaphore(%arg13 : memref<!tpu.dma_semaphore, #tpu.memory_space<semaphore_mem>>)
      } else {
      }
      %mul3A_817 = arith.constant 5 : i32
      %mul3A_818 = arith.muli %scan3A_630, %mul3A_817 : i32
      %add3A_819 = arith.constant 4 : i32
      %add3A_820 = arith.addi %mul3A_818, %add3A_819 : i32
      %mul3A_821 = arith.constant 128 : i32
      %mul3A_822 = arith.muli %add3A_820, %mul3A_821 : i32
      %dma_wait3A_823 = arith.constant 4 : i32
      %dma_wait3A_824 = arith.constant 0 : i32
      %dma_wait3A_825 = arith.constant 0 : i32
      %dma_wait3A_826 = tpu.memref_slice %arg7[%dma_wait3A_823, %dma_wait3A_824, %dma_wait3A_825] : memref<5x128x64xf32, #tpu.memory_space<vmem>> -> memref<1x128x64xf32, #tpu.memory_space<vmem>>
      %dma_wait3A_827 = tpu.memref_squeeze %dma_wait3A_826 : memref<1x128x64xf32, #tpu.memory_space<vmem>> -> memref<128x64xf32, #tpu.memory_space<vmem>>
      %dma_wait3A_828 = tpu.memref_slice %arg6[%mul3A_822] : memref<25600xi32, #tpu.memory_space<vmem>> -> memref<128xi32, #tpu.memory_space<vmem>>
      %dma_wait3A_829 = arith.constant 0 : i32
      %dma_wait3A_830 = arith.constant 0 : i32
      %dma_wait3A_831 = tpu.memref_slice %arg3[%dma_wait3A_829, %dma_wait3A_830] : memref<1000000x64xf32, #tpu.memory_space<hbm>> -> memref<1000000x64xf32, #tpu.memory_space<hbm>>
      tpu.wait_indirect_dma semaphore(%arg14 : memref<!tpu.dma_semaphore, #tpu.memory_space<semaphore_mem>>) src(%dma_wait3A_831 : memref<1000000x64xf32, #tpu.memory_space<hbm>>) dst(%dma_wait3A_827 : memref<128x64xf32, #tpu.memory_space<vmem>>)
      %gt3A_832 = arith.constant 0 : i32
      %gt3A_833 = arith.cmpi sgt, %scan3A_630, %gt3A_832 : i32
      %convert_element_type3A_834 = arith.extui %gt3A_833 : i1 to i32
      %cond3A_835 = arith.constant 0 : i32
      %cond3A_836 = arith.cmpi ne, %convert_element_type3A_834, %cond3A_835 : i32
      scf.if %cond3A_836 {
        %mul3A_865 = arith.constant 128 : i32
        %mul3A_866 = arith.muli %add3A_820, %mul3A_865 : i32
        %add3A_867 = arith.addi %mul3A_2, %mul3A_866 : i32
        %dma_wait3A_868 = arith.constant 4 : i32
        %dma_wait3A_869 = arith.constant 0 : i32
        %dma_wait3A_870 = arith.constant 0 : i32
        %dma_wait3A_871 = tpu.memref_slice %arg8[%dma_wait3A_868, %dma_wait3A_869, %dma_wait3A_870] : memref<5x128x64xf32, #tpu.memory_space<vmem>> -> memref<1x128x64xf32, #tpu.memory_space<vmem>>
        %dma_wait3A_872 = tpu.memref_squeeze %dma_wait3A_871 : memref<1x128x64xf32, #tpu.memory_space<vmem>> -> memref<128x64xf32, #tpu.memory_space<vmem>>
        %dma_wait3A_873 = arith.constant 0 : i32
        %dma_wait3A_874 = tpu.memref_slice %arg5[%add3A_867, %dma_wait3A_873] : memref<819200x64xf32, #tpu.memory_space<hbm>> -> memref<128x64xf32, #tpu.memory_space<hbm>>
        %dma_wait3A_875 = arith.constant 0 : i32
        %dma_wait3A_876 = tpu.memref_slice %arg5[%add3A_867, %dma_wait3A_875] : memref<819200x64xf32, #tpu.memory_space<hbm>> -> memref<128x64xf32, #tpu.memory_space<hbm>>
        %dma_wait3A_877 = arith.constant 0 : i32
        %dma_wait3A_878 = arith.constant 0 : i32
        %dma_wait3A_879 = tpu.memref_slice %arg8[%dma_wait3A_868, %dma_wait3A_877, %dma_wait3A_878] : memref<5x128x64xf32, #tpu.memory_space<vmem>> -> memref<1x128x64xf32, #tpu.memory_space<vmem>>
        %dma_wait3A_880 = tpu.memref_squeeze %dma_wait3A_879 : memref<1x128x64xf32, #tpu.memory_space<vmem>> -> memref<128x64xf32, #tpu.memory_space<vmem>>
        tpu.wait_dma2 semaphore(%arg19 : memref<!tpu.dma_semaphore, #tpu.memory_space<semaphore_mem>>) src(%dma_wait3A_880 : memref<128x64xf32, #tpu.memory_space<vmem>>) dst(%dma_wait3A_876 : memref<128x64xf32, #tpu.memory_space<hbm>>)
      } else {
      }
      %mul3A_837 = arith.constant 128 : i32
      %mul3A_838 = arith.muli %add3A_820, %mul3A_837 : i32
      %rem3A_839 = arith.constant 200 : i32
      %rem3A_840 = arith.remsi %mul3A_838, %rem3A_839 : i32
      %parallel_loop3A_841 = arith.constant 0 : i32
      %parallel_loop3A_842 = arith.constant 128 : i32
      %parallel_loop3A_843 = arith.constant 1 : i32
      scf.for %parallel_loop3A_865 = %parallel_loop3A_841 to %parallel_loop3A_842 step %parallel_loop3A_843  : i32 {
        %parallel_loop3A_866 = arith.constant 4 : i32
        %parallel_loop3A_867 = arith.index_cast %parallel_loop3A_866 : i32 to index
        %parallel_loop3A_868 = arith.index_cast %parallel_loop3A_865 : i32 to index
        %parallel_loop3A_869 = arith.constant 0 : index
        %parallel_loop3A_870 = tpu.vector_load %arg7[%parallel_loop3A_867, %parallel_loop3A_868, %parallel_loop3A_869] {strides = array<i32>} : memref<5x128x64xf32, #tpu.memory_space<vmem>>, vector<1x1x16xf32>,
        %parallel_loop3A_871 = vector.shape_cast %parallel_loop3A_870 : vector<1x1x16xf32> to vector<16xf32>
        %parallel_loop3A_872 = arith.addi %rem3A_840, %parallel_loop3A_865 : i32
        %parallel_loop3A_873 = arith.index_cast %parallel_loop3A_872 : i32 to index
        %parallel_loop3A_874 = arith.constant 0 : index
        %parallel_loop3A_875 = tpu.vector_load %arg9[%parallel_loop3A_873, %parallel_loop3A_874] {strides = array<i32>} : memref<320x64xf32, #tpu.memory_space<vmem>>, vector<1x16xf32>,
        %parallel_loop3A_876 = vector.shape_cast %parallel_loop3A_875 : vector<1x16xf32> to vector<16xf32>
        %parallel_loop3A_877 = arith.addf %parallel_loop3A_871, %parallel_loop3A_876 : vector<16xf32>
        %parallel_loop3A_878 = arith.constant 4 : i32
        %parallel_loop3A_879 = arith.index_cast %parallel_loop3A_878 : i32 to index
        %parallel_loop3A_880 = arith.index_cast %parallel_loop3A_865 : i32 to index
        %parallel_loop3A_881 = arith.constant 0 : index
        %parallel_loop3A_882 = tpu.vector_load %arg8[%parallel_loop3A_879, %parallel_loop3A_880, %parallel_loop3A_881] {strides = array<i32>} : memref<5x128x64xf32, #tpu.memory_space<vmem>>, vector<1x1x16xf32>,
        %parallel_loop3A_883 = vector.shape_cast %parallel_loop3A_882 : vector<1x1x16xf32> to vector<16xf32>
        %parallel_loop3A_884 = vector.shape_cast %parallel_loop3A_877 : vector<16xf32> to vector<1x1x16xf32>
        tpu.vector_store %arg8[%parallel_loop3A_879, %parallel_loop3A_880, %parallel_loop3A_881], %parallel_loop3A_884 {strides = array<i32>} : memref<5x128x64xf32, #tpu.memory_space<vmem>>, vector<1x1x16xf32>,
        %parallel_loop3A_885 = arith.constant 4 : i32
        %parallel_loop3A_886 = arith.index_cast %parallel_loop3A_885 : i32 to index
        %parallel_loop3A_887 = arith.index_cast %parallel_loop3A_865 : i32 to index
        %parallel_loop3A_888 = arith.constant 16 : index
        %parallel_loop3A_889 = tpu.vector_load %arg7[%parallel_loop3A_886, %parallel_loop3A_887, %parallel_loop3A_888] {strides = array<i32>} : memref<5x128x64xf32, #tpu.memory_space<vmem>>, vector<1x1x16xf32>,
        %parallel_loop3A_890 = vector.shape_cast %parallel_loop3A_889 : vector<1x1x16xf32> to vector<16xf32>
        %parallel_loop3A_891 = arith.addi %rem3A_840, %parallel_loop3A_865 : i32
        %parallel_loop3A_892 = arith.index_cast %parallel_loop3A_891 : i32 to index
        %parallel_loop3A_893 = arith.constant 16 : index
        %parallel_loop3A_894 = tpu.vector_load %arg9[%parallel_loop3A_892, %parallel_loop3A_893] {strides = array<i32>} : memref<320x64xf32, #tpu.memory_space<vmem>>, vector<1x16xf32>,
        %parallel_loop3A_895 = vector.shape_cast %parallel_loop3A_894 : vector<1x16xf32> to vector<16xf32>
        %parallel_loop3A_896 = arith.addf %parallel_loop3A_890, %parallel_loop3A_895 : vector<16xf32>
        %parallel_loop3A_897 = arith.constant 4 : i32
        %parallel_loop3A_898 = arith.index_cast %parallel_loop3A_897 : i32 to index
        %parallel_loop3A_899 = arith.index_cast %parallel_loop3A_865 : i32 to index
        %parallel_loop3A_900 = arith.constant 16 : index
        %parallel_loop3A_901 = tpu.vector_load %arg8[%parallel_loop3A_898, %parallel_loop3A_899, %parallel_loop3A_900] {strides = array<i32>} : memref<5x128x64xf32, #tpu.memory_space<vmem>>, vector<1x1x16xf32>,
        %parallel_loop3A_902 = vector.shape_cast %parallel_loop3A_901 : vector<1x1x16xf32> to vector<16xf32>
        %parallel_loop3A_903 = vector.shape_cast %parallel_loop3A_896 : vector<16xf32> to vector<1x1x16xf32>
        tpu.vector_store %arg8[%parallel_loop3A_898, %parallel_loop3A_899, %parallel_loop3A_900], %parallel_loop3A_903 {strides = array<i32>} : memref<5x128x64xf32, #tpu.memory_space<vmem>>, vector<1x1x16xf32>,
        %parallel_loop3A_904 = arith.constant 4 : i32
        %parallel_loop3A_905 = arith.index_cast %parallel_loop3A_904 : i32 to index
        %parallel_loop3A_906 = arith.index_cast %parallel_loop3A_865 : i32 to index
        %parallel_loop3A_907 = arith.constant 32 : index
        %parallel_loop3A_908 = tpu.vector_load %arg7[%parallel_loop3A_905, %parallel_loop3A_906, %parallel_loop3A_907] {strides = array<i32>} : memref<5x128x64xf32, #tpu.memory_space<vmem>>, vector<1x1x16xf32>,
        %parallel_loop3A_909 = vector.shape_cast %parallel_loop3A_908 : vector<1x1x16xf32> to vector<16xf32>
        %parallel_loop3A_910 = arith.addi %rem3A_840, %parallel_loop3A_865 : i32
        %parallel_loop3A_911 = arith.index_cast %parallel_loop3A_910 : i32 to index
        %parallel_loop3A_912 = arith.constant 32 : index
        %parallel_loop3A_913 = tpu.vector_load %arg9[%parallel_loop3A_911, %parallel_loop3A_912] {strides = array<i32>} : memref<320x64xf32, #tpu.memory_space<vmem>>, vector<1x16xf32>,
        %parallel_loop3A_914 = vector.shape_cast %parallel_loop3A_913 : vector<1x16xf32> to vector<16xf32>
        %parallel_loop3A_915 = arith.addf %parallel_loop3A_909, %parallel_loop3A_914 : vector<16xf32>
        %parallel_loop3A_916 = arith.constant 4 : i32
        %parallel_loop3A_917 = arith.index_cast %parallel_loop3A_916 : i32 to index
        %parallel_loop3A_918 = arith.index_cast %parallel_loop3A_865 : i32 to index
        %parallel_loop3A_919 = arith.constant 32 : index
        %parallel_loop3A_920 = tpu.vector_load %arg8[%parallel_loop3A_917, %parallel_loop3A_918, %parallel_loop3A_919] {strides = array<i32>} : memref<5x128x64xf32, #tpu.memory_space<vmem>>, vector<1x1x16xf32>,
        %parallel_loop3A_921 = vector.shape_cast %parallel_loop3A_920 : vector<1x1x16xf32> to vector<16xf32>
        %parallel_loop3A_922 = vector.shape_cast %parallel_loop3A_915 : vector<16xf32> to vector<1x1x16xf32>
        tpu.vector_store %arg8[%parallel_loop3A_917, %parallel_loop3A_918, %parallel_loop3A_919], %parallel_loop3A_922 {strides = array<i32>} : memref<5x128x64xf32, #tpu.memory_space<vmem>>, vector<1x1x16xf32>,
        %parallel_loop3A_923 = arith.constant 4 : i32
        %parallel_loop3A_924 = arith.index_cast %parallel_loop3A_923 : i32 to index
        %parallel_loop3A_925 = arith.index_cast %parallel_loop3A_865 : i32 to index
        %parallel_loop3A_926 = arith.constant 48 : index
        %parallel_loop3A_927 = tpu.vector_load %arg7[%parallel_loop3A_924, %parallel_loop3A_925, %parallel_loop3A_926] {strides = array<i32>} : memref<5x128x64xf32, #tpu.memory_space<vmem>>, vector<1x1x16xf32>,
        %parallel_loop3A_928 = vector.shape_cast %parallel_loop3A_927 : vector<1x1x16xf32> to vector<16xf32>
        %parallel_loop3A_929 = arith.addi %rem3A_840, %parallel_loop3A_865 : i32
        %parallel_loop3A_930 = arith.index_cast %parallel_loop3A_929 : i32 to index
        %parallel_loop3A_931 = arith.constant 48 : index
        %parallel_loop3A_932 = tpu.vector_load %arg9[%parallel_loop3A_930, %parallel_loop3A_931] {strides = array<i32>} : memref<320x64xf32, #tpu.memory_space<vmem>>, vector<1x16xf32>,
        %parallel_loop3A_933 = vector.shape_cast %parallel_loop3A_932 : vector<1x16xf32> to vector<16xf32>
        %parallel_loop3A_934 = arith.addf %parallel_loop3A_928, %parallel_loop3A_933 : vector<16xf32>
        %parallel_loop3A_935 = arith.constant 4 : i32
        %parallel_loop3A_936 = arith.index_cast %parallel_loop3A_935 : i32 to index
        %parallel_loop3A_937 = arith.index_cast %parallel_loop3A_865 : i32 to index
        %parallel_loop3A_938 = arith.constant 48 : index
        %parallel_loop3A_939 = tpu.vector_load %arg8[%parallel_loop3A_936, %parallel_loop3A_937, %parallel_loop3A_938] {strides = array<i32>} : memref<5x128x64xf32, #tpu.memory_space<vmem>>, vector<1x1x16xf32>,
        %parallel_loop3A_940 = vector.shape_cast %parallel_loop3A_939 : vector<1x1x16xf32> to vector<16xf32>
        %parallel_loop3A_941 = vector.shape_cast %parallel_loop3A_934 : vector<16xf32> to vector<1x1x16xf32>
        tpu.vector_store %arg8[%parallel_loop3A_936, %parallel_loop3A_937, %parallel_loop3A_938], %parallel_loop3A_941 {strides = array<i32>} : memref<5x128x64xf32, #tpu.memory_space<vmem>>, vector<1x1x16xf32>,
      } {sc.loop_unroll_factor = 4 : i64, sc.parallel_access}
      %mul3A_844 = arith.constant 128 : i32
      %mul3A_845 = arith.muli %add3A_820, %mul3A_844 : i32
      %add3A_846 = arith.addi %mul3A_2, %mul3A_845 : i32
      %dma_start3A_847 = arith.constant 4 : i32
      %dma_start3A_848 = arith.constant 0 : i32
      %dma_start3A_849 = arith.constant 0 : i32
      %dma_start3A_850 = tpu.memref_slice %arg8[%dma_start3A_847, %dma_start3A_848, %dma_start3A_849] : memref<5x128x64xf32, #tpu.memory_space<vmem>> -> memref<1x128x64xf32, #tpu.memory_space<vmem>>
      %dma_start3A_851 = tpu.memref_squeeze %dma_start3A_850 : memref<1x128x64xf32, #tpu.memory_space<vmem>> -> memref<128x64xf32, #tpu.memory_space<vmem>>
      %dma_start3A_852 = arith.constant 0 : i32
      %dma_start3A_853 = tpu.memref_slice %arg5[%add3A_846, %dma_start3A_852] : memref<819200x64xf32, #tpu.memory_space<hbm>> -> memref<128x64xf32, #tpu.memory_space<hbm>>
      %dma_start3A_854 = arith.constant 0 : i32
      %dma_start3A_855 = tpu.memref_slice %arg5[%add3A_846, %dma_start3A_854] : memref<819200x64xf32, #tpu.memory_space<hbm>> -> memref<128x64xf32, #tpu.memory_space<hbm>>
      %dma_start3A_856 = arith.constant 0 : i32
      %dma_start3A_857 = arith.constant 0 : i32
      %dma_start3A_858 = tpu.memref_slice %arg8[%dma_start3A_847, %dma_start3A_856, %dma_start3A_857] : memref<5x128x64xf32, #tpu.memory_space<vmem>> -> memref<1x128x64xf32, #tpu.memory_space<vmem>>
      %dma_start3A_859 = tpu.memref_squeeze %dma_start3A_858 : memref<1x128x64xf32, #tpu.memory_space<vmem>> -> memref<128x64xf32, #tpu.memory_space<vmem>>
      tpu.enqueue_dma source(%dma_start3A_859 : memref<128x64xf32, #tpu.memory_space<vmem>>) target(%dma_start3A_855 : memref<128x64xf32, #tpu.memory_space<hbm>>) target_semaphore(%arg19 : memref<!tpu.dma_semaphore, #tpu.memory_space<semaphore_mem>>)
      %lt3A_860 = arith.constant 39 : i32
      %lt3A_861 = arith.cmpi slt, %scan3A_630, %lt3A_860 : i32
      %convert_element_type3A_862 = arith.extui %lt3A_861 : i1 to i32
      %cond3A_863 = arith.constant 0 : i32
      %cond3A_864 = arith.cmpi ne, %convert_element_type3A_862, %cond3A_863 : i32
      scf.if %cond3A_864 {
        %add3A_865 = arith.constant 5 : i32
        %add3A_866 = arith.addi %add3A_820, %add3A_865 : i32
        %mul3A_867 = arith.constant 128 : i32
        %mul3A_868 = arith.muli %add3A_866, %mul3A_867 : i32
        %add3A_869 = arith.constant 0 : i32
        %add3A_870 = arith.addi %mul3A_868, %add3A_869 : i32
        %get3A_871 = arith.index_cast %add3A_870 : i32 to index
        %get3A_872 = tpu.vector_load %arg6[%get3A_871] {strides = array<i32>} : memref<25600xi32, #tpu.memory_space<vmem>>, vector<16xi32>,
        %get3A_873 = vector.shape_cast %get3A_872 : vector<16xi32> to vector<16xi32>
        %dma_start3A_874 = arith.constant 4 : i32
        %dma_start3A_875 = arith.constant 0 : i32
        %dma_start3A_876 = arith.constant 0 : i32
        %dma_start3A_877 = tpu.memref_slice %arg7[%dma_start3A_874, %dma_start3A_875, %dma_start3A_876] : memref<5x128x64xf32, #tpu.memory_space<vmem>> -> memref<1x128x64xf32, #tpu.memory_space<vmem>>
        %dma_start3A_878 = tpu.memref_squeeze %dma_start3A_877 : memref<1x128x64xf32, #tpu.memory_space<vmem>> -> memref<128x64xf32, #tpu.memory_space<vmem>>
        %dma_start3A_879 = arith.constant 0 : i32
        %dma_start3A_880 = arith.constant 0 : i32
        %dma_start3A_881 = tpu.memref_slice %dma_start3A_878[%dma_start3A_879, %dma_start3A_880] : memref<128x64xf32, #tpu.memory_space<vmem>> -> memref<16x64xf32, #tpu.memory_space<vmem>>
        %dma_start3A_882 = arith.constant 0 : i32
        %dma_start3A_883 = arith.constant 0 : i32
        %dma_start3A_884 = tpu.memref_slice %arg3[%dma_start3A_882, %dma_start3A_883] : memref<1000000x64xf32, #tpu.memory_space<hbm>> -> memref<1000000x64xf32, #tpu.memory_space<hbm>>
        tpu.enqueue_indirect_dma source(%dma_start3A_884 : memref<1000000x64xf32, #tpu.memory_space<hbm>>) target(%dma_start3A_881 : memref<16x64xf32, #tpu.memory_space<vmem>>) offsets(%get3A_873 : vector<16xi32>) semaphore(%arg14 : memref<!tpu.dma_semaphore, #tpu.memory_space<semaphore_mem>>)
        %mul3A_885 = arith.constant 128 : i32
        %mul3A_886 = arith.muli %add3A_866, %mul3A_885 : i32
        %add3A_887 = arith.constant 16 : i32
        %add3A_888 = arith.addi %mul3A_886, %add3A_887 : i32
        %get3A_889 = arith.index_cast %add3A_888 : i32 to index
        %get3A_890 = tpu.vector_load %arg6[%get3A_889] {strides = array<i32>} : memref<25600xi32, #tpu.memory_space<vmem>>, vector<16xi32>,
        %get3A_891 = vector.shape_cast %get3A_890 : vector<16xi32> to vector<16xi32>
        %dma_start3A_892 = arith.constant 4 : i32
        %dma_start3A_893 = arith.constant 0 : i32
        %dma_start3A_894 = arith.constant 0 : i32
        %dma_start3A_895 = tpu.memref_slice %arg7[%dma_start3A_892, %dma_start3A_893, %dma_start3A_894] : memref<5x128x64xf32, #tpu.memory_space<vmem>> -> memref<1x128x64xf32, #tpu.memory_space<vmem>>
        %dma_start3A_896 = tpu.memref_squeeze %dma_start3A_895 : memref<1x128x64xf32, #tpu.memory_space<vmem>> -> memref<128x64xf32, #tpu.memory_space<vmem>>
        %dma_start3A_897 = arith.constant 16 : i32
        %dma_start3A_898 = arith.constant 0 : i32
        %dma_start3A_899 = tpu.memref_slice %dma_start3A_896[%dma_start3A_897, %dma_start3A_898] : memref<128x64xf32, #tpu.memory_space<vmem>> -> memref<16x64xf32, #tpu.memory_space<vmem>>
        %dma_start3A_900 = arith.constant 0 : i32
        %dma_start3A_901 = arith.constant 0 : i32
        %dma_start3A_902 = tpu.memref_slice %arg3[%dma_start3A_900, %dma_start3A_901] : memref<1000000x64xf32, #tpu.memory_space<hbm>> -> memref<1000000x64xf32, #tpu.memory_space<hbm>>
        tpu.enqueue_indirect_dma source(%dma_start3A_902 : memref<1000000x64xf32, #tpu.memory_space<hbm>>) target(%dma_start3A_899 : memref<16x64xf32, #tpu.memory_space<vmem>>) offsets(%get3A_891 : vector<16xi32>) semaphore(%arg14 : memref<!tpu.dma_semaphore, #tpu.memory_space<semaphore_mem>>)
        %mul3A_903 = arith.constant 128 : i32
        %mul3A_904 = arith.muli %add3A_866, %mul3A_903 : i32
        %add3A_905 = arith.constant 32 : i32
        %add3A_906 = arith.addi %mul3A_904, %add3A_905 : i32
        %get3A_907 = arith.index_cast %add3A_906 : i32 to index
        %get3A_908 = tpu.vector_load %arg6[%get3A_907] {strides = array<i32>} : memref<25600xi32, #tpu.memory_space<vmem>>, vector<16xi32>,
        %get3A_909 = vector.shape_cast %get3A_908 : vector<16xi32> to vector<16xi32>
        %dma_start3A_910 = arith.constant 4 : i32
        %dma_start3A_911 = arith.constant 0 : i32
        %dma_start3A_912 = arith.constant 0 : i32
        %dma_start3A_913 = tpu.memref_slice %arg7[%dma_start3A_910, %dma_start3A_911, %dma_start3A_912] : memref<5x128x64xf32, #tpu.memory_space<vmem>> -> memref<1x128x64xf32, #tpu.memory_space<vmem>>
        %dma_start3A_914 = tpu.memref_squeeze %dma_start3A_913 : memref<1x128x64xf32, #tpu.memory_space<vmem>> -> memref<128x64xf32, #tpu.memory_space<vmem>>
        %dma_start3A_915 = arith.constant 32 : i32
        %dma_start3A_916 = arith.constant 0 : i32
        %dma_start3A_917 = tpu.memref_slice %dma_start3A_914[%dma_start3A_915, %dma_start3A_916] : memref<128x64xf32, #tpu.memory_space<vmem>> -> memref<16x64xf32, #tpu.memory_space<vmem>>
        %dma_start3A_918 = arith.constant 0 : i32
        %dma_start3A_919 = arith.constant 0 : i32
        %dma_start3A_920 = tpu.memref_slice %arg3[%dma_start3A_918, %dma_start3A_919] : memref<1000000x64xf32, #tpu.memory_space<hbm>> -> memref<1000000x64xf32, #tpu.memory_space<hbm>>
        tpu.enqueue_indirect_dma source(%dma_start3A_920 : memref<1000000x64xf32, #tpu.memory_space<hbm>>) target(%dma_start3A_917 : memref<16x64xf32, #tpu.memory_space<vmem>>) offsets(%get3A_909 : vector<16xi32>) semaphore(%arg14 : memref<!tpu.dma_semaphore, #tpu.memory_space<semaphore_mem>>)
        %mul3A_921 = arith.constant 128 : i32
        %mul3A_922 = arith.muli %add3A_866, %mul3A_921 : i32
        %add3A_923 = arith.constant 48 : i32
        %add3A_924 = arith.addi %mul3A_922, %add3A_923 : i32
        %get3A_925 = arith.index_cast %add3A_924 : i32 to index
        %get3A_926 = tpu.vector_load %arg6[%get3A_925] {strides = array<i32>} : memref<25600xi32, #tpu.memory_space<vmem>>, vector<16xi32>,
        %get3A_927 = vector.shape_cast %get3A_926 : vector<16xi32> to vector<16xi32>
        %dma_start3A_928 = arith.constant 4 : i32
        %dma_start3A_929 = arith.constant 0 : i32
        %dma_start3A_930 = arith.constant 0 : i32
        %dma_start3A_931 = tpu.memref_slice %arg7[%dma_start3A_928, %dma_start3A_929, %dma_start3A_930] : memref<5x128x64xf32, #tpu.memory_space<vmem>> -> memref<1x128x64xf32, #tpu.memory_space<vmem>>
        %dma_start3A_932 = tpu.memref_squeeze %dma_start3A_931 : memref<1x128x64xf32, #tpu.memory_space<vmem>> -> memref<128x64xf32, #tpu.memory_space<vmem>>
        %dma_start3A_933 = arith.constant 48 : i32
        %dma_start3A_934 = arith.constant 0 : i32
        %dma_start3A_935 = tpu.memref_slice %dma_start3A_932[%dma_start3A_933, %dma_start3A_934] : memref<128x64xf32, #tpu.memory_space<vmem>> -> memref<16x64xf32, #tpu.memory_space<vmem>>
        %dma_start3A_936 = arith.constant 0 : i32
        %dma_start3A_937 = arith.constant 0 : i32
        %dma_start3A_938 = tpu.memref_slice %arg3[%dma_start3A_936, %dma_start3A_937] : memref<1000000x64xf32, #tpu.memory_space<hbm>> -> memref<1000000x64xf32, #tpu.memory_space<hbm>>
        tpu.enqueue_indirect_dma source(%dma_start3A_938 : memref<1000000x64xf32, #tpu.memory_space<hbm>>) target(%dma_start3A_935 : memref<16x64xf32, #tpu.memory_space<vmem>>) offsets(%get3A_927 : vector<16xi32>) semaphore(%arg14 : memref<!tpu.dma_semaphore, #tpu.memory_space<semaphore_mem>>)
        %mul3A_939 = arith.constant 128 : i32
        %mul3A_940 = arith.muli %add3A_866, %mul3A_939 : i32
        %add3A_941 = arith.constant 64 : i32
        %add3A_942 = arith.addi %mul3A_940, %add3A_941 : i32
        %get3A_943 = arith.index_cast %add3A_942 : i32 to index
        %get3A_944 = tpu.vector_load %arg6[%get3A_943] {strides = array<i32>} : memref<25600xi32, #tpu.memory_space<vmem>>, vector<16xi32>,
        %get3A_945 = vector.shape_cast %get3A_944 : vector<16xi32> to vector<16xi32>
        %dma_start3A_946 = arith.constant 4 : i32
        %dma_start3A_947 = arith.constant 0 : i32
        %dma_start3A_948 = arith.constant 0 : i32
        %dma_start3A_949 = tpu.memref_slice %arg7[%dma_start3A_946, %dma_start3A_947, %dma_start3A_948] : memref<5x128x64xf32, #tpu.memory_space<vmem>> -> memref<1x128x64xf32, #tpu.memory_space<vmem>>
        %dma_start3A_950 = tpu.memref_squeeze %dma_start3A_949 : memref<1x128x64xf32, #tpu.memory_space<vmem>> -> memref<128x64xf32, #tpu.memory_space<vmem>>
        %dma_start3A_951 = arith.constant 64 : i32
        %dma_start3A_952 = arith.constant 0 : i32
        %dma_start3A_953 = tpu.memref_slice %dma_start3A_950[%dma_start3A_951, %dma_start3A_952] : memref<128x64xf32, #tpu.memory_space<vmem>> -> memref<16x64xf32, #tpu.memory_space<vmem>>
        %dma_start3A_954 = arith.constant 0 : i32
        %dma_start3A_955 = arith.constant 0 : i32
        %dma_start3A_956 = tpu.memref_slice %arg3[%dma_start3A_954, %dma_start3A_955] : memref<1000000x64xf32, #tpu.memory_space<hbm>> -> memref<1000000x64xf32, #tpu.memory_space<hbm>>
        tpu.enqueue_indirect_dma source(%dma_start3A_956 : memref<1000000x64xf32, #tpu.memory_space<hbm>>) target(%dma_start3A_953 : memref<16x64xf32, #tpu.memory_space<vmem>>) offsets(%get3A_945 : vector<16xi32>) semaphore(%arg14 : memref<!tpu.dma_semaphore, #tpu.memory_space<semaphore_mem>>)
        %mul3A_957 = arith.constant 128 : i32
        %mul3A_958 = arith.muli %add3A_866, %mul3A_957 : i32
        %add3A_959 = arith.constant 80 : i32
        %add3A_960 = arith.addi %mul3A_958, %add3A_959 : i32
        %get3A_961 = arith.index_cast %add3A_960 : i32 to index
        %get3A_962 = tpu.vector_load %arg6[%get3A_961] {strides = array<i32>} : memref<25600xi32, #tpu.memory_space<vmem>>, vector<16xi32>,
        %get3A_963 = vector.shape_cast %get3A_962 : vector<16xi32> to vector<16xi32>
        %dma_start3A_964 = arith.constant 4 : i32
        %dma_start3A_965 = arith.constant 0 : i32
        %dma_start3A_966 = arith.constant 0 : i32
        %dma_start3A_967 = tpu.memref_slice %arg7[%dma_start3A_964, %dma_start3A_965, %dma_start3A_966] : memref<5x128x64xf32, #tpu.memory_space<vmem>> -> memref<1x128x64xf32, #tpu.memory_space<vmem>>
        %dma_start3A_968 = tpu.memref_squeeze %dma_start3A_967 : memref<1x128x64xf32, #tpu.memory_space<vmem>> -> memref<128x64xf32, #tpu.memory_space<vmem>>
        %dma_start3A_969 = arith.constant 80 : i32
        %dma_start3A_970 = arith.constant 0 : i32
        %dma_start3A_971 = tpu.memref_slice %dma_start3A_968[%dma_start3A_969, %dma_start3A_970] : memref<128x64xf32, #tpu.memory_space<vmem>> -> memref<16x64xf32, #tpu.memory_space<vmem>>
        %dma_start3A_972 = arith.constant 0 : i32
        %dma_start3A_973 = arith.constant 0 : i32
        %dma_start3A_974 = tpu.memref_slice %arg3[%dma_start3A_972, %dma_start3A_973] : memref<1000000x64xf32, #tpu.memory_space<hbm>> -> memref<1000000x64xf32, #tpu.memory_space<hbm>>
        tpu.enqueue_indirect_dma source(%dma_start3A_974 : memref<1000000x64xf32, #tpu.memory_space<hbm>>) target(%dma_start3A_971 : memref<16x64xf32, #tpu.memory_space<vmem>>) offsets(%get3A_963 : vector<16xi32>) semaphore(%arg14 : memref<!tpu.dma_semaphore, #tpu.memory_space<semaphore_mem>>)
        %mul3A_975 = arith.constant 128 : i32
        %mul3A_976 = arith.muli %add3A_866, %mul3A_975 : i32
        %add3A_977 = arith.constant 96 : i32
        %add3A_978 = arith.addi %mul3A_976, %add3A_977 : i32
        %get3A_979 = arith.index_cast %add3A_978 : i32 to index
        %get3A_980 = tpu.vector_load %arg6[%get3A_979] {strides = array<i32>} : memref<25600xi32, #tpu.memory_space<vmem>>, vector<16xi32>,
        %get3A_981 = vector.shape_cast %get3A_980 : vector<16xi32> to vector<16xi32>
        %dma_start3A_982 = arith.constant 4 : i32
        %dma_start3A_983 = arith.constant 0 : i32
        %dma_start3A_984 = arith.constant 0 : i32
        %dma_start3A_985 = tpu.memref_slice %arg7[%dma_start3A_982, %dma_start3A_983, %dma_start3A_984] : memref<5x128x64xf32, #tpu.memory_space<vmem>> -> memref<1x128x64xf32, #tpu.memory_space<vmem>>
        %dma_start3A_986 = tpu.memref_squeeze %dma_start3A_985 : memref<1x128x64xf32, #tpu.memory_space<vmem>> -> memref<128x64xf32, #tpu.memory_space<vmem>>
        %dma_start3A_987 = arith.constant 96 : i32
        %dma_start3A_988 = arith.constant 0 : i32
        %dma_start3A_989 = tpu.memref_slice %dma_start3A_986[%dma_start3A_987, %dma_start3A_988] : memref<128x64xf32, #tpu.memory_space<vmem>> -> memref<16x64xf32, #tpu.memory_space<vmem>>
        %dma_start3A_990 = arith.constant 0 : i32
        %dma_start3A_991 = arith.constant 0 : i32
        %dma_start3A_992 = tpu.memref_slice %arg3[%dma_start3A_990, %dma_start3A_991] : memref<1000000x64xf32, #tpu.memory_space<hbm>> -> memref<1000000x64xf32, #tpu.memory_space<hbm>>
        tpu.enqueue_indirect_dma source(%dma_start3A_992 : memref<1000000x64xf32, #tpu.memory_space<hbm>>) target(%dma_start3A_989 : memref<16x64xf32, #tpu.memory_space<vmem>>) offsets(%get3A_981 : vector<16xi32>) semaphore(%arg14 : memref<!tpu.dma_semaphore, #tpu.memory_space<semaphore_mem>>)
        %mul3A_993 = arith.constant 128 : i32
        %mul3A_994 = arith.muli %add3A_866, %mul3A_993 : i32
        %add3A_995 = arith.constant 112 : i32
        %add3A_996 = arith.addi %mul3A_994, %add3A_995 : i32
        %get3A_997 = arith.index_cast %add3A_996 : i32 to index
        %get3A_998 = tpu.vector_load %arg6[%get3A_997] {strides = array<i32>} : memref<25600xi32, #tpu.memory_space<vmem>>, vector<16xi32>,
        %get3A_999 = vector.shape_cast %get3A_998 : vector<16xi32> to vector<16xi32>
        %dma_start3A_1000 = arith.constant 4 : i32
        %dma_start3A_1001 = arith.constant 0 : i32
        %dma_start3A_1002 = arith.constant 0 : i32
        %dma_start3A_1003 = tpu.memref_slice %arg7[%dma_start3A_1000, %dma_start3A_1001, %dma_start3A_1002] : memref<5x128x64xf32, #tpu.memory_space<vmem>> -> memref<1x128x64xf32, #tpu.memory_space<vmem>>
        %dma_start3A_1004 = tpu.memref_squeeze %dma_start3A_1003 : memref<1x128x64xf32, #tpu.memory_space<vmem>> -> memref<128x64xf32, #tpu.memory_space<vmem>>
        %dma_start3A_1005 = arith.constant 112 : i32
        %dma_start3A_1006 = arith.constant 0 : i32
        %dma_start3A_1007 = tpu.memref_slice %dma_start3A_1004[%dma_start3A_1005, %dma_start3A_1006] : memref<128x64xf32, #tpu.memory_space<vmem>> -> memref<16x64xf32, #tpu.memory_space<vmem>>
        %dma_start3A_1008 = arith.constant 0 : i32
        %dma_start3A_1009 = arith.constant 0 : i32
        %dma_start3A_1010 = tpu.memref_slice %arg3[%dma_start3A_1008, %dma_start3A_1009] : memref<1000000x64xf32, #tpu.memory_space<hbm>> -> memref<1000000x64xf32, #tpu.memory_space<hbm>>
        tpu.enqueue_indirect_dma source(%dma_start3A_1010 : memref<1000000x64xf32, #tpu.memory_space<hbm>>) target(%dma_start3A_1007 : memref<16x64xf32, #tpu.memory_space<vmem>>) offsets(%get3A_999 : vector<16xi32>) semaphore(%arg14 : memref<!tpu.dma_semaphore, #tpu.memory_space<semaphore_mem>>)
      } else {
      }
    }
    %scan3A_565 = arith.constant 40 : i32
    %dma_wait3A = arith.constant 0 : i32
    %dma_wait3A_566 = arith.constant 0 : i32
    %dma_wait3A_567 = arith.constant 0 : i32
    %dma_wait3A_568 = tpu.memref_slice %arg8[%dma_wait3A, %dma_wait3A_566, %dma_wait3A_567] : memref<5x128x64xf32, #tpu.memory_space<vmem>> -> memref<1x128x64xf32, #tpu.memory_space<vmem>>
    %dma_wait3A_569 = tpu.memref_squeeze %dma_wait3A_568 : memref<1x128x64xf32, #tpu.memory_space<vmem>> -> memref<128x64xf32, #tpu.memory_space<vmem>>
    %dma_wait3A_570 = arith.constant 0 : i32
    %dma_wait3A_571 = tpu.memref_slice %arg5[%mul3A_2, %dma_wait3A_570] : memref<819200x64xf32, #tpu.memory_space<hbm>> -> memref<128x64xf32, #tpu.memory_space<hbm>>
    %dma_wait3A_572 = arith.constant 0 : i32
    %dma_wait3A_573 = tpu.memref_slice %arg5[%mul3A_2, %dma_wait3A_572] : memref<819200x64xf32, #tpu.memory_space<hbm>> -> memref<128x64xf32, #tpu.memory_space<hbm>>
    %dma_wait3A_574 = arith.constant 0 : i32
    %dma_wait3A_575 = arith.constant 0 : i32
    %dma_wait3A_576 = tpu.memref_slice %arg8[%dma_wait3A, %dma_wait3A_574, %dma_wait3A_575] : memref<5x128x64xf32, #tpu.memory_space<vmem>> -> memref<1x128x64xf32, #tpu.memory_space<vmem>>
    %dma_wait3A_577 = tpu.memref_squeeze %dma_wait3A_576 : memref<1x128x64xf32, #tpu.memory_space<vmem>> -> memref<128x64xf32, #tpu.memory_space<vmem>>
    tpu.wait_dma2 semaphore(%arg15 : memref<!tpu.dma_semaphore, #tpu.memory_space<semaphore_mem>>) src(%dma_wait3A_577 : memref<128x64xf32, #tpu.memory_space<vmem>>) dst(%dma_wait3A_573 : memref<128x64xf32, #tpu.memory_space<hbm>>)
    %dma_wait3A_578 = arith.constant 1 : i32
    %dma_wait3A_579 = arith.constant 0 : i32
    %dma_wait3A_580 = arith.constant 0 : i32
    %dma_wait3A_581 = tpu.memref_slice %arg8[%dma_wait3A_578, %dma_wait3A_579, %dma_wait3A_580] : memref<5x128x64xf32, #tpu.memory_space<vmem>> -> memref<1x128x64xf32, #tpu.memory_space<vmem>>
    %dma_wait3A_582 = tpu.memref_squeeze %dma_wait3A_581 : memref<1x128x64xf32, #tpu.memory_space<vmem>> -> memref<128x64xf32, #tpu.memory_space<vmem>>
    %dma_wait3A_583 = arith.constant 0 : i32
    %dma_wait3A_584 = tpu.memref_slice %arg5[%mul3A_2, %dma_wait3A_583] : memref<819200x64xf32, #tpu.memory_space<hbm>> -> memref<128x64xf32, #tpu.memory_space<hbm>>
    %dma_wait3A_585 = arith.constant 0 : i32
    %dma_wait3A_586 = tpu.memref_slice %arg5[%mul3A_2, %dma_wait3A_585] : memref<819200x64xf32, #tpu.memory_space<hbm>> -> memref<128x64xf32, #tpu.memory_space<hbm>>
    %dma_wait3A_587 = arith.constant 0 : i32
    %dma_wait3A_588 = arith.constant 0 : i32
    %dma_wait3A_589 = tpu.memref_slice %arg8[%dma_wait3A_578, %dma_wait3A_587, %dma_wait3A_588] : memref<5x128x64xf32, #tpu.memory_space<vmem>> -> memref<1x128x64xf32, #tpu.memory_space<vmem>>
    %dma_wait3A_590 = tpu.memref_squeeze %dma_wait3A_589 : memref<1x128x64xf32, #tpu.memory_space<vmem>> -> memref<128x64xf32, #tpu.memory_space<vmem>>
    tpu.wait_dma2 semaphore(%arg16 : memref<!tpu.dma_semaphore, #tpu.memory_space<semaphore_mem>>) src(%dma_wait3A_590 : memref<128x64xf32, #tpu.memory_space<vmem>>) dst(%dma_wait3A_586 : memref<128x64xf32, #tpu.memory_space<hbm>>)
    %dma_wait3A_591 = arith.constant 2 : i32
    %dma_wait3A_592 = arith.constant 0 : i32
    %dma_wait3A_593 = arith.constant 0 : i32
    %dma_wait3A_594 = tpu.memref_slice %arg8[%dma_wait3A_591, %dma_wait3A_592, %dma_wait3A_593] : memref<5x128x64xf32, #tpu.memory_space<vmem>> -> memref<1x128x64xf32, #tpu.memory_space<vmem>>
    %dma_wait3A_595 = tpu.memref_squeeze %dma_wait3A_594 : memref<1x128x64xf32, #tpu.memory_space<vmem>> -> memref<128x64xf32, #tpu.memory_space<vmem>>
    %dma_wait3A_596 = arith.constant 0 : i32
    %dma_wait3A_597 = tpu.memref_slice %arg5[%mul3A_2, %dma_wait3A_596] : memref<819200x64xf32, #tpu.memory_space<hbm>> -> memref<128x64xf32, #tpu.memory_space<hbm>>
    %dma_wait3A_598 = arith.constant 0 : i32
    %dma_wait3A_599 = tpu.memref_slice %arg5[%mul3A_2, %dma_wait3A_598] : memref<819200x64xf32, #tpu.memory_space<hbm>> -> memref<128x64xf32, #tpu.memory_space<hbm>>
    %dma_wait3A_600 = arith.constant 0 : i32
    %dma_wait3A_601 = arith.constant 0 : i32
    %dma_wait3A_602 = tpu.memref_slice %arg8[%dma_wait3A_591, %dma_wait3A_600, %dma_wait3A_601] : memref<5x128x64xf32, #tpu.memory_space<vmem>> -> memref<1x128x64xf32, #tpu.memory_space<vmem>>
    %dma_wait3A_603 = tpu.memref_squeeze %dma_wait3A_602 : memref<1x128x64xf32, #tpu.memory_space<vmem>> -> memref<128x64xf32, #tpu.memory_space<vmem>>
    tpu.wait_dma2 semaphore(%arg17 : memref<!tpu.dma_semaphore, #tpu.memory_space<semaphore_mem>>) src(%dma_wait3A_603 : memref<128x64xf32, #tpu.memory_space<vmem>>) dst(%dma_wait3A_599 : memref<128x64xf32, #tpu.memory_space<hbm>>)
    %dma_wait3A_604 = arith.constant 3 : i32
    %dma_wait3A_605 = arith.constant 0 : i32
    %dma_wait3A_606 = arith.constant 0 : i32
    %dma_wait3A_607 = tpu.memref_slice %arg8[%dma_wait3A_604, %dma_wait3A_605, %dma_wait3A_606] : memref<5x128x64xf32, #tpu.memory_space<vmem>> -> memref<1x128x64xf32, #tpu.memory_space<vmem>>
    %dma_wait3A_608 = tpu.memref_squeeze %dma_wait3A_607 : memref<1x128x64xf32, #tpu.memory_space<vmem>> -> memref<128x64xf32, #tpu.memory_space<vmem>>
    %dma_wait3A_609 = arith.constant 0 : i32
    %dma_wait3A_610 = tpu.memref_slice %arg5[%mul3A_2, %dma_wait3A_609] : memref<819200x64xf32, #tpu.memory_space<hbm>> -> memref<128x64xf32, #tpu.memory_space<hbm>>
    %dma_wait3A_611 = arith.constant 0 : i32
    %dma_wait3A_612 = tpu.memref_slice %arg5[%mul3A_2, %dma_wait3A_611] : memref<819200x64xf32, #tpu.memory_space<hbm>> -> memref<128x64xf32, #tpu.memory_space<hbm>>
    %dma_wait3A_613 = arith.constant 0 : i32
    %dma_wait3A_614 = arith.constant 0 : i32
    %dma_wait3A_615 = tpu.memref_slice %arg8[%dma_wait3A_604, %dma_wait3A_613, %dma_wait3A_614] : memref<5x128x64xf32, #tpu.memory_space<vmem>> -> memref<1x128x64xf32, #tpu.memory_space<vmem>>
    %dma_wait3A_616 = tpu.memref_squeeze %dma_wait3A_615 : memref<1x128x64xf32, #tpu.memory_space<vmem>> -> memref<128x64xf32, #tpu.memory_space<vmem>>
    tpu.wait_dma2 semaphore(%arg18 : memref<!tpu.dma_semaphore, #tpu.memory_space<semaphore_mem>>) src(%dma_wait3A_616 : memref<128x64xf32, #tpu.memory_space<vmem>>) dst(%dma_wait3A_612 : memref<128x64xf32, #tpu.memory_space<hbm>>)
    %dma_wait3A_617 = arith.constant 4 : i32
    %dma_wait3A_618 = arith.constant 0 : i32
    %dma_wait3A_619 = arith.constant 0 : i32
    %dma_wait3A_620 = tpu.memref_slice %arg8[%dma_wait3A_617, %dma_wait3A_618, %dma_wait3A_619] : memref<5x128x64xf32, #tpu.memory_space<vmem>> -> memref<1x128x64xf32, #tpu.memory_space<vmem>>
    %dma_wait3A_621 = tpu.memref_squeeze %dma_wait3A_620 : memref<1x128x64xf32, #tpu.memory_space<vmem>> -> memref<128x64xf32, #tpu.memory_space<vmem>>
    %dma_wait3A_622 = arith.constant 0 : i32
    %dma_wait3A_623 = tpu.memref_slice %arg5[%mul3A_2, %dma_wait3A_622] : memref<819200x64xf32, #tpu.memory_space<hbm>> -> memref<128x64xf32, #tpu.memory_space<hbm>>
    %dma_wait3A_624 = arith.constant 0 : i32
    %dma_wait3A_625 = tpu.memref_slice %arg5[%mul3A_2, %dma_wait3A_624] : memref<819200x64xf32, #tpu.memory_space<hbm>> -> memref<128x64xf32, #tpu.memory_space<hbm>>
    %dma_wait3A_626 = arith.constant 0 : i32
    %dma_wait3A_627 = arith.constant 0 : i32
    %dma_wait3A_628 = tpu.memref_slice %arg8[%dma_wait3A_617, %dma_wait3A_626, %dma_wait3A_627] : memref<5x128x64xf32, #tpu.memory_space<vmem>> -> memref<1x128x64xf32, #tpu.memory_space<vmem>>
    %dma_wait3A_629 = tpu.memref_squeeze %dma_wait3A_628 : memref<1x128x64xf32, #tpu.memory_space<vmem>> -> memref<128x64xf32, #tpu.memory_space<vmem>>
    tpu.wait_dma2 semaphore(%arg19 : memref<!tpu.dma_semaphore, #tpu.memory_space<semaphore_mem>>) src(%dma_wait3A_629 : memref<128x64xf32, #tpu.memory_space<vmem>>) dst(%dma_wait3A_625 : memref<128x64xf32, #tpu.memory_space<hbm>>)
    return
  }
}

</mosaic_0001>

<sc_bundles>
// kernel: _embed.3.cloned.1.call-start
scs
__scs_entry_jumppad:
0x0: {  	(pc) =	sbr.rel $0x88, $3  }
0x1: {  	(tag) =	ssettag $0x0;
	lr =	simm.s32 $0x1  }
0x2: {  	[smem:$0x3F9E] =	sst lr;
	_ =	strace $0xD0000000  }
0x3: {  	_ = 	snop  }
0x4: {  	_ = 	snop  }
0x5: {  	_ = 	snop  }
0x6: {  	_ = 	snop  }
0x7: {  	_ = 	snop  }
__scs_overlays_trampoline_lowered:
0x8: {  	[smem:$0x3FAD] =	sst s0  }
0x9: {  	[smem:$0x3FAE] =	sst s1  }
0xa: {  	[smem:$0x3FAF] =	sst s2  }
0xb: {  	[smem:$0x3FB0] =	sst s3  }
0xc: {  	[smem:$0x3FB1] =	sst s4  }
0xd: {  	[smem:$0x3FB2] =	sst s5  }
0xe: {  	[smem:$0x3FB3] =	sst s6  }
0xf: {  	[smem:$0x3FB4] =	sst s7  }
0x10: {  	[smem:$0x3FB5] =	sst s8  }
0x11: {  	[smem:$0x3FB6] =	sst s9;
	s0 =	simm.s32 @!p0 $0x0  }
0x12: {  	s1 =	sld [smem:$0x3F9C];
	s0 =	simm.s32 @p0 $0x1  }
0x13: {  	[smem:$0x3FB7] =	sst s0;
	s0 =	simm.s32 @!p1 $0x0  }
0x14: {  	s2 =	sld [smem:$0x3F9B];
	s0 =	simm.s32 @p1 $0x1  }
0x15: {  	[smem:$0x3FB8] =	sst s0;
	s0 =	simm.s32 @!p2 $0x0  }
0x16: {  	s3 =	sld [smem:$0x3FDB];
	s0 =	simm.s32 @p2 $0x1  }
0x17: {  	s4 =	simm.s32 $0x1BF5;
	[smem:$0x3FBA] =	sst s0  }
0x18: {  	s0 =	sld [smem:$0x3F9D];
	_ =	swait.ge [sflag:s4], $0x0  }
0x19: {  	s7 =	sld [smem:$0x3F9E]  }
0x1a: {  	s8 =	sadd.s32 $0xFFFFE003, lr  }
0x1b: {  	s9 =	sadd.s32 $0xFFFFFEF7, lr;
	s5 =	simm.s32 $0xFFFFFFFF;
	p2 =	slt.u32 s8, $0xFFFFF086  }
0x1c: {  	p1 =	slt.u32 s9, $0xF7A;
	s5 =	simm.s32 @!p2 $0x0  }
0x1d: {  	s5 =	simm.s32 @p1 $0x1;
	p0 =	seq.s32 s7, s2  }
0x1e: {  	s7 =	smul.u32 @!p0 $0xF7A, s2;
	p2 =	seq.s32 @!p0 s5, $0x0  }
0x1f: {  	s9 =	smul.u32 $0xF7A, s1;
	s8 =	simm.s32 @!p0 $0x1BF5;
	p2 =	por !p2, p0  }
0x20: {  	[sflag:s8] =	ssyncset.s32 @!p0 $0xFFFFF086;
	s6 =	sadd.s32 @!p0 s3, s7;
	s7 =	simm.s32 @!p0 $0x108  }
0x21: {  	s3 =	sadd.s32 s3, s9;
	s6 =	sadd.s32 @!p0 $0x88, s6;
	s7 =	simm.s32 @p2 $0x1082  }
0x22: {  	[simem:s7], [sflag:s8] =	dma.local @!p0 [hbm:s6], $0xF7A  }
0x23: {  	s9 =	sor.u32 $0xD0000000, s2;
	s6 =	simm.s32 $0x108;
	_ =	swait.ge @!p0 [sflag:s8], $0x0  }
0x24: {  	s3 =	sadd.s32 $0x88, s3;
	s6 =	simm.s32 @!p1 $0x1082;
	[sflag:s4] =	ssyncset.s32 $0xFFFFF086  }
0x25: {  	[simem:s6], [sflag:s4] =	dma.local [hbm:s3], $0xF7A  }
0x26: {  	[smem:$0x3F9E] =	sst s1;
	(tag) =	ssettag s2;
	_ =	strace s9  }
0x27: {  	s1 =	sld [smem:$0x3FAE]  }
0x28: {  	s2 =	sld [smem:$0x3FAF]  }
0x29: {  	s4 =	sld [smem:$0x3FB1]  }
0x2a: {  	p0 =	seq.s32 s5, $0x0;
	s5 =	sld [smem:$0x3FB2]  }
0x2b: {  	s6 =	sld [smem:$0x3FB3]  }
0x2c: {  	s7 =	sld [smem:$0x3FB4]  }
0x2d: {  	s3 =	simm.s32 $0x108;
	s8 =	sld [smem:$0x3FB5]  }
0x2e: {  	s3 =	simm.s32 @!p0 $0x1082;
	s9 =	sld [smem:$0x3FB6]  }
0x2f: {  	lr =	sadd.s32 s0, s3;
	s0 =	sld [smem:$0x3FAD]  }
0x30: {  	s3 =	sld [smem:$0x3FB0]  }
0x31: {  	[smem:$0x3FB9] =	sst s10  }
0x32: {  	s10 =	sld [smem:$0x3FB7];
	_ =	sdelay $0x3  }
0x33: {  	p0 =	seq.s32 s10, $0x1;
	s10 =	sld [smem:$0x3FB9];
	_ =	sdelay $0x3  }
0x34: {  	[smem:$0x3FB9] =	sst s10  }
0x35: {  	s10 =	sld [smem:$0x3FB8];
	_ =	sdelay $0x3  }
0x36: {  	p1 =	seq.s32 s10, $0x1;
	s10 =	sld [smem:$0x3FB9];
	_ =	sdelay $0x3  }
0x37: {  	[smem:$0x3FB9] =	sst s10  }
0x38: {  	s10 =	sld [smem:$0x3FBA]  }
0x39: {  	_ = 	snop;
	(pc) =	sbr.ind lr, $3  }
0x3a: {  	_ = 	snop  }
0x3b: {  	_ = 	snop  }
0x3c: {  	p2 =	seq.s32 s10, $0x1;
	s10 =	sld [smem:$0x3FB9]  }
0x3d: {  	_ =	shalt  }
0x3e: {  	_ =	shalt  }
0x3f: {  	_ =	shalt  }
0x40: {  	_ =	shalt  }
0x41: {  	_ =	shalt  }
0x42: {  	_ =	shalt  }
0x43: {  	_ =	shalt  }
0x44: {  	_ =	shalt  }
0x45: {  	_ =	shalt  }
0x46: {  	_ =	shalt  }
0x47: {  	_ =	shalt  }
0x48: {  	_ =	shalt  }
0x49: {  	_ =	shalt  }
0x4a: {  	_ =	shalt  }
0x4b: {  	_ =	shalt  }
0x4c: {  	_ =	shalt  }
0x4d: {  	_ =	shalt  }
0x4e: {  	_ =	shalt  }
0x4f: {  	_ =	shalt  }
0x50: {  	_ =	shalt  }
0x51: {  	_ =	shalt  }
0x52: {  	_ =	shalt  }
0x53: {  	_ =	shalt  }
0x54: {  	_ =	shalt  }
0x55: {  	_ =	shalt  }
0x56: {  	_ =	shalt  }
0x57: {  	_ =	shalt  }
0x58: {  	_ =	shalt  }
0x59: {  	_ =	shalt  }
0x5a: {  	_ =	shalt  }
0x5b: {  	_ =	shalt  }
0x5c: {  	_ =	shalt  }
0x5d: {  	_ =	shalt  }
0x5e: {  	_ =	shalt  }
0x5f: {  	_ =	shalt  }
0x60: {  	_ =	shalt  }
0x61: {  	_ =	shalt  }
0x62: {  	_ =	shalt  }
0x63: {  	_ =	shalt  }
0x64: {  	_ =	shalt  }
0x65: {  	_ =	shalt  }
0x66: {  	_ =	shalt  }
0x67: {  	_ =	shalt  }
0x68: {  	_ =	shalt  }
0x69: {  	_ =	shalt  }
0x6a: {  	_ =	shalt  }
0x6b: {  	_ =	shalt  }
0x6c: {  	_ =	shalt  }
0x6d: {  	_ =	shalt  }
0x6e: {  	_ =	shalt  }
0x6f: {  	_ =	shalt  }
0x70: {  	_ =	shalt  }
0x71: {  	_ =	shalt  }
0x72: {  	_ =	shalt  }
0x73: {  	_ =	shalt  }
0x74: {  	_ =	shalt  }
0x75: {  	_ =	shalt  }
0x76: {  	_ =	shalt  }
0x77: {  	_ =	shalt  }
0x78: {  	_ =	shalt  }
0x79: {  	_ =	shalt  }
0x7a: {  	_ =	shalt  }
0x7b: {  	_ =	shalt  }
0x7c: {  	_ =	shalt  }
0x7d: {  	_ =	shalt  }
0x7e: {  	_ =	shalt  }
0x7f: {  	_ =	shalt  }
0x80: {  	_ =	shalt  }
0x81: {  	_ =	shalt  }
0x82: {  	_ =	shalt  }
0x83: {  	_ =	shalt  }
0x84: {  	_ =	shalt  }
0x85: {  	_ =	shalt  }
0x86: {  	_ =	shalt  }
0x87: {  	_ =	shalt  }
.Lfunc_end0:
.L_simem_size_0:
called_computation.1_lowered:
.L_overlay_start_0:
0x88: {  	s2 =	sld [smem:$0x3FD9]  }
0x89: {  	s3 =	sld [smem:$0x3FFE];
	_ =	sdelay $0x1  }
0x8a: {  	s1 =	srdreg.scid  }
0x8b: {  	s0 =	sand.u32 $0x1, s1  }
0x8c: {  	s17 =	sshll.u32 s0, $0xA;
	s2 =	sadd.s32 s3, s2  }
0x8d: {  	s2 =	sadd.s32 s2, s17  }
0x8e: {  	[smem:$0x3FC5] =	sst s2  }
0x8f: {  	_ = 	snop  }
0x90: {  	s2 =	sld [smem:$0x3FC9]  }
0x91: {  	s18 =	sld [smem:$0x3FD0];
	(tm) =	ssettm $0x1  }
0x92: {  	s4 =	sld [smem:$0x3FFB];
	_ =	sdelay $0x3  }
0x93: {  	_ =	strace s4  }
0x94: {  	s4 =	sld [smem:$0x3FFC];
	_ =	sdelay $0x3  }
0x95: {  	_ =	strace s4  }
0x96: {  	s4 =	sld [smem:$0x3FFD];
	_ =	sdelay $0x3  }
0x97: {  	_ =	strace s4  }
0x98: {  	_ =	strace $0x8FFFFFFF  }
0x99: {  	s19 =	sld [smem:$0x3FDB];
	_ =	sdelay $0x1  }
0x9a: {  	s5 =	simm.s32 $_scs_section_size  }
0x9b: {  	s6 =	simm.s32 $_size__tile_overlayer_lowered;
	s7 =	simm.s32 $_tile_overlayer_lowered  }
0x9c: {  	s22 =	simm.s32 $0x1BFF;
	s21 =	sshll.u32 s7, $0x1;
	s4 =	sadd.s32 s5, s19  }
0x9d: {  	s8 =	simm.s32 $0x0;
	s20 =	sshll.u32 s6, $0x1;
	s6 =	sadd.s32 s21, s4  }
0x9e: {  	[timem:s8], [sflag:s22] =	dma.local [hbm:s6], s20  }
0x9f: {  	_ =	swait.ge [sflag:s22], s20  }
0xa0: {  	s5 =	ssub.s32 $0x0, s20;
	[sflag:s22] =	ssyncset.done $0x0  }
0xa1: {  	[sflag:s22] =	ssyncadd.s32 s5;
	_ =	sdelay $0x1  }
0xa2: {  	s23 =	simm.s32 $0x1B8B  }
0xa3: {  	_ =	swait.ge [sflag:s23], $0x1  }
0xa4: {  	[sflag:s23] =	ssyncset.done $0x0  }
0xa5: {  	s25 =	simm.s32 $0x1B8E;
	s24 =	sld [smem:$0x3FFE];
	[sflag:s23] =	ssyncadd.s32 $0xFFFFFFFF  }
0xa6: {  	s26 =	simm.s32 $execute0_lowered;
	[smem:$0x3FD2] =	sst s25  }
0xa7: {  	s6 =	sshll.u32 s26, $0x1;
	_ =	strace $0x80000046;
	[dreg:$0x1] =	wrdreg $0xFFFFFFFF  }
0xa8: {  	s28 =	simm.s32 $_size_execute0_lowered;
	s4 =	sadd.s32 s4, s6;
	[dreg:$0x0] =	wrdreg $0x0  }
0xa9: {  	s6 =	sshll.u32 s28, $0x1;
	[dreg:$0x2] =	wrdreg s4  }
0xaa: {  	[dreg:$0x3] =	wrdreg s6  }
0xab: {  	[dreg:$0x4] =	wrdreg $0xC0  }
0xac: {  	_ =	task [dreg:s8], $0x5FFFF  }
0xad: {  	[dreg:$0x1] =	wrdreg $0xFFFFFFFF  }
0xae: {  	[dreg:$0x0] =	wrdreg $0x60  }
0xaf: {  	[dreg:$0x2] =	wrdreg s2  }
0xb0: {  	[dreg:$0x3] =	wrdreg s24  }
0xb1: {  	[dreg:$0x4] =	wrdreg s18  }
0xb2: {  	[dreg:$0x5] =	wrdreg $0x9  }
0xb3: {  	_ =	task.clear_ibuf [dreg:s8], $0x6FFFF;
	_ =	strace $0x90000046  }
0xb4: {  	s29 =	simm.s32 $0x9;
	_ =	strace $0x80000048  }
0xb5: {  	_ =	swait.ge [sflag:s29], $0x1  }
0xb6: {  	[sflag:s29] =	ssyncadd.s32 $0xFFFFFFFF  }
0xb7: {  	_ =	strace $0x90000048  }
0xb8: {  	_ =	sfence  }
0xb9: {  	s30 =	sld [smem:$0x0];
	_ =	sdelay $0x2  }
0xba: {  	s31 =	sshll.u32 s1, $0xD;
	s1 =	sshrl.u32 s1, $0x2  }
0xbb: {  	s3 =	sand.u32 $0x4000, s31;
	s1 =	sadd.s32 s1, s30  }
0xbc: {  	s0 =	sor.u32 s3, s0;
	s1 =	sshll.u32 s1, $0x11  }
0xbd: {  	s0 =	sor.u32 s1, s0  }
0xbe: {  	s0 =	sadd.s32 $0x8F2B, s0  }
0xbf: {  	[sflag:s0] =	ssyncadd.remote.s32 $0x1  }
0xc0: {  	_ =	sfence.sel $0xFFFF  }
0xc1: {  	[dreg:$0x0] =	wrdreg $0xFFFFFFFF;
	(pc) =	sbr.abs _section_cstart, $3  }
0xc2: {  	[dreg:$0x1] =	wrdreg $0xFFFFFFFF  }
0xc3: {  	_ =	task.clear_ibuf [dreg:s8], $0x2FFFF;
	_ =	strace $0x9FFFFFFF  }
0xc4: {  	(tm) =	ssettm $0x7FFFFFFF  }
0xc5: {  	_ =	shalt  }
tec
execute0_lowered:
.L_overlay_start_1:
0x0: {  	(tag) =	ssettag $0x1  }
0x1: {  	s0 =	rddreg [dreg:$0x0]  }
0x2: {  	s1 =	rddreg [dreg:$0x1];
	s3 =	srdreg.scid  }
0x3: {  	s5 =	stileid.u32;
	s2 =	rddreg [dreg:$0x2]  }
0x4: {  	s26 =	simm.s32 $0x2;
	s4 =	sand.u32 $0x1, s3;
	s5 =	sshll.u32 s5, $0x1  }
0x5: {  	s30 =	simm.s32 $0x3;
	s3 =	simm.s32 $0x0;
	s5 =	sor.u32 s4, s5  }
0x6: {  	[smem:$0x7FF] =	sst s3;
	s6 =	ssub.s32 $0x2, s4;
	s4 =	smul.u32 $0x6400, s5  }
.Ltmp0:
0x7: {  	_ =	strace $0x80000047;
	s7 =	sshrl.u32 s6, $0x1;
	(pc) =	sbr.rel .LBB2_1-.Ltmp0, $4  }
0x8: {  	s5 =	sadd.s32 $0xF42E00, s1;
	s1 =	sadd.s32 $0xA00, s1;
	s28 =	ssub.s32 s6, s7  }
0x9: {  	[dreg:$0x4] =	wrdreg s1;
	s29 =	sshrl.u32 s4, $0x3;
	s31 =	smax.u32 s28, $0x1  }
0xa: {  	s8 =	simm.s32 $0x0;
	s0 =	sadd.s32 s0, s29;
	[dreg:$0x6] =	wrdreg s31  }
0xb: {  	vm0 =	vmmov $0xffff;
	s7 =	simm.s32 $0x5;
	[dreg:$0x5] =	wrdreg s0;
	s0 =	simm.s32 $0x4  }
.LBB2_30:
0xc: {  	s1 =	simm.s32 $0x6  }
0xd: {  	_ =	swait.ge [sflag:s1], $0x2000  }
0xe: {  	[sflag:s1] =	ssyncset.done $0x0  }
0xf: {  	s25 =	simm.s32 $0x7;
	[sflag:s1] =	ssyncadd.s32 $0xFFFFE000  }
0x10: {  	_ =	swait.ge [sflag:s25], $0x2000  }
0x11: {  	[sflag:s25] =	ssyncset.done $0x0  }
0x12: {  	s28 =	simm.s32 $0x8;
	[sflag:s25] =	ssyncadd.s32 $0xFFFFE000  }
0x13: {  	_ =	swait.ge [sflag:s28], $0x2000  }
0x14: {  	[sflag:s28] =	ssyncset.done $0x0  }
0x15: {  	s29 =	simm.s32 $0x9;
	[sflag:s28] =	ssyncadd.s32 $0xFFFFE000  }
0x16: {  	_ =	swait.ge [sflag:s29], $0x2000  }
0x17: {  	[sflag:s29] =	ssyncset.done $0x0  }
0x18: {  	s6 =	simm.s32 $0xA;
	[sflag:s29] =	ssyncadd.s32 $0xFFFFE000  }
0x19: {  	_ =	swait.ge [sflag:s6], $0x2000  }
0x1a: {  	s8 =	rddreg [dreg:$0x7]  }
0x1b: {  	s31 =	rddreg [dreg:$0x6];
	s8 =	sadd.s32 $0x1, s8  }
0x1c: {  	p0 =	sne.s32 s8, s31  }
.Ltmp1:
0x1d: {  	_ = 	snop;
	(pc) =	sbr.rel @!p0 .LBB2_31-.Ltmp1, $3  }
0x1e: {  	_ =	sdelay $0x1  }
0x1f: {  	[sflag:s6] =	ssyncset.done $0x0  }
0x20: {  	[sflag:s6] =	ssyncadd.s32 $0xFFFFE000  }
.LBB2_1:
0x21: {  	[dreg:$0x7] =	wrdreg s8  }
0x22: {  	s1 =	rddreg [dreg:$0x5];
	s6 =	simm.s32 $0xB  }
0x23: {  	[tilespmem:s3], [sflag:$0xB] =	stream.linear.gather [hbm4b:s1+s3], $0x6400, $0x38;
	[tilespmem:$0x1F400] =	vst v63  }
0x24: {  	_ =	swait.ge [sflag:s6], $0x6400  }
0x25: {  	[sflag:s6] =	ssyncset.done $0x0  }
0x26: {  	s10 =	simm.s32 $0x1A400;
	s9 =	rddreg [dreg:$0x4];
	[sflag:s6] =	ssyncadd.s32 $0xFFFF9C00  }
0x27: {  	[tilespmem:s10], [sflag:$0xB] =	stream.linear.gather [hbm4b:s9+s3], $0x5000, $0x38;
	[tilespmem:$0x1F400] =	vst v63  }
0x28: {  	_ =	swait.ge [sflag:s6], $0x5000  }
0x29: {  	[sflag:s6] =	ssyncset.done $0x0  }
0x2a: {  	[sflag:s6] =	ssyncadd.s32 $0xFFFFB000  }
0x2b: {  	v0 =	vld [tilespmem:$0x0];
	_ =	sdelay $0x6  }
0x2c: {  	s11 =	simm.s32 $0x6400  }
0x2d: {  	[tilespmem:s11], [sflag:$0x1] =	stream.indirect_vreg.gather [hbm4b:s5+s3], $0x40, v0, vm0, $0xb8;
	[tilespmem:$0x1F400] =	vst v63  }
0x2e: {  	v0 =	vld [tilespmem:$0x10];
	_ =	sdelay $0x6  }
0x2f: {  	s12 =	simm.s32 $0x6800  }
0x30: {  	[tilespmem:s12], [sflag:$0x1] =	stream.indirect_vreg.gather [hbm4b:s5+s3], $0x40, v0, vm0, $0xb8;
	[tilespmem:$0x1F400] =	vst v63  }
0x31: {  	v0 =	vld [tilespmem:$0x20];
	_ =	sdelay $0x6  }
0x32: {  	s13 =	simm.s32 $0x6C00  }
0x33: {  	[tilespmem:s13], [sflag:$0x1] =	stream.indirect_vreg.gather [hbm4b:s5+s3], $0x40, v0, vm0, $0xb8;
	[tilespmem:$0x1F400] =	vst v63  }
0x34: {  	v0 =	vld [tilespmem:$0x30];
	_ =	sdelay $0x6  }
0x35: {  	s14 =	simm.s32 $0x7000  }
0x36: {  	[tilespmem:s14], [sflag:$0x1] =	stream.indirect_vreg.gather [hbm4b:s5+s3], $0x40, v0, vm0, $0xb8;
	[tilespmem:$0x1F400] =	vst v63  }
0x37: {  	v0 =	vld [tilespmem:$0x40];
	_ =	sdelay $0x6  }
0x38: {  	s15 =	simm.s32 $0x7400  }
0x39: {  	[tilespmem:s15], [sflag:$0x1] =	stream.indirect_vreg.gather [hbm4b:s5+s3], $0x40, v0, vm0, $0xb8;
	[tilespmem:$0x1F400] =	vst v63  }
0x3a: {  	v0 =	vld [tilespmem:$0x50];
	_ =	sdelay $0x6  }
0x3b: {  	s16 =	simm.s32 $0x7800  }
0x3c: {  	[tilespmem:s16], [sflag:$0x1] =	stream.indirect_vreg.gather [hbm4b:s5+s3], $0x40, v0, vm0, $0xb8;
	[tilespmem:$0x1F400] =	vst v63  }
0x3d: {  	v0 =	vld [tilespmem:$0x60];
	_ =	sdelay $0x6  }
0x3e: {  	s17 =	simm.s32 $0x7C00  }
0x3f: {  	[tilespmem:s17], [sflag:$0x1] =	stream.indirect_vreg.gather [hbm4b:s5+s3], $0x40, v0, vm0, $0xb8;
	[tilespmem:$0x1F400] =	vst v63  }
0x40: {  	v0 =	vld [tilespmem:$0x70];
	_ =	sdelay $0x6  }
0x41: {  	s18 =	simm.s32 $0x8000  }
0x42: {  	[tilespmem:s18], [sflag:$0x1] =	stream.indirect_vreg.gather [hbm4b:s5+s3], $0x40, v0, vm0, $0xb8;
	[tilespmem:$0x1F400] =	vst v63  }
0x43: {  	v0 =	vld [tilespmem:$0x80];
	_ =	sdelay $0x6  }
0x44: {  	s19 =	simm.s32 $0x8400  }
0x45: {  	[tilespmem:s19], [sflag:$0x2] =	stream.indirect_vreg.gather [hbm4b:s5+s3], $0x40, v0, vm0, $0xb8;
	[tilespmem:$0x1F400] =	vst v63  }
0x46: {  	v0 =	vld [tilespmem:$0x90];
	_ =	sdelay $0x6  }
0x47: {  	s20 =	simm.s32 $0x8800  }
0x48: {  	[tilespmem:s20], [sflag:$0x2] =	stream.indirect_vreg.gather [hbm4b:s5+s3], $0x40, v0, vm0, $0xb8;
	[tilespmem:$0x1F400] =	vst v63  }
0x49: {  	v0 =	vld [tilespmem:$0xA0];
	_ =	sdelay $0x6  }
0x4a: {  	s21 =	simm.s32 $0x8C00  }
0x4b: {  	[tilespmem:s21], [sflag:$0x2] =	stream.indirect_vreg.gather [hbm4b:s5+s3], $0x40, v0, vm0, $0xb8;
	[tilespmem:$0x1F400] =	vst v63  }
0x4c: {  	v0 =	vld [tilespmem:$0xB0];
	_ =	sdelay $0x6  }
0x4d: {  	s22 =	simm.s32 $0x9000  }
0x4e: {  	[tilespmem:s22], [sflag:$0x2] =	stream.indirect_vreg.gather [hbm4b:s5+s3], $0x40, v0, vm0, $0xb8;
	[tilespmem:$0x1F400] =	vst v63  }
0x4f: {  	v0 =	vld [tilespmem:$0xC0];
	_ =	sdelay $0x6  }
0x50: {  	s23 =	simm.s32 $0x9400  }
0x51: {  	[tilespmem:s23], [sflag:$0x2] =	stream.indirect_vreg.gather [hbm4b:s5+s3], $0x40, v0, vm0, $0xb8;
	[tilespmem:$0x1F400] =	vst v63  }
0x52: {  	v0 =	vld [tilespmem:$0xD0];
	_ =	sdelay $0x6  }
0x53: {  	s24 =	simm.s32 $0x9800  }
0x54: {  	[tilespmem:s24], [sflag:$0x2] =	stream.indirect_vreg.gather [hbm4b:s5+s3], $0x40, v0, vm0, $0xb8;
	[tilespmem:$0x1F400] =	vst v63  }
0x55: {  	v0 =	vld [tilespmem:$0xE0];
	_ =	sdelay $0x6  }
0x56: {  	s25 =	simm.s32 $0x9C00  }
0x57: {  	[tilespmem:s25], [sflag:$0x2] =	stream.indirect_vreg.gather [hbm4b:s5+s3], $0x40, v0, vm0, $0xb8;
	[tilespmem:$0x1F400] =	vst v63  }
0x58: {  	v0 =	vld [tilespmem:$0xF0];
	_ =	sdelay $0x6  }
0x59: {  	s28 =	simm.s32 $0xA000  }
0x5a: {  	[tilespmem:s28], [sflag:$0x2] =	stream.indirect_vreg.gather [hbm4b:s5+s3], $0x40, v0, vm0, $0xb8;
	[tilespmem:$0x1F400] =	vst v63  }
0x5b: {  	v0 =	vld [tilespmem:$0x100];
	_ =	sdelay $0x6  }
0x5c: {  	s29 =	simm.s32 $0xA400  }
0x5d: {  	[tilespmem:s29], [sflag:$0x3] =	stream.indirect_vreg.gather [hbm4b:s5+s3], $0x40, v0, vm0, $0xb8;
	[tilespmem:$0x1F400] =	vst v63  }
0x5e: {  	v0 =	vld [tilespmem:$0x110];
	_ =	sdelay $0x6  }
0x5f: {  	s31 =	simm.s32 $0xA800  }
0x60: {  	[tilespmem:s31], [sflag:$0x3] =	stream.indirect_vreg.gather [hbm4b:s5+s3], $0x40, v0, vm0, $0xb8;
	[tilespmem:$0x1F400] =	vst v63  }
0x61: {  	v0 =	vld [tilespmem:$0x120];
	_ =	sdelay $0x6  }
0x62: {  	s6 =	simm.s32 $0xAC00  }
0x63: {  	[tilespmem:s6], [sflag:$0x3] =	stream.indirect_vreg.gather [hbm4b:s5+s3], $0x40, v0, vm0, $0xb8;
	[tilespmem:$0x1F400] =	vst v63  }
0x64: {  	v0 =	vld [tilespmem:$0x130];
	_ =	sdelay $0x6  }
0x65: {  	s8 =	simm.s32 $0xB000  }
0x66: {  	[tilespmem:s8], [sflag:$0x3] =	stream.indirect_vreg.gather [hbm4b:s5+s3], $0x40, v0, vm0, $0xb8;
	[tilespmem:$0x1F400] =	vst v63  }
0x67: {  	v0 =	vld [tilespmem:$0x140];
	_ =	sdelay $0x6  }
0x68: {  	s9 =	simm.s32 $0xB400  }
0x69: {  	[tilespmem:s9], [sflag:$0x3] =	stream.indirect_vreg.gather [hbm4b:s5+s3], $0x40, v0, vm0, $0xb8;
	[tilespmem:$0x1F400] =	vst v63  }
0x6a: {  	v0 =	vld [tilespmem:$0x150];
	_ =	sdelay $0x6  }
0x6b: {  	s10 =	simm.s32 $0xB800  }
0x6c: {  	[tilespmem:s10], [sflag:$0x3] =	stream.indirect_vreg.gather [hbm4b:s5+s3], $0x40, v0, vm0, $0xb8;
	[tilespmem:$0x1F400] =	vst v63  }
0x6d: {  	v0 =	vld [tilespmem:$0x160];
	_ =	sdelay $0x6  }
0x6e: {  	s11 =	simm.s32 $0xBC00  }
0x6f: {  	[tilespmem:s11], [sflag:$0x3] =	stream.indirect_vreg.gather [hbm4b:s5+s3], $0x40, v0, vm0, $0xb8;
	[tilespmem:$0x1F400] =	vst v63  }
0x70: {  	v0 =	vld [tilespmem:$0x170];
	_ =	sdelay $0x6  }
0x71: {  	s12 =	simm.s32 $0xC000  }
0x72: {  	[tilespmem:s12], [sflag:$0x3] =	stream.indirect_vreg.gather [hbm4b:s5+s3], $0x40, v0, vm0, $0xb8;
	[tilespmem:$0x1F400] =	vst v63  }
0x73: {  	v0 =	vld [tilespmem:$0x180];
	_ =	sdelay $0x6  }
0x74: {  	s13 =	simm.s32 $0xC400  }
0x75: {  	[tilespmem:s13], [sflag:$0x4] =	stream.indirect_vreg.gather [hbm4b:s5+s3], $0x40, v0, vm0, $0xb8;
	[tilespmem:$0x1F400] =	vst v63  }
0x76: {  	v0 =	vld [tilespmem:$0x190];
	_ =	sdelay $0x6  }
0x77: {  	s14 =	simm.s32 $0xC800  }
0x78: {  	[tilespmem:s14], [sflag:$0x4] =	stream.indirect_vreg.gather [hbm4b:s5+s3], $0x40, v0, vm0, $0xb8;
	[tilespmem:$0x1F400] =	vst v63  }
0x79: {  	v0 =	vld [tilespmem:$0x1A0];
	_ =	sdelay $0x6  }
0x7a: {  	s15 =	simm.s32 $0xCC00  }
0x7b: {  	[tilespmem:s15], [sflag:$0x4] =	stream.indirect_vreg.gather [hbm4b:s5+s3], $0x40, v0, vm0, $0xb8;
	[tilespmem:$0x1F400] =	vst v63  }
0x7c: {  	v0 =	vld [tilespmem:$0x1B0];
	_ =	sdelay $0x6  }
0x7d: {  	s16 =	simm.s32 $0xD000  }
0x7e: {  	[tilespmem:s16], [sflag:$0x4] =	stream.indirect_vreg.gather [hbm4b:s5+s3], $0x40, v0, vm0, $0xb8;
	[tilespmem:$0x1F400] =	vst v63  }
0x7f: {  	v0 =	vld [tilespmem:$0x1C0];
	_ =	sdelay $0x6  }
0x80: {  	s17 =	simm.s32 $0xD400  }
0x81: {  	[tilespmem:s17], [sflag:$0x4] =	stream.indirect_vreg.gather [hbm4b:s5+s3], $0x40, v0, vm0, $0xb8;
	[tilespmem:$0x1F400] =	vst v63  }
0x82: {  	v0 =	vld [tilespmem:$0x1D0];
	_ =	sdelay $0x6  }
0x83: {  	s18 =	simm.s32 $0xD800  }
0x84: {  	[tilespmem:s18], [sflag:$0x4] =	stream.indirect_vreg.gather [hbm4b:s5+s3], $0x40, v0, vm0, $0xb8;
	[tilespmem:$0x1F400] =	vst v63  }
0x85: {  	v0 =	vld [tilespmem:$0x1E0];
	_ =	sdelay $0x6  }
0x86: {  	s19 =	simm.s32 $0xDC00  }
0x87: {  	[tilespmem:s19], [sflag:$0x4] =	stream.indirect_vreg.gather [hbm4b:s5+s3], $0x40, v0, vm0, $0xb8;
	[tilespmem:$0x1F400] =	vst v63  }
0x88: {  	v0 =	vld [tilespmem:$0x1F0];
	_ =	sdelay $0x6  }
0x89: {  	s20 =	simm.s32 $0xE000  }
0x8a: {  	[tilespmem:s20], [sflag:$0x4] =	stream.indirect_vreg.gather [hbm4b:s5+s3], $0x40, v0, vm0, $0xb8;
	[tilespmem:$0x1F400] =	vst v63  }
0x8b: {  	v0 =	vld [tilespmem:$0x200];
	_ =	sdelay $0x6  }
0x8c: {  	s21 =	simm.s32 $0xE400  }
0x8d: {  	[tilespmem:s21], [sflag:$0x5] =	stream.indirect_vreg.gather [hbm4b:s5+s3], $0x40, v0, vm0, $0xb8;
	[tilespmem:$0x1F400] =	vst v63  }
0x8e: {  	v0 =	vld [tilespmem:$0x210];
	_ =	sdelay $0x6  }
0x8f: {  	s22 =	simm.s32 $0xE800  }
0x90: {  	[tilespmem:s22], [sflag:$0x5] =	stream.indirect_vreg.gather [hbm4b:s5+s3], $0x40, v0, vm0, $0xb8;
	[tilespmem:$0x1F400] =	vst v63  }
0x91: {  	v0 =	vld [tilespmem:$0x220];
	_ =	sdelay $0x6  }
0x92: {  	s23 =	simm.s32 $0xEC00  }
0x93: {  	[tilespmem:s23], [sflag:$0x5] =	stream.indirect_vreg.gather [hbm4b:s5+s3], $0x40, v0, vm0, $0xb8;
	[tilespmem:$0x1F400] =	vst v63  }
0x94: {  	v0 =	vld [tilespmem:$0x230];
	_ =	sdelay $0x6  }
0x95: {  	s24 =	simm.s32 $0xF000  }
0x96: {  	[tilespmem:s24], [sflag:$0x5] =	stream.indirect_vreg.gather [hbm4b:s5+s3], $0x40, v0, vm0, $0xb8;
	[tilespmem:$0x1F400] =	vst v63  }
0x97: {  	v0 =	vld [tilespmem:$0x240];
	_ =	sdelay $0x6  }
0x98: {  	s25 =	simm.s32 $0xF400  }
0x99: {  	[tilespmem:s25], [sflag:$0x5] =	stream.indirect_vreg.gather [hbm4b:s5+s3], $0x40, v0, vm0, $0xb8;
	[tilespmem:$0x1F400] =	vst v63  }
0x9a: {  	v0 =	vld [tilespmem:$0x250];
	_ =	sdelay $0x6  }
0x9b: {  	s28 =	simm.s32 $0xF800  }
0x9c: {  	[tilespmem:s28], [sflag:$0x5] =	stream.indirect_vreg.gather [hbm4b:s5+s3], $0x40, v0, vm0, $0xb8;
	[tilespmem:$0x1F400] =	vst v63  }
0x9d: {  	v0 =	vld [tilespmem:$0x260];
	_ =	sdelay $0x6  }
0x9e: {  	s29 =	simm.s32 $0xFC00  }
0x9f: {  	[tilespmem:s29], [sflag:$0x5] =	stream.indirect_vreg.gather [hbm4b:s5+s3], $0x40, v0, vm0, $0xb8;
	[tilespmem:$0x1F400] =	vst v63  }
0xa0: {  	v0 =	vld [tilespmem:$0x270];
	_ =	sdelay $0x3  }
0xa1: {  	s31 =	simm.s32 $0x10000;
	s11 =	simm.s32 $0x1A4F0;
	s12 =	simm.s32 $0x1C4F0  }
0xa2: {  	s13 =	simm.s32 $0x80;
	s14 =	simm.s32 $0x1E400;
	s15 =	simm.s32 $0x100  }
0xa3: {  	s16 =	simm.s32 $0x20400;
	s17 =	simm.s32 $0x180;
	s18 =	simm.s32 $0x22400  }
0xa4: {  	s19 =	simm.s32 $0x200;
	s20 =	simm.s32 $0x0;
	s21 =	simm.s32 $0x0  }
0xa5: {  	[tilespmem:s31], [sflag:$0x5] =	stream.indirect_vreg.gather [hbm4b:s5+s3], $0x40, v0, vm0, $0xb8;
	[tilespmem:$0x1F400] =	vst v63  }
.LBB2_2:
0xa6: {  	s6 =	simm.s32 $0x1  }
0xa7: {  	s1 =	smulhi.u32 $0x51EB851F, s20;
	_ =	swait.ge [sflag:s6], $0x2000  }
0xa8: {  	p0 =	seq.s32 s21, $0x0;
	[sflag:s6] =	ssyncset.done $0x0  }
0xa9: {  	s1 =	sshrl.u32 s1, $0x6;
	[sflag:s6] =	ssyncadd.s32 $0xFFFFE000;
	s6 =	simm.s32 @!p0 $0x6  }
0xaa: {  	s1 =	smul.u32 $0xFFFF3800, s1;
	_ =	swait.ge @!p0 [sflag:s6], $0x2000  }
0xab: {  	[sflag:s6] =	ssyncset.done @!p0 $0x0  }
0xac: {  	s1 =	sshra.s32 s1, $0x2;
	[sflag:s6] =	ssyncadd.s32 @!p0 $0xFFFFE000;
	s6 =	simm.s32 $0x6480  }
0xad: {  	s28 =	sadd.s32 s1, s11;
	v0 =	vld [tilespmem:s6+$0x40]  }
0xae: {  	v1 =	vld [tilespmem:s28+$0xFFFFFFD0]  }
0xaf: {  	v2 =	vld [tilespmem:s28+$0xFFFFFF10]  }
0xb0: {  	v3 =	vld [tilespmem:s6+$0xFFFFFFC0]  }
0xb1: {  	v4 =	vld [tilespmem:s28+$0xFFFFFF50]  }
0xb2: {  	v5 =	vld [tilespmem:s6+$0x0]  }
0xb3: {  	v6 =	vld [tilespmem:s28+$0xFFFFFF90];
	v0 =	vadd.f32 v1, v0  }
0xb4: {  	s9 =	simm.s32 $0x10480;
	v1 =	vld [tilespmem:s6+$0xFFFFFF80]  }
0xb5: {  	[tilespmem:s9+$0x40] =	vst v0  }
0xb6: {  	v0 =	vadd.f32 v4, v3;
	v3 =	vld [tilespmem:s6+$0x50]  }
0xb7: {  	v4 =	vld [tilespmem:s28+$0xFFFFFFE0]  }
0xb8: {  	[tilespmem:s9+$0xFFFFFFC0] =	vst v0;
	v0 =	vadd.f32 v6, v5  }
0xb9: {  	v1 =	vadd.f32 v2, v1;
	v2 =	vld [tilespmem:s6+$0xFFFFFFD0]  }
0xba: {  	v5 =	vld [tilespmem:s28+$0xFFFFFF60];
	[tilespmem:s9+$0x0] =	vst v0  }
0xbb: {  	[tilespmem:s9+$0xFFFFFF80] =	vst v1;
	v0 =	vld [tilespmem:s6+$0x10]  }
0xbc: {  	v1 =	vld [tilespmem:s6+$0xFFFFFF90];
	v3 =	vadd.f32 v4, v3  }
0xbd: {  	v4 =	vld [tilespmem:s28+$0xFFFFFF20]  }
0xbe: {  	v6 =	vld [tilespmem:s28+$0xFFFFFFA0];
	[tilespmem:s9+$0x50] =	vst v3  }
0xbf: {  	v2 =	vadd.f32 v5, v2;
	v3 =	vld [tilespmem:s6+$0x60]  }
0xc0: {  	v5 =	vld [tilespmem:s28+$0xFFFFFFF0]  }
0xc1: {  	s25 =	smulhi.u32 $0x51EB851F, s19;
	[tilespmem:s9+$0xFFFFFFD0] =	vst v2  }
0xc2: {  	s8 =	smulhi.u32 $0x51EB851F, s17;
	v1 =	vadd.f32 v4, v1;
	v2 =	vld [tilespmem:s6+$0xFFFFFFE0]  }
0xc3: {  	s10 =	smulhi.u32 $0x51EB851F, s15;
	v4 =	vld [tilespmem:s28+$0xFFFFFF70]  }
0xc4: {  	s22 =	smulhi.u32 $0x51EB851F, s13;
	s8 =	sshrl.u32 s8, $0x6;
	v0 =	vadd.f32 v6, v0;
	[tilespmem:s9+$0xFFFFFF90] =	vst v1  }
0xc5: {  	s10 =	sshrl.u32 s10, $0x6;
	s8 =	smul.u32 $0xFFFF3800, s8;
	v6 =	vld [tilespmem:s6+$0xFFFFFFA0];
	v1 =	vadd.f32 v5, v3  }
0xc6: {  	s22 =	sshrl.u32 s22, $0x6;
	s10 =	smul.u32 $0xFFFF3800, s10;
	[tilespmem:s9+$0x10] =	vst v0;
	v5 =	vld [tilespmem:s28+$0xFFFFFF30]  }
0xc7: {  	s22 =	smul.u32 $0xFFFF3800, s22;
	v0 =	vld [tilespmem:s6+$0x20];
	[tilespmem:s9+$0x60] =	vst v1  }
0xc8: {  	s31 =	simm.s32 $0x10480;
	s8 =	sshra.s32 s8, $0x2;
	s1 =	sshrl.u32 s25, $0x6;
	v3 =	vadd.f32 v4, v2;
	v1 =	vld [tilespmem:s6+$0x70]  }
0xc9: {  	s10 =	sshra.s32 s10, $0x2;
	s24 =	sshra.s32 s22, $0x2;
	s1 =	smul.u32 $0xFFFF3800, s1;
	v2 =	vld [tilespmem:s28+$0x0]  }
0xca: {  	s22 =	smul.u32 $0x280, s21;
	s25 =	sadd.s32 s8, s16;
	s29 =	sadd.s32 s10, s14;
	v4 =	vld [tilespmem:s28+$0xFFFFFFB0];
	[tilespmem:s9+$0xFFFFFFE0] =	vst v3  }
0xcb: {  	s8 =	simm.s32 $0x0;
	s10 =	smov.u32 s28;
	s1 =	sshra.s32 s1, $0x2;
	v3 =	vld [tilespmem:s6+$0xFFFFFFF0];
	v6 =	vadd.f32 v5, v6  }
0xcc: {  	s23 =	sadd.s32 s1, s18;
	s1 =	sadd.s32 s24, s12;
	s24 =	simm.s32 $0x6580;
	v5 =	vld [tilespmem:s28+$0xFFFFFF80]  }
.LBB2_3:
0xcd: {  	v7 =	vld [tilespmem:s24+$0x40];
	[tilespmem:s9+$0xFFFFFFA0] =	vst v6;
	s28 =	sadd.s32 $0x100, s28  }
0xce: {  	v6 =	vld [tilespmem:s28+$0xFFFFFFD0];
	v1 =	vadd.f32 v2, v1  }
0xcf: {  	v2 =	vld [tilespmem:s28+$0xFFFFFF10];
	v0 =	vadd.f32 v4, v0  }
0xd0: {  	v4 =	vld [tilespmem:s24+$0xFFFFFFC0];
	[tilespmem:s9+$0x70] =	vst v1  }
0xd1: {  	s8 =	sadd.s32 $0x4, s8;
	v1 =	vld [tilespmem:s28+$0xFFFFFF50];
	v3 =	vadd.f32 v5, v3;
	[tilespmem:s9+$0x20] =	vst v0  }
0xd2: {  	p1 =	slt.u32 s8, $0x7C;
	v0 =	vld [tilespmem:s24+$0x0]  }
0xd3: {  	v5 =	vld [tilespmem:s28+$0xFFFFFF90];
	v6 =	vadd.f32 v6, v7;
	[tilespmem:s9+$0xFFFFFFF0] =	vst v3  }
0xd4: {  	s9 =	sadd.s32 $0x100, s9;
	v3 =	vld [tilespmem:s24+$0xFFFFFF80]  }
0xd5: {  	[tilespmem:s9+$0x40] =	vst v6;
	v6 =	vld [tilespmem:s6+$0xFFFFFFB0]  }
0xd6: {  	v1 =	vadd.f32 v1, v4;
	v4 =	vld [tilespmem:s24+$0x50]  }
0xd7: {  	v7 =	vld [tilespmem:s28+$0xFFFFFFE0]  }
0xd8: {  	[tilespmem:s9+$0xFFFFFFC0] =	vst v1;
	v0 =	vadd.f32 v5, v0;
	v1 =	vld [tilespmem:s10+$0xFFFFFF40]  }
0xd9: {  	v2 =	vadd.f32 v2, v3;
	v3 =	vld [tilespmem:s24+$0xFFFFFFD0]  }
0xda: {  	v5 =	vld [tilespmem:s28+$0xFFFFFF60];
	[tilespmem:s9+$0x0] =	vst v0  }
0xdb: {  	[tilespmem:s9+$0xFFFFFF80] =	vst v2;
	v0 =	vld [tilespmem:s24+$0x10]  }
0xdc: {  	v2 =	vld [tilespmem:s24+$0xFFFFFF90];
	v4 =	vadd.f32 v7, v4  }
0xdd: {  	v7 =	vld [tilespmem:s28+$0xFFFFFF20];
	v1 =	vadd.f32 v1, v6  }
0xde: {  	v6 =	vld [tilespmem:s28+$0xFFFFFFA0];
	[tilespmem:s9+$0x50] =	vst v4  }
0xdf: {  	v3 =	vadd.f32 v5, v3;
	v4 =	vld [tilespmem:s24+$0x60];
	[tilespmem:s31+$0xFFFFFFB0] =	vst v1  }
0xe0: {  	v1 =	vld [tilespmem:s28+$0xFFFFFFF0]  }
0xe1: {  	[tilespmem:s9+$0xFFFFFFD0] =	vst v3;
	v3 =	vld [tilespmem:s6+$0x30];
	s6 =	smov.u32 s24  }
0xe2: {  	v2 =	vadd.f32 v7, v2;
	v5 =	vld [tilespmem:s24+$0xFFFFFFE0]  }
0xe3: {  	v7 =	vld [tilespmem:s28+$0xFFFFFF70];
	v0 =	vadd.f32 v6, v0  }
0xe4: {  	[tilespmem:s9+$0xFFFFFF90] =	vst v2;
	v6 =	vld [tilespmem:s10+$0xFFFFFFC0];
	s10 =	smov.u32 s28  }
0xe5: {  	v8 =	vld [tilespmem:s24+$0xFFFFFFA0];
	[tilespmem:s9+$0x10] =	vst v0;
	v1 =	vadd.f32 v1, v4  }
0xe6: {  	v9 =	vld [tilespmem:s28+$0xFFFFFF30]  }
0xe7: {  	v0 =	vld [tilespmem:s24+$0x20];
	[tilespmem:s9+$0x60] =	vst v1  }
.Ltmp2:
0xe8: {  	v4 =	vadd.f32 v7, v5;
	v1 =	vld [tilespmem:s24+$0x70];
	(pc) =	sbr.rel @p1 .LBB2_3-.Ltmp2, $4  }
0xe9: {  	v2 =	vld [tilespmem:s28+$0x0];
	v5 =	vadd.f32 v6, v3  }
0xea: {  	[tilespmem:s9+$0xFFFFFFE0] =	vst v4;
	v4 =	vld [tilespmem:s28+$0xFFFFFFB0]  }
0xeb: {  	v6 =	vadd.f32 v9, v8;
	v3 =	vld [tilespmem:s24+$0xFFFFFFF0];
	[tilespmem:s31+$0x30] =	vst v5;
	s31 =	smov.u32 s9  }
0xec: {  	s24 =	sadd.s32 $0x100, s24;
	v5 =	vld [tilespmem:s28+$0xFFFFFF80]  }
0xed: {  	_ =	sdelay $0x1  }
0xee: {  	[tilespmem:s9+$0xFFFFFFA0] =	vst v6;
	v0 =	vadd.f32 v4, v0  }
0xef: {  	v59 =	vld [tilespmem:s6+$0xFFFFFFB0]  }
0xf0: {  	v60 =	vld [tilespmem:s10+$0xFFFFFF40];
	[tilespmem:s9+$0x20] =	vst v0  }
0xf1: {  	v61 =	vld [tilespmem:s6+$0x30]  }
0xf2: {  	v7 =	vld [tilespmem:s10+$0xFFFFFFC0];
	_ =	sdelay $0x1  }
0xf3: {  	v1 =	vadd.f32 v2, v1  }
0xf4: {  	p1 =	sne.s32 s21, $0x27;
	v62 =	vadd.f32 v5, v3  }
.Ltmp3:
0xf5: {  	[tilespmem:s9+$0x70] =	vst v1;
	v0 =	vadd.f32 v60, v59;
	(pc) =	sbr.rel @p1 .LBB2_6-.Ltmp3, $4  }
0xf6: {  	s28 =	sadd.s32 s4, s22;
	[tilespmem:s9+$0xFFFFFFF0] =	vst v62;
	v63 =	vadd.f32 v7, v61  }
0xf7: {  	s6 =	sshll.u32 s28, $0x3;
	[tilespmem:s31+$0xFFFFFFB0] =	vst v0  }
0xf8: {  	s8 =	simm.s32 $0x10400;
	s6 =	sadd.s32 s2, s6;
	[tilespmem:s31+$0x30] =	vst v63  }
0xf9: {  	[hbm4b:s6+s3] =	stream.linear.scatter [tilespmem:s8], [sflag:$0x6], $0x2000, $0x38;
	[tilespmem:$0x1F400] =	vst v63  }
.Ltmp4:
0xfa: {  	(pc) =	sbr.rel .LBB2_7-.Ltmp4, $4  }
0xfb: {  	_ = 	snop  }
0xfc: {  	_ =	swait.ge [sflag:s26], $0x2000  }
0xfd: {  	[sflag:s26] =	ssyncset.done $0x0  }
0xfe: {  	[sflag:s26] =	ssyncadd.s32 $0xFFFFE000  }
.LBB2_6:
0xff: {  	v0 =	vld [tilespmem:s22+$0x280];
	_ =	sdelay $0x6  }
0x100: {  	s6 =	simm.s32 $0x6400  }
0x101: {  	[tilespmem:s6], [sflag:$0x1] =	stream.indirect_vreg.gather [hbm4b:s5+s3], $0x40, v0, vm0, $0xb8;
	[tilespmem:$0x1F400] =	vst v63  }
0x102: {  	v0 =	vld [tilespmem:s22+$0x290];
	_ =	sdelay $0x6  }
0x103: {  	s31 =	simm.s32 $0x6800  }
0x104: {  	[tilespmem:s31], [sflag:$0x1] =	stream.indirect_vreg.gather [hbm4b:s5+s3], $0x40, v0, vm0, $0xb8;
	[tilespmem:$0x1F400] =	vst v63  }
0x105: {  	v0 =	vld [tilespmem:s22+$0x2A0];
	_ =	sdelay $0x6  }
0x106: {  	s8 =	simm.s32 $0x6C00  }
0x107: {  	[tilespmem:s8], [sflag:$0x1] =	stream.indirect_vreg.gather [hbm4b:s5+s3], $0x40, v0, vm0, $0xb8;
	[tilespmem:$0x1F400] =	vst v63  }
0x108: {  	v0 =	vld [tilespmem:s22+$0x2B0];
	_ =	sdelay $0x6  }
0x109: {  	s9 =	simm.s32 $0x7000  }
0x10a: {  	[tilespmem:s9], [sflag:$0x1] =	stream.indirect_vreg.gather [hbm4b:s5+s3], $0x40, v0, vm0, $0xb8;
	[tilespmem:$0x1F400] =	vst v63  }
0x10b: {  	v0 =	vld [tilespmem:s22+$0x2C0];
	_ =	sdelay $0x6  }
0x10c: {  	s10 =	simm.s32 $0x7400  }
0x10d: {  	[tilespmem:s10], [sflag:$0x1] =	stream.indirect_vreg.gather [hbm4b:s5+s3], $0x40, v0, vm0, $0xb8;
	[tilespmem:$0x1F400] =	vst v63  }
0x10e: {  	v0 =	vld [tilespmem:s22+$0x2D0];
	_ =	sdelay $0x6  }
0x10f: {  	s24 =	simm.s32 $0x7800  }
0x110: {  	[tilespmem:s24], [sflag:$0x1] =	stream.indirect_vreg.gather [hbm4b:s5+s3], $0x40, v0, vm0, $0xb8;
	[tilespmem:$0x1F400] =	vst v63  }
0x111: {  	v0 =	vld [tilespmem:s22+$0x2E0];
	_ =	sdelay $0x6  }
0x112: {  	s28 =	simm.s32 $0x7C00  }
0x113: {  	[tilespmem:s28], [sflag:$0x1] =	stream.indirect_vreg.gather [hbm4b:s5+s3], $0x40, v0, vm0, $0xb8;
	[tilespmem:$0x1F400] =	vst v63  }
0x114: {  	v0 =	vld [tilespmem:s22+$0x2F0];
	_ =	sdelay $0x6  }
.Ltmp5:
0x115: {  	s31 =	simm.s32 $0x8000;
	(pc) =	sbr.rel @p0 .LBB2_8-.Ltmp5, $4  }
0x116: {  	[tilespmem:s31], [sflag:$0x1] =	stream.indirect_vreg.gather [hbm4b:s5+s3], $0x40, v0, vm0, $0xb8;
	[tilespmem:$0x1F400] =	vst v63  }
0x117: {  	_ =	swait.ge [sflag:s26], $0x2000  }
0x118: {  	[sflag:s26] =	ssyncset.done $0x0  }
0x119: {  	[sflag:s26] =	ssyncadd.s32 $0xFFFFE000  }
.LBB2_7:
0x11a: {  	s6 =	simm.s32 $0x7  }
0x11b: {  	_ =	swait.ge [sflag:s6], $0x2000  }
0x11c: {  	[sflag:s6] =	ssyncset.done $0x0  }
0x11d: {  	[sflag:s6] =	ssyncadd.s32 $0xFFFFE000  }
.LBB2_8:
0x11e: {  	s6 =	simm.s32 $0x84F0;
	v1 =	vld [tilespmem:s1+$0xFFFFFFD0]  }
0x11f: {  	v0 =	vld [tilespmem:s6+$0xFFFFFFD0]  }
0x120: {  	v2 =	vld [tilespmem:s1+$0xFFFFFF10]  }
0x121: {  	v4 =	vld [tilespmem:s1+$0xFFFFFF50]  }
0x122: {  	v3 =	vld [tilespmem:s6+$0xFFFFFF50]  }
0x123: {  	v6 =	vld [tilespmem:s1+$0xFFFFFF90]  }
0x124: {  	v5 =	vld [tilespmem:s6+$0xFFFFFF90];
	v0 =	vadd.f32 v1, v0  }
0x125: {  	s9 =	simm.s32 $0x124F0;
	v1 =	vld [tilespmem:s6+$0xFFFFFF10]  }
0x126: {  	[tilespmem:s9+$0xFFFFFFD0] =	vst v0  }
0x127: {  	v0 =	vadd.f32 v4, v3;
	v3 =	vld [tilespmem:s6+$0xFFFFFFE0]  }
0x128: {  	v4 =	vld [tilespmem:s1+$0xFFFFFFE0]  }
0x129: {  	[tilespmem:s9+$0xFFFFFF50] =	vst v0;
	v0 =	vadd.f32 v6, v5  }
0x12a: {  	v1 =	vadd.f32 v2, v1;
	v2 =	vld [tilespmem:s6+$0xFFFFFF60]  }
0x12b: {  	v5 =	vld [tilespmem:s1+$0xFFFFFF60];
	[tilespmem:s9+$0xFFFFFF90] =	vst v0  }
0x12c: {  	[tilespmem:s9+$0xFFFFFF10] =	vst v1;
	v0 =	vld [tilespmem:s6+$0xFFFFFFA0]  }
0x12d: {  	v1 =	vld [tilespmem:s6+$0xFFFFFF20];
	v3 =	vadd.f32 v4, v3  }
0x12e: {  	v4 =	vld [tilespmem:s1+$0xFFFFFF20]  }
0x12f: {  	v6 =	vld [tilespmem:s1+$0xFFFFFFA0];
	[tilespmem:s9+$0xFFFFFFE0] =	vst v3  }
0x130: {  	v2 =	vadd.f32 v5, v2;
	v3 =	vld [tilespmem:s6+$0xFFFFFFF0]  }
0x131: {  	v5 =	vld [tilespmem:s1+$0xFFFFFFF0]  }
0x132: {  	[tilespmem:s9+$0xFFFFFF60] =	vst v2  }
0x133: {  	v1 =	vadd.f32 v4, v1;
	v2 =	vld [tilespmem:s6+$0xFFFFFF70]  }
0x134: {  	v4 =	vld [tilespmem:s1+$0xFFFFFF70]  }
0x135: {  	v0 =	vadd.f32 v6, v0;
	[tilespmem:s9+$0xFFFFFF20] =	vst v1  }
0x136: {  	v6 =	vld [tilespmem:s6+$0xFFFFFF30];
	v1 =	vadd.f32 v5, v3  }
0x137: {  	[tilespmem:s9+$0xFFFFFFA0] =	vst v0;
	v7 =	vld [tilespmem:s1+$0xFFFFFF30]  }
0x138: {  	v0 =	vld [tilespmem:s6+$0xFFFFFFB0];
	[tilespmem:s9+$0xFFFFFFF0] =	vst v1  }
0x139: {  	v3 =	vadd.f32 v4, v2;
	v1 =	vld [tilespmem:s6+$0x0]  }
0x13a: {  	v2 =	vld [tilespmem:s1+$0x0]  }
0x13b: {  	v5 =	vld [tilespmem:s1+$0xFFFFFFB0];
	[tilespmem:s9+$0xFFFFFF70] =	vst v3  }
0x13c: {  	s28 =	sadd.s32 $0x80, s22;
	s8 =	simm.s32 $0x0;
	v3 =	vld [tilespmem:s6+$0xFFFFFF80];
	v6 =	vadd.f32 v7, v6  }
0x13d: {  	s24 =	simm.s32 $0x85F0;
	s10 =	smov.u32 s1;
	s31 =	simm.s32 $0x124F0;
	v4 =	vld [tilespmem:s1+$0xFFFFFF80]  }
.LBB2_9:
0x13e: {  	v7 =	vld [tilespmem:s24+$0xFFFFFFD0];
	[tilespmem:s9+$0xFFFFFF30] =	vst v6;
	s1 =	sadd.s32 $0x100, s1  }
0x13f: {  	v6 =	vld [tilespmem:s1+$0xFFFFFFD0];
	v1 =	vadd.f32 v2, v1  }
0x140: {  	v2 =	vld [tilespmem:s1+$0xFFFFFF10];
	v0 =	vadd.f32 v5, v0  }
0x141: {  	v5 =	vld [tilespmem:s24+$0xFFFFFF50];
	[tilespmem:s9+$0x0] =	vst v1  }
0x142: {  	s8 =	sadd.s32 $0x4, s8;
	v1 =	vld [tilespmem:s1+$0xFFFFFF50];
	v3 =	vadd.f32 v4, v3;
	[tilespmem:s9+$0xFFFFFFB0] =	vst v0  }
0x143: {  	p2 =	slt.u32 s8, $0x7C;
	v0 =	vld [tilespmem:s24+$0xFFFFFF90]  }
0x144: {  	v4 =	vld [tilespmem:s1+$0xFFFFFF90];
	v6 =	vadd.f32 v6, v7;
	[tilespmem:s9+$0xFFFFFF80] =	vst v3  }
0x145: {  	s9 =	sadd.s32 $0x100, s9;
	v3 =	vld [tilespmem:s24+$0xFFFFFF10]  }
0x146: {  	[tilespmem:s9+$0xFFFFFFD0] =	vst v6;
	v6 =	vld [tilespmem:s6+$0xFFFFFF40]  }
0x147: {  	v1 =	vadd.f32 v1, v5;
	v5 =	vld [tilespmem:s24+$0xFFFFFFE0]  }
0x148: {  	v7 =	vld [tilespmem:s1+$0xFFFFFFE0]  }
0x149: {  	[tilespmem:s9+$0xFFFFFF50] =	vst v1;
	v0 =	vadd.f32 v4, v0;
	v1 =	vld [tilespmem:s10+$0xFFFFFF40]  }
0x14a: {  	v2 =	vadd.f32 v2, v3;
	v3 =	vld [tilespmem:s24+$0xFFFFFF60]  }
0x14b: {  	v4 =	vld [tilespmem:s1+$0xFFFFFF60];
	[tilespmem:s9+$0xFFFFFF90] =	vst v0  }
0x14c: {  	[tilespmem:s9+$0xFFFFFF10] =	vst v2;
	v0 =	vld [tilespmem:s24+$0xFFFFFFA0]  }
0x14d: {  	v2 =	vld [tilespmem:s24+$0xFFFFFF20];
	v5 =	vadd.f32 v7, v5  }
0x14e: {  	v7 =	vld [tilespmem:s1+$0xFFFFFF20];
	v1 =	vadd.f32 v1, v6  }
0x14f: {  	v6 =	vld [tilespmem:s1+$0xFFFFFFA0];
	[tilespmem:s9+$0xFFFFFFE0] =	vst v5  }
0x150: {  	v3 =	vadd.f32 v4, v3;
	v4 =	vld [tilespmem:s24+$0xFFFFFFF0];
	[tilespmem:s31+$0xFFFFFF40] =	vst v1  }
0x151: {  	v1 =	vld [tilespmem:s1+$0xFFFFFFF0]  }
0x152: {  	[tilespmem:s9+$0xFFFFFF60] =	vst v3;
	v3 =	vld [tilespmem:s6+$0xFFFFFFC0];
	s6 =	smov.u32 s24  }
0x153: {  	v2 =	vadd.f32 v7, v2;
	v5 =	vld [tilespmem:s24+$0xFFFFFF70]  }
0x154: {  	v7 =	vld [tilespmem:s1+$0xFFFFFF70];
	v0 =	vadd.f32 v6, v0  }
0x155: {  	[tilespmem:s9+$0xFFFFFF20] =	vst v2;
	v6 =	vld [tilespmem:s10+$0xFFFFFFC0];
	s10 =	smov.u32 s1  }
0x156: {  	v8 =	vld [tilespmem:s24+$0xFFFFFF30];
	[tilespmem:s9+$0xFFFFFFA0] =	vst v0;
	v1 =	vadd.f32 v1, v4  }
0x157: {  	v4 =	vld [tilespmem:s1+$0xFFFFFF30]  }
0x158: {  	v0 =	vld [tilespmem:s24+$0xFFFFFFB0];
	[tilespmem:s9+$0xFFFFFFF0] =	vst v1  }
.Ltmp6:
0x159: {  	v5 =	vadd.f32 v7, v5;
	v1 =	vld [tilespmem:s24+$0x0];
	(pc) =	sbr.rel @p2 .LBB2_9-.Ltmp6, $4  }
0x15a: {  	v2 =	vld [tilespmem:s1+$0x0];
	v7 =	vadd.f32 v6, v3  }
0x15b: {  	[tilespmem:s9+$0xFFFFFF70] =	vst v5;
	v5 =	vld [tilespmem:s1+$0xFFFFFFB0]  }
0x15c: {  	v6 =	vadd.f32 v4, v8;
	v3 =	vld [tilespmem:s24+$0xFFFFFF80];
	[tilespmem:s31+$0xFFFFFFC0] =	vst v7;
	s31 =	smov.u32 s9  }
0x15d: {  	s24 =	sadd.s32 $0x100, s24;
	v4 =	vld [tilespmem:s1+$0xFFFFFF80]  }
0x15e: {  	_ =	sdelay $0x1  }
0x15f: {  	[tilespmem:s9+$0xFFFFFF30] =	vst v6;
	v0 =	vadd.f32 v5, v0  }
0x160: {  	v59 =	vld [tilespmem:s6+$0xFFFFFF40]  }
0x161: {  	v60 =	vld [tilespmem:s10+$0xFFFFFF40];
	[tilespmem:s9+$0xFFFFFFB0] =	vst v0  }
0x162: {  	v61 =	vld [tilespmem:s6+$0xFFFFFFC0]  }
0x163: {  	v7 =	vld [tilespmem:s10+$0xFFFFFFC0];
	_ =	sdelay $0x1  }
0x164: {  	v1 =	vadd.f32 v2, v1  }
0x165: {  	v62 =	vadd.f32 v4, v3  }
.Ltmp7:
0x166: {  	s1 =	sadd.s32 s4, s28;
	[tilespmem:s9+$0x0] =	vst v1;
	v0 =	vadd.f32 v60, v59;
	(pc) =	sbr.rel @p1 .LBB2_12-.Ltmp7, $4  }
0x167: {  	s1 =	sshll.u32 s1, $0x3;
	[tilespmem:s9+$0xFFFFFF80] =	vst v62;
	v63 =	vadd.f32 v7, v61  }
0x168: {  	s1 =	sand.u32 $0x1FFFFC00, s1;
	[tilespmem:s31+$0xFFFFFF40] =	vst v0  }
0x169: {  	s1 =	sadd.s32 s2, s1;
	[tilespmem:s31+$0xFFFFFFC0] =	vst v63;
	s31 =	simm.s32 $0x12400  }
0x16a: {  	[hbm4b:s1+s3] =	stream.linear.scatter [tilespmem:s31], [sflag:$0x7], $0x2000, $0x38;
	[tilespmem:$0x1F400] =	vst v63  }
.Ltmp8:
0x16b: {  	(pc) =	sbr.rel .LBB2_13-.Ltmp8, $4  }
0x16c: {  	_ = 	snop  }
0x16d: {  	_ =	swait.ge [sflag:s30], $0x2000  }
0x16e: {  	[sflag:s30] =	ssyncset.done $0x0  }
0x16f: {  	[sflag:s30] =	ssyncadd.s32 $0xFFFFE000  }
.LBB2_12:
0x170: {  	v0 =	vld [tilespmem:s22+$0x300];
	_ =	sdelay $0x6  }
0x171: {  	s1 =	simm.s32 $0x8400  }
0x172: {  	[tilespmem:s1], [sflag:$0x2] =	stream.indirect_vreg.gather [hbm4b:s5+s3], $0x40, v0, vm0, $0xb8;
	[tilespmem:$0x1F400] =	vst v63  }
0x173: {  	v0 =	vld [tilespmem:s22+$0x310];
	_ =	sdelay $0x6  }
0x174: {  	s6 =	simm.s32 $0x8800  }
0x175: {  	[tilespmem:s6], [sflag:$0x2] =	stream.indirect_vreg.gather [hbm4b:s5+s3], $0x40, v0, vm0, $0xb8;
	[tilespmem:$0x1F400] =	vst v63  }
0x176: {  	v0 =	vld [tilespmem:s22+$0x320];
	_ =	sdelay $0x6  }
0x177: {  	s8 =	simm.s32 $0x8C00  }
0x178: {  	[tilespmem:s8], [sflag:$0x2] =	stream.indirect_vreg.gather [hbm4b:s5+s3], $0x40, v0, vm0, $0xb8;
	[tilespmem:$0x1F400] =	vst v63  }
0x179: {  	v0 =	vld [tilespmem:s22+$0x330];
	_ =	sdelay $0x6  }
0x17a: {  	s9 =	simm.s32 $0x9000  }
0x17b: {  	[tilespmem:s9], [sflag:$0x2] =	stream.indirect_vreg.gather [hbm4b:s5+s3], $0x40, v0, vm0, $0xb8;
	[tilespmem:$0x1F400] =	vst v63  }
0x17c: {  	v0 =	vld [tilespmem:s22+$0x340];
	_ =	sdelay $0x6  }
0x17d: {  	s10 =	simm.s32 $0x9400  }
0x17e: {  	[tilespmem:s10], [sflag:$0x2] =	stream.indirect_vreg.gather [hbm4b:s5+s3], $0x40, v0, vm0, $0xb8;
	[tilespmem:$0x1F400] =	vst v63  }
0x17f: {  	v0 =	vld [tilespmem:s22+$0x350];
	_ =	sdelay $0x6  }
0x180: {  	s24 =	simm.s32 $0x9800  }
0x181: {  	[tilespmem:s24], [sflag:$0x2] =	stream.indirect_vreg.gather [hbm4b:s5+s3], $0x40, v0, vm0, $0xb8;
	[tilespmem:$0x1F400] =	vst v63  }
0x182: {  	v0 =	vld [tilespmem:s22+$0x360];
	_ =	sdelay $0x6  }
0x183: {  	s28 =	simm.s32 $0x9C00  }
0x184: {  	[tilespmem:s28], [sflag:$0x2] =	stream.indirect_vreg.gather [hbm4b:s5+s3], $0x40, v0, vm0, $0xb8;
	[tilespmem:$0x1F400] =	vst v63  }
0x185: {  	v0 =	vld [tilespmem:s22+$0x370];
	_ =	sdelay $0x6  }
.Ltmp9:
0x186: {  	s31 =	simm.s32 $0xA000;
	(pc) =	sbr.rel @p0 .LBB2_14-.Ltmp9, $4  }
0x187: {  	[tilespmem:s31], [sflag:$0x2] =	stream.indirect_vreg.gather [hbm4b:s5+s3], $0x40, v0, vm0, $0xb8;
	[tilespmem:$0x1F400] =	vst v63  }
0x188: {  	_ =	swait.ge [sflag:s30], $0x2000  }
0x189: {  	[sflag:s30] =	ssyncset.done $0x0  }
0x18a: {  	[sflag:s30] =	ssyncadd.s32 $0xFFFFE000  }
.LBB2_13:
0x18b: {  	s1 =	simm.s32 $0x8  }
0x18c: {  	_ =	swait.ge [sflag:s1], $0x2000  }
0x18d: {  	[sflag:s1] =	ssyncset.done $0x0  }
0x18e: {  	[sflag:s1] =	ssyncadd.s32 $0xFFFFE000  }
.LBB2_14:
0x18f: {  	s1 =	simm.s32 $0x0  }
0x190: {  	v2 =	vld [tilespmem:s1+$0xA4C0]  }
0x191: {  	v6 =	vld [tilespmem:s1+$0xA400]  }
0x192: {  	v7 =	vld [tilespmem:s1+$0xA480]  }
0x193: {  	v8 =	vld [tilespmem:s1+$0xA4D0]  }
0x194: {  	v0 =	vmov s29;
	s29 =	simm.s32 $0x100;
	v9 =	vld [tilespmem:s1+$0xA410]  }
0x195: {  	v12 =	vld [tilespmem:s29+$0xA4C0]  }
0x196: {  	v16 =	vld [tilespmem:s29+$0xA400]  }
0x197: {  	v17 =	vld [tilespmem:s29+$0xA440]  }
0x198: {  	v54 =	vld [tilespmem:s29+$0xA480]  }
0x199: {  	v18 =	vld [tilespmem:s29+$0xA410]  }
0x19a: {  	v55 =	vld [tilespmem:s29+$0xA4D0]  }
0x19b: {  	v56 =	vld [tilespmem:s29+$0xA450]  }
0x19c: {  	v57 =	vld [tilespmem:s29+$0xA490]  }
0x19d: {  	v59 =	vld [tilespmem:s29+$0xA420]  }
0x19e: {  	v60 =	vld [tilespmem:s29+$0xA4E0]  }
0x19f: {  	v61 =	vld [tilespmem:s29+$0xA4A0]  }
0x1a0: {  	v1 =	vld.idx.msk [tilespmem:v0+s1+$0xC0 ss:$0x1], $0xffff  }
0x1a1: {  	v3 =	vld.idx.msk [tilespmem:v0+s1+$0x0 ss:$0x1], $0xffff  }
0x1a2: {  	v4 =	vld.idx.msk [tilespmem:v0+s1+$0x40 ss:$0x1], $0xffff  }
0x1a3: {  	v5 =	vld.idx.msk [tilespmem:v0+s1+$0x80 ss:$0x1], $0xffff  }
0x1a4: {  	v11 =	vld.idx.msk [tilespmem:v0+s29+$0xC0 ss:$0x1], $0xffff  }
0x1a5: {  	v13 =	vld.idx.msk [tilespmem:v0+s29+$0x0 ss:$0x1], $0xffff  }
0x1a6: {  	v14 =	vld.idx.msk [tilespmem:v0+s29+$0x40 ss:$0x1], $0xffff  }
0x1a7: {  	v15 =	vld.idx.msk [tilespmem:v0+s29+$0x80 ss:$0x1], $0xffff;
	v3 =	vadd.f32 v3, v6  }
0x1a8: {  	v1 =	vadd.f32 v1, v2;
	v2 =	vld [tilespmem:s1+$0xA440]  }
0x1a9: {  	[tilespmem:s1+$0x14400] =	vst v3;
	v3 =	vadd.f32 v5, v7;
	v5 =	vld [tilespmem:s1+$0xA490]  }
0x1aa: {  	v11 =	vadd.f32 v11, v12;
	[tilespmem:s1+$0x144C0] =	vst v1;
	v7 =	vld [tilespmem:s1+$0xA4E0]  }
0x1ab: {  	v13 =	vadd.f32 v13, v16;
	v1 =	vld.idx.msk [tilespmem:v0+s1+$0xD0 ss:$0x1], $0xffff  }
0x1ac: {  	v14 =	vadd.f32 v14, v17;
	[tilespmem:s29+$0x144C0] =	vst v11;
	v6 =	vld.idx.msk [tilespmem:v0+s1+$0x10 ss:$0x1], $0xffff  }
0x1ad: {  	v12 =	vadd.f32 v15, v54;
	[tilespmem:s29+$0x14400] =	vst v13;
	v11 =	vld.idx.msk [tilespmem:v0+s29+$0xD0 ss:$0x1], $0xffff  }
0x1ae: {  	[tilespmem:s29+$0x14440] =	vst v14;
	v58 =	vld.idx.msk [tilespmem:v0+s29+$0x10 ss:$0x1], $0xffff  }
0x1af: {  	[tilespmem:s29+$0x14480] =	vst v12;
	v14 =	vld.idx.msk [tilespmem:v0+s29+$0x50 ss:$0x1], $0xffff  }
0x1b0: {  	v12 =	vld.idx.msk [tilespmem:v0+s29+$0x90 ss:$0x1], $0xffff;
	v2 =	vadd.f32 v4, v2  }
0x1b1: {  	[tilespmem:s1+$0x14480] =	vst v3;
	v4 =	vld [tilespmem:s1+$0xA450]  }
0x1b2: {  	v3 =	vld.idx.msk [tilespmem:v0+s1+$0x90 ss:$0x1], $0xffff;
	[tilespmem:s1+$0x14440] =	vst v2  }
0x1b3: {  	v1 =	vadd.f32 v1, v8;
	v2 =	vld.idx.msk [tilespmem:v0+s1+$0x50 ss:$0x1], $0xffff  }
0x1b4: {  	v8 =	vld [tilespmem:s1+$0xA420]  }
0x1b5: {  	v6 =	vadd.f32 v6, v9;
	v9 =	vld [tilespmem:s1+$0xA460];
	[tilespmem:s1+$0x144D0] =	vst v1  }
0x1b6: {  	v1 =	vld.idx.msk [tilespmem:v0+s1+$0xE0 ss:$0x1], $0xffff  }
0x1b7: {  	v11 =	vadd.f32 v11, v55;
	[tilespmem:s1+$0x14410] =	vst v6;
	v6 =	vld [tilespmem:s1+$0xA430]  }
0x1b8: {  	v3 =	vadd.f32 v3, v5;
	v5 =	vld.idx.msk [tilespmem:v0+s1+$0x20 ss:$0x1], $0xffff  }
0x1b9: {  	[tilespmem:s29+$0x144D0] =	vst v11;
	v11 =	vld [tilespmem:s29+$0xA460];
	v2 =	vadd.f32 v2, v4  }
0x1ba: {  	[tilespmem:s1+$0x14490] =	vst v3;
	v4 =	vld [tilespmem:s1+$0xA4A0]  }
0x1bb: {  	v3 =	vld.idx.msk [tilespmem:v0+s1+$0xA0 ss:$0x1], $0xffff;
	[tilespmem:s1+$0x14450] =	vst v2;
	v1 =	vadd.f32 v1, v7  }
0x1bc: {  	v2 =	vld.idx.msk [tilespmem:v0+s1+$0x60 ss:$0x1], $0xffff  }
0x1bd: {  	[tilespmem:s1+$0x144E0] =	vst v1;
	v1 =	vadd.f32 v5, v8;
	v5 =	vld [tilespmem:s1+$0xA4F0]  }
0x1be: {  	v8 =	vld [tilespmem:s1+$0xA470]  }
0x1bf: {  	v7 =	vld.idx.msk [tilespmem:v0+s1+$0xF0 ss:$0x1], $0xffff  }
0x1c0: {  	v3 =	vadd.f32 v3, v4;
	[tilespmem:s1+$0x14420] =	vst v1;
	v1 =	vld [tilespmem:s1+$0xA4B0]  }
0x1c1: {  	v2 =	vadd.f32 v2, v9;
	v9 =	vld.idx.msk [tilespmem:v0+s29+$0xE0 ss:$0x1], $0xffff  }
0x1c2: {  	v15 =	vadd.f32 v58, v18;
	[tilespmem:s1+$0x144A0] =	vst v3;
	v10 =	vld.idx.msk [tilespmem:v0+s1+$0x30 ss:$0x1], $0xffff  }
0x1c3: {  	v4 =	vld.idx.msk [tilespmem:v0+s1+$0xB0 ss:$0x1], $0xffff;
	[tilespmem:s1+$0x14460] =	vst v2;
	v2 =	vadd.f32 v14, v56  }
0x1c4: {  	v12 =	vadd.f32 v12, v57;
	[tilespmem:s29+$0x14410] =	vst v15;
	v62 =	vld.idx.msk [tilespmem:v0+s1+$0x70 ss:$0x1], $0xffff  }
0x1c5: {  	[tilespmem:s29+$0x14450] =	vst v2;
	v2 =	vld.idx.msk [tilespmem:v0+s29+$0x20 ss:$0x1], $0xffff  }
0x1c6: {  	[tilespmem:s29+$0x14490] =	vst v12;
	v63 =	vld.idx.msk [tilespmem:v0+s29+$0x60 ss:$0x1], $0xffff;
	v3 =	vadd.f32 v9, v60  }
0x1c7: {  	v9 =	vld.idx.msk [tilespmem:v0+s29+$0xA0 ss:$0x1], $0xffff;
	v6 =	vadd.f32 v10, v6  }
0x1c8: {  	v5 =	vadd.f32 v7, v5;
	[tilespmem:s29+$0x144E0] =	vst v3;
	v3 =	vld [tilespmem:s29+$0xA430]  }
0x1c9: {  	[tilespmem:s1+$0x14430] =	vst v6;
	v6 =	vld [tilespmem:s29+$0xA4F0];
	v7 =	vadd.f32 v62, v8  }
0x1ca: {  	[tilespmem:s1+$0x144F0] =	vst v5;
	v5 =	vld.idx.msk [tilespmem:v0+s29+$0xF0 ss:$0x1], $0xffff;
	v10 =	vadd.f32 v2, v59  }
0x1cb: {  	v2 =	vld [tilespmem:s29+$0xA470];
	[tilespmem:s1+$0x14470] =	vst v7;
	v8 =	vadd.f32 v63, v11  }
0x1cc: {  	s6 =	sadd.s32 $0x100, s22;
	s8 =	simm.s32 $0x4;
	s9 =	simm.s32 $0x800;
	v9 =	vadd.f32 v9, v61;
	v7 =	vld [tilespmem:s29+$0xA4B0];
	[tilespmem:s29+$0x14420] =	vst v10  }
.LBB2_15:
0x1cd: {  	s10 =	sshra.s32 s9, $0x2;
	s8 =	sadd.s32 $0x4, s8;
	v10 =	vld.idx.msk [tilespmem:v0+s29+$0x30 ss:$0x1], $0xffff;
	[tilespmem:s29+$0x14460] =	vst v8;
	v1 =	vadd.f32 v4, v1  }
0x1ce: {  	v4 =	vld.idx.msk [tilespmem:v0+s10+$0xC0 ss:$0x1], $0xffff;
	p2 =	slt.u32 s8, $0x7C;
	[tilespmem:s29+$0x144A0] =	vst v9  }
0x1cf: {  	v8 =	vld [tilespmem:s10+$0xA4C0];
	v5 =	vadd.f32 v5, v6;
	[tilespmem:s1+$0x144B0] =	vst v1;
	s1 =	smov.u32 s29;
	s29 =	smov.u32 s10  }
0x1d0: {  	v6 =	vld.idx.msk [tilespmem:v0+s29+$0x0 ss:$0x1], $0xffff  }
0x1d1: {  	v9 =	vld.idx.msk [tilespmem:v0+s29+$0x40 ss:$0x1], $0xffff;
	[tilespmem:s1+$0x144F0] =	vst v5;
	v1 =	vmov v7  }
0x1d2: {  	v5 =	vld.idx.msk [tilespmem:v0+s29+$0x80 ss:$0x1], $0xffff  }
0x1d3: {  	v3 =	vadd.f32 v10, v3;
	v7 =	vld [tilespmem:s29+$0xA400]  }
0x1d4: {  	v10 =	vld [tilespmem:s29+$0xA440];
	v4 =	vadd.f32 v4, v8  }
0x1d5: {  	v8 =	vld [tilespmem:s29+$0xA480];
	[tilespmem:s1+$0x14430] =	vst v3  }
0x1d6: {  	v3 =	vld [tilespmem:s29+$0xA410];
	[tilespmem:s29+$0x144C0] =	vst v4  }
0x1d7: {  	v4 =	vld.idx.msk [tilespmem:v0+s29+$0xD0 ss:$0x1], $0xffff  }
0x1d8: {  	v6 =	vadd.f32 v6, v7;
	v7 =	vld [tilespmem:s29+$0xA4D0]  }
0x1d9: {  	v9 =	vadd.f32 v9, v10;
	v10 =	vld [tilespmem:s29+$0xA450]  }
0x1da: {  	[tilespmem:s29+$0x14400] =	vst v6;
	v5 =	vadd.f32 v5, v8;
	v6 =	vld [tilespmem:s29+$0xA490]  }
0x1db: {  	v8 =	vld.idx.msk [tilespmem:v0+s29+$0x10 ss:$0x1], $0xffff;
	[tilespmem:s29+$0x14440] =	vst v9  }
0x1dc: {  	v9 =	vld.idx.msk [tilespmem:v0+s29+$0x50 ss:$0x1], $0xffff;
	[tilespmem:s29+$0x14480] =	vst v5  }
0x1dd: {  	v5 =	vld.idx.msk [tilespmem:v0+s29+$0x90 ss:$0x1], $0xffff;
	v4 =	vadd.f32 v4, v7  }
0x1de: {  	v7 =	vld [tilespmem:s29+$0xA420]  }
0x1df: {  	v11 =	vld [tilespmem:s29+$0xA460];
	[tilespmem:s29+$0x144D0] =	vst v4  }
0x1e0: {  	v4 =	vld.idx.msk [tilespmem:v0+s29+$0xE0 ss:$0x1], $0xffff  }
0x1e1: {  	v3 =	vadd.f32 v8, v3;
	v8 =	vld [tilespmem:s29+$0xA4E0]  }
0x1e2: {  	v9 =	vadd.f32 v9, v10;
	v10 =	vld [tilespmem:s29+$0xA4A0]  }
0x1e3: {  	[tilespmem:s29+$0x14410] =	vst v3;
	v3 =	vadd.f32 v5, v6;
	v6 =	vld.idx.msk [tilespmem:v0+s1+$0x70 ss:$0x1], $0xffff  }
0x1e4: {  	v12 =	vld.idx.msk [tilespmem:v0+s29+$0x20 ss:$0x1], $0xffff;
	[tilespmem:s29+$0x14450] =	vst v9  }
0x1e5: {  	v9 =	vld.idx.msk [tilespmem:v0+s29+$0x60 ss:$0x1], $0xffff;
	[tilespmem:s29+$0x14490] =	vst v3  }
0x1e6: {  	v13 =	vld.idx.msk [tilespmem:v0+s29+$0xA0 ss:$0x1], $0xffff;
	v5 =	vadd.f32 v4, v8  }
0x1e7: {  	v4 =	vld.idx.msk [tilespmem:v0+s1+$0xB0 ss:$0x1], $0xffff  }
.Ltmp10:
0x1e8: {  	v3 =	vld [tilespmem:s29+$0xA430];
	[tilespmem:s29+$0x144E0] =	vst v5;
	(pc) =	sbr.rel @p2 .LBB2_15-.Ltmp10, $4  }
0x1e9: {  	v14 =	vadd.f32 v6, v2;
	v5 =	vld.idx.msk [tilespmem:v0+s29+$0xF0 ss:$0x1], $0xffff  }
0x1ea: {  	v7 =	vadd.f32 v12, v7;
	v6 =	vld [tilespmem:s29+$0xA4F0]  }
0x1eb: {  	v8 =	vadd.f32 v9, v11;
	v2 =	vld [tilespmem:s29+$0xA470];
	[tilespmem:s1+$0x14470] =	vst v14  }
0x1ec: {  	s9 =	sadd.s32 $0x400, s9;
	v9 =	vadd.f32 v13, v10;
	[tilespmem:s29+$0x14420] =	vst v7;
	v7 =	vld [tilespmem:s29+$0xA4B0]  }
0x1ed: {  	_ =	sdelay $0x3  }
0x1ee: {  	v10 =	vld.idx.msk [tilespmem:v0+s29+$0x30 ss:$0x1], $0xffff;
	[tilespmem:s29+$0x14460] =	vst v8  }
0x1ef: {  	[tilespmem:s29+$0x144A0] =	vst v9;
	v8 =	vld.idx.msk [tilespmem:v0+s29+$0x70 ss:$0x1], $0xffff  }
0x1f0: {  	v61 =	vld.idx.msk [tilespmem:v0+s29+$0xB0 ss:$0x1], $0xffff  }
0x1f1: {  	v1 =	vadd.f32 v4, v1  }
0x1f2: {  	v62 =	vadd.f32 v5, v6  }
0x1f3: {  	[tilespmem:s1+$0x144B0] =	vst v1;
	v63 =	vadd.f32 v10, v3  }
.Ltmp11:
0x1f4: {  	s28 =	sadd.s32 s4, s6;
	[tilespmem:s29+$0x144F0] =	vst v62;
	v2 =	vadd.f32 v8, v2;
	(pc) =	sbr.rel @p1 .LBB2_18-.Ltmp11, $4  }
0x1f5: {  	s1 =	sshll.u32 s28, $0x3;
	[tilespmem:s29+$0x14430] =	vst v63;
	v0 =	vadd.f32 v61, v7  }
0x1f6: {  	s1 =	sand.u32 $0x1FFFFC00, s1;
	[tilespmem:s29+$0x14470] =	vst v2  }
0x1f7: {  	s31 =	simm.s32 $0x14400;
	s1 =	sadd.s32 s2, s1;
	[tilespmem:s29+$0x144B0] =	vst v0  }
0x1f8: {  	[hbm4b:s1+s3] =	stream.linear.scatter [tilespmem:s31], [sflag:$0x8], $0x2000, $0x38;
	[tilespmem:$0x1F400] =	vst v63  }
.Ltmp12:
0x1f9: {  	(pc) =	sbr.rel .LBB2_19-.Ltmp12, $4  }
0x1fa: {  	_ = 	snop  }
0x1fb: {  	_ =	swait.ge [sflag:s0], $0x2000  }
0x1fc: {  	[sflag:s0] =	ssyncset.done $0x0  }
0x1fd: {  	[sflag:s0] =	ssyncadd.s32 $0xFFFFE000  }
.LBB2_18:
0x1fe: {  	v0 =	vld [tilespmem:s22+$0x380];
	_ =	sdelay $0x6  }
0x1ff: {  	s1 =	simm.s32 $0xA400  }
0x200: {  	[tilespmem:s1], [sflag:$0x3] =	stream.indirect_vreg.gather [hbm4b:s5+s3], $0x40, v0, vm0, $0xb8;
	[tilespmem:$0x1F400] =	vst v63  }
0x201: {  	v0 =	vld [tilespmem:s22+$0x390];
	_ =	sdelay $0x6  }
0x202: {  	s8 =	simm.s32 $0xA800  }
0x203: {  	[tilespmem:s8], [sflag:$0x3] =	stream.indirect_vreg.gather [hbm4b:s5+s3], $0x40, v0, vm0, $0xb8;
	[tilespmem:$0x1F400] =	vst v63  }
0x204: {  	v0 =	vld [tilespmem:s22+$0x3A0];
	_ =	sdelay $0x6  }
0x205: {  	s9 =	simm.s32 $0xAC00  }
0x206: {  	[tilespmem:s9], [sflag:$0x3] =	stream.indirect_vreg.gather [hbm4b:s5+s3], $0x40, v0, vm0, $0xb8;
	[tilespmem:$0x1F400] =	vst v63  }
0x207: {  	v0 =	vld [tilespmem:s22+$0x3B0];
	_ =	sdelay $0x6  }
0x208: {  	s10 =	simm.s32 $0xB000  }
0x209: {  	[tilespmem:s10], [sflag:$0x3] =	stream.indirect_vreg.gather [hbm4b:s5+s3], $0x40, v0, vm0, $0xb8;
	[tilespmem:$0x1F400] =	vst v63  }
0x20a: {  	v0 =	vld [tilespmem:s22+$0x3C0];
	_ =	sdelay $0x6  }
0x20b: {  	s24 =	simm.s32 $0xB400  }
0x20c: {  	[tilespmem:s24], [sflag:$0x3] =	stream.indirect_vreg.gather [hbm4b:s5+s3], $0x40, v0, vm0, $0xb8;
	[tilespmem:$0x1F400] =	vst v63  }
0x20d: {  	v0 =	vld [tilespmem:s22+$0x3D0];
	_ =	sdelay $0x6  }
0x20e: {  	s28 =	simm.s32 $0xB800  }
0x20f: {  	[tilespmem:s28], [sflag:$0x3] =	stream.indirect_vreg.gather [hbm4b:s5+s3], $0x40, v0, vm0, $0xb8;
	[tilespmem:$0x1F400] =	vst v63  }
0x210: {  	v0 =	vld [tilespmem:s22+$0x3E0];
	_ =	sdelay $0x6  }
0x211: {  	s29 =	simm.s32 $0xBC00  }
0x212: {  	[tilespmem:s29], [sflag:$0x3] =	stream.indirect_vreg.gather [hbm4b:s5+s3], $0x40, v0, vm0, $0xb8;
	[tilespmem:$0x1F400] =	vst v63  }
0x213: {  	v0 =	vld [tilespmem:s22+$0x3F0];
	_ =	sdelay $0x6  }
.Ltmp13:
0x214: {  	s31 =	simm.s32 $0xC000;
	(pc) =	sbr.rel @p0 .LBB2_20-.Ltmp13, $4  }
0x215: {  	[tilespmem:s31], [sflag:$0x3] =	stream.indirect_vreg.gather [hbm4b:s5+s3], $0x40, v0, vm0, $0xb8;
	[tilespmem:$0x1F400] =	vst v63  }
0x216: {  	_ =	swait.ge [sflag:s0], $0x2000  }
0x217: {  	[sflag:s0] =	ssyncset.done $0x0  }
0x218: {  	[sflag:s0] =	ssyncadd.s32 $0xFFFFE000  }
.LBB2_19:
0x219: {  	s1 =	simm.s32 $0x9  }
0x21a: {  	_ =	swait.ge [sflag:s1], $0x2000  }
0x21b: {  	[sflag:s1] =	ssyncset.done $0x0  }
0x21c: {  	[sflag:s1] =	ssyncadd.s32 $0xFFFFE000  }
.LBB2_20:
0x21d: {  	s1 =	simm.s32 $0x0  }
0x21e: {  	v2 =	vld [tilespmem:s1+$0xC4C0]  }
0x21f: {  	v6 =	vld [tilespmem:s1+$0xC400]  }
0x220: {  	v7 =	vld [tilespmem:s1+$0xC480]  }
0x221: {  	v8 =	vld [tilespmem:s1+$0xC4D0]  }
0x222: {  	v0 =	vmov s25;
	s25 =	simm.s32 $0x100;
	v9 =	vld [tilespmem:s1+$0xC410]  }
0x223: {  	v12 =	vld [tilespmem:s25+$0xC4C0]  }
0x224: {  	v16 =	vld [tilespmem:s25+$0xC400]  }
0x225: {  	v17 =	vld [tilespmem:s25+$0xC440]  }
0x226: {  	v54 =	vld [tilespmem:s25+$0xC480]  }
0x227: {  	v18 =	vld [tilespmem:s25+$0xC410]  }
0x228: {  	v55 =	vld [tilespmem:s25+$0xC4D0]  }
0x229: {  	v56 =	vld [tilespmem:s25+$0xC450]  }
0x22a: {  	v57 =	vld [tilespmem:s25+$0xC490]  }
0x22b: {  	v59 =	vld [tilespmem:s25+$0xC420]  }
0x22c: {  	v60 =	vld [tilespmem:s25+$0xC4E0]  }
0x22d: {  	v61 =	vld [tilespmem:s25+$0xC4A0]  }
0x22e: {  	v1 =	vld.idx.msk [tilespmem:v0+s1+$0xC0 ss:$0x1], $0xffff  }
0x22f: {  	v3 =	vld.idx.msk [tilespmem:v0+s1+$0x0 ss:$0x1], $0xffff  }
0x230: {  	v4 =	vld.idx.msk [tilespmem:v0+s1+$0x40 ss:$0x1], $0xffff  }
0x231: {  	v5 =	vld.idx.msk [tilespmem:v0+s1+$0x80 ss:$0x1], $0xffff  }
0x232: {  	v11 =	vld.idx.msk [tilespmem:v0+s25+$0xC0 ss:$0x1], $0xffff  }
0x233: {  	v13 =	vld.idx.msk [tilespmem:v0+s25+$0x0 ss:$0x1], $0xffff  }
0x234: {  	v14 =	vld.idx.msk [tilespmem:v0+s25+$0x40 ss:$0x1], $0xffff  }
0x235: {  	v15 =	vld.idx.msk [tilespmem:v0+s25+$0x80 ss:$0x1], $0xffff;
	v3 =	vadd.f32 v3, v6  }
0x236: {  	v1 =	vadd.f32 v1, v2;
	v2 =	vld [tilespmem:s1+$0xC440]  }
0x237: {  	[tilespmem:s1+$0x16400] =	vst v3;
	v3 =	vadd.f32 v5, v7;
	v5 =	vld [tilespmem:s1+$0xC490]  }
0x238: {  	v11 =	vadd.f32 v11, v12;
	[tilespmem:s1+$0x164C0] =	vst v1;
	v7 =	vld [tilespmem:s1+$0xC4E0]  }
0x239: {  	v13 =	vadd.f32 v13, v16;
	v1 =	vld.idx.msk [tilespmem:v0+s1+$0xD0 ss:$0x1], $0xffff  }
0x23a: {  	v14 =	vadd.f32 v14, v17;
	[tilespmem:s25+$0x164C0] =	vst v11;
	v6 =	vld.idx.msk [tilespmem:v0+s1+$0x10 ss:$0x1], $0xffff  }
0x23b: {  	v12 =	vadd.f32 v15, v54;
	[tilespmem:s25+$0x16400] =	vst v13;
	v11 =	vld.idx.msk [tilespmem:v0+s25+$0xD0 ss:$0x1], $0xffff  }
0x23c: {  	[tilespmem:s25+$0x16440] =	vst v14;
	v58 =	vld.idx.msk [tilespmem:v0+s25+$0x10 ss:$0x1], $0xffff  }
0x23d: {  	[tilespmem:s25+$0x16480] =	vst v12;
	v14 =	vld.idx.msk [tilespmem:v0+s25+$0x50 ss:$0x1], $0xffff  }
0x23e: {  	v12 =	vld.idx.msk [tilespmem:v0+s25+$0x90 ss:$0x1], $0xffff;
	v2 =	vadd.f32 v4, v2  }
0x23f: {  	[tilespmem:s1+$0x16480] =	vst v3;
	v4 =	vld [tilespmem:s1+$0xC450]  }
0x240: {  	v3 =	vld.idx.msk [tilespmem:v0+s1+$0x90 ss:$0x1], $0xffff;
	[tilespmem:s1+$0x16440] =	vst v2  }
0x241: {  	v1 =	vadd.f32 v1, v8;
	v2 =	vld.idx.msk [tilespmem:v0+s1+$0x50 ss:$0x1], $0xffff  }
0x242: {  	v8 =	vld [tilespmem:s1+$0xC420]  }
0x243: {  	v6 =	vadd.f32 v6, v9;
	v9 =	vld [tilespmem:s1+$0xC460];
	[tilespmem:s1+$0x164D0] =	vst v1  }
0x244: {  	v1 =	vld.idx.msk [tilespmem:v0+s1+$0xE0 ss:$0x1], $0xffff  }
0x245: {  	v11 =	vadd.f32 v11, v55;
	[tilespmem:s1+$0x16410] =	vst v6;
	v6 =	vld [tilespmem:s1+$0xC430]  }
0x246: {  	v3 =	vadd.f32 v3, v5;
	v5 =	vld.idx.msk [tilespmem:v0+s1+$0x20 ss:$0x1], $0xffff  }
0x247: {  	[tilespmem:s25+$0x164D0] =	vst v11;
	v11 =	vld [tilespmem:s25+$0xC460];
	v2 =	vadd.f32 v2, v4  }
0x248: {  	[tilespmem:s1+$0x16490] =	vst v3;
	v4 =	vld [tilespmem:s1+$0xC4A0]  }
0x249: {  	v3 =	vld.idx.msk [tilespmem:v0+s1+$0xA0 ss:$0x1], $0xffff;
	[tilespmem:s1+$0x16450] =	vst v2;
	v1 =	vadd.f32 v1, v7  }
0x24a: {  	v2 =	vld.idx.msk [tilespmem:v0+s1+$0x60 ss:$0x1], $0xffff  }
0x24b: {  	[tilespmem:s1+$0x164E0] =	vst v1;
	v1 =	vadd.f32 v5, v8;
	v5 =	vld [tilespmem:s1+$0xC4F0]  }
0x24c: {  	v8 =	vld [tilespmem:s1+$0xC470]  }
0x24d: {  	v7 =	vld.idx.msk [tilespmem:v0+s1+$0xF0 ss:$0x1], $0xffff  }
0x24e: {  	v3 =	vadd.f32 v3, v4;
	[tilespmem:s1+$0x16420] =	vst v1;
	v1 =	vld [tilespmem:s1+$0xC4B0]  }
0x24f: {  	v2 =	vadd.f32 v2, v9;
	v9 =	vld.idx.msk [tilespmem:v0+s25+$0xE0 ss:$0x1], $0xffff  }
0x250: {  	v15 =	vadd.f32 v58, v18;
	[tilespmem:s1+$0x164A0] =	vst v3;
	v10 =	vld.idx.msk [tilespmem:v0+s1+$0x30 ss:$0x1], $0xffff  }
0x251: {  	v4 =	vld.idx.msk [tilespmem:v0+s1+$0xB0 ss:$0x1], $0xffff;
	[tilespmem:s1+$0x16460] =	vst v2;
	v2 =	vadd.f32 v14, v56  }
0x252: {  	v12 =	vadd.f32 v12, v57;
	[tilespmem:s25+$0x16410] =	vst v15;
	v62 =	vld.idx.msk [tilespmem:v0+s1+$0x70 ss:$0x1], $0xffff  }
0x253: {  	[tilespmem:s25+$0x16450] =	vst v2;
	v2 =	vld.idx.msk [tilespmem:v0+s25+$0x20 ss:$0x1], $0xffff  }
0x254: {  	[tilespmem:s25+$0x16490] =	vst v12;
	v63 =	vld.idx.msk [tilespmem:v0+s25+$0x60 ss:$0x1], $0xffff;
	v3 =	vadd.f32 v9, v60  }
0x255: {  	v9 =	vld.idx.msk [tilespmem:v0+s25+$0xA0 ss:$0x1], $0xffff;
	v6 =	vadd.f32 v10, v6  }
0x256: {  	v5 =	vadd.f32 v7, v5;
	[tilespmem:s25+$0x164E0] =	vst v3;
	v3 =	vld [tilespmem:s25+$0xC430]  }
0x257: {  	[tilespmem:s1+$0x16430] =	vst v6;
	v6 =	vld [tilespmem:s25+$0xC4F0];
	v7 =	vadd.f32 v62, v8  }
0x258: {  	[tilespmem:s1+$0x164F0] =	vst v5;
	v5 =	vld.idx.msk [tilespmem:v0+s25+$0xF0 ss:$0x1], $0xffff;
	v10 =	vadd.f32 v2, v59  }
0x259: {  	v2 =	vld [tilespmem:s25+$0xC470];
	[tilespmem:s1+$0x16470] =	vst v7;
	v8 =	vadd.f32 v63, v11  }
0x25a: {  	s6 =	sadd.s32 $0x180, s22;
	s8 =	simm.s32 $0x4;
	s9 =	simm.s32 $0x800;
	v9 =	vadd.f32 v9, v61;
	v7 =	vld [tilespmem:s25+$0xC4B0];
	[tilespmem:s25+$0x16420] =	vst v10  }
.LBB2_21:
0x25b: {  	s10 =	sshra.s32 s9, $0x2;
	s8 =	sadd.s32 $0x4, s8;
	v10 =	vld.idx.msk [tilespmem:v0+s25+$0x30 ss:$0x1], $0xffff;
	[tilespmem:s25+$0x16460] =	vst v8;
	v1 =	vadd.f32 v4, v1  }
0x25c: {  	v4 =	vld.idx.msk [tilespmem:v0+s10+$0xC0 ss:$0x1], $0xffff;
	p2 =	slt.u32 s8, $0x7C;
	[tilespmem:s25+$0x164A0] =	vst v9  }
0x25d: {  	v8 =	vld [tilespmem:s10+$0xC4C0];
	v5 =	vadd.f32 v5, v6;
	[tilespmem:s1+$0x164B0] =	vst v1;
	s1 =	smov.u32 s25;
	s25 =	smov.u32 s10  }
0x25e: {  	v6 =	vld.idx.msk [tilespmem:v0+s25+$0x0 ss:$0x1], $0xffff  }
0x25f: {  	v9 =	vld.idx.msk [tilespmem:v0+s25+$0x40 ss:$0x1], $0xffff;
	[tilespmem:s1+$0x164F0] =	vst v5;
	v1 =	vmov v7  }
0x260: {  	v5 =	vld.idx.msk [tilespmem:v0+s25+$0x80 ss:$0x1], $0xffff  }
0x261: {  	v3 =	vadd.f32 v10, v3;
	v7 =	vld [tilespmem:s25+$0xC400]  }
0x262: {  	v10 =	vld [tilespmem:s25+$0xC440];
	v4 =	vadd.f32 v4, v8  }
0x263: {  	v8 =	vld [tilespmem:s25+$0xC480];
	[tilespmem:s1+$0x16430] =	vst v3  }
0x264: {  	v3 =	vld [tilespmem:s25+$0xC410];
	[tilespmem:s25+$0x164C0] =	vst v4  }
0x265: {  	v4 =	vld.idx.msk [tilespmem:v0+s25+$0xD0 ss:$0x1], $0xffff  }
0x266: {  	v6 =	vadd.f32 v6, v7;
	v7 =	vld [tilespmem:s25+$0xC4D0]  }
0x267: {  	v9 =	vadd.f32 v9, v10;
	v10 =	vld [tilespmem:s25+$0xC450]  }
0x268: {  	[tilespmem:s25+$0x16400] =	vst v6;
	v5 =	vadd.f32 v5, v8;
	v6 =	vld [tilespmem:s25+$0xC490]  }
0x269: {  	v8 =	vld.idx.msk [tilespmem:v0+s25+$0x10 ss:$0x1], $0xffff;
	[tilespmem:s25+$0x16440] =	vst v9  }
0x26a: {  	v9 =	vld.idx.msk [tilespmem:v0+s25+$0x50 ss:$0x1], $0xffff;
	[tilespmem:s25+$0x16480] =	vst v5  }
0x26b: {  	v5 =	vld.idx.msk [tilespmem:v0+s25+$0x90 ss:$0x1], $0xffff;
	v4 =	vadd.f32 v4, v7  }
0x26c: {  	v7 =	vld [tilespmem:s25+$0xC420]  }
0x26d: {  	v11 =	vld [tilespmem:s25+$0xC460];
	[tilespmem:s25+$0x164D0] =	vst v4  }
0x26e: {  	v4 =	vld.idx.msk [tilespmem:v0+s25+$0xE0 ss:$0x1], $0xffff  }
0x26f: {  	v3 =	vadd.f32 v8, v3;
	v8 =	vld [tilespmem:s25+$0xC4E0]  }
0x270: {  	v9 =	vadd.f32 v9, v10;
	v10 =	vld [tilespmem:s25+$0xC4A0]  }
0x271: {  	[tilespmem:s25+$0x16410] =	vst v3;
	v3 =	vadd.f32 v5, v6;
	v6 =	vld.idx.msk [tilespmem:v0+s1+$0x70 ss:$0x1], $0xffff  }
0x272: {  	v12 =	vld.idx.msk [tilespmem:v0+s25+$0x20 ss:$0x1], $0xffff;
	[tilespmem:s25+$0x16450] =	vst v9  }
0x273: {  	v9 =	vld.idx.msk [tilespmem:v0+s25+$0x60 ss:$0x1], $0xffff;
	[tilespmem:s25+$0x16490] =	vst v3  }
0x274: {  	v13 =	vld.idx.msk [tilespmem:v0+s25+$0xA0 ss:$0x1], $0xffff;
	v5 =	vadd.f32 v4, v8  }
0x275: {  	v4 =	vld.idx.msk [tilespmem:v0+s1+$0xB0 ss:$0x1], $0xffff  }
.Ltmp14:
0x276: {  	v3 =	vld [tilespmem:s25+$0xC430];
	[tilespmem:s25+$0x164E0] =	vst v5;
	(pc) =	sbr.rel @p2 .LBB2_21-.Ltmp14, $4  }
0x277: {  	v14 =	vadd.f32 v6, v2;
	v5 =	vld.idx.msk [tilespmem:v0+s25+$0xF0 ss:$0x1], $0xffff  }
0x278: {  	v7 =	vadd.f32 v12, v7;
	v6 =	vld [tilespmem:s25+$0xC4F0]  }
0x279: {  	v8 =	vadd.f32 v9, v11;
	v2 =	vld [tilespmem:s25+$0xC470];
	[tilespmem:s1+$0x16470] =	vst v14  }
0x27a: {  	s9 =	sadd.s32 $0x400, s9;
	v9 =	vadd.f32 v13, v10;
	[tilespmem:s25+$0x16420] =	vst v7;
	v7 =	vld [tilespmem:s25+$0xC4B0]  }
0x27b: {  	_ =	sdelay $0x3  }
0x27c: {  	v10 =	vld.idx.msk [tilespmem:v0+s25+$0x30 ss:$0x1], $0xffff;
	[tilespmem:s25+$0x16460] =	vst v8  }
0x27d: {  	[tilespmem:s25+$0x164A0] =	vst v9;
	v8 =	vld.idx.msk [tilespmem:v0+s25+$0x70 ss:$0x1], $0xffff  }
0x27e: {  	v61 =	vld.idx.msk [tilespmem:v0+s25+$0xB0 ss:$0x1], $0xffff  }
0x27f: {  	v1 =	vadd.f32 v4, v1  }
0x280: {  	v62 =	vadd.f32 v5, v6  }
0x281: {  	[tilespmem:s1+$0x164B0] =	vst v1;
	v63 =	vadd.f32 v10, v3  }
.Ltmp15:
0x282: {  	s29 =	sadd.s32 s4, s6;
	[tilespmem:s25+$0x164F0] =	vst v62;
	v2 =	vadd.f32 v8, v2;
	(pc) =	sbr.rel @p1 .LBB2_24-.Ltmp15, $4  }
0x283: {  	s1 =	sshll.u32 s29, $0x3;
	[tilespmem:s25+$0x16430] =	vst v63;
	v0 =	vadd.f32 v61, v7  }
0x284: {  	s1 =	sand.u32 $0x1FFFFC00, s1;
	[tilespmem:s25+$0x16470] =	vst v2  }
0x285: {  	s31 =	simm.s32 $0x16400;
	s1 =	sadd.s32 s2, s1;
	[tilespmem:s25+$0x164B0] =	vst v0  }
0x286: {  	[hbm4b:s1+s3] =	stream.linear.scatter [tilespmem:s31], [sflag:$0x9], $0x2000, $0x38;
	[tilespmem:$0x1F400] =	vst v63  }
.Ltmp16:
0x287: {  	(pc) =	sbr.rel .LBB2_25-.Ltmp16, $4  }
0x288: {  	_ = 	snop  }
0x289: {  	_ =	swait.ge [sflag:s7], $0x2000  }
0x28a: {  	[sflag:s7] =	ssyncset.done $0x0  }
0x28b: {  	[sflag:s7] =	ssyncadd.s32 $0xFFFFE000  }
.LBB2_24:
0x28c: {  	v0 =	vld [tilespmem:s22+$0x400];
	_ =	sdelay $0x6  }
0x28d: {  	s1 =	simm.s32 $0xC400  }
0x28e: {  	[tilespmem:s1], [sflag:$0x4] =	stream.indirect_vreg.gather [hbm4b:s5+s3], $0x40, v0, vm0, $0xb8;
	[tilespmem:$0x1F400] =	vst v63  }
0x28f: {  	v0 =	vld [tilespmem:s22+$0x410];
	_ =	sdelay $0x6  }
0x290: {  	s9 =	simm.s32 $0xC800  }
0x291: {  	[tilespmem:s9], [sflag:$0x4] =	stream.indirect_vreg.gather [hbm4b:s5+s3], $0x40, v0, vm0, $0xb8;
	[tilespmem:$0x1F400] =	vst v63  }
0x292: {  	v0 =	vld [tilespmem:s22+$0x420];
	_ =	sdelay $0x6  }
0x293: {  	s10 =	simm.s32 $0xCC00  }
0x294: {  	[tilespmem:s10], [sflag:$0x4] =	stream.indirect_vreg.gather [hbm4b:s5+s3], $0x40, v0, vm0, $0xb8;
	[tilespmem:$0x1F400] =	vst v63  }
0x295: {  	v0 =	vld [tilespmem:s22+$0x430];
	_ =	sdelay $0x6  }
0x296: {  	s24 =	simm.s32 $0xD000  }
0x297: {  	[tilespmem:s24], [sflag:$0x4] =	stream.indirect_vreg.gather [hbm4b:s5+s3], $0x40, v0, vm0, $0xb8;
	[tilespmem:$0x1F400] =	vst v63  }
0x298: {  	v0 =	vld [tilespmem:s22+$0x440];
	_ =	sdelay $0x6  }
0x299: {  	s25 =	simm.s32 $0xD400  }
0x29a: {  	[tilespmem:s25], [sflag:$0x4] =	stream.indirect_vreg.gather [hbm4b:s5+s3], $0x40, v0, vm0, $0xb8;
	[tilespmem:$0x1F400] =	vst v63  }
0x29b: {  	v0 =	vld [tilespmem:s22+$0x450];
	_ =	sdelay $0x6  }
0x29c: {  	s28 =	simm.s32 $0xD800  }
0x29d: {  	[tilespmem:s28], [sflag:$0x4] =	stream.indirect_vreg.gather [hbm4b:s5+s3], $0x40, v0, vm0, $0xb8;
	[tilespmem:$0x1F400] =	vst v63  }
0x29e: {  	v0 =	vld [tilespmem:s22+$0x460];
	_ =	sdelay $0x6  }
0x29f: {  	s29 =	simm.s32 $0xDC00  }
0x2a0: {  	[tilespmem:s29], [sflag:$0x4] =	stream.indirect_vreg.gather [hbm4b:s5+s3], $0x40, v0, vm0, $0xb8;
	[tilespmem:$0x1F400] =	vst v63  }
0x2a1: {  	v0 =	vld [tilespmem:s22+$0x470];
	_ =	sdelay $0x6  }
.Ltmp17:
0x2a2: {  	s31 =	simm.s32 $0xE000;
	(pc) =	sbr.rel @p0 .LBB2_26-.Ltmp17, $4  }
0x2a3: {  	[tilespmem:s31], [sflag:$0x4] =	stream.indirect_vreg.gather [hbm4b:s5+s3], $0x40, v0, vm0, $0xb8;
	[tilespmem:$0x1F400] =	vst v63  }
0x2a4: {  	_ =	swait.ge [sflag:s7], $0x2000  }
0x2a5: {  	[sflag:s7] =	ssyncset.done $0x0  }
0x2a6: {  	[sflag:s7] =	ssyncadd.s32 $0xFFFFE000  }
.LBB2_25:
0x2a7: {  	s1 =	simm.s32 $0xA  }
0x2a8: {  	_ =	swait.ge [sflag:s1], $0x2000  }
0x2a9: {  	[sflag:s1] =	ssyncset.done $0x0  }
0x2aa: {  	[sflag:s1] =	ssyncadd.s32 $0xFFFFE000  }
.LBB2_26:
0x2ab: {  	s1 =	simm.s32 $0x0  }
0x2ac: {  	v2 =	vld [tilespmem:s1+$0xE4C0]  }
0x2ad: {  	v6 =	vld [tilespmem:s1+$0xE400]  }
0x2ae: {  	v7 =	vld [tilespmem:s1+$0xE480]  }
0x2af: {  	v8 =	vld [tilespmem:s1+$0xE4D0]  }
0x2b0: {  	v0 =	vmov s23;
	s23 =	simm.s32 $0x100;
	v9 =	vld [tilespmem:s1+$0xE410]  }
0x2b1: {  	v12 =	vld [tilespmem:s23+$0xE4C0]  }
0x2b2: {  	v16 =	vld [tilespmem:s23+$0xE400]  }
0x2b3: {  	v17 =	vld [tilespmem:s23+$0xE440]  }
0x2b4: {  	v54 =	vld [tilespmem:s23+$0xE480]  }
0x2b5: {  	v18 =	vld [tilespmem:s23+$0xE410]  }
0x2b6: {  	v55 =	vld [tilespmem:s23+$0xE4D0]  }
0x2b7: {  	v56 =	vld [tilespmem:s23+$0xE450]  }
0x2b8: {  	v57 =	vld [tilespmem:s23+$0xE490]  }
0x2b9: {  	v59 =	vld [tilespmem:s23+$0xE420]  }
0x2ba: {  	v60 =	vld [tilespmem:s23+$0xE4E0]  }
0x2bb: {  	v61 =	vld [tilespmem:s23+$0xE4A0]  }
0x2bc: {  	v1 =	vld.idx.msk [tilespmem:v0+s1+$0xC0 ss:$0x1], $0xffff  }
0x2bd: {  	v3 =	vld.idx.msk [tilespmem:v0+s1+$0x0 ss:$0x1], $0xffff  }
0x2be: {  	v4 =	vld.idx.msk [tilespmem:v0+s1+$0x40 ss:$0x1], $0xffff  }
0x2bf: {  	v5 =	vld.idx.msk [tilespmem:v0+s1+$0x80 ss:$0x1], $0xffff  }
0x2c0: {  	v11 =	vld.idx.msk [tilespmem:v0+s23+$0xC0 ss:$0x1], $0xffff  }
0x2c1: {  	v13 =	vld.idx.msk [tilespmem:v0+s23+$0x0 ss:$0x1], $0xffff  }
0x2c2: {  	v14 =	vld.idx.msk [tilespmem:v0+s23+$0x40 ss:$0x1], $0xffff  }
0x2c3: {  	v15 =	vld.idx.msk [tilespmem:v0+s23+$0x80 ss:$0x1], $0xffff;
	v3 =	vadd.f32 v3, v6  }
0x2c4: {  	v1 =	vadd.f32 v1, v2;
	v2 =	vld [tilespmem:s1+$0xE440]  }
0x2c5: {  	[tilespmem:s1+$0x18400] =	vst v3;
	v3 =	vadd.f32 v5, v7;
	v5 =	vld [tilespmem:s1+$0xE490]  }
0x2c6: {  	v11 =	vadd.f32 v11, v12;
	[tilespmem:s1+$0x184C0] =	vst v1;
	v7 =	vld [tilespmem:s1+$0xE4E0]  }
0x2c7: {  	v13 =	vadd.f32 v13, v16;
	v1 =	vld.idx.msk [tilespmem:v0+s1+$0xD0 ss:$0x1], $0xffff  }
0x2c8: {  	v14 =	vadd.f32 v14, v17;
	[tilespmem:s23+$0x184C0] =	vst v11;
	v6 =	vld.idx.msk [tilespmem:v0+s1+$0x10 ss:$0x1], $0xffff  }
0x2c9: {  	v12 =	vadd.f32 v15, v54;
	[tilespmem:s23+$0x18400] =	vst v13;
	v11 =	vld.idx.msk [tilespmem:v0+s23+$0xD0 ss:$0x1], $0xffff  }
0x2ca: {  	[tilespmem:s23+$0x18440] =	vst v14;
	v58 =	vld.idx.msk [tilespmem:v0+s23+$0x10 ss:$0x1], $0xffff  }
0x2cb: {  	[tilespmem:s23+$0x18480] =	vst v12;
	v14 =	vld.idx.msk [tilespmem:v0+s23+$0x50 ss:$0x1], $0xffff  }
0x2cc: {  	v12 =	vld.idx.msk [tilespmem:v0+s23+$0x90 ss:$0x1], $0xffff;
	v2 =	vadd.f32 v4, v2  }
0x2cd: {  	[tilespmem:s1+$0x18480] =	vst v3;
	v4 =	vld [tilespmem:s1+$0xE450]  }
0x2ce: {  	v3 =	vld.idx.msk [tilespmem:v0+s1+$0x90 ss:$0x1], $0xffff;
	[tilespmem:s1+$0x18440] =	vst v2  }
0x2cf: {  	v1 =	vadd.f32 v1, v8;
	v2 =	vld.idx.msk [tilespmem:v0+s1+$0x50 ss:$0x1], $0xffff  }
0x2d0: {  	v8 =	vld [tilespmem:s1+$0xE420]  }
0x2d1: {  	v6 =	vadd.f32 v6, v9;
	v9 =	vld [tilespmem:s1+$0xE460];
	[tilespmem:s1+$0x184D0] =	vst v1  }
0x2d2: {  	v1 =	vld.idx.msk [tilespmem:v0+s1+$0xE0 ss:$0x1], $0xffff  }
0x2d3: {  	v11 =	vadd.f32 v11, v55;
	[tilespmem:s1+$0x18410] =	vst v6;
	v6 =	vld [tilespmem:s1+$0xE430]  }
0x2d4: {  	v3 =	vadd.f32 v3, v5;
	v5 =	vld.idx.msk [tilespmem:v0+s1+$0x20 ss:$0x1], $0xffff  }
0x2d5: {  	[tilespmem:s23+$0x184D0] =	vst v11;
	v11 =	vld [tilespmem:s23+$0xE460];
	v2 =	vadd.f32 v2, v4  }
0x2d6: {  	[tilespmem:s1+$0x18490] =	vst v3;
	v4 =	vld [tilespmem:s1+$0xE4A0]  }
0x2d7: {  	v3 =	vld.idx.msk [tilespmem:v0+s1+$0xA0 ss:$0x1], $0xffff;
	[tilespmem:s1+$0x18450] =	vst v2;
	v1 =	vadd.f32 v1, v7  }
0x2d8: {  	v2 =	vld.idx.msk [tilespmem:v0+s1+$0x60 ss:$0x1], $0xffff  }
0x2d9: {  	[tilespmem:s1+$0x184E0] =	vst v1;
	v1 =	vadd.f32 v5, v8;
	v5 =	vld [tilespmem:s1+$0xE4F0]  }
0x2da: {  	v8 =	vld [tilespmem:s1+$0xE470]  }
0x2db: {  	v7 =	vld.idx.msk [tilespmem:v0+s1+$0xF0 ss:$0x1], $0xffff  }
0x2dc: {  	v3 =	vadd.f32 v3, v4;
	[tilespmem:s1+$0x18420] =	vst v1;
	v1 =	vld [tilespmem:s1+$0xE4B0]  }
0x2dd: {  	v2 =	vadd.f32 v2, v9;
	v9 =	vld.idx.msk [tilespmem:v0+s23+$0xE0 ss:$0x1], $0xffff  }
0x2de: {  	v15 =	vadd.f32 v58, v18;
	[tilespmem:s1+$0x184A0] =	vst v3;
	v10 =	vld.idx.msk [tilespmem:v0+s1+$0x30 ss:$0x1], $0xffff  }
0x2df: {  	v4 =	vld.idx.msk [tilespmem:v0+s1+$0xB0 ss:$0x1], $0xffff;
	[tilespmem:s1+$0x18460] =	vst v2;
	v2 =	vadd.f32 v14, v56  }
0x2e0: {  	v12 =	vadd.f32 v12, v57;
	[tilespmem:s23+$0x18410] =	vst v15;
	v62 =	vld.idx.msk [tilespmem:v0+s1+$0x70 ss:$0x1], $0xffff  }
0x2e1: {  	[tilespmem:s23+$0x18450] =	vst v2;
	v2 =	vld.idx.msk [tilespmem:v0+s23+$0x20 ss:$0x1], $0xffff  }
0x2e2: {  	[tilespmem:s23+$0x18490] =	vst v12;
	v63 =	vld.idx.msk [tilespmem:v0+s23+$0x60 ss:$0x1], $0xffff;
	v3 =	vadd.f32 v9, v60  }
0x2e3: {  	v9 =	vld.idx.msk [tilespmem:v0+s23+$0xA0 ss:$0x1], $0xffff;
	v6 =	vadd.f32 v10, v6  }
0x2e4: {  	v5 =	vadd.f32 v7, v5;
	[tilespmem:s23+$0x184E0] =	vst v3;
	v3 =	vld [tilespmem:s23+$0xE430]  }
0x2e5: {  	[tilespmem:s1+$0x18430] =	vst v6;
	v6 =	vld [tilespmem:s23+$0xE4F0];
	v7 =	vadd.f32 v62, v8  }
0x2e6: {  	[tilespmem:s1+$0x184F0] =	vst v5;
	v5 =	vld.idx.msk [tilespmem:v0+s23+$0xF0 ss:$0x1], $0xffff;
	v10 =	vadd.f32 v2, v59  }
0x2e7: {  	v2 =	vld [tilespmem:s23+$0xE470];
	[tilespmem:s1+$0x18470] =	vst v7;
	v8 =	vadd.f32 v63, v11  }
0x2e8: {  	s6 =	sadd.s32 $0x200, s22;
	s8 =	simm.s32 $0x4;
	s9 =	simm.s32 $0x800;
	v9 =	vadd.f32 v9, v61;
	v7 =	vld [tilespmem:s23+$0xE4B0];
	[tilespmem:s23+$0x18420] =	vst v10  }
.LBB2_27:
0x2e9: {  	s10 =	sshra.s32 s9, $0x2;
	s8 =	sadd.s32 $0x4, s8;
	v10 =	vld.idx.msk [tilespmem:v0+s23+$0x30 ss:$0x1], $0xffff;
	[tilespmem:s23+$0x18460] =	vst v8;
	v1 =	vadd.f32 v4, v1  }
0x2ea: {  	v4 =	vld.idx.msk [tilespmem:v0+s10+$0xC0 ss:$0x1], $0xffff;
	p0 =	slt.u32 s8, $0x7C;
	[tilespmem:s23+$0x184A0] =	vst v9  }
0x2eb: {  	v8 =	vld [tilespmem:s10+$0xE4C0];
	v5 =	vadd.f32 v5, v6;
	[tilespmem:s1+$0x184B0] =	vst v1;
	s1 =	smov.u32 s23;
	s23 =	smov.u32 s10  }
0x2ec: {  	v6 =	vld.idx.msk [tilespmem:v0+s23+$0x0 ss:$0x1], $0xffff  }
0x2ed: {  	v9 =	vld.idx.msk [tilespmem:v0+s23+$0x40 ss:$0x1], $0xffff;
	[tilespmem:s1+$0x184F0] =	vst v5;
	v1 =	vmov v7  }
0x2ee: {  	v5 =	vld.idx.msk [tilespmem:v0+s23+$0x80 ss:$0x1], $0xffff  }
0x2ef: {  	v3 =	vadd.f32 v10, v3;
	v7 =	vld [tilespmem:s23+$0xE400]  }
0x2f0: {  	v10 =	vld [tilespmem:s23+$0xE440];
	v4 =	vadd.f32 v4, v8  }
0x2f1: {  	v8 =	vld [tilespmem:s23+$0xE480];
	[tilespmem:s1+$0x18430] =	vst v3  }
0x2f2: {  	v3 =	vld [tilespmem:s23+$0xE410];
	[tilespmem:s23+$0x184C0] =	vst v4  }
0x2f3: {  	v4 =	vld.idx.msk [tilespmem:v0+s23+$0xD0 ss:$0x1], $0xffff  }
0x2f4: {  	v6 =	vadd.f32 v6, v7;
	v7 =	vld [tilespmem:s23+$0xE4D0]  }
0x2f5: {  	v9 =	vadd.f32 v9, v10;
	v10 =	vld [tilespmem:s23+$0xE450]  }
0x2f6: {  	[tilespmem:s23+$0x18400] =	vst v6;
	v5 =	vadd.f32 v5, v8;
	v6 =	vld [tilespmem:s23+$0xE490]  }
0x2f7: {  	v8 =	vld.idx.msk [tilespmem:v0+s23+$0x10 ss:$0x1], $0xffff;
	[tilespmem:s23+$0x18440] =	vst v9  }
0x2f8: {  	v9 =	vld.idx.msk [tilespmem:v0+s23+$0x50 ss:$0x1], $0xffff;
	[tilespmem:s23+$0x18480] =	vst v5  }
0x2f9: {  	v5 =	vld.idx.msk [tilespmem:v0+s23+$0x90 ss:$0x1], $0xffff;
	v4 =	vadd.f32 v4, v7  }
0x2fa: {  	v7 =	vld [tilespmem:s23+$0xE420]  }
0x2fb: {  	v11 =	vld [tilespmem:s23+$0xE460];
	[tilespmem:s23+$0x184D0] =	vst v4  }
0x2fc: {  	v4 =	vld.idx.msk [tilespmem:v0+s23+$0xE0 ss:$0x1], $0xffff  }
0x2fd: {  	v3 =	vadd.f32 v8, v3;
	v8 =	vld [tilespmem:s23+$0xE4E0]  }
0x2fe: {  	v9 =	vadd.f32 v9, v10;
	v10 =	vld [tilespmem:s23+$0xE4A0]  }
0x2ff: {  	[tilespmem:s23+$0x18410] =	vst v3;
	v3 =	vadd.f32 v5, v6;
	v6 =	vld.idx.msk [tilespmem:v0+s1+$0x70 ss:$0x1], $0xffff  }
0x300: {  	v12 =	vld.idx.msk [tilespmem:v0+s23+$0x20 ss:$0x1], $0xffff;
	[tilespmem:s23+$0x18450] =	vst v9  }
0x301: {  	v9 =	vld.idx.msk [tilespmem:v0+s23+$0x60 ss:$0x1], $0xffff;
	[tilespmem:s23+$0x18490] =	vst v3  }
0x302: {  	v13 =	vld.idx.msk [tilespmem:v0+s23+$0xA0 ss:$0x1], $0xffff;
	v5 =	vadd.f32 v4, v8  }
0x303: {  	v4 =	vld.idx.msk [tilespmem:v0+s1+$0xB0 ss:$0x1], $0xffff  }
.Ltmp18:
0x304: {  	v3 =	vld [tilespmem:s23+$0xE430];
	[tilespmem:s23+$0x184E0] =	vst v5;
	(pc) =	sbr.rel @p0 .LBB2_27-.Ltmp18, $4  }
0x305: {  	v14 =	vadd.f32 v6, v2;
	v5 =	vld.idx.msk [tilespmem:v0+s23+$0xF0 ss:$0x1], $0xffff  }
0x306: {  	v7 =	vadd.f32 v12, v7;
	v6 =	vld [tilespmem:s23+$0xE4F0]  }
0x307: {  	v8 =	vadd.f32 v9, v11;
	v2 =	vld [tilespmem:s23+$0xE470];
	[tilespmem:s1+$0x18470] =	vst v14  }
0x308: {  	s9 =	sadd.s32 $0x400, s9;
	v9 =	vadd.f32 v13, v10;
	[tilespmem:s23+$0x18420] =	vst v7;
	v7 =	vld [tilespmem:s23+$0xE4B0]  }
0x309: {  	_ =	sdelay $0x3  }
0x30a: {  	v10 =	vld.idx.msk [tilespmem:v0+s23+$0x30 ss:$0x1], $0xffff;
	[tilespmem:s23+$0x18460] =	vst v8  }
0x30b: {  	[tilespmem:s23+$0x184A0] =	vst v9;
	v8 =	vld.idx.msk [tilespmem:v0+s23+$0x70 ss:$0x1], $0xffff  }
0x30c: {  	v61 =	vld.idx.msk [tilespmem:v0+s23+$0xB0 ss:$0x1], $0xffff  }
0x30d: {  	v1 =	vadd.f32 v4, v1  }
0x30e: {  	v62 =	vadd.f32 v5, v6  }
0x30f: {  	p0 =	seq.s32 s21, $0x27;
	[tilespmem:s1+$0x184B0] =	vst v1;
	v63 =	vadd.f32 v10, v3  }
.Ltmp19:
0x310: {  	s29 =	sadd.s32 s4, s6;
	[tilespmem:s23+$0x184F0] =	vst v62;
	v2 =	vadd.f32 v8, v2;
	(pc) =	sbr.rel @p0 .LBB2_30-.Ltmp19, $4  }
0x311: {  	s1 =	sshll.u32 s29, $0x3;
	[tilespmem:s23+$0x18430] =	vst v63;
	v0 =	vadd.f32 v61, v7  }
0x312: {  	s1 =	sand.u32 $0x1FFFFC00, s1;
	[tilespmem:s23+$0x18470] =	vst v2  }
0x313: {  	s31 =	simm.s32 $0x18400;
	s1 =	sadd.s32 s2, s1;
	[tilespmem:s23+$0x184B0] =	vst v0  }
0x314: {  	[hbm4b:s1+s3] =	stream.linear.scatter [tilespmem:s31], [sflag:$0xA], $0x2000, $0x38;
	[tilespmem:$0x1F400] =	vst v63  }
0x315: {  	v0 =	vld [tilespmem:s22+$0x480];
	_ =	sdelay $0x6  }
0x316: {  	s1 =	simm.s32 $0xE400  }
0x317: {  	[tilespmem:s1], [sflag:$0x5] =	stream.indirect_vreg.gather [hbm4b:s5+s3], $0x40, v0, vm0, $0xb8;
	[tilespmem:$0x1F400] =	vst v63  }
0x318: {  	v0 =	vld [tilespmem:s22+$0x490];
	_ =	sdelay $0x6  }
0x319: {  	s10 =	simm.s32 $0xE800  }
0x31a: {  	[tilespmem:s10], [sflag:$0x5] =	stream.indirect_vreg.gather [hbm4b:s5+s3], $0x40, v0, vm0, $0xb8;
	[tilespmem:$0x1F400] =	vst v63  }
0x31b: {  	v0 =	vld [tilespmem:s22+$0x4A0];
	_ =	sdelay $0x6  }
0x31c: {  	s23 =	simm.s32 $0xEC00  }
0x31d: {  	[tilespmem:s23], [sflag:$0x5] =	stream.indirect_vreg.gather [hbm4b:s5+s3], $0x40, v0, vm0, $0xb8;
	[tilespmem:$0x1F400] =	vst v63  }
0x31e: {  	v0 =	vld [tilespmem:s22+$0x4B0];
	_ =	sdelay $0x6  }
0x31f: {  	s24 =	simm.s32 $0xF000  }
0x320: {  	[tilespmem:s24], [sflag:$0x5] =	stream.indirect_vreg.gather [hbm4b:s5+s3], $0x40, v0, vm0, $0xb8;
	[tilespmem:$0x1F400] =	vst v63  }
0x321: {  	v0 =	vld [tilespmem:s22+$0x4C0];
	_ =	sdelay $0x6  }
0x322: {  	s25 =	simm.s32 $0xF400  }
0x323: {  	[tilespmem:s25], [sflag:$0x5] =	stream.indirect_vreg.gather [hbm4b:s5+s3], $0x40, v0, vm0, $0xb8;
	[tilespmem:$0x1F400] =	vst v63  }
0x324: {  	v0 =	vld [tilespmem:s22+$0x4D0];
	_ =	sdelay $0x6  }
0x325: {  	s28 =	simm.s32 $0xF800  }
0x326: {  	[tilespmem:s28], [sflag:$0x5] =	stream.indirect_vreg.gather [hbm4b:s5+s3], $0x40, v0, vm0, $0xb8;
	[tilespmem:$0x1F400] =	vst v63  }
0x327: {  	v0 =	vld [tilespmem:s22+$0x4E0];
	_ =	sdelay $0x6  }
0x328: {  	s29 =	simm.s32 $0xFC00  }
0x329: {  	[tilespmem:s29], [sflag:$0x5] =	stream.indirect_vreg.gather [hbm4b:s5+s3], $0x40, v0, vm0, $0xb8;
	[tilespmem:$0x1F400] =	vst v63  }
0x32a: {  	v0 =	vld [tilespmem:s22+$0x4F0];
	_ =	sdelay $0x2  }
0x32b: {  	s31 =	simm.s32 $0x10000  }
.Ltmp20:
0x32c: {  	s21 =	sadd.s32 $0x1, s21;
	s11 =	sadd.s32 $0xA000, s11;
	(pc) =	sbr.rel .LBB2_2-.Ltmp20, $4  }
0x32d: {  	s20 =	sadd.s32 $0x280, s20;
	s12 =	sadd.s32 $0xA000, s12;
	s13 =	sadd.s32 $0x280, s13  }
0x32e: {  	s14 =	sadd.s32 $0xA000, s14;
	s15 =	sadd.s32 $0x280, s15;
	s16 =	sadd.s32 $0xA000, s16  }
0x32f: {  	s17 =	sadd.s32 $0x280, s17;
	s18 =	sadd.s32 $0xA000, s18;
	s19 =	sadd.s32 $0x280, s19  }
0x330: {  	[tilespmem:s31], [sflag:$0x5] =	stream.indirect_vreg.gather [hbm4b:s5+s3], $0x40, v0, vm0, $0xb8;
	[tilespmem:$0x1F400] =	vst v63  }
.LBB2_31:
0x331: {  	_ =	sfence.sel $0x180000  }
0x332: {  	[bflag:$0x0] =	sbarrier.arrive $0xFFFF  }
0x333: {  	_ =	strace $0x90000047  }
0x334: {  	s0 =	stileid.u32;
	[bflag:$0x2] =	sbarrier.arrive $0xFFFF  }
0x335: {  	p0 =	sne.s32 s0, $0x0;
	s0 =	rddreg [dreg:$0x3]  }
0x336: {  	s0 =	sadd.s32 @!p0 $0x100000, s0  }
0x337: {  	[sflag:s0] =	ssyncadd.tile.s32 @!p0 $0x1;
	_ =	shalt  }
.Lfunc_end2:
_tile_overlayer_lowered:
.L_overlay_start_2:
0x338: {  	(tag) =	ssettag $0x2  }
0x339: {  	s0 =	rddreg [dreg:$0x0];
	s2 =	stileid.u32  }
0x33a: {  	s1 =	rddreg [dreg:$0x1];
	p0 =	sne.s32 s2, $0x0  }
0x33b: {  	s3 =	rddreg [dreg:$0x2];
	[bflag:$0x3] =	sbarrier.arrive $0xFFFF;
	s2 =	simm.s32 @!p0 $0x1C0B  }
0x33c: {  	[timem:s3], [sflag:s2] =	dma.local @!p0 [hbm:s0], s1  }
0x33d: {  	s0 =	simm.s32 @!p0 $0xB  }
0x33e: {  	_ =	swait.ge @!p0 [sflag:s0], s1  }
0x33f: {  	s1 =	ssub.s32 @!p0 $0x0, s1;
	[sflag:s0] =	ssyncset.done @!p0 $0x0  }
0x340: {  	[sflag:s0] =	ssyncadd.s32 @!p0 s1  }
0x341: {  	[bflag:$0x3] =	sbarrier.arrive $0xFFFF  }
0x342: {  	_ =	shalt  }

// kernel: sparse-core-data-format-call.cloned.1.call-start
scs
called_computation_lowered:
.L_overlay_start_0:
0x0: {  	s2 =	sld [smem:$0x3FD9]  }
0x1: {  	s3 =	sld [smem:$0x3FFE];
	_ =	sdelay $0x1  }
0x2: {  	s1 =	srdreg.scid  }
0x3: {  	s0 =	sand.u32 $0x1, s1  }
0x4: {  	s18 =	sshll.u32 s0, $0xA;
	s2 =	sadd.s32 s3, s2  }
0x5: {  	s2 =	sadd.s32 s2, s18  }
0x6: {  	[smem:$0x3FC5] =	sst s2  }
0x7: {  	_ = 	snop  }
0x8: {  	s2 =	sld [smem:$0x3FD0];
	(tm) =	ssettm $0x1  }
0x9: {  	s19 =	sld [smem:$0x3FFB];
	_ =	sdelay $0x3  }
0xa: {  	_ =	strace s19  }
0xb: {  	s3 =	sld [smem:$0x3FFC];
	_ =	sdelay $0x3  }
0xc: {  	_ =	strace s3  }
0xd: {  	s3 =	sld [smem:$0x3FFD];
	_ =	sdelay $0x3  }
0xe: {  	_ =	strace s3  }
0xf: {  	_ =	strace $0x8FFFFFFF  }
0x10: {  	s20 =	sld [smem:$0x3FDB];
	_ =	sdelay $0x1  }
0x11: {  	s4 =	simm.s32 $_scs_section_size  }
0x12: {  	s5 =	simm.s32 $_size__tile_overlayer_lowered;
	s6 =	simm.s32 $_tile_overlayer_lowered  }
0x13: {  	s23 =	simm.s32 $0x1BFF;
	s22 =	sshll.u32 s6, $0x1;
	s3 =	sadd.s32 s4, s20  }
0x14: {  	s7 =	simm.s32 $0x0;
	s21 =	sshll.u32 s5, $0x1;
	s5 =	sadd.s32 s22, s3  }
0x15: {  	[timem:s7], [sflag:s23] =	dma.local [hbm:s5], s21  }
0x16: {  	_ =	swait.ge [sflag:s23], s21  }
0x17: {  	s4 =	ssub.s32 $0x0, s21;
	[sflag:s23] =	ssyncset.done $0x0  }
0x18: {  	[sflag:s23] =	ssyncadd.s32 s4;
	_ =	sdelay $0x1  }
0x19: {  	s24 =	simm.s32 $0x1B8B  }
0x1a: {  	_ =	swait.ge [sflag:s24], $0x1  }
0x1b: {  	[sflag:s24] =	ssyncset.done $0x0  }
0x1c: {  	s26 =	simm.s32 $0x1B8E;
	s25 =	sld [smem:$0x3FFE];
	[sflag:s24] =	ssyncadd.s32 $0xFFFFFFFF  }
0x1d: {  	s27 =	simm.s32 $execute0_lowered;
	[smem:$0x3FD2] =	sst s26  }
0x1e: {  	s5 =	sshll.u32 s27, $0x1;
	_ =	strace $0x80000049;
	[dreg:$0x1] =	wrdreg $0xFFFFFFFF  }
0x1f: {  	s28 =	simm.s32 $_size_execute0_lowered;
	s3 =	sadd.s32 s3, s5;
	[dreg:$0x0] =	wrdreg $0x0  }
0x20: {  	s5 =	sshll.u32 s28, $0x1;
	[dreg:$0x2] =	wrdreg s3  }
0x21: {  	[dreg:$0x3] =	wrdreg s5  }
0x22: {  	[dreg:$0x4] =	wrdreg $0xC0  }
0x23: {  	_ =	task [dreg:s7], $0x5FFFF  }
0x24: {  	[dreg:$0x1] =	wrdreg $0xFFFFFFFF  }
0x25: {  	[dreg:$0x0] =	wrdreg $0x60  }
0x26: {  	[dreg:$0x2] =	wrdreg s25  }
0x27: {  	[dreg:$0x3] =	wrdreg s2  }
0x28: {  	[dreg:$0x4] =	wrdreg $0x9  }
0x29: {  	_ =	task.clear_ibuf [dreg:s7], $0x5FFFF;
	_ =	strace $0x90000049  }
0x2a: {  	s29 =	simm.s32 $0x9;
	_ =	strace $0x8000004B  }
0x2b: {  	_ =	swait.ge [sflag:s29], $0x1  }
0x2c: {  	[sflag:s29] =	ssyncadd.s32 $0xFFFFFFFF  }
0x2d: {  	_ =	strace $0x9000004B  }
0x2e: {  	_ =	sfence  }
0x2f: {  	s30 =	sld [smem:$0x0];
	_ =	sdelay $0x2  }
0x30: {  	s31 =	sshll.u32 s1, $0xD;
	s1 =	sshrl.u32 s1, $0x2  }
0x31: {  	s3 =	sand.u32 $0x4000, s31;
	s1 =	sadd.s32 s1, s30  }
0x32: {  	s0 =	sor.u32 s3, s0;
	s1 =	sshll.u32 s1, $0x11  }
0x33: {  	s0 =	sor.u32 s1, s0  }
0x34: {  	s0 =	sadd.s32 $0x8F2B, s0  }
0x35: {  	[sflag:s0] =	ssyncadd.remote.s32 $0x1  }
0x36: {  	_ =	sfence.sel $0xFFFF  }
0x37: {  	[dreg:$0x0] =	wrdreg $0xFFFFFFFF;
	(pc) =	sbr.abs _section_cstart, $3  }
0x38: {  	[dreg:$0x1] =	wrdreg $0xFFFFFFFF  }
0x39: {  	_ =	task.clear_ibuf [dreg:s7], $0x2FFFF;
	_ =	strace $0x9FFFFFFF  }
0x3a: {  	(tm) =	ssettm $0x7FFFFFFF  }
0x3b: {  	_ =	shalt  }
tec
execute0_lowered:
.L_overlay_start_1:
0x0: {  	(tag) =	ssettag $0x1  }
0x1: {  	s0 =	srdreg.scid  }
0x2: {  	s1 =	sshll.u32 s0, $0x4  }
0x3: {  	s4 =	rddreg [dreg:$0x0];
	s0 =	stileid.u32;
	s1 =	sand.u32 $0x10, s1  }
0x4: {  	s2 =	rddreg [dreg:$0x1];
	s7 =	simm.s32 $0x1;
	s1 =	sor.u32 s0, s1  }
0x5: {  	s8 =	simm.s32 $0x2;
	s11 =	simm.s32 $0x0;
	s3 =	sshll.u32 s1, $0x7  }
0x6: {  	s10 =	simm.s32 $0x0;
	s4 =	sadd.s32 $0xA00, s4;
	s6 =	ssub.s32 $0xC8000, s3  }
.Ltmp0:
0x7: {  	s1 =	rddreg [dreg:$0x2];
	s5 =	sand.u32 $0xF80, s6;
	(pc) =	sbr.rel .LBB1_1-.Ltmp0, $4  }
0x8: {  	_ =	strace $0x8000004A;
	s9 =	smov.u32 s3;
	p0 =	sne.s32 s5, $0x0  }
0x9: {  	s6 =	sshrl.u32 s6, $0xC;
	s5 =	simm.s32 $0x1;
	s7 =	simm.s32 @!p0 $0x0  }
0xa: {  	[sflag:s5] =	ssyncpa.u1 $0x0;
	p0 =	por $0x0, $0x0;
	s6 =	sadd.s32 s7, s6  }
0xb: {  	[sflag:s8] =	ssyncpa.u1 $0x0;
	s8 =	simm.s32 $0x640000;
	s7 =	sadd.s32 $0x1, s6  }
.LBB1_4:
0xc: {  	s14 =	sshll.u32 s11, $0x3  }
0xd: {  	s30 =	sand.u32 $0x7F, s11;
	s15 =	sand.u32 $0xFFFFFC00, s14  }
0xe: {  	s11 =	sor.u32 s30, s15  }
0xf: {  	s15 =	smulhi.u32 $0x51EB851F, s11  }
0x10: {  	s14 =	smulhi.u32 $0x51EB851F, s14  }
0x11: {  	s15 =	sshrl.u32 s15, $0x12  }
0x12: {  	s14 =	sshrl.u32 s14, $0x12;
	s15 =	smul.u32 $0xC8000, s15  }
0x13: {  	s14 =	sand.u32 $0x3F, s14  }
0x14: {  	s14 =	smul.u32 $0x19000, s14;
	s11 =	ssub.s32 s11, s15  }
0x15: {  	[tilespmem:s13+$0x810 ss:$0x81] =	vst.msk $0xffff, v2;
	s15 =	sand.u32 $0x7, s11  }
0x16: {  	[tilespmem:s13+$0x1020 ss:$0x81] =	vst.msk $0xffff, v0;
	s14 =	sadd.s32 s2, s14;
	s11 =	sshrl.u32 s11, $0x3;
	s15 =	sshll.u32 s15, $0x12  }
0x17: {  	[tilespmem:s13+$0x0 ss:$0x81] =	vst.msk $0xffff, v1;
	s11 =	sadd.s32 s11, s14;
	s31 =	sor.u32 $0x400, s15  }
0x18: {  	[hbm4b:s11+s31] =	stream.strided.scatter [tilespmem:s12], [sflag:$0x2], $0x2000, s8, s31, $0x20;
	[tilespmem:$0x8080] =	vst v63  }
.LBB1_5:
0x19: {  	s13 =	sadd.s32 $0x1000, s9  }
0x1a: {  	p2 =	sgt.s32 s13, $0xC7FFF  }
0x1b: {  	s13 =	smov.u32 @p2 s3;
	p2 =	sne.s32 s10, s7  }
.Ltmp1:
0x1c: {  	p1 =	slt.u32 s10, $0x2;
	(pc) =	sbr.rel @!p2 .LBB1_6-.Ltmp1, $4  }
0x1d: {  	s12 =	simm.s32 @!p1 $0x2  }
0x1e: {  	s14 =	sadd.s32 $0x1, s10;
	_ =	swait.ge @!p1 [sflag:s12], $0x2000  }
0x1f: {  	s11 =	smov.u32 s9;
	p0 =	por !p0, !p0;
	[sflag:s12] =	ssyncset.done @!p1 $0x0  }
0x20: {  	s10 =	smov.u32 s14;
	s9 =	smov.u32 s13;
	[sflag:s12] =	ssyncadd.s32 @!p1 $0xFFFFE000  }
.LBB1_1:
0x21: {  	p1 =	sge.u32 s10, s6  }
0x22: {  	s12 =	sand.u32 @!p1 $0x1FFFFFF, s9  }
0x23: {  	s13 =	smulhi.u32 @!p1 $0x147AE15, s12;
	_ =	sdelay $0x1  }
0x24: {  	s13 =	sshrl.u32 @!p1 s13, $0xC  }
0x25: {  	s13 =	smul.u32 @!p1 $0xC8000, s13;
	_ =	sdelay $0x1  }
0x26: {  	s31 =	sadd.s32 $0xFFFFFFFF, s10;
	s14 =	sxor.u32 @!p1 $0xFFFFFFFF, s10;
	s12 =	ssub.s32 @!p1 s12, s13  }
0x27: {  	s15 =	simm.s32 @!p1 $0x80;
	s14 =	sshll.u32 @!p1 s14, $0xD;
	s12 =	sshll.u32 @!p1 s12, $0x4  }
0x28: {  	s13 =	sand.u32 @!p1 $0x2000, s14;
	s14 =	simm.s32 @!p1 $0x40;
	s12 =	sadd.s32 @!p1 s4, s12  }
0x29: {  	[tilespmem:s13], [sflag:$0x1] =	stream.strided.gather @!p1 [hbm4b:s12+s14], $0x2000, s15, s14, $0x38;
	[tilespmem:$0x8080] =	vst v63  }
0x2a: {  	p1 =	sge.u32 s31, s6  }
.Ltmp2:
0x2b: {  	_ = 	snop;
	(pc) =	sbr.rel @p1 .LBB1_5-.Ltmp2, $1  }
0x2c: {  	_ =	sdelay $0x3  }
0x2d: {  	s12 =	simm.s32 $0x1  }
0x2e: {  	_ =	swait.ge [sflag:s5], $0x2000;
	s12 =	simm.s32 @!p0 $0x0  }
0x2f: {  	[sflag:s5] =	ssyncset.done $0x0;
	s13 =	sshll.u32 s12, $0xD  }
0x30: {  	[sflag:s5] =	ssyncadd.s32 $0xFFFFE000;
	s16 =	sor.u32 $0x20, s13  }
0x31: {  	s12 =	smul.u32 $0x8100, s12;
	v3 =	vld [tilespmem:s16+$0x10]  }
0x32: {  	s30 =	sand.u32 $0x1, s10;
	v2 =	vld [tilespmem:s16+$0xFFFFFFF0]  }
0x33: {  	s13 =	smul.u32 $0x8100, s30;
	s12 =	sshrl.u32 s12, $0x2;
	v0 =	vld [tilespmem:s16+$0x0]  }
0x34: {  	v1 =	vld [tilespmem:s16+$0xFFFFFFE0];
	s14 =	sor.u32 $0x4000, s12  }
0x35: {  	s31 =	sshrl.u32 s13, $0x2;
	s13 =	sadd.s32 $0x0, s14  }
0x36: {  	s15 =	simm.s32 $0x4;
	s16 =	sadd.s32 $0x40, s16;
	s12 =	sor.u32 $0x4000, s31;
	[tilespmem:s13+$0x1830 ss:$0x81] =	vst.msk $0xffff, v3  }
.LBB1_3:
0x37: {  	v3 =	vld [tilespmem:s16+$0x10];
	p1 =	sne.s32 s15, $0x1FC;
	[tilespmem:s13+$0x810 ss:$0x81] =	vst.msk $0xffff, v2;
	s17 =	smov.u32 s15;
	s15 =	sadd.s32 $0x4, s15  }
.Ltmp3:
0x38: {  	v2 =	vld [tilespmem:s16+$0xFFFFFFF0];
	[tilespmem:s13+$0x1020 ss:$0x81] =	vst.msk $0xffff, v0;
	(pc) =	sbr.rel @p1 .LBB1_3-.Ltmp3, $4  }
0x39: {  	v0 =	vld [tilespmem:s16+$0x0];
	[tilespmem:s13+$0x0 ss:$0x81] =	vst.msk $0xffff, v1  }
0x3a: {  	s13 =	sshra.s32 s17, $0x2;
	v1 =	vld [tilespmem:s16+$0xFFFFFFE0]  }
0x3b: {  	s13 =	sadd.s32 s13, s14  }
0x3c: {  	s16 =	sadd.s32 $0x40, s16;
	[tilespmem:s13+$0x1830 ss:$0x81] =	vst.msk $0xffff, v3  }
.Ltmp4:
0x3d: {  	_ = 	snop;
	(pc) =	sbr.rel .LBB1_4-.Ltmp4, $1  }
0x3e: {  	_ =	sdelay $0x3  }
.LBB1_6:
0x3f: {  	_ =	sfence.sel $0x180000  }
0x40: {  	s2 =	simm.s32 $0x1;
	[bflag:$0x0] =	sbarrier.arrive $0xFFFF  }
0x41: {  	s31 =	simm.s32 $0x2;
	[sflag:s2] =	ssyncpa.u1 $0x1  }
0x42: {  	[sflag:s31] =	ssyncpa.u1 $0x1  }
0x43: {  	p0 =	sne.s32 s0, $0x0;
	_ =	strace $0x9000004A  }
0x44: {  	s0 =	sadd.s32 @!p0 $0x100000, s1;
	[bflag:$0x2] =	sbarrier.arrive $0xFFFF  }
0x45: {  	[sflag:s0] =	ssyncadd.tile.s32 @!p0 $0x1;
	_ =	shalt  }
.Lfunc_end1:
_tile_overlayer_lowered:
.L_overlay_start_2:
0x46: {  	(tag) =	ssettag $0x2  }
0x47: {  	s0 =	rddreg [dreg:$0x0];
	s2 =	stileid.u32  }
0x48: {  	s1 =	rddreg [dreg:$0x1];
	p0 =	sne.s32 s2, $0x0  }
0x49: {  	s3 =	rddreg [dreg:$0x2];
	[bflag:$0x3] =	sbarrier.arrive $0xFFFF;
	s2 =	simm.s32 @!p0 $0x1C01  }
0x4a: {  	[timem:s3], [sflag:s2] =	dma.local @!p0 [hbm:s0], s1  }
0x4b: {  	s0 =	simm.s32 @!p0 $0x1  }
0x4c: {  	_ =	swait.ge @!p0 [sflag:s0], s1  }
0x4d: {  	s1 =	ssub.s32 @!p0 $0x0, s1;
	[sflag:s0] =	ssyncset.done @!p0 $0x0  }
0x4e: {  	[sflag:s0] =	ssyncadd.s32 @!p0 s1  }
0x4f: {  	[bflag:$0x3] =	sbarrier.arrive $0xFFFF  }
0x50: {  	_ =	shalt  }

</sc_bundles>
